<compile_context>
chip_gen: v7x
topology: tpu7x:2x2x1
jax: 0.10.2.dev20260603
libtpu: 0.0.44.dev20260713+nightly
codegen_flags: <defaults>
</compile_context>

<pallas_src>
import functools

import jax
import jax.numpy as jnp
from jax import lax
from jax.experimental import pallas as pl
from jax.experimental.pallas import tpu as pltpu
from jax.experimental.pallas import tpu_sc as plsc

N = 16384
C = 128
K = 9
OUT = 128
GRID_SIZE = C
TAB_PAD = 320

R = 256
NB = N // R

SC_WORKERS = 32
PER_W = N // SC_WORKERS
CH = 256


def _knn_body(xr_ref, xf_ref, tab_ref, nbr_ref, xp_ref, x2_scr):
    i = pl.program_id(0)
    xr = xr_ref[...]
    xf = xf_ref[...]

    @pl.when(i == 0)
    def _():
        x2_scr[...] = jnp.sum(xf * xf, axis=1)[None, :]

    x2f = x2_scr[...]
    s2 = lax.dot_general(xr + xr, xf, (((1,), (1,)), ((), ())),
                         preferred_element_type=jnp.float32)
    d = x2f - s2
    cols = lax.broadcasted_iota(jnp.int32, (R, N), 1)
    NCLS = 512
    half = N // 2
    a = d[:, :half]
    b = d[:, half:]
    ia = cols[:, :half]
    ib = cols[:, half:]
    c = a <= b
    v1 = jnp.where(c, a, b)
    v2 = jnp.where(c, b, a)
    i1 = jnp.where(c, ia, ib)
    i2 = jnp.where(c, ib, ia)
    while v1.shape[1] > NCLS:
        half = v1.shape[1] // 2
        a1 = v1[:, :half]; b1 = v1[:, half:]
        a2 = v2[:, :half]; b2 = v2[:, half:]
        ai1 = i1[:, :half]; bi1 = i1[:, half:]
        ai2 = i2[:, :half]; bi2 = i2[:, half:]
        c = a1 <= b1
        nv1 = jnp.where(c, a1, b1)
        ni1 = jnp.where(c, ai1, bi1)
        w = jnp.where(c, b1, a1)
        wi = jnp.where(c, bi1, ai1)
        c2 = a2 <= b2
        u = jnp.where(c2, a2, b2)
        ui = jnp.where(c2, ai2, bi2)
        c3 = w <= u
        v1, i1 = nv1, ni1
        v2 = jnp.where(c3, w, u)
        i2 = jnp.where(c3, wi, ui)
    cand_v = jnp.concatenate([v1, v2], axis=1)
    cand_i = jnp.concatenate([i1, i2], axis=1)
    for k in range(K + 1):
        m = jnp.min(cand_v, axis=1)
        eq = cand_v == m[:, None]
        if k > 0:
            am = jnp.min(jnp.where(eq, cand_i, N), axis=1)
            nbr_ref[k - 1, :] = am
        if k < K:
            cand_v = jnp.where(eq, jnp.inf, cand_v)
    for k in range(K, 16):
        nbr_ref[k, :] = jnp.zeros((R,), jnp.int32)
    rid = i * R + lax.iota(jnp.int32, R)
    rel = rid // GRID_SIZE - rid % GRID_SIZE + (GRID_SIZE - 1)
    onehot = (rel[:, None] ==
              lax.broadcasted_iota(jnp.int32, (R, TAB_PAD), 1)).astype(jnp.float32)
    emb = jnp.dot(onehot, tab_ref[...], preferred_element_type=jnp.float32)
    xp_ref[...] = xr + emb


def _knn_pallas(x, tab):
    return pl.pallas_call(
        _knn_body,
        grid=(NB,),
        in_specs=[
            pl.BlockSpec((R, C), lambda i: (i, 0)),
            pl.BlockSpec((N, C), lambda i: (0, 0)),
            pl.BlockSpec((TAB_PAD, C), lambda i: (0, 0)),
        ],
        out_specs=[
            pl.BlockSpec((16, R), lambda i: (0, i)),
            pl.BlockSpec((R, C), lambda i: (i, 0)),
        ],
        out_shape=[
            jax.ShapeDtypeStruct((16, N), jnp.int32),
            jax.ShapeDtypeStruct((N, C), jnp.float32),
        ],
        scratch_shapes=[pltpu.VMEM((1, N), jnp.float32)],
        compiler_params=pltpu.CompilerParams(
            dimension_semantics=("arbitrary",)),
    )(x, x, tab)


def _aggmax_body(xp_hbm, nb_hbm, out_hbm, idx_a, idx_b, rows_a, rows_b,
                 acc_v, sem0, sem_a, sem_b):
    wid = lax.axis_index("s") * 2 + lax.axis_index("c")
    idx = [idx_a, idx_b]
    rows = [rows_a, rows_b]
    sems = [sem_a, sem_b]

    def _accmax(buf):
        def maxbody(r, carry):
            for j in range(C // 16):
                sl = pl.ds(j * 16, 16)
                acc_v[r, sl] = jnp.maximum(acc_v[r, sl], buf[r, sl])
            return carry

        lax.fori_loop(0, CH, maxbody, 0)

    for c2 in range(PER_W // CH):
        base = wid * PER_W + c2 * CH
        pltpu.sync_copy(nb_hbm.at[0, pl.ds(base, CH)], idx_a)
        g0 = pltpu.async_copy(xp_hbm.at[idx_a], acc_v, sem0)
        pltpu.sync_copy(nb_hbm.at[1, pl.ds(base, CH)], idx_b)
        g1 = pltpu.async_copy(xp_hbm.at[idx_b], rows_b, sem_b)
        g0.wait()
        prev = g1
        for k in range(2, K):
            p = k % 2
            pltpu.sync_copy(nb_hbm.at[k, pl.ds(base, CH)], idx[p])
            nxt = pltpu.async_copy(xp_hbm.at[idx[p]], rows[p], sems[p])
            prev.wait()
            _accmax(rows[(k - 1) % 2])
            prev = nxt
        prev.wait()
        _accmax(rows[(K - 1) % 2])
        pltpu.sync_copy(acc_v, out_hbm.at[pl.ds(base, CH)])


def _aggmax_sc(xprime, nbrT):
    mesh = plsc.VectorSubcoreMesh(core_axis_name="c", subcore_axis_name="s")
    fn = functools.partial(
        pl.kernel,
        mesh=mesh,
        out_type=jax.ShapeDtypeStruct((N, C), jnp.float32),
        scratch_types=[
            pltpu.VMEM((CH,), jnp.int32),
            pltpu.VMEM((CH,), jnp.int32),
            pltpu.VMEM((CH, C), jnp.float32),
            pltpu.VMEM((CH, C), jnp.float32),
            pltpu.VMEM((CH, C), jnp.float32),
            pltpu.SemaphoreType.DMA,
            pltpu.SemaphoreType.DMA,
            pltpu.SemaphoreType.DMA,
        ],
    )(_aggmax_body)
    return fn(xprime, nbrT)


def _out_body(xp_ref, ag_ref, w_ref, b_ref, o_ref):
    w1 = w_ref[0:C, :]
    w2 = w_ref[C:2 * C, :]
    o_ref[...] = (jnp.dot(xp_ref[...], w1 - w2, preferred_element_type=jnp.float32)
                  + jnp.dot(ag_ref[...], w2, preferred_element_type=jnp.float32)
                  + b_ref[...])


def _out_pallas(xprime, aggmax, W, b):
    return pl.pallas_call(
        _out_body,
        grid=(NB,),
        in_specs=[
            pl.BlockSpec((R, C), lambda i: (i, 0)),
            pl.BlockSpec((R, C), lambda i: (i, 0)),
            pl.BlockSpec((2 * C, OUT), lambda i: (0, 0)),
            pl.BlockSpec((1, OUT), lambda i: (0, 0)),
        ],
        out_specs=pl.BlockSpec((R, OUT), lambda i: (i, 0)),
        out_shape=jax.ShapeDtypeStruct((N, OUT), jnp.float32),
        compiler_params=pltpu.CompilerParams(
            dimension_semantics=("arbitrary",)),
    )(xprime, aggmax, W, b.reshape(1, OUT))


def kernel(x, rel_pos_table, W, b):
    tab = jnp.zeros((TAB_PAD, C), jnp.float32).at[:rel_pos_table.shape[0]].set(
        rel_pos_table)
    nbrT, xprime = _knn_pallas(x, tab)
    aggmax = _aggmax_sc(xprime, nbrT)
    return _out_pallas(xprime, aggmax, W, b)

# --- scband reference (transcript-rebuilt; emitter-appended) ---
"""Pipeline reference for scband-mrconv-layer-47880295416393 (READ-ONLY COPY).

The authoritative reference and input builder live on the scoring server;
editing this copy changes nothing except your own understanding.
"""

import jax, jax.numpy as jnp
import numpy as np

N = 16384
C = 128
K = 9
DILATION = 1
OUT = 128


def setup_inputs(seed: int = 0):
    key = jax.random.key(seed)
    k1, k2, k3 = jax.random.split(key, 3)
    x = jax.random.normal(k1, (N, C), dtype=jnp.float32)
    rel_pos_table = jax.random.normal(k2, ((2 * K - 1) ** 2, C), dtype=jnp.float32) * 0.02
    W = jax.random.normal(k3, (2 * C, OUT), dtype=jnp.float32) * (1.0 / np.sqrt(2 * C))
    b = jnp.zeros((OUT,), dtype=jnp.float32)
    return {"x": x, "rel_pos_table": rel_pos_table, "W": W, "b": b}


def _knn_edge_index(x, k, dilation):
    # knn_graph(x, k*dilation, loop=False) then edge_index[:, ::dilation]
    kd = k * dilation
    n = x.shape[0]
    x2 = jnp.sum(x * x, axis=1)
    chunk = 2048
    nbrs = []
    for s in range(0, n, chunk):
        xc = x[s:s + chunk]
        m = xc.shape[0]
        d = jnp.sum(xc * xc, axis=1)[:, None] + x2[None, :] - 2.0 * (xc @ x.T)
        # remove self loops
        d = d.at[jnp.arange(m), jnp.arange(s, s + m)].set(jnp.inf)
        _, nb = jax.lax.top_k(-d, kd)
        nbrs.append(nb)
    nbr = jnp.concatenate(nbrs, axis=0)  # [N, kd], sources (neighbors)
    src = nbr.reshape(-1)
    dst = jnp.repeat(jnp.arange(n), kd)
    edge_index = jnp.stack([src, dst], axis=0)
    edge_index = edge_index[:, ::dilation]
    return edge_index


def _compute_relative_positions(grid_size):
    idx = jnp.arange(grid_size)
    rel = idx[:, None] - idx[None, :] + (grid_size - 1)
    return rel.reshape(-1)  # [grid_size**2]


def reference(x, rel_pos_table, W, b):
    # edge_index from dilated knn on the ORIGINAL x (as in torch forward)
    edge_index = _knn_edge_index(x, K, DILATION)
    # learnable relative positional embedding, added to x
    rel_pos = _compute_relative_positions(x.shape[1])  # [C*C] == [N]
    edge_features = jnp.take(rel_pos_table, rel_pos, axis=0)  # [N, C]
    x = x + edge_features
    # MRConv: max-relative aggregation then linear on [x, agg]
    x_j = x[edge_index[0]]
    x_i = x[edge_index[1]]
    agg = jax.ops.segment_max(x_j - x_i, edge_index[1], num_segments=x.shape[0])
    out = jnp.concatenate([x, agg], axis=1) @ W + b
    return out

if __name__ == "__main__":
    import jax
    _d = setup_inputs()
    print(jax.jit(kernel)(*tuple(_d.values())))

</pallas_src>

<mosaic_0001>
#map = affine_map<(d0, d1) -> (0, 0)>
module attributes {stable_mosaic.version = 14 : i64} {
  func.func @_aggmax_body(%arg0: i32, %arg1: i32, %arg2: memref<16384x128xf32, #tpu.memory_space<hbm>>, %arg3: memref<16x16384xi32, #tpu.memory_space<hbm>>, %arg4: memref<16384x128xf32, #tpu.memory_space<hbm>>, %arg5: memref<256xi32, #tpu.memory_space<vmem>>, %arg6: memref<256xi32, #tpu.memory_space<vmem>>, %arg7: memref<256x128xf32, #tpu.memory_space<vmem>>, %arg8: memref<256x128xf32, #tpu.memory_space<vmem>>, %arg9: memref<256x128xf32, #tpu.memory_space<vmem>>, %arg10: memref<!tpu.dma_semaphore, #tpu.memory_space<semaphore_mem>>, %arg11: memref<!tpu.dma_semaphore, #tpu.memory_space<semaphore_mem>>, %arg12: memref<!tpu.dma_semaphore, #tpu.memory_space<semaphore_mem>>) attributes {dimension_semantics = [#tpu.dimension_semantics<core_parallel>, #tpu.dimension_semantics<subcore_parallel>], iteration_bounds = array<i64: 2, 16>, scalar_prefetch = 0 : i64, scratch_operands = 8 : i64, tpu.core_type = #tpu.core_type<sc_vector_subcore>, window_params = [{transform_indices = #map}, {transform_indices = #map}, {transform_indices = #map}]} {
    %mul3A = arith.constant 2 : i32
    %mul3A_0 = arith.muli %arg1, %mul3A : i32
    %add3A = arith.addi %mul3A_0, %arg0 : i32
    %mul3A_1 = arith.constant 512 : i32
    %mul3A_2 = arith.muli %add3A, %mul3A_1 : i32
    %add3A_3 = arith.constant 0 : i32
    %add3A_4 = arith.addi %mul3A_2, %add3A_3 : i32
    %run_scoped3A = arith.constant 0 : i32
    "tpu.region"() ({
      %run_scoped3A_227 = tpu.sem_alloc : memref<!tpu.dma_semaphore, #tpu.memory_space<semaphore_mem>>
      %dma_start3A_228 = tpu.memref_slice %arg3[%run_scoped3A, %add3A_4] : memref<16x16384xi32, #tpu.memory_space<hbm>> -> memref<1x256xi32, #tpu.memory_space<hbm>>
      %dma_start3A_229 = tpu.memref_squeeze %dma_start3A_228 : memref<1x256xi32, #tpu.memory_space<hbm>> -> memref<256xi32, #tpu.memory_space<hbm>>
      %dma_start3A_230 = tpu.memref_slice %arg3[%run_scoped3A, %add3A_4] : memref<16x16384xi32, #tpu.memory_space<hbm>> -> memref<1x256xi32, #tpu.memory_space<hbm>>
      %dma_start3A_231 = tpu.memref_squeeze %dma_start3A_230 : memref<1x256xi32, #tpu.memory_space<hbm>> -> memref<256xi32, #tpu.memory_space<hbm>>
      tpu.enqueue_dma source(%dma_start3A_231 : memref<256xi32, #tpu.memory_space<hbm>>) target(%arg5 : memref<256xi32, #tpu.memory_space<vmem>>) target_semaphore(%run_scoped3A_227 : memref<!tpu.dma_semaphore, #tpu.memory_space<semaphore_mem>>)
      %dma_wait3A_232 = tpu.memref_slice %arg3[%run_scoped3A, %add3A_4] : memref<16x16384xi32, #tpu.memory_space<hbm>> -> memref<1x256xi32, #tpu.memory_space<hbm>>
      %dma_wait3A_233 = tpu.memref_squeeze %dma_wait3A_232 : memref<1x256xi32, #tpu.memory_space<hbm>> -> memref<256xi32, #tpu.memory_space<hbm>>
      %dma_wait3A_234 = tpu.memref_slice %arg3[%run_scoped3A, %add3A_4] : memref<16x16384xi32, #tpu.memory_space<hbm>> -> memref<1x256xi32, #tpu.memory_space<hbm>>
      %dma_wait3A_235 = tpu.memref_squeeze %dma_wait3A_234 : memref<1x256xi32, #tpu.memory_space<hbm>> -> memref<256xi32, #tpu.memory_space<hbm>>
      tpu.wait_dma2 semaphore(%run_scoped3A_227 : memref<!tpu.dma_semaphore, #tpu.memory_space<semaphore_mem>>) src(%dma_wait3A_235 : memref<256xi32, #tpu.memory_space<hbm>>) dst(%arg5 : memref<256xi32, #tpu.memory_space<vmem>>)
      tpu.yield
    }) : () -> ()
    %dma_start3A = arith.constant 0 : i32
    %dma_start3A_5 = arith.constant 0 : i32
    %dma_start3A_6 = tpu.memref_slice %arg2[%dma_start3A, %dma_start3A_5] : memref<16384x128xf32, #tpu.memory_space<hbm>> -> memref<16384x128xf32, #tpu.memory_space<hbm>>
    tpu.enqueue_indirect_dma source(%dma_start3A_6 : memref<16384x128xf32, #tpu.memory_space<hbm>>) target(%arg9 : memref<256x128xf32, #tpu.memory_space<vmem>>) offsets(%arg5 : memref<256xi32, #tpu.memory_space<vmem>>) semaphore(%arg10 : memref<!tpu.dma_semaphore, #tpu.memory_space<semaphore_mem>>)
    %run_scoped3A_7 = arith.constant 1 : i32
    "tpu.region"() ({
      %run_scoped3A_227 = tpu.sem_alloc : memref<!tpu.dma_semaphore, #tpu.memory_space<semaphore_mem>>
      %dma_start3A_228 = tpu.memref_slice %arg3[%run_scoped3A_7, %add3A_4] : memref<16x16384xi32, #tpu.memory_space<hbm>> -> memref<1x256xi32, #tpu.memory_space<hbm>>
      %dma_start3A_229 = tpu.memref_squeeze %dma_start3A_228 : memref<1x256xi32, #tpu.memory_space<hbm>> -> memref<256xi32, #tpu.memory_space<hbm>>
      %dma_start3A_230 = tpu.memref_slice %arg3[%run_scoped3A_7, %add3A_4] : memref<16x16384xi32, #tpu.memory_space<hbm>> -> memref<1x256xi32, #tpu.memory_space<hbm>>
      %dma_start3A_231 = tpu.memref_squeeze %dma_start3A_230 : memref<1x256xi32, #tpu.memory_space<hbm>> -> memref<256xi32, #tpu.memory_space<hbm>>
      tpu.enqueue_dma source(%dma_start3A_231 : memref<256xi32, #tpu.memory_space<hbm>>) target(%arg6 : memref<256xi32, #tpu.memory_space<vmem>>) target_semaphore(%run_scoped3A_227 : memref<!tpu.dma_semaphore, #tpu.memory_space<semaphore_mem>>)
      %dma_wait3A_232 = tpu.memref_slice %arg3[%run_scoped3A_7, %add3A_4] : memref<16x16384xi32, #tpu.memory_space<hbm>> -> memref<1x256xi32, #tpu.memory_space<hbm>>
      %dma_wait3A_233 = tpu.memref_squeeze %dma_wait3A_232 : memref<1x256xi32, #tpu.memory_space<hbm>> -> memref<256xi32, #tpu.memory_space<hbm>>
      %dma_wait3A_234 = tpu.memref_slice %arg3[%run_scoped3A_7, %add3A_4] : memref<16x16384xi32, #tpu.memory_space<hbm>> -> memref<1x256xi32, #tpu.memory_space<hbm>>
      %dma_wait3A_235 = tpu.memref_squeeze %dma_wait3A_234 : memref<1x256xi32, #tpu.memory_space<hbm>> -> memref<256xi32, #tpu.memory_space<hbm>>
      tpu.wait_dma2 semaphore(%run_scoped3A_227 : memref<!tpu.dma_semaphore, #tpu.memory_space<semaphore_mem>>) src(%dma_wait3A_235 : memref<256xi32, #tpu.memory_space<hbm>>) dst(%arg6 : memref<256xi32, #tpu.memory_space<vmem>>)
      tpu.yield
    }) : () -> ()
    %dma_start3A_8 = arith.constant 0 : i32
    %dma_start3A_9 = arith.constant 0 : i32
    %dma_start3A_10 = tpu.memref_slice %arg2[%dma_start3A_8, %dma_start3A_9] : memref<16384x128xf32, #tpu.memory_space<hbm>> -> memref<16384x128xf32, #tpu.memory_space<hbm>>
    tpu.enqueue_indirect_dma source(%dma_start3A_10 : memref<16384x128xf32, #tpu.memory_space<hbm>>) target(%arg8 : memref<256x128xf32, #tpu.memory_space<vmem>>) offsets(%arg6 : memref<256xi32, #tpu.memory_space<vmem>>) semaphore(%arg12 : memref<!tpu.dma_semaphore, #tpu.memory_space<semaphore_mem>>)
    %dma_wait3A = arith.constant 0 : i32
    %dma_wait3A_11 = arith.constant 0 : i32
    %dma_wait3A_12 = tpu.memref_slice %arg2[%dma_wait3A, %dma_wait3A_11] : memref<16384x128xf32, #tpu.memory_space<hbm>> -> memref<16384x128xf32, #tpu.memory_space<hbm>>
    tpu.wait_indirect_dma semaphore(%arg10 : memref<!tpu.dma_semaphore, #tpu.memory_space<semaphore_mem>>) src(%dma_wait3A_12 : memref<16384x128xf32, #tpu.memory_space<hbm>>) dst(%arg9 : memref<256x128xf32, #tpu.memory_space<vmem>>)
    %run_scoped3A_13 = arith.constant 2 : i32
    "tpu.region"() ({
      %run_scoped3A_227 = tpu.sem_alloc : memref<!tpu.dma_semaphore, #tpu.memory_space<semaphore_mem>>
      %dma_start3A_228 = tpu.memref_slice %arg3[%run_scoped3A_13, %add3A_4] : memref<16x16384xi32, #tpu.memory_space<hbm>> -> memref<1x256xi32, #tpu.memory_space<hbm>>
      %dma_start3A_229 = tpu.memref_squeeze %dma_start3A_228 : memref<1x256xi32, #tpu.memory_space<hbm>> -> memref<256xi32, #tpu.memory_space<hbm>>
      %dma_start3A_230 = tpu.memref_slice %arg3[%run_scoped3A_13, %add3A_4] : memref<16x16384xi32, #tpu.memory_space<hbm>> -> memref<1x256xi32, #tpu.memory_space<hbm>>
      %dma_start3A_231 = tpu.memref_squeeze %dma_start3A_230 : memref<1x256xi32, #tpu.memory_space<hbm>> -> memref<256xi32, #tpu.memory_space<hbm>>
      tpu.enqueue_dma source(%dma_start3A_231 : memref<256xi32, #tpu.memory_space<hbm>>) target(%arg5 : memref<256xi32, #tpu.memory_space<vmem>>) target_semaphore(%run_scoped3A_227 : memref<!tpu.dma_semaphore, #tpu.memory_space<semaphore_mem>>)
      %dma_wait3A_232 = tpu.memref_slice %arg3[%run_scoped3A_13, %add3A_4] : memref<16x16384xi32, #tpu.memory_space<hbm>> -> memref<1x256xi32, #tpu.memory_space<hbm>>
      %dma_wait3A_233 = tpu.memref_squeeze %dma_wait3A_232 : memref<1x256xi32, #tpu.memory_space<hbm>> -> memref<256xi32, #tpu.memory_space<hbm>>
      %dma_wait3A_234 = tpu.memref_slice %arg3[%run_scoped3A_13, %add3A_4] : memref<16x16384xi32, #tpu.memory_space<hbm>> -> memref<1x256xi32, #tpu.memory_space<hbm>>
      %dma_wait3A_235 = tpu.memref_squeeze %dma_wait3A_234 : memref<1x256xi32, #tpu.memory_space<hbm>> -> memref<256xi32, #tpu.memory_space<hbm>>
      tpu.wait_dma2 semaphore(%run_scoped3A_227 : memref<!tpu.dma_semaphore, #tpu.memory_space<semaphore_mem>>) src(%dma_wait3A_235 : memref<256xi32, #tpu.memory_space<hbm>>) dst(%arg5 : memref<256xi32, #tpu.memory_space<vmem>>)
      tpu.yield
    }) : () -> ()
    %dma_start3A_14 = arith.constant 0 : i32
    %dma_start3A_15 = arith.constant 0 : i32
    %dma_start3A_16 = tpu.memref_slice %arg2[%dma_start3A_14, %dma_start3A_15] : memref<16384x128xf32, #tpu.memory_space<hbm>> -> memref<16384x128xf32, #tpu.memory_space<hbm>>
    tpu.enqueue_indirect_dma source(%dma_start3A_16 : memref<16384x128xf32, #tpu.memory_space<hbm>>) target(%arg7 : memref<256x128xf32, #tpu.memory_space<vmem>>) offsets(%arg5 : memref<256xi32, #tpu.memory_space<vmem>>) semaphore(%arg11 : memref<!tpu.dma_semaphore, #tpu.memory_space<semaphore_mem>>)
    %dma_wait3A_17 = arith.constant 0 : i32
    %dma_wait3A_18 = arith.constant 0 : i32
    %dma_wait3A_19 = tpu.memref_slice %arg2[%dma_wait3A_17, %dma_wait3A_18] : memref<16384x128xf32, #tpu.memory_space<hbm>> -> memref<16384x128xf32, #tpu.memory_space<hbm>>
    tpu.wait_indirect_dma semaphore(%arg12 : memref<!tpu.dma_semaphore, #tpu.memory_space<semaphore_mem>>) src(%dma_wait3A_19 : memref<16384x128xf32, #tpu.memory_space<hbm>>) dst(%arg8 : memref<256x128xf32, #tpu.memory_space<vmem>>)
    %scan3A = arith.constant 0 : i32
    %scan3A_20 = arith.constant 0 : i32
    %scan3A_21 = arith.constant 256 : i32
    %scan3A_22 = arith.addi %scan3A_20, %scan3A_21 : i32
    %scan3A_23 = arith.constant 1 : i32
    scf.for %scan3A_227 = %scan3A_20 to %scan3A_22 step %scan3A_23  : i32 {
      %get3A = arith.index_cast %scan3A_227 : i32 to index
      %get3A_228 = arith.constant 0 : index
      %get3A_229 = tpu.vector_load %arg9[%get3A, %get3A_228] {strides = array<i32>} : memref<256x128xf32, #tpu.memory_space<vmem>>, vector<1x16xf32>,
      %get3A_230 = vector.shape_cast %get3A_229 : vector<1x16xf32> to vector<16xf32>
      %get3A_231 = arith.index_cast %scan3A_227 : i32 to index
      %get3A_232 = arith.constant 0 : index
      %get3A_233 = tpu.vector_load %arg8[%get3A_231, %get3A_232] {strides = array<i32>} : memref<256x128xf32, #tpu.memory_space<vmem>>, vector<1x16xf32>,
      %get3A_234 = vector.shape_cast %get3A_233 : vector<1x16xf32> to vector<16xf32>
      %max3A = arith.maximumf %get3A_230, %get3A_234 : vector<16xf32>
      %swap3A = arith.index_cast %scan3A_227 : i32 to index
      %swap3A_235 = arith.constant 0 : index
      %swap3A_236 = tpu.vector_load %arg9[%swap3A, %swap3A_235] {strides = array<i32>} : memref<256x128xf32, #tpu.memory_space<vmem>>, vector<1x16xf32>,
      %swap3A_237 = vector.shape_cast %swap3A_236 : vector<1x16xf32> to vector<16xf32>
      %swap3A_238 = vector.shape_cast %max3A : vector<16xf32> to vector<1x16xf32>
      tpu.vector_store %arg9[%swap3A, %swap3A_235], %swap3A_238 {strides = array<i32>} : memref<256x128xf32, #tpu.memory_space<vmem>>, vector<1x16xf32>,
      %get3A_239 = arith.index_cast %scan3A_227 : i32 to index
      %get3A_240 = arith.constant 16 : index
      %get3A_241 = tpu.vector_load %arg9[%get3A_239, %get3A_240] {strides = array<i32>} : memref<256x128xf32, #tpu.memory_space<vmem>>, vector<1x16xf32>,
      %get3A_242 = vector.shape_cast %get3A_241 : vector<1x16xf32> to vector<16xf32>
      %get3A_243 = arith.index_cast %scan3A_227 : i32 to index
      %get3A_244 = arith.constant 16 : index
      %get3A_245 = tpu.vector_load %arg8[%get3A_243, %get3A_244] {strides = array<i32>} : memref<256x128xf32, #tpu.memory_space<vmem>>, vector<1x16xf32>,
      %get3A_246 = vector.shape_cast %get3A_245 : vector<1x16xf32> to vector<16xf32>
      %max3A_247 = arith.maximumf %get3A_242, %get3A_246 : vector<16xf32>
      %swap3A_248 = arith.index_cast %scan3A_227 : i32 to index
      %swap3A_249 = arith.constant 16 : index
      %swap3A_250 = tpu.vector_load %arg9[%swap3A_248, %swap3A_249] {strides = array<i32>} : memref<256x128xf32, #tpu.memory_space<vmem>>, vector<1x16xf32>,
      %swap3A_251 = vector.shape_cast %swap3A_250 : vector<1x16xf32> to vector<16xf32>
      %swap3A_252 = vector.shape_cast %max3A_247 : vector<16xf32> to vector<1x16xf32>
      tpu.vector_store %arg9[%swap3A_248, %swap3A_249], %swap3A_252 {strides = array<i32>} : memref<256x128xf32, #tpu.memory_space<vmem>>, vector<1x16xf32>,
      %get3A_253 = arith.index_cast %scan3A_227 : i32 to index
      %get3A_254 = arith.constant 32 : index
      %get3A_255 = tpu.vector_load %arg9[%get3A_253, %get3A_254] {strides = array<i32>} : memref<256x128xf32, #tpu.memory_space<vmem>>, vector<1x16xf32>,
      %get3A_256 = vector.shape_cast %get3A_255 : vector<1x16xf32> to vector<16xf32>
      %get3A_257 = arith.index_cast %scan3A_227 : i32 to index
      %get3A_258 = arith.constant 32 : index
      %get3A_259 = tpu.vector_load %arg8[%get3A_257, %get3A_258] {strides = array<i32>} : memref<256x128xf32, #tpu.memory_space<vmem>>, vector<1x16xf32>,
      %get3A_260 = vector.shape_cast %get3A_259 : vector<1x16xf32> to vector<16xf32>
      %max3A_261 = arith.maximumf %get3A_256, %get3A_260 : vector<16xf32>
      %swap3A_262 = arith.index_cast %scan3A_227 : i32 to index
      %swap3A_263 = arith.constant 32 : index
      %swap3A_264 = tpu.vector_load %arg9[%swap3A_262, %swap3A_263] {strides = array<i32>} : memref<256x128xf32, #tpu.memory_space<vmem>>, vector<1x16xf32>,
      %swap3A_265 = vector.shape_cast %swap3A_264 : vector<1x16xf32> to vector<16xf32>
      %swap3A_266 = vector.shape_cast %max3A_261 : vector<16xf32> to vector<1x16xf32>
      tpu.vector_store %arg9[%swap3A_262, %swap3A_263], %swap3A_266 {strides = array<i32>} : memref<256x128xf32, #tpu.memory_space<vmem>>, vector<1x16xf32>,
      %get3A_267 = arith.index_cast %scan3A_227 : i32 to index
      %get3A_268 = arith.constant 48 : index
      %get3A_269 = tpu.vector_load %arg9[%get3A_267, %get3A_268] {strides = array<i32>} : memref<256x128xf32, #tpu.memory_space<vmem>>, vector<1x16xf32>,
      %get3A_270 = vector.shape_cast %get3A_269 : vector<1x16xf32> to vector<16xf32>
      %get3A_271 = arith.index_cast %scan3A_227 : i32 to index
      %get3A_272 = arith.constant 48 : index
      %get3A_273 = tpu.vector_load %arg8[%get3A_271, %get3A_272] {strides = array<i32>} : memref<256x128xf32, #tpu.memory_space<vmem>>, vector<1x16xf32>,
      %get3A_274 = vector.shape_cast %get3A_273 : vector<1x16xf32> to vector<16xf32>
      %max3A_275 = arith.maximumf %get3A_270, %get3A_274 : vector<16xf32>
      %swap3A_276 = arith.index_cast %scan3A_227 : i32 to index
      %swap3A_277 = arith.constant 48 : index
      %swap3A_278 = tpu.vector_load %arg9[%swap3A_276, %swap3A_277] {strides = array<i32>} : memref<256x128xf32, #tpu.memory_space<vmem>>, vector<1x16xf32>,
      %swap3A_279 = vector.shape_cast %swap3A_278 : vector<1x16xf32> to vector<16xf32>
      %swap3A_280 = vector.shape_cast %max3A_275 : vector<16xf32> to vector<1x16xf32>
      tpu.vector_store %arg9[%swap3A_276, %swap3A_277], %swap3A_280 {strides = array<i32>} : memref<256x128xf32, #tpu.memory_space<vmem>>, vector<1x16xf32>,
      %get3A_281 = arith.index_cast %scan3A_227 : i32 to index
      %get3A_282 = arith.constant 64 : index
      %get3A_283 = tpu.vector_load %arg9[%get3A_281, %get3A_282] {strides = array<i32>} : memref<256x128xf32, #tpu.memory_space<vmem>>, vector<1x16xf32>,
      %get3A_284 = vector.shape_cast %get3A_283 : vector<1x16xf32> to vector<16xf32>
      %get3A_285 = arith.index_cast %scan3A_227 : i32 to index
      %get3A_286 = arith.constant 64 : index
      %get3A_287 = tpu.vector_load %arg8[%get3A_285, %get3A_286] {strides = array<i32>} : memref<256x128xf32, #tpu.memory_space<vmem>>, vector<1x16xf32>,
      %get3A_288 = vector.shape_cast %get3A_287 : vector<1x16xf32> to vector<16xf32>
      %max3A_289 = arith.maximumf %get3A_284, %get3A_288 : vector<16xf32>
      %swap3A_290 = arith.index_cast %scan3A_227 : i32 to index
      %swap3A_291 = arith.constant 64 : index
      %swap3A_292 = tpu.vector_load %arg9[%swap3A_290, %swap3A_291] {strides = array<i32>} : memref<256x128xf32, #tpu.memory_space<vmem>>, vector<1x16xf32>,
      %swap3A_293 = vector.shape_cast %swap3A_292 : vector<1x16xf32> to vector<16xf32>
      %swap3A_294 = vector.shape_cast %max3A_289 : vector<16xf32> to vector<1x16xf32>
      tpu.vector_store %arg9[%swap3A_290, %swap3A_291], %swap3A_294 {strides = array<i32>} : memref<256x128xf32, #tpu.memory_space<vmem>>, vector<1x16xf32>,
      %get3A_295 = arith.index_cast %scan3A_227 : i32 to index
      %get3A_296 = arith.constant 80 : index
      %get3A_297 = tpu.vector_load %arg9[%get3A_295, %get3A_296] {strides = array<i32>} : memref<256x128xf32, #tpu.memory_space<vmem>>, vector<1x16xf32>,
      %get3A_298 = vector.shape_cast %get3A_297 : vector<1x16xf32> to vector<16xf32>
      %get3A_299 = arith.index_cast %scan3A_227 : i32 to index
      %get3A_300 = arith.constant 80 : index
      %get3A_301 = tpu.vector_load %arg8[%get3A_299, %get3A_300] {strides = array<i32>} : memref<256x128xf32, #tpu.memory_space<vmem>>, vector<1x16xf32>,
      %get3A_302 = vector.shape_cast %get3A_301 : vector<1x16xf32> to vector<16xf32>
      %max3A_303 = arith.maximumf %get3A_298, %get3A_302 : vector<16xf32>
      %swap3A_304 = arith.index_cast %scan3A_227 : i32 to index
      %swap3A_305 = arith.constant 80 : index
      %swap3A_306 = tpu.vector_load %arg9[%swap3A_304, %swap3A_305] {strides = array<i32>} : memref<256x128xf32, #tpu.memory_space<vmem>>, vector<1x16xf32>,
      %swap3A_307 = vector.shape_cast %swap3A_306 : vector<1x16xf32> to vector<16xf32>
      %swap3A_308 = vector.shape_cast %max3A_303 : vector<16xf32> to vector<1x16xf32>
      tpu.vector_store %arg9[%swap3A_304, %swap3A_305], %swap3A_308 {strides = array<i32>} : memref<256x128xf32, #tpu.memory_space<vmem>>, vector<1x16xf32>,
      %get3A_309 = arith.index_cast %scan3A_227 : i32 to index
      %get3A_310 = arith.constant 96 : index
      %get3A_311 = tpu.vector_load %arg9[%get3A_309, %get3A_310] {strides = array<i32>} : memref<256x128xf32, #tpu.memory_space<vmem>>, vector<1x16xf32>,
      %get3A_312 = vector.shape_cast %get3A_311 : vector<1x16xf32> to vector<16xf32>
      %get3A_313 = arith.index_cast %scan3A_227 : i32 to index
      %get3A_314 = arith.constant 96 : index
      %get3A_315 = tpu.vector_load %arg8[%get3A_313, %get3A_314] {strides = array<i32>} : memref<256x128xf32, #tpu.memory_space<vmem>>, vector<1x16xf32>,
      %get3A_316 = vector.shape_cast %get3A_315 : vector<1x16xf32> to vector<16xf32>
      %max3A_317 = arith.maximumf %get3A_312, %get3A_316 : vector<16xf32>
      %swap3A_318 = arith.index_cast %scan3A_227 : i32 to index
      %swap3A_319 = arith.constant 96 : index
      %swap3A_320 = tpu.vector_load %arg9[%swap3A_318, %swap3A_319] {strides = array<i32>} : memref<256x128xf32, #tpu.memory_space<vmem>>, vector<1x16xf32>,
      %swap3A_321 = vector.shape_cast %swap3A_320 : vector<1x16xf32> to vector<16xf32>
      %swap3A_322 = vector.shape_cast %max3A_317 : vector<16xf32> to vector<1x16xf32>
      tpu.vector_store %arg9[%swap3A_318, %swap3A_319], %swap3A_322 {strides = array<i32>} : memref<256x128xf32, #tpu.memory_space<vmem>>, vector<1x16xf32>,
      %get3A_323 = arith.index_cast %scan3A_227 : i32 to index
      %get3A_324 = arith.constant 112 : index
      %get3A_325 = tpu.vector_load %arg9[%get3A_323, %get3A_324] {strides = array<i32>} : memref<256x128xf32, #tpu.memory_space<vmem>>, vector<1x16xf32>,
      %get3A_326 = vector.shape_cast %get3A_325 : vector<1x16xf32> to vector<16xf32>
      %get3A_327 = arith.index_cast %scan3A_227 : i32 to index
      %get3A_328 = arith.constant 112 : index
      %get3A_329 = tpu.vector_load %arg8[%get3A_327, %get3A_328] {strides = array<i32>} : memref<256x128xf32, #tpu.memory_space<vmem>>, vector<1x16xf32>,
      %get3A_330 = vector.shape_cast %get3A_329 : vector<1x16xf32> to vector<16xf32>
      %max3A_331 = arith.maximumf %get3A_326, %get3A_330 : vector<16xf32>
      %swap3A_332 = arith.index_cast %scan3A_227 : i32 to index
      %swap3A_333 = arith.constant 112 : index
      %swap3A_334 = tpu.vector_load %arg9[%swap3A_332, %swap3A_333] {strides = array<i32>} : memref<256x128xf32, #tpu.memory_space<vmem>>, vector<1x16xf32>,
      %swap3A_335 = vector.shape_cast %swap3A_334 : vector<1x16xf32> to vector<16xf32>
      %swap3A_336 = vector.shape_cast %max3A_331 : vector<16xf32> to vector<1x16xf32>
      tpu.vector_store %arg9[%swap3A_332, %swap3A_333], %swap3A_336 {strides = array<i32>} : memref<256x128xf32, #tpu.memory_space<vmem>>, vector<1x16xf32>,
    }
    %scan3A_24 = arith.constant 256 : i32
    %run_scoped3A_25 = arith.constant 3 : i32
    "tpu.region"() ({
      %run_scoped3A_227 = tpu.sem_alloc : memref<!tpu.dma_semaphore, #tpu.memory_space<semaphore_mem>>
      %dma_start3A_228 = tpu.memref_slice %arg3[%run_scoped3A_25, %add3A_4] : memref<16x16384xi32, #tpu.memory_space<hbm>> -> memref<1x256xi32, #tpu.memory_space<hbm>>
      %dma_start3A_229 = tpu.memref_squeeze %dma_start3A_228 : memref<1x256xi32, #tpu.memory_space<hbm>> -> memref<256xi32, #tpu.memory_space<hbm>>
      %dma_start3A_230 = tpu.memref_slice %arg3[%run_scoped3A_25, %add3A_4] : memref<16x16384xi32, #tpu.memory_space<hbm>> -> memref<1x256xi32, #tpu.memory_space<hbm>>
      %dma_start3A_231 = tpu.memref_squeeze %dma_start3A_230 : memref<1x256xi32, #tpu.memory_space<hbm>> -> memref<256xi32, #tpu.memory_space<hbm>>
      tpu.enqueue_dma source(%dma_start3A_231 : memref<256xi32, #tpu.memory_space<hbm>>) target(%arg6 : memref<256xi32, #tpu.memory_space<vmem>>) target_semaphore(%run_scoped3A_227 : memref<!tpu.dma_semaphore, #tpu.memory_space<semaphore_mem>>)
      %dma_wait3A_232 = tpu.memref_slice %arg3[%run_scoped3A_25, %add3A_4] : memref<16x16384xi32, #tpu.memory_space<hbm>> -> memref<1x256xi32, #tpu.memory_space<hbm>>
      %dma_wait3A_233 = tpu.memref_squeeze %dma_wait3A_232 : memref<1x256xi32, #tpu.memory_space<hbm>> -> memref<256xi32, #tpu.memory_space<hbm>>
      %dma_wait3A_234 = tpu.memref_slice %arg3[%run_scoped3A_25, %add3A_4] : memref<16x16384xi32, #tpu.memory_space<hbm>> -> memref<1x256xi32, #tpu.memory_space<hbm>>
      %dma_wait3A_235 = tpu.memref_squeeze %dma_wait3A_234 : memref<1x256xi32, #tpu.memory_space<hbm>> -> memref<256xi32, #tpu.memory_space<hbm>>
      tpu.wait_dma2 semaphore(%run_scoped3A_227 : memref<!tpu.dma_semaphore, #tpu.memory_space<semaphore_mem>>) src(%dma_wait3A_235 : memref<256xi32, #tpu.memory_space<hbm>>) dst(%arg6 : memref<256xi32, #tpu.memory_space<vmem>>)
      tpu.yield
    }) : () -> ()
    %dma_start3A_26 = arith.constant 0 : i32
    %dma_start3A_27 = arith.constant 0 : i32
    %dma_start3A_28 = tpu.memref_slice %arg2[%dma_start3A_26, %dma_start3A_27] : memref<16384x128xf32, #tpu.memory_space<hbm>> -> memref<16384x128xf32, #tpu.memory_space<hbm>>
    tpu.enqueue_indirect_dma source(%dma_start3A_28 : memref<16384x128xf32, #tpu.memory_space<hbm>>) target(%arg8 : memref<256x128xf32, #tpu.memory_space<vmem>>) offsets(%arg6 : memref<256xi32, #tpu.memory_space<vmem>>) semaphore(%arg12 : memref<!tpu.dma_semaphore, #tpu.memory_space<semaphore_mem>>)
    %dma_wait3A_29 = arith.constant 0 : i32
    %dma_wait3A_30 = arith.constant 0 : i32
    %dma_wait3A_31 = tpu.memref_slice %arg2[%dma_wait3A_29, %dma_wait3A_30] : memref<16384x128xf32, #tpu.memory_space<hbm>> -> memref<16384x128xf32, #tpu.memory_space<hbm>>
    tpu.wait_indirect_dma semaphore(%arg11 : memref<!tpu.dma_semaphore, #tpu.memory_space<semaphore_mem>>) src(%dma_wait3A_31 : memref<16384x128xf32, #tpu.memory_space<hbm>>) dst(%arg7 : memref<256x128xf32, #tpu.memory_space<vmem>>)
    %scan3A_32 = arith.constant 0 : i32
    %scan3A_33 = arith.constant 0 : i32
    %scan3A_34 = arith.constant 256 : i32
    %scan3A_35 = arith.addi %scan3A_33, %scan3A_34 : i32
    %scan3A_36 = arith.constant 1 : i32
    scf.for %scan3A_227 = %scan3A_33 to %scan3A_35 step %scan3A_36  : i32 {
      %get3A = arith.index_cast %scan3A_227 : i32 to index
      %get3A_228 = arith.constant 0 : index
      %get3A_229 = tpu.vector_load %arg9[%get3A, %get3A_228] {strides = array<i32>} : memref<256x128xf32, #tpu.memory_space<vmem>>, vector<1x16xf32>,
      %get3A_230 = vector.shape_cast %get3A_229 : vector<1x16xf32> to vector<16xf32>
      %get3A_231 = arith.index_cast %scan3A_227 : i32 to index
      %get3A_232 = arith.constant 0 : index
      %get3A_233 = tpu.vector_load %arg7[%get3A_231, %get3A_232] {strides = array<i32>} : memref<256x128xf32, #tpu.memory_space<vmem>>, vector<1x16xf32>,
      %get3A_234 = vector.shape_cast %get3A_233 : vector<1x16xf32> to vector<16xf32>
      %max3A = arith.maximumf %get3A_230, %get3A_234 : vector<16xf32>
      %swap3A = arith.index_cast %scan3A_227 : i32 to index
      %swap3A_235 = arith.constant 0 : index
      %swap3A_236 = tpu.vector_load %arg9[%swap3A, %swap3A_235] {strides = array<i32>} : memref<256x128xf32, #tpu.memory_space<vmem>>, vector<1x16xf32>,
      %swap3A_237 = vector.shape_cast %swap3A_236 : vector<1x16xf32> to vector<16xf32>
      %swap3A_238 = vector.shape_cast %max3A : vector<16xf32> to vector<1x16xf32>
      tpu.vector_store %arg9[%swap3A, %swap3A_235], %swap3A_238 {strides = array<i32>} : memref<256x128xf32, #tpu.memory_space<vmem>>, vector<1x16xf32>,
      %get3A_239 = arith.index_cast %scan3A_227 : i32 to index
      %get3A_240 = arith.constant 16 : index
      %get3A_241 = tpu.vector_load %arg9[%get3A_239, %get3A_240] {strides = array<i32>} : memref<256x128xf32, #tpu.memory_space<vmem>>, vector<1x16xf32>,
      %get3A_242 = vector.shape_cast %get3A_241 : vector<1x16xf32> to vector<16xf32>
      %get3A_243 = arith.index_cast %scan3A_227 : i32 to index
      %get3A_244 = arith.constant 16 : index
      %get3A_245 = tpu.vector_load %arg7[%get3A_243, %get3A_244] {strides = array<i32>} : memref<256x128xf32, #tpu.memory_space<vmem>>, vector<1x16xf32>,
      %get3A_246 = vector.shape_cast %get3A_245 : vector<1x16xf32> to vector<16xf32>
      %max3A_247 = arith.maximumf %get3A_242, %get3A_246 : vector<16xf32>
      %swap3A_248 = arith.index_cast %scan3A_227 : i32 to index
      %swap3A_249 = arith.constant 16 : index
      %swap3A_250 = tpu.vector_load %arg9[%swap3A_248, %swap3A_249] {strides = array<i32>} : memref<256x128xf32, #tpu.memory_space<vmem>>, vector<1x16xf32>,
      %swap3A_251 = vector.shape_cast %swap3A_250 : vector<1x16xf32> to vector<16xf32>
      %swap3A_252 = vector.shape_cast %max3A_247 : vector<16xf32> to vector<1x16xf32>
      tpu.vector_store %arg9[%swap3A_248, %swap3A_249], %swap3A_252 {strides = array<i32>} : memref<256x128xf32, #tpu.memory_space<vmem>>, vector<1x16xf32>,
      %get3A_253 = arith.index_cast %scan3A_227 : i32 to index
      %get3A_254 = arith.constant 32 : index
      %get3A_255 = tpu.vector_load %arg9[%get3A_253, %get3A_254] {strides = array<i32>} : memref<256x128xf32, #tpu.memory_space<vmem>>, vector<1x16xf32>,
      %get3A_256 = vector.shape_cast %get3A_255 : vector<1x16xf32> to vector<16xf32>
      %get3A_257 = arith.index_cast %scan3A_227 : i32 to index
      %get3A_258 = arith.constant 32 : index
      %get3A_259 = tpu.vector_load %arg7[%get3A_257, %get3A_258] {strides = array<i32>} : memref<256x128xf32, #tpu.memory_space<vmem>>, vector<1x16xf32>,
      %get3A_260 = vector.shape_cast %get3A_259 : vector<1x16xf32> to vector<16xf32>
      %max3A_261 = arith.maximumf %get3A_256, %get3A_260 : vector<16xf32>
      %swap3A_262 = arith.index_cast %scan3A_227 : i32 to index
      %swap3A_263 = arith.constant 32 : index
      %swap3A_264 = tpu.vector_load %arg9[%swap3A_262, %swap3A_263] {strides = array<i32>} : memref<256x128xf32, #tpu.memory_space<vmem>>, vector<1x16xf32>,
      %swap3A_265 = vector.shape_cast %swap3A_264 : vector<1x16xf32> to vector<16xf32>
      %swap3A_266 = vector.shape_cast %max3A_261 : vector<16xf32> to vector<1x16xf32>
      tpu.vector_store %arg9[%swap3A_262, %swap3A_263], %swap3A_266 {strides = array<i32>} : memref<256x128xf32, #tpu.memory_space<vmem>>, vector<1x16xf32>,
      %get3A_267 = arith.index_cast %scan3A_227 : i32 to index
      %get3A_268 = arith.constant 48 : index
      %get3A_269 = tpu.vector_load %arg9[%get3A_267, %get3A_268] {strides = array<i32>} : memref<256x128xf32, #tpu.memory_space<vmem>>, vector<1x16xf32>,
      %get3A_270 = vector.shape_cast %get3A_269 : vector<1x16xf32> to vector<16xf32>
      %get3A_271 = arith.index_cast %scan3A_227 : i32 to index
      %get3A_272 = arith.constant 48 : index
      %get3A_273 = tpu.vector_load %arg7[%get3A_271, %get3A_272] {strides = array<i32>} : memref<256x128xf32, #tpu.memory_space<vmem>>, vector<1x16xf32>,
      %get3A_274 = vector.shape_cast %get3A_273 : vector<1x16xf32> to vector<16xf32>
      %max3A_275 = arith.maximumf %get3A_270, %get3A_274 : vector<16xf32>
      %swap3A_276 = arith.index_cast %scan3A_227 : i32 to index
      %swap3A_277 = arith.constant 48 : index
      %swap3A_278 = tpu.vector_load %arg9[%swap3A_276, %swap3A_277] {strides = array<i32>} : memref<256x128xf32, #tpu.memory_space<vmem>>, vector<1x16xf32>,
      %swap3A_279 = vector.shape_cast %swap3A_278 : vector<1x16xf32> to vector<16xf32>
      %swap3A_280 = vector.shape_cast %max3A_275 : vector<16xf32> to vector<1x16xf32>
      tpu.vector_store %arg9[%swap3A_276, %swap3A_277], %swap3A_280 {strides = array<i32>} : memref<256x128xf32, #tpu.memory_space<vmem>>, vector<1x16xf32>,
      %get3A_281 = arith.index_cast %scan3A_227 : i32 to index
      %get3A_282 = arith.constant 64 : index
      %get3A_283 = tpu.vector_load %arg9[%get3A_281, %get3A_282] {strides = array<i32>} : memref<256x128xf32, #tpu.memory_space<vmem>>, vector<1x16xf32>,
      %get3A_284 = vector.shape_cast %get3A_283 : vector<1x16xf32> to vector<16xf32>
      %get3A_285 = arith.index_cast %scan3A_227 : i32 to index
      %get3A_286 = arith.constant 64 : index
      %get3A_287 = tpu.vector_load %arg7[%get3A_285, %get3A_286] {strides = array<i32>} : memref<256x128xf32, #tpu.memory_space<vmem>>, vector<1x16xf32>,
      %get3A_288 = vector.shape_cast %get3A_287 : vector<1x16xf32> to vector<16xf32>
      %max3A_289 = arith.maximumf %get3A_284, %get3A_288 : vector<16xf32>
      %swap3A_290 = arith.index_cast %scan3A_227 : i32 to index
      %swap3A_291 = arith.constant 64 : index
      %swap3A_292 = tpu.vector_load %arg9[%swap3A_290, %swap3A_291] {strides = array<i32>} : memref<256x128xf32, #tpu.memory_space<vmem>>, vector<1x16xf32>,
      %swap3A_293 = vector.shape_cast %swap3A_292 : vector<1x16xf32> to vector<16xf32>
      %swap3A_294 = vector.shape_cast %max3A_289 : vector<16xf32> to vector<1x16xf32>
      tpu.vector_store %arg9[%swap3A_290, %swap3A_291], %swap3A_294 {strides = array<i32>} : memref<256x128xf32, #tpu.memory_space<vmem>>, vector<1x16xf32>,
      %get3A_295 = arith.index_cast %scan3A_227 : i32 to index
      %get3A_296 = arith.constant 80 : index
      %get3A_297 = tpu.vector_load %arg9[%get3A_295, %get3A_296] {strides = array<i32>} : memref<256x128xf32, #tpu.memory_space<vmem>>, vector<1x16xf32>,
      %get3A_298 = vector.shape_cast %get3A_297 : vector<1x16xf32> to vector<16xf32>
      %get3A_299 = arith.index_cast %scan3A_227 : i32 to index
      %get3A_300 = arith.constant 80 : index
      %get3A_301 = tpu.vector_load %arg7[%get3A_299, %get3A_300] {strides = array<i32>} : memref<256x128xf32, #tpu.memory_space<vmem>>, vector<1x16xf32>,
      %get3A_302 = vector.shape_cast %get3A_301 : vector<1x16xf32> to vector<16xf32>
      %max3A_303 = arith.maximumf %get3A_298, %get3A_302 : vector<16xf32>
      %swap3A_304 = arith.index_cast %scan3A_227 : i32 to index
      %swap3A_305 = arith.constant 80 : index
      %swap3A_306 = tpu.vector_load %arg9[%swap3A_304, %swap3A_305] {strides = array<i32>} : memref<256x128xf32, #tpu.memory_space<vmem>>, vector<1x16xf32>,
      %swap3A_307 = vector.shape_cast %swap3A_306 : vector<1x16xf32> to vector<16xf32>
      %swap3A_308 = vector.shape_cast %max3A_303 : vector<16xf32> to vector<1x16xf32>
      tpu.vector_store %arg9[%swap3A_304, %swap3A_305], %swap3A_308 {strides = array<i32>} : memref<256x128xf32, #tpu.memory_space<vmem>>, vector<1x16xf32>,
      %get3A_309 = arith.index_cast %scan3A_227 : i32 to index
      %get3A_310 = arith.constant 96 : index
      %get3A_311 = tpu.vector_load %arg9[%get3A_309, %get3A_310] {strides = array<i32>} : memref<256x128xf32, #tpu.memory_space<vmem>>, vector<1x16xf32>,
      %get3A_312 = vector.shape_cast %get3A_311 : vector<1x16xf32> to vector<16xf32>
      %get3A_313 = arith.index_cast %scan3A_227 : i32 to index
      %get3A_314 = arith.constant 96 : index
      %get3A_315 = tpu.vector_load %arg7[%get3A_313, %get3A_314] {strides = array<i32>} : memref<256x128xf32, #tpu.memory_space<vmem>>, vector<1x16xf32>,
      %get3A_316 = vector.shape_cast %get3A_315 : vector<1x16xf32> to vector<16xf32>
      %max3A_317 = arith.maximumf %get3A_312, %get3A_316 : vector<16xf32>
      %swap3A_318 = arith.index_cast %scan3A_227 : i32 to index
      %swap3A_319 = arith.constant 96 : index
      %swap3A_320 = tpu.vector_load %arg9[%swap3A_318, %swap3A_319] {strides = array<i32>} : memref<256x128xf32, #tpu.memory_space<vmem>>, vector<1x16xf32>,
      %swap3A_321 = vector.shape_cast %swap3A_320 : vector<1x16xf32> to vector<16xf32>
      %swap3A_322 = vector.shape_cast %max3A_317 : vector<16xf32> to vector<1x16xf32>
      tpu.vector_store %arg9[%swap3A_318, %swap3A_319], %swap3A_322 {strides = array<i32>} : memref<256x128xf32, #tpu.memory_space<vmem>>, vector<1x16xf32>,
      %get3A_323 = arith.index_cast %scan3A_227 : i32 to index
      %get3A_324 = arith.constant 112 : index
      %get3A_325 = tpu.vector_load %arg9[%get3A_323, %get3A_324] {strides = array<i32>} : memref<256x128xf32, #tpu.memory_space<vmem>>, vector<1x16xf32>,
      %get3A_326 = vector.shape_cast %get3A_325 : vector<1x16xf32> to vector<16xf32>
      %get3A_327 = arith.index_cast %scan3A_227 : i32 to index
      %get3A_328 = arith.constant 112 : index
      %get3A_329 = tpu.vector_load %arg7[%get3A_327, %get3A_328] {strides = array<i32>} : memref<256x128xf32, #tpu.memory_space<vmem>>, vector<1x16xf32>,
      %get3A_330 = vector.shape_cast %get3A_329 : vector<1x16xf32> to vector<16xf32>
      %max3A_331 = arith.maximumf %get3A_326, %get3A_330 : vector<16xf32>
      %swap3A_332 = arith.index_cast %scan3A_227 : i32 to index
      %swap3A_333 = arith.constant 112 : index
      %swap3A_334 = tpu.vector_load %arg9[%swap3A_332, %swap3A_333] {strides = array<i32>} : memref<256x128xf32, #tpu.memory_space<vmem>>, vector<1x16xf32>,
      %swap3A_335 = vector.shape_cast %swap3A_334 : vector<1x16xf32> to vector<16xf32>
      %swap3A_336 = vector.shape_cast %max3A_331 : vector<16xf32> to vector<1x16xf32>
      tpu.vector_store %arg9[%swap3A_332, %swap3A_333], %swap3A_336 {strides = array<i32>} : memref<256x128xf32, #tpu.memory_space<vmem>>, vector<1x16xf32>,
    }
    %scan3A_37 = arith.constant 256 : i32
    %run_scoped3A_38 = arith.constant 4 : i32
    "tpu.region"() ({
      %run_scoped3A_227 = tpu.sem_alloc : memref<!tpu.dma_semaphore, #tpu.memory_space<semaphore_mem>>
      %dma_start3A_228 = tpu.memref_slice %arg3[%run_scoped3A_38, %add3A_4] : memref<16x16384xi32, #tpu.memory_space<hbm>> -> memref<1x256xi32, #tpu.memory_space<hbm>>
      %dma_start3A_229 = tpu.memref_squeeze %dma_start3A_228 : memref<1x256xi32, #tpu.memory_space<hbm>> -> memref<256xi32, #tpu.memory_space<hbm>>
      %dma_start3A_230 = tpu.memref_slice %arg3[%run_scoped3A_38, %add3A_4] : memref<16x16384xi32, #tpu.memory_space<hbm>> -> memref<1x256xi32, #tpu.memory_space<hbm>>
      %dma_start3A_231 = tpu.memref_squeeze %dma_start3A_230 : memref<1x256xi32, #tpu.memory_space<hbm>> -> memref<256xi32, #tpu.memory_space<hbm>>
      tpu.enqueue_dma source(%dma_start3A_231 : memref<256xi32, #tpu.memory_space<hbm>>) target(%arg5 : memref<256xi32, #tpu.memory_space<vmem>>) target_semaphore(%run_scoped3A_227 : memref<!tpu.dma_semaphore, #tpu.memory_space<semaphore_mem>>)
      %dma_wait3A_232 = tpu.memref_slice %arg3[%run_scoped3A_38, %add3A_4] : memref<16x16384xi32, #tpu.memory_space<hbm>> -> memref<1x256xi32, #tpu.memory_space<hbm>>
      %dma_wait3A_233 = tpu.memref_squeeze %dma_wait3A_232 : memref<1x256xi32, #tpu.memory_space<hbm>> -> memref<256xi32, #tpu.memory_space<hbm>>
      %dma_wait3A_234 = tpu.memref_slice %arg3[%run_scoped3A_38, %add3A_4] : memref<16x16384xi32, #tpu.memory_space<hbm>> -> memref<1x256xi32, #tpu.memory_space<hbm>>
      %dma_wait3A_235 = tpu.memref_squeeze %dma_wait3A_234 : memref<1x256xi32, #tpu.memory_space<hbm>> -> memref<256xi32, #tpu.memory_space<hbm>>
      tpu.wait_dma2 semaphore(%run_scoped3A_227 : memref<!tpu.dma_semaphore, #tpu.memory_space<semaphore_mem>>) src(%dma_wait3A_235 : memref<256xi32, #tpu.memory_space<hbm>>) dst(%arg5 : memref<256xi32, #tpu.memory_space<vmem>>)
      tpu.yield
    }) : () -> ()
    %dma_start3A_39 = arith.constant 0 : i32
    %dma_start3A_40 = arith.constant 0 : i32
    %dma_start3A_41 = tpu.memref_slice %arg2[%dma_start3A_39, %dma_start3A_40] : memref<16384x128xf32, #tpu.memory_space<hbm>> -> memref<16384x128xf32, #tpu.memory_space<hbm>>
    tpu.enqueue_indirect_dma source(%dma_start3A_41 : memref<16384x128xf32, #tpu.memory_space<hbm>>) target(%arg7 : memref<256x128xf32, #tpu.memory_space<vmem>>) offsets(%arg5 : memref<256xi32, #tpu.memory_space<vmem>>) semaphore(%arg11 : memref<!tpu.dma_semaphore, #tpu.memory_space<semaphore_mem>>)
    %dma_wait3A_42 = arith.constant 0 : i32
    %dma_wait3A_43 = arith.constant 0 : i32
    %dma_wait3A_44 = tpu.memref_slice %arg2[%dma_wait3A_42, %dma_wait3A_43] : memref<16384x128xf32, #tpu.memory_space<hbm>> -> memref<16384x128xf32, #tpu.memory_space<hbm>>
    tpu.wait_indirect_dma semaphore(%arg12 : memref<!tpu.dma_semaphore, #tpu.memory_space<semaphore_mem>>) src(%dma_wait3A_44 : memref<16384x128xf32, #tpu.memory_space<hbm>>) dst(%arg8 : memref<256x128xf32, #tpu.memory_space<vmem>>)
    %scan3A_45 = arith.constant 0 : i32
    %scan3A_46 = arith.constant 0 : i32
    %scan3A_47 = arith.constant 256 : i32
    %scan3A_48 = arith.addi %scan3A_46, %scan3A_47 : i32
    %scan3A_49 = arith.constant 1 : i32
    scf.for %scan3A_227 = %scan3A_46 to %scan3A_48 step %scan3A_49  : i32 {
      %get3A = arith.index_cast %scan3A_227 : i32 to index
      %get3A_228 = arith.constant 0 : index
      %get3A_229 = tpu.vector_load %arg9[%get3A, %get3A_228] {strides = array<i32>} : memref<256x128xf32, #tpu.memory_space<vmem>>, vector<1x16xf32>,
      %get3A_230 = vector.shape_cast %get3A_229 : vector<1x16xf32> to vector<16xf32>
      %get3A_231 = arith.index_cast %scan3A_227 : i32 to index
      %get3A_232 = arith.constant 0 : index
      %get3A_233 = tpu.vector_load %arg8[%get3A_231, %get3A_232] {strides = array<i32>} : memref<256x128xf32, #tpu.memory_space<vmem>>, vector<1x16xf32>,
      %get3A_234 = vector.shape_cast %get3A_233 : vector<1x16xf32> to vector<16xf32>
      %max3A = arith.maximumf %get3A_230, %get3A_234 : vector<16xf32>
      %swap3A = arith.index_cast %scan3A_227 : i32 to index
      %swap3A_235 = arith.constant 0 : index
      %swap3A_236 = tpu.vector_load %arg9[%swap3A, %swap3A_235] {strides = array<i32>} : memref<256x128xf32, #tpu.memory_space<vmem>>, vector<1x16xf32>,
      %swap3A_237 = vector.shape_cast %swap3A_236 : vector<1x16xf32> to vector<16xf32>
      %swap3A_238 = vector.shape_cast %max3A : vector<16xf32> to vector<1x16xf32>
      tpu.vector_store %arg9[%swap3A, %swap3A_235], %swap3A_238 {strides = array<i32>} : memref<256x128xf32, #tpu.memory_space<vmem>>, vector<1x16xf32>,
      %get3A_239 = arith.index_cast %scan3A_227 : i32 to index
      %get3A_240 = arith.constant 16 : index
      %get3A_241 = tpu.vector_load %arg9[%get3A_239, %get3A_240] {strides = array<i32>} : memref<256x128xf32, #tpu.memory_space<vmem>>, vector<1x16xf32>,
      %get3A_242 = vector.shape_cast %get3A_241 : vector<1x16xf32> to vector<16xf32>
      %get3A_243 = arith.index_cast %scan3A_227 : i32 to index
      %get3A_244 = arith.constant 16 : index
      %get3A_245 = tpu.vector_load %arg8[%get3A_243, %get3A_244] {strides = array<i32>} : memref<256x128xf32, #tpu.memory_space<vmem>>, vector<1x16xf32>,
      %get3A_246 = vector.shape_cast %get3A_245 : vector<1x16xf32> to vector<16xf32>
      %max3A_247 = arith.maximumf %get3A_242, %get3A_246 : vector<16xf32>
      %swap3A_248 = arith.index_cast %scan3A_227 : i32 to index
      %swap3A_249 = arith.constant 16 : index
      %swap3A_250 = tpu.vector_load %arg9[%swap3A_248, %swap3A_249] {strides = array<i32>} : memref<256x128xf32, #tpu.memory_space<vmem>>, vector<1x16xf32>,
      %swap3A_251 = vector.shape_cast %swap3A_250 : vector<1x16xf32> to vector<16xf32>
      %swap3A_252 = vector.shape_cast %max3A_247 : vector<16xf32> to vector<1x16xf32>
      tpu.vector_store %arg9[%swap3A_248, %swap3A_249], %swap3A_252 {strides = array<i32>} : memref<256x128xf32, #tpu.memory_space<vmem>>, vector<1x16xf32>,
      %get3A_253 = arith.index_cast %scan3A_227 : i32 to index
      %get3A_254 = arith.constant 32 : index
      %get3A_255 = tpu.vector_load %arg9[%get3A_253, %get3A_254] {strides = array<i32>} : memref<256x128xf32, #tpu.memory_space<vmem>>, vector<1x16xf32>,
      %get3A_256 = vector.shape_cast %get3A_255 : vector<1x16xf32> to vector<16xf32>
      %get3A_257 = arith.index_cast %scan3A_227 : i32 to index
      %get3A_258 = arith.constant 32 : index
      %get3A_259 = tpu.vector_load %arg8[%get3A_257, %get3A_258] {strides = array<i32>} : memref<256x128xf32, #tpu.memory_space<vmem>>, vector<1x16xf32>,
      %get3A_260 = vector.shape_cast %get3A_259 : vector<1x16xf32> to vector<16xf32>
      %max3A_261 = arith.maximumf %get3A_256, %get3A_260 : vector<16xf32>
      %swap3A_262 = arith.index_cast %scan3A_227 : i32 to index
      %swap3A_263 = arith.constant 32 : index
      %swap3A_264 = tpu.vector_load %arg9[%swap3A_262, %swap3A_263] {strides = array<i32>} : memref<256x128xf32, #tpu.memory_space<vmem>>, vector<1x16xf32>,
      %swap3A_265 = vector.shape_cast %swap3A_264 : vector<1x16xf32> to vector<16xf32>
      %swap3A_266 = vector.shape_cast %max3A_261 : vector<16xf32> to vector<1x16xf32>
      tpu.vector_store %arg9[%swap3A_262, %swap3A_263], %swap3A_266 {strides = array<i32>} : memref<256x128xf32, #tpu.memory_space<vmem>>, vector<1x16xf32>,
      %get3A_267 = arith.index_cast %scan3A_227 : i32 to index
      %get3A_268 = arith.constant 48 : index
      %get3A_269 = tpu.vector_load %arg9[%get3A_267, %get3A_268] {strides = array<i32>} : memref<256x128xf32, #tpu.memory_space<vmem>>, vector<1x16xf32>,
      %get3A_270 = vector.shape_cast %get3A_269 : vector<1x16xf32> to vector<16xf32>
      %get3A_271 = arith.index_cast %scan3A_227 : i32 to index
      %get3A_272 = arith.constant 48 : index
      %get3A_273 = tpu.vector_load %arg8[%get3A_271, %get3A_272] {strides = array<i32>} : memref<256x128xf32, #tpu.memory_space<vmem>>, vector<1x16xf32>,
      %get3A_274 = vector.shape_cast %get3A_273 : vector<1x16xf32> to vector<16xf32>
      %max3A_275 = arith.maximumf %get3A_270, %get3A_274 : vector<16xf32>
      %swap3A_276 = arith.index_cast %scan3A_227 : i32 to index
      %swap3A_277 = arith.constant 48 : index
      %swap3A_278 = tpu.vector_load %arg9[%swap3A_276, %swap3A_277] {strides = array<i32>} : memref<256x128xf32, #tpu.memory_space<vmem>>, vector<1x16xf32>,
      %swap3A_279 = vector.shape_cast %swap3A_278 : vector<1x16xf32> to vector<16xf32>
      %swap3A_280 = vector.shape_cast %max3A_275 : vector<16xf32> to vector<1x16xf32>
      tpu.vector_store %arg9[%swap3A_276, %swap3A_277], %swap3A_280 {strides = array<i32>} : memref<256x128xf32, #tpu.memory_space<vmem>>, vector<1x16xf32>,
      %get3A_281 = arith.index_cast %scan3A_227 : i32 to index
      %get3A_282 = arith.constant 64 : index
      %get3A_283 = tpu.vector_load %arg9[%get3A_281, %get3A_282] {strides = array<i32>} : memref<256x128xf32, #tpu.memory_space<vmem>>, vector<1x16xf32>,
      %get3A_284 = vector.shape_cast %get3A_283 : vector<1x16xf32> to vector<16xf32>
      %get3A_285 = arith.index_cast %scan3A_227 : i32 to index
      %get3A_286 = arith.constant 64 : index
      %get3A_287 = tpu.vector_load %arg8[%get3A_285, %get3A_286] {strides = array<i32>} : memref<256x128xf32, #tpu.memory_space<vmem>>, vector<1x16xf32>,
      %get3A_288 = vector.shape_cast %get3A_287 : vector<1x16xf32> to vector<16xf32>
      %max3A_289 = arith.maximumf %get3A_284, %get3A_288 : vector<16xf32>
      %swap3A_290 = arith.index_cast %scan3A_227 : i32 to index
      %swap3A_291 = arith.constant 64 : index
      %swap3A_292 = tpu.vector_load %arg9[%swap3A_290, %swap3A_291] {strides = array<i32>} : memref<256x128xf32, #tpu.memory_space<vmem>>, vector<1x16xf32>,
      %swap3A_293 = vector.shape_cast %swap3A_292 : vector<1x16xf32> to vector<16xf32>
      %swap3A_294 = vector.shape_cast %max3A_289 : vector<16xf32> to vector<1x16xf32>
      tpu.vector_store %arg9[%swap3A_290, %swap3A_291], %swap3A_294 {strides = array<i32>} : memref<256x128xf32, #tpu.memory_space<vmem>>, vector<1x16xf32>,
      %get3A_295 = arith.index_cast %scan3A_227 : i32 to index
      %get3A_296 = arith.constant 80 : index
      %get3A_297 = tpu.vector_load %arg9[%get3A_295, %get3A_296] {strides = array<i32>} : memref<256x128xf32, #tpu.memory_space<vmem>>, vector<1x16xf32>,
      %get3A_298 = vector.shape_cast %get3A_297 : vector<1x16xf32> to vector<16xf32>
      %get3A_299 = arith.index_cast %scan3A_227 : i32 to index
      %get3A_300 = arith.constant 80 : index
      %get3A_301 = tpu.vector_load %arg8[%get3A_299, %get3A_300] {strides = array<i32>} : memref<256x128xf32, #tpu.memory_space<vmem>>, vector<1x16xf32>,
      %get3A_302 = vector.shape_cast %get3A_301 : vector<1x16xf32> to vector<16xf32>
      %max3A_303 = arith.maximumf %get3A_298, %get3A_302 : vector<16xf32>
      %swap3A_304 = arith.index_cast %scan3A_227 : i32 to index
      %swap3A_305 = arith.constant 80 : index
      %swap3A_306 = tpu.vector_load %arg9[%swap3A_304, %swap3A_305] {strides = array<i32>} : memref<256x128xf32, #tpu.memory_space<vmem>>, vector<1x16xf32>,
      %swap3A_307 = vector.shape_cast %swap3A_306 : vector<1x16xf32> to vector<16xf32>
      %swap3A_308 = vector.shape_cast %max3A_303 : vector<16xf32> to vector<1x16xf32>
      tpu.vector_store %arg9[%swap3A_304, %swap3A_305], %swap3A_308 {strides = array<i32>} : memref<256x128xf32, #tpu.memory_space<vmem>>, vector<1x16xf32>,
      %get3A_309 = arith.index_cast %scan3A_227 : i32 to index
      %get3A_310 = arith.constant 96 : index
      %get3A_311 = tpu.vector_load %arg9[%get3A_309, %get3A_310] {strides = array<i32>} : memref<256x128xf32, #tpu.memory_space<vmem>>, vector<1x16xf32>,
      %get3A_312 = vector.shape_cast %get3A_311 : vector<1x16xf32> to vector<16xf32>
      %get3A_313 = arith.index_cast %scan3A_227 : i32 to index
      %get3A_314 = arith.constant 96 : index
      %get3A_315 = tpu.vector_load %arg8[%get3A_313, %get3A_314] {strides = array<i32>} : memref<256x128xf32, #tpu.memory_space<vmem>>, vector<1x16xf32>,
      %get3A_316 = vector.shape_cast %get3A_315 : vector<1x16xf32> to vector<16xf32>
      %max3A_317 = arith.maximumf %get3A_312, %get3A_316 : vector<16xf32>
      %swap3A_318 = arith.index_cast %scan3A_227 : i32 to index
      %swap3A_319 = arith.constant 96 : index
      %swap3A_320 = tpu.vector_load %arg9[%swap3A_318, %swap3A_319] {strides = array<i32>} : memref<256x128xf32, #tpu.memory_space<vmem>>, vector<1x16xf32>,
      %swap3A_321 = vector.shape_cast %swap3A_320 : vector<1x16xf32> to vector<16xf32>
      %swap3A_322 = vector.shape_cast %max3A_317 : vector<16xf32> to vector<1x16xf32>
      tpu.vector_store %arg9[%swap3A_318, %swap3A_319], %swap3A_322 {strides = array<i32>} : memref<256x128xf32, #tpu.memory_space<vmem>>, vector<1x16xf32>,
      %get3A_323 = arith.index_cast %scan3A_227 : i32 to index
      %get3A_324 = arith.constant 112 : index
      %get3A_325 = tpu.vector_load %arg9[%get3A_323, %get3A_324] {strides = array<i32>} : memref<256x128xf32, #tpu.memory_space<vmem>>, vector<1x16xf32>,
      %get3A_326 = vector.shape_cast %get3A_325 : vector<1x16xf32> to vector<16xf32>
      %get3A_327 = arith.index_cast %scan3A_227 : i32 to index
      %get3A_328 = arith.constant 112 : index
      %get3A_329 = tpu.vector_load %arg8[%get3A_327, %get3A_328] {strides = array<i32>} : memref<256x128xf32, #tpu.memory_space<vmem>>, vector<1x16xf32>,
      %get3A_330 = vector.shape_cast %get3A_329 : vector<1x16xf32> to vector<16xf32>
      %max3A_331 = arith.maximumf %get3A_326, %get3A_330 : vector<16xf32>
      %swap3A_332 = arith.index_cast %scan3A_227 : i32 to index
      %swap3A_333 = arith.constant 112 : index
      %swap3A_334 = tpu.vector_load %arg9[%swap3A_332, %swap3A_333] {strides = array<i32>} : memref<256x128xf32, #tpu.memory_space<vmem>>, vector<1x16xf32>,
      %swap3A_335 = vector.shape_cast %swap3A_334 : vector<1x16xf32> to vector<16xf32>
      %swap3A_336 = vector.shape_cast %max3A_331 : vector<16xf32> to vector<1x16xf32>
      tpu.vector_store %arg9[%swap3A_332, %swap3A_333], %swap3A_336 {strides = array<i32>} : memref<256x128xf32, #tpu.memory_space<vmem>>, vector<1x16xf32>,
    }
    %scan3A_50 = arith.constant 256 : i32
    %run_scoped3A_51 = arith.constant 5 : i32
    "tpu.region"() ({
      %run_scoped3A_227 = tpu.sem_alloc : memref<!tpu.dma_semaphore, #tpu.memory_space<semaphore_mem>>
      %dma_start3A_228 = tpu.memref_slice %arg3[%run_scoped3A_51, %add3A_4] : memref<16x16384xi32, #tpu.memory_space<hbm>> -> memref<1x256xi32, #tpu.memory_space<hbm>>
      %dma_start3A_229 = tpu.memref_squeeze %dma_start3A_228 : memref<1x256xi32, #tpu.memory_space<hbm>> -> memref<256xi32, #tpu.memory_space<hbm>>
      %dma_start3A_230 = tpu.memref_slice %arg3[%run_scoped3A_51, %add3A_4] : memref<16x16384xi32, #tpu.memory_space<hbm>> -> memref<1x256xi32, #tpu.memory_space<hbm>>
      %dma_start3A_231 = tpu.memref_squeeze %dma_start3A_230 : memref<1x256xi32, #tpu.memory_space<hbm>> -> memref<256xi32, #tpu.memory_space<hbm>>
      tpu.enqueue_dma source(%dma_start3A_231 : memref<256xi32, #tpu.memory_space<hbm>>) target(%arg6 : memref<256xi32, #tpu.memory_space<vmem>>) target_semaphore(%run_scoped3A_227 : memref<!tpu.dma_semaphore, #tpu.memory_space<semaphore_mem>>)
      %dma_wait3A_232 = tpu.memref_slice %arg3[%run_scoped3A_51, %add3A_4] : memref<16x16384xi32, #tpu.memory_space<hbm>> -> memref<1x256xi32, #tpu.memory_space<hbm>>
      %dma_wait3A_233 = tpu.memref_squeeze %dma_wait3A_232 : memref<1x256xi32, #tpu.memory_space<hbm>> -> memref<256xi32, #tpu.memory_space<hbm>>
      %dma_wait3A_234 = tpu.memref_slice %arg3[%run_scoped3A_51, %add3A_4] : memref<16x16384xi32, #tpu.memory_space<hbm>> -> memref<1x256xi32, #tpu.memory_space<hbm>>
      %dma_wait3A_235 = tpu.memref_squeeze %dma_wait3A_234 : memref<1x256xi32, #tpu.memory_space<hbm>> -> memref<256xi32, #tpu.memory_space<hbm>>
      tpu.wait_dma2 semaphore(%run_scoped3A_227 : memref<!tpu.dma_semaphore, #tpu.memory_space<semaphore_mem>>) src(%dma_wait3A_235 : memref<256xi32, #tpu.memory_space<hbm>>) dst(%arg6 : memref<256xi32, #tpu.memory_space<vmem>>)
      tpu.yield
    }) : () -> ()
    %dma_start3A_52 = arith.constant 0 : i32
    %dma_start3A_53 = arith.constant 0 : i32
    %dma_start3A_54 = tpu.memref_slice %arg2[%dma_start3A_52, %dma_start3A_53] : memref<16384x128xf32, #tpu.memory_space<hbm>> -> memref<16384x128xf32, #tpu.memory_space<hbm>>
    tpu.enqueue_indirect_dma source(%dma_start3A_54 : memref<16384x128xf32, #tpu.memory_space<hbm>>) target(%arg8 : memref<256x128xf32, #tpu.memory_space<vmem>>) offsets(%arg6 : memref<256xi32, #tpu.memory_space<vmem>>) semaphore(%arg12 : memref<!tpu.dma_semaphore, #tpu.memory_space<semaphore_mem>>)
    %dma_wait3A_55 = arith.constant 0 : i32
    %dma_wait3A_56 = arith.constant 0 : i32
    %dma_wait3A_57 = tpu.memref_slice %arg2[%dma_wait3A_55, %dma_wait3A_56] : memref<16384x128xf32, #tpu.memory_space<hbm>> -> memref<16384x128xf32, #tpu.memory_space<hbm>>
    tpu.wait_indirect_dma semaphore(%arg11 : memref<!tpu.dma_semaphore, #tpu.memory_space<semaphore_mem>>) src(%dma_wait3A_57 : memref<16384x128xf32, #tpu.memory_space<hbm>>) dst(%arg7 : memref<256x128xf32, #tpu.memory_space<vmem>>)
    %scan3A_58 = arith.constant 0 : i32
    %scan3A_59 = arith.constant 0 : i32
    %scan3A_60 = arith.constant 256 : i32
    %scan3A_61 = arith.addi %scan3A_59, %scan3A_60 : i32
    %scan3A_62 = arith.constant 1 : i32
    scf.for %scan3A_227 = %scan3A_59 to %scan3A_61 step %scan3A_62  : i32 {
      %get3A = arith.index_cast %scan3A_227 : i32 to index
      %get3A_228 = arith.constant 0 : index
      %get3A_229 = tpu.vector_load %arg9[%get3A, %get3A_228] {strides = array<i32>} : memref<256x128xf32, #tpu.memory_space<vmem>>, vector<1x16xf32>,
      %get3A_230 = vector.shape_cast %get3A_229 : vector<1x16xf32> to vector<16xf32>
      %get3A_231 = arith.index_cast %scan3A_227 : i32 to index
      %get3A_232 = arith.constant 0 : index
      %get3A_233 = tpu.vector_load %arg7[%get3A_231, %get3A_232] {strides = array<i32>} : memref<256x128xf32, #tpu.memory_space<vmem>>, vector<1x16xf32>,
      %get3A_234 = vector.shape_cast %get3A_233 : vector<1x16xf32> to vector<16xf32>
      %max3A = arith.maximumf %get3A_230, %get3A_234 : vector<16xf32>
      %swap3A = arith.index_cast %scan3A_227 : i32 to index
      %swap3A_235 = arith.constant 0 : index
      %swap3A_236 = tpu.vector_load %arg9[%swap3A, %swap3A_235] {strides = array<i32>} : memref<256x128xf32, #tpu.memory_space<vmem>>, vector<1x16xf32>,
      %swap3A_237 = vector.shape_cast %swap3A_236 : vector<1x16xf32> to vector<16xf32>
      %swap3A_238 = vector.shape_cast %max3A : vector<16xf32> to vector<1x16xf32>
      tpu.vector_store %arg9[%swap3A, %swap3A_235], %swap3A_238 {strides = array<i32>} : memref<256x128xf32, #tpu.memory_space<vmem>>, vector<1x16xf32>,
      %get3A_239 = arith.index_cast %scan3A_227 : i32 to index
      %get3A_240 = arith.constant 16 : index
      %get3A_241 = tpu.vector_load %arg9[%get3A_239, %get3A_240] {strides = array<i32>} : memref<256x128xf32, #tpu.memory_space<vmem>>, vector<1x16xf32>,
      %get3A_242 = vector.shape_cast %get3A_241 : vector<1x16xf32> to vector<16xf32>
      %get3A_243 = arith.index_cast %scan3A_227 : i32 to index
      %get3A_244 = arith.constant 16 : index
      %get3A_245 = tpu.vector_load %arg7[%get3A_243, %get3A_244] {strides = array<i32>} : memref<256x128xf32, #tpu.memory_space<vmem>>, vector<1x16xf32>,
      %get3A_246 = vector.shape_cast %get3A_245 : vector<1x16xf32> to vector<16xf32>
      %max3A_247 = arith.maximumf %get3A_242, %get3A_246 : vector<16xf32>
      %swap3A_248 = arith.index_cast %scan3A_227 : i32 to index
      %swap3A_249 = arith.constant 16 : index
      %swap3A_250 = tpu.vector_load %arg9[%swap3A_248, %swap3A_249] {strides = array<i32>} : memref<256x128xf32, #tpu.memory_space<vmem>>, vector<1x16xf32>,
      %swap3A_251 = vector.shape_cast %swap3A_250 : vector<1x16xf32> to vector<16xf32>
      %swap3A_252 = vector.shape_cast %max3A_247 : vector<16xf32> to vector<1x16xf32>
      tpu.vector_store %arg9[%swap3A_248, %swap3A_249], %swap3A_252 {strides = array<i32>} : memref<256x128xf32, #tpu.memory_space<vmem>>, vector<1x16xf32>,
      %get3A_253 = arith.index_cast %scan3A_227 : i32 to index
      %get3A_254 = arith.constant 32 : index
      %get3A_255 = tpu.vector_load %arg9[%get3A_253, %get3A_254] {strides = array<i32>} : memref<256x128xf32, #tpu.memory_space<vmem>>, vector<1x16xf32>,
      %get3A_256 = vector.shape_cast %get3A_255 : vector<1x16xf32> to vector<16xf32>
      %get3A_257 = arith.index_cast %scan3A_227 : i32 to index
      %get3A_258 = arith.constant 32 : index
      %get3A_259 = tpu.vector_load %arg7[%get3A_257, %get3A_258] {strides = array<i32>} : memref<256x128xf32, #tpu.memory_space<vmem>>, vector<1x16xf32>,
      %get3A_260 = vector.shape_cast %get3A_259 : vector<1x16xf32> to vector<16xf32>
      %max3A_261 = arith.maximumf %get3A_256, %get3A_260 : vector<16xf32>
      %swap3A_262 = arith.index_cast %scan3A_227 : i32 to index
      %swap3A_263 = arith.constant 32 : index
      %swap3A_264 = tpu.vector_load %arg9[%swap3A_262, %swap3A_263] {strides = array<i32>} : memref<256x128xf32, #tpu.memory_space<vmem>>, vector<1x16xf32>,
      %swap3A_265 = vector.shape_cast %swap3A_264 : vector<1x16xf32> to vector<16xf32>
      %swap3A_266 = vector.shape_cast %max3A_261 : vector<16xf32> to vector<1x16xf32>
      tpu.vector_store %arg9[%swap3A_262, %swap3A_263], %swap3A_266 {strides = array<i32>} : memref<256x128xf32, #tpu.memory_space<vmem>>, vector<1x16xf32>,
      %get3A_267 = arith.index_cast %scan3A_227 : i32 to index
      %get3A_268 = arith.constant 48 : index
      %get3A_269 = tpu.vector_load %arg9[%get3A_267, %get3A_268] {strides = array<i32>} : memref<256x128xf32, #tpu.memory_space<vmem>>, vector<1x16xf32>,
      %get3A_270 = vector.shape_cast %get3A_269 : vector<1x16xf32> to vector<16xf32>
      %get3A_271 = arith.index_cast %scan3A_227 : i32 to index
      %get3A_272 = arith.constant 48 : index
      %get3A_273 = tpu.vector_load %arg7[%get3A_271, %get3A_272] {strides = array<i32>} : memref<256x128xf32, #tpu.memory_space<vmem>>, vector<1x16xf32>,
      %get3A_274 = vector.shape_cast %get3A_273 : vector<1x16xf32> to vector<16xf32>
      %max3A_275 = arith.maximumf %get3A_270, %get3A_274 : vector<16xf32>
      %swap3A_276 = arith.index_cast %scan3A_227 : i32 to index
      %swap3A_277 = arith.constant 48 : index
      %swap3A_278 = tpu.vector_load %arg9[%swap3A_276, %swap3A_277] {strides = array<i32>} : memref<256x128xf32, #tpu.memory_space<vmem>>, vector<1x16xf32>,
      %swap3A_279 = vector.shape_cast %swap3A_278 : vector<1x16xf32> to vector<16xf32>
      %swap3A_280 = vector.shape_cast %max3A_275 : vector<16xf32> to vector<1x16xf32>
      tpu.vector_store %arg9[%swap3A_276, %swap3A_277], %swap3A_280 {strides = array<i32>} : memref<256x128xf32, #tpu.memory_space<vmem>>, vector<1x16xf32>,
      %get3A_281 = arith.index_cast %scan3A_227 : i32 to index
      %get3A_282 = arith.constant 64 : index
      %get3A_283 = tpu.vector_load %arg9[%get3A_281, %get3A_282] {strides = array<i32>} : memref<256x128xf32, #tpu.memory_space<vmem>>, vector<1x16xf32>,
      %get3A_284 = vector.shape_cast %get3A_283 : vector<1x16xf32> to vector<16xf32>
      %get3A_285 = arith.index_cast %scan3A_227 : i32 to index
      %get3A_286 = arith.constant 64 : index
      %get3A_287 = tpu.vector_load %arg7[%get3A_285, %get3A_286] {strides = array<i32>} : memref<256x128xf32, #tpu.memory_space<vmem>>, vector<1x16xf32>,
      %get3A_288 = vector.shape_cast %get3A_287 : vector<1x16xf32> to vector<16xf32>
      %max3A_289 = arith.maximumf %get3A_284, %get3A_288 : vector<16xf32>
      %swap3A_290 = arith.index_cast %scan3A_227 : i32 to index
      %swap3A_291 = arith.constant 64 : index
      %swap3A_292 = tpu.vector_load %arg9[%swap3A_290, %swap3A_291] {strides = array<i32>} : memref<256x128xf32, #tpu.memory_space<vmem>>, vector<1x16xf32>,
      %swap3A_293 = vector.shape_cast %swap3A_292 : vector<1x16xf32> to vector<16xf32>
      %swap3A_294 = vector.shape_cast %max3A_289 : vector<16xf32> to vector<1x16xf32>
      tpu.vector_store %arg9[%swap3A_290, %swap3A_291], %swap3A_294 {strides = array<i32>} : memref<256x128xf32, #tpu.memory_space<vmem>>, vector<1x16xf32>,
      %get3A_295 = arith.index_cast %scan3A_227 : i32 to index
      %get3A_296 = arith.constant 80 : index
      %get3A_297 = tpu.vector_load %arg9[%get3A_295, %get3A_296] {strides = array<i32>} : memref<256x128xf32, #tpu.memory_space<vmem>>, vector<1x16xf32>,
      %get3A_298 = vector.shape_cast %get3A_297 : vector<1x16xf32> to vector<16xf32>
      %get3A_299 = arith.index_cast %scan3A_227 : i32 to index
      %get3A_300 = arith.constant 80 : index
      %get3A_301 = tpu.vector_load %arg7[%get3A_299, %get3A_300] {strides = array<i32>} : memref<256x128xf32, #tpu.memory_space<vmem>>, vector<1x16xf32>,
      %get3A_302 = vector.shape_cast %get3A_301 : vector<1x16xf32> to vector<16xf32>
      %max3A_303 = arith.maximumf %get3A_298, %get3A_302 : vector<16xf32>
      %swap3A_304 = arith.index_cast %scan3A_227 : i32 to index
      %swap3A_305 = arith.constant 80 : index
      %swap3A_306 = tpu.vector_load %arg9[%swap3A_304, %swap3A_305] {strides = array<i32>} : memref<256x128xf32, #tpu.memory_space<vmem>>, vector<1x16xf32>,
      %swap3A_307 = vector.shape_cast %swap3A_306 : vector<1x16xf32> to vector<16xf32>
      %swap3A_308 = vector.shape_cast %max3A_303 : vector<16xf32> to vector<1x16xf32>
      tpu.vector_store %arg9[%swap3A_304, %swap3A_305], %swap3A_308 {strides = array<i32>} : memref<256x128xf32, #tpu.memory_space<vmem>>, vector<1x16xf32>,
      %get3A_309 = arith.index_cast %scan3A_227 : i32 to index
      %get3A_310 = arith.constant 96 : index
      %get3A_311 = tpu.vector_load %arg9[%get3A_309, %get3A_310] {strides = array<i32>} : memref<256x128xf32, #tpu.memory_space<vmem>>, vector<1x16xf32>,
      %get3A_312 = vector.shape_cast %get3A_311 : vector<1x16xf32> to vector<16xf32>
      %get3A_313 = arith.index_cast %scan3A_227 : i32 to index
      %get3A_314 = arith.constant 96 : index
      %get3A_315 = tpu.vector_load %arg7[%get3A_313, %get3A_314] {strides = array<i32>} : memref<256x128xf32, #tpu.memory_space<vmem>>, vector<1x16xf32>,
      %get3A_316 = vector.shape_cast %get3A_315 : vector<1x16xf32> to vector<16xf32>
      %max3A_317 = arith.maximumf %get3A_312, %get3A_316 : vector<16xf32>
      %swap3A_318 = arith.index_cast %scan3A_227 : i32 to index
      %swap3A_319 = arith.constant 96 : index
      %swap3A_320 = tpu.vector_load %arg9[%swap3A_318, %swap3A_319] {strides = array<i32>} : memref<256x128xf32, #tpu.memory_space<vmem>>, vector<1x16xf32>,
      %swap3A_321 = vector.shape_cast %swap3A_320 : vector<1x16xf32> to vector<16xf32>
      %swap3A_322 = vector.shape_cast %max3A_317 : vector<16xf32> to vector<1x16xf32>
      tpu.vector_store %arg9[%swap3A_318, %swap3A_319], %swap3A_322 {strides = array<i32>} : memref<256x128xf32, #tpu.memory_space<vmem>>, vector<1x16xf32>,
      %get3A_323 = arith.index_cast %scan3A_227 : i32 to index
      %get3A_324 = arith.constant 112 : index
      %get3A_325 = tpu.vector_load %arg9[%get3A_323, %get3A_324] {strides = array<i32>} : memref<256x128xf32, #tpu.memory_space<vmem>>, vector<1x16xf32>,
      %get3A_326 = vector.shape_cast %get3A_325 : vector<1x16xf32> to vector<16xf32>
      %get3A_327 = arith.index_cast %scan3A_227 : i32 to index
      %get3A_328 = arith.constant 112 : index
      %get3A_329 = tpu.vector_load %arg7[%get3A_327, %get3A_328] {strides = array<i32>} : memref<256x128xf32, #tpu.memory_space<vmem>>, vector<1x16xf32>,
      %get3A_330 = vector.shape_cast %get3A_329 : vector<1x16xf32> to vector<16xf32>
      %max3A_331 = arith.maximumf %get3A_326, %get3A_330 : vector<16xf32>
      %swap3A_332 = arith.index_cast %scan3A_227 : i32 to index
      %swap3A_333 = arith.constant 112 : index
      %swap3A_334 = tpu.vector_load %arg9[%swap3A_332, %swap3A_333] {strides = array<i32>} : memref<256x128xf32, #tpu.memory_space<vmem>>, vector<1x16xf32>,
      %swap3A_335 = vector.shape_cast %swap3A_334 : vector<1x16xf32> to vector<16xf32>
      %swap3A_336 = vector.shape_cast %max3A_331 : vector<16xf32> to vector<1x16xf32>
      tpu.vector_store %arg9[%swap3A_332, %swap3A_333], %swap3A_336 {strides = array<i32>} : memref<256x128xf32, #tpu.memory_space<vmem>>, vector<1x16xf32>,
    }
    %scan3A_63 = arith.constant 256 : i32
    %run_scoped3A_64 = arith.constant 6 : i32
    "tpu.region"() ({
      %run_scoped3A_227 = tpu.sem_alloc : memref<!tpu.dma_semaphore, #tpu.memory_space<semaphore_mem>>
      %dma_start3A_228 = tpu.memref_slice %arg3[%run_scoped3A_64, %add3A_4] : memref<16x16384xi32, #tpu.memory_space<hbm>> -> memref<1x256xi32, #tpu.memory_space<hbm>>
      %dma_start3A_229 = tpu.memref_squeeze %dma_start3A_228 : memref<1x256xi32, #tpu.memory_space<hbm>> -> memref<256xi32, #tpu.memory_space<hbm>>
      %dma_start3A_230 = tpu.memref_slice %arg3[%run_scoped3A_64, %add3A_4] : memref<16x16384xi32, #tpu.memory_space<hbm>> -> memref<1x256xi32, #tpu.memory_space<hbm>>
      %dma_start3A_231 = tpu.memref_squeeze %dma_start3A_230 : memref<1x256xi32, #tpu.memory_space<hbm>> -> memref<256xi32, #tpu.memory_space<hbm>>
      tpu.enqueue_dma source(%dma_start3A_231 : memref<256xi32, #tpu.memory_space<hbm>>) target(%arg5 : memref<256xi32, #tpu.memory_space<vmem>>) target_semaphore(%run_scoped3A_227 : memref<!tpu.dma_semaphore, #tpu.memory_space<semaphore_mem>>)
      %dma_wait3A_232 = tpu.memref_slice %arg3[%run_scoped3A_64, %add3A_4] : memref<16x16384xi32, #tpu.memory_space<hbm>> -> memref<1x256xi32, #tpu.memory_space<hbm>>
      %dma_wait3A_233 = tpu.memref_squeeze %dma_wait3A_232 : memref<1x256xi32, #tpu.memory_space<hbm>> -> memref<256xi32, #tpu.memory_space<hbm>>
      %dma_wait3A_234 = tpu.memref_slice %arg3[%run_scoped3A_64, %add3A_4] : memref<16x16384xi32, #tpu.memory_space<hbm>> -> memref<1x256xi32, #tpu.memory_space<hbm>>
      %dma_wait3A_235 = tpu.memref_squeeze %dma_wait3A_234 : memref<1x256xi32, #tpu.memory_space<hbm>> -> memref<256xi32, #tpu.memory_space<hbm>>
      tpu.wait_dma2 semaphore(%run_scoped3A_227 : memref<!tpu.dma_semaphore, #tpu.memory_space<semaphore_mem>>) src(%dma_wait3A_235 : memref<256xi32, #tpu.memory_space<hbm>>) dst(%arg5 : memref<256xi32, #tpu.memory_space<vmem>>)
      tpu.yield
    }) : () -> ()
    %dma_start3A_65 = arith.constant 0 : i32
    %dma_start3A_66 = arith.constant 0 : i32
    %dma_start3A_67 = tpu.memref_slice %arg2[%dma_start3A_65, %dma_start3A_66] : memref<16384x128xf32, #tpu.memory_space<hbm>> -> memref<16384x128xf32, #tpu.memory_space<hbm>>
    tpu.enqueue_indirect_dma source(%dma_start3A_67 : memref<16384x128xf32, #tpu.memory_space<hbm>>) target(%arg7 : memref<256x128xf32, #tpu.memory_space<vmem>>) offsets(%arg5 : memref<256xi32, #tpu.memory_space<vmem>>) semaphore(%arg11 : memref<!tpu.dma_semaphore, #tpu.memory_space<semaphore_mem>>)
    %dma_wait3A_68 = arith.constant 0 : i32
    %dma_wait3A_69 = arith.constant 0 : i32
    %dma_wait3A_70 = tpu.memref_slice %arg2[%dma_wait3A_68, %dma_wait3A_69] : memref<16384x128xf32, #tpu.memory_space<hbm>> -> memref<16384x128xf32, #tpu.memory_space<hbm>>
    tpu.wait_indirect_dma semaphore(%arg12 : memref<!tpu.dma_semaphore, #tpu.memory_space<semaphore_mem>>) src(%dma_wait3A_70 : memref<16384x128xf32, #tpu.memory_space<hbm>>) dst(%arg8 : memref<256x128xf32, #tpu.memory_space<vmem>>)
    %scan3A_71 = arith.constant 0 : i32
    %scan3A_72 = arith.constant 0 : i32
    %scan3A_73 = arith.constant 256 : i32
    %scan3A_74 = arith.addi %scan3A_72, %scan3A_73 : i32
    %scan3A_75 = arith.constant 1 : i32
    scf.for %scan3A_227 = %scan3A_72 to %scan3A_74 step %scan3A_75  : i32 {
      %get3A = arith.index_cast %scan3A_227 : i32 to index
      %get3A_228 = arith.constant 0 : index
      %get3A_229 = tpu.vector_load %arg9[%get3A, %get3A_228] {strides = array<i32>} : memref<256x128xf32, #tpu.memory_space<vmem>>, vector<1x16xf32>,
      %get3A_230 = vector.shape_cast %get3A_229 : vector<1x16xf32> to vector<16xf32>
      %get3A_231 = arith.index_cast %scan3A_227 : i32 to index
      %get3A_232 = arith.constant 0 : index
      %get3A_233 = tpu.vector_load %arg8[%get3A_231, %get3A_232] {strides = array<i32>} : memref<256x128xf32, #tpu.memory_space<vmem>>, vector<1x16xf32>,
      %get3A_234 = vector.shape_cast %get3A_233 : vector<1x16xf32> to vector<16xf32>
      %max3A = arith.maximumf %get3A_230, %get3A_234 : vector<16xf32>
      %swap3A = arith.index_cast %scan3A_227 : i32 to index
      %swap3A_235 = arith.constant 0 : index
      %swap3A_236 = tpu.vector_load %arg9[%swap3A, %swap3A_235] {strides = array<i32>} : memref<256x128xf32, #tpu.memory_space<vmem>>, vector<1x16xf32>,
      %swap3A_237 = vector.shape_cast %swap3A_236 : vector<1x16xf32> to vector<16xf32>
      %swap3A_238 = vector.shape_cast %max3A : vector<16xf32> to vector<1x16xf32>
      tpu.vector_store %arg9[%swap3A, %swap3A_235], %swap3A_238 {strides = array<i32>} : memref<256x128xf32, #tpu.memory_space<vmem>>, vector<1x16xf32>,
      %get3A_239 = arith.index_cast %scan3A_227 : i32 to index
      %get3A_240 = arith.constant 16 : index
      %get3A_241 = tpu.vector_load %arg9[%get3A_239, %get3A_240] {strides = array<i32>} : memref<256x128xf32, #tpu.memory_space<vmem>>, vector<1x16xf32>,
      %get3A_242 = vector.shape_cast %get3A_241 : vector<1x16xf32> to vector<16xf32>
      %get3A_243 = arith.index_cast %scan3A_227 : i32 to index
      %get3A_244 = arith.constant 16 : index
      %get3A_245 = tpu.vector_load %arg8[%get3A_243, %get3A_244] {strides = array<i32>} : memref<256x128xf32, #tpu.memory_space<vmem>>, vector<1x16xf32>,
      %get3A_246 = vector.shape_cast %get3A_245 : vector<1x16xf32> to vector<16xf32>
      %max3A_247 = arith.maximumf %get3A_242, %get3A_246 : vector<16xf32>
      %swap3A_248 = arith.index_cast %scan3A_227 : i32 to index
      %swap3A_249 = arith.constant 16 : index
      %swap3A_250 = tpu.vector_load %arg9[%swap3A_248, %swap3A_249] {strides = array<i32>} : memref<256x128xf32, #tpu.memory_space<vmem>>, vector<1x16xf32>,
      %swap3A_251 = vector.shape_cast %swap3A_250 : vector<1x16xf32> to vector<16xf32>
      %swap3A_252 = vector.shape_cast %max3A_247 : vector<16xf32> to vector<1x16xf32>
      tpu.vector_store %arg9[%swap3A_248, %swap3A_249], %swap3A_252 {strides = array<i32>} : memref<256x128xf32, #tpu.memory_space<vmem>>, vector<1x16xf32>,
      %get3A_253 = arith.index_cast %scan3A_227 : i32 to index
      %get3A_254 = arith.constant 32 : index
      %get3A_255 = tpu.vector_load %arg9[%get3A_253, %get3A_254] {strides = array<i32>} : memref<256x128xf32, #tpu.memory_space<vmem>>, vector<1x16xf32>,
      %get3A_256 = vector.shape_cast %get3A_255 : vector<1x16xf32> to vector<16xf32>
      %get3A_257 = arith.index_cast %scan3A_227 : i32 to index
      %get3A_258 = arith.constant 32 : index
      %get3A_259 = tpu.vector_load %arg8[%get3A_257, %get3A_258] {strides = array<i32>} : memref<256x128xf32, #tpu.memory_space<vmem>>, vector<1x16xf32>,
      %get3A_260 = vector.shape_cast %get3A_259 : vector<1x16xf32> to vector<16xf32>
      %max3A_261 = arith.maximumf %get3A_256, %get3A_260 : vector<16xf32>
      %swap3A_262 = arith.index_cast %scan3A_227 : i32 to index
      %swap3A_263 = arith.constant 32 : index
      %swap3A_264 = tpu.vector_load %arg9[%swap3A_262, %swap3A_263] {strides = array<i32>} : memref<256x128xf32, #tpu.memory_space<vmem>>, vector<1x16xf32>,
      %swap3A_265 = vector.shape_cast %swap3A_264 : vector<1x16xf32> to vector<16xf32>
      %swap3A_266 = vector.shape_cast %max3A_261 : vector<16xf32> to vector<1x16xf32>
      tpu.vector_store %arg9[%swap3A_262, %swap3A_263], %swap3A_266 {strides = array<i32>} : memref<256x128xf32, #tpu.memory_space<vmem>>, vector<1x16xf32>,
      %get3A_267 = arith.index_cast %scan3A_227 : i32 to index
      %get3A_268 = arith.constant 48 : index
      %get3A_269 = tpu.vector_load %arg9[%get3A_267, %get3A_268] {strides = array<i32>} : memref<256x128xf32, #tpu.memory_space<vmem>>, vector<1x16xf32>,
      %get3A_270 = vector.shape_cast %get3A_269 : vector<1x16xf32> to vector<16xf32>
      %get3A_271 = arith.index_cast %scan3A_227 : i32 to index
      %get3A_272 = arith.constant 48 : index
      %get3A_273 = tpu.vector_load %arg8[%get3A_271, %get3A_272] {strides = array<i32>} : memref<256x128xf32, #tpu.memory_space<vmem>>, vector<1x16xf32>,
      %get3A_274 = vector.shape_cast %get3A_273 : vector<1x16xf32> to vector<16xf32>
      %max3A_275 = arith.maximumf %get3A_270, %get3A_274 : vector<16xf32>
      %swap3A_276 = arith.index_cast %scan3A_227 : i32 to index
      %swap3A_277 = arith.constant 48 : index
      %swap3A_278 = tpu.vector_load %arg9[%swap3A_276, %swap3A_277] {strides = array<i32>} : memref<256x128xf32, #tpu.memory_space<vmem>>, vector<1x16xf32>,
      %swap3A_279 = vector.shape_cast %swap3A_278 : vector<1x16xf32> to vector<16xf32>
      %swap3A_280 = vector.shape_cast %max3A_275 : vector<16xf32> to vector<1x16xf32>
      tpu.vector_store %arg9[%swap3A_276, %swap3A_277], %swap3A_280 {strides = array<i32>} : memref<256x128xf32, #tpu.memory_space<vmem>>, vector<1x16xf32>,
      %get3A_281 = arith.index_cast %scan3A_227 : i32 to index
      %get3A_282 = arith.constant 64 : index
      %get3A_283 = tpu.vector_load %arg9[%get3A_281, %get3A_282] {strides = array<i32>} : memref<256x128xf32, #tpu.memory_space<vmem>>, vector<1x16xf32>,
      %get3A_284 = vector.shape_cast %get3A_283 : vector<1x16xf32> to vector<16xf32>
      %get3A_285 = arith.index_cast %scan3A_227 : i32 to index
      %get3A_286 = arith.constant 64 : index
      %get3A_287 = tpu.vector_load %arg8[%get3A_285, %get3A_286] {strides = array<i32>} : memref<256x128xf32, #tpu.memory_space<vmem>>, vector<1x16xf32>,
      %get3A_288 = vector.shape_cast %get3A_287 : vector<1x16xf32> to vector<16xf32>
      %max3A_289 = arith.maximumf %get3A_284, %get3A_288 : vector<16xf32>
      %swap3A_290 = arith.index_cast %scan3A_227 : i32 to index
      %swap3A_291 = arith.constant 64 : index
      %swap3A_292 = tpu.vector_load %arg9[%swap3A_290, %swap3A_291] {strides = array<i32>} : memref<256x128xf32, #tpu.memory_space<vmem>>, vector<1x16xf32>,
      %swap3A_293 = vector.shape_cast %swap3A_292 : vector<1x16xf32> to vector<16xf32>
      %swap3A_294 = vector.shape_cast %max3A_289 : vector<16xf32> to vector<1x16xf32>
      tpu.vector_store %arg9[%swap3A_290, %swap3A_291], %swap3A_294 {strides = array<i32>} : memref<256x128xf32, #tpu.memory_space<vmem>>, vector<1x16xf32>,
      %get3A_295 = arith.index_cast %scan3A_227 : i32 to index
      %get3A_296 = arith.constant 80 : index
      %get3A_297 = tpu.vector_load %arg9[%get3A_295, %get3A_296] {strides = array<i32>} : memref<256x128xf32, #tpu.memory_space<vmem>>, vector<1x16xf32>,
      %get3A_298 = vector.shape_cast %get3A_297 : vector<1x16xf32> to vector<16xf32>
      %get3A_299 = arith.index_cast %scan3A_227 : i32 to index
      %get3A_300 = arith.constant 80 : index
      %get3A_301 = tpu.vector_load %arg8[%get3A_299, %get3A_300] {strides = array<i32>} : memref<256x128xf32, #tpu.memory_space<vmem>>, vector<1x16xf32>,
      %get3A_302 = vector.shape_cast %get3A_301 : vector<1x16xf32> to vector<16xf32>
      %max3A_303 = arith.maximumf %get3A_298, %get3A_302 : vector<16xf32>
      %swap3A_304 = arith.index_cast %scan3A_227 : i32 to index
      %swap3A_305 = arith.constant 80 : index
      %swap3A_306 = tpu.vector_load %arg9[%swap3A_304, %swap3A_305] {strides = array<i32>} : memref<256x128xf32, #tpu.memory_space<vmem>>, vector<1x16xf32>,
      %swap3A_307 = vector.shape_cast %swap3A_306 : vector<1x16xf32> to vector<16xf32>
      %swap3A_308 = vector.shape_cast %max3A_303 : vector<16xf32> to vector<1x16xf32>
      tpu.vector_store %arg9[%swap3A_304, %swap3A_305], %swap3A_308 {strides = array<i32>} : memref<256x128xf32, #tpu.memory_space<vmem>>, vector<1x16xf32>,
      %get3A_309 = arith.index_cast %scan3A_227 : i32 to index
      %get3A_310 = arith.constant 96 : index
      %get3A_311 = tpu.vector_load %arg9[%get3A_309, %get3A_310] {strides = array<i32>} : memref<256x128xf32, #tpu.memory_space<vmem>>, vector<1x16xf32>,
      %get3A_312 = vector.shape_cast %get3A_311 : vector<1x16xf32> to vector<16xf32>
      %get3A_313 = arith.index_cast %scan3A_227 : i32 to index
      %get3A_314 = arith.constant 96 : index
      %get3A_315 = tpu.vector_load %arg8[%get3A_313, %get3A_314] {strides = array<i32>} : memref<256x128xf32, #tpu.memory_space<vmem>>, vector<1x16xf32>,
      %get3A_316 = vector.shape_cast %get3A_315 : vector<1x16xf32> to vector<16xf32>
      %max3A_317 = arith.maximumf %get3A_312, %get3A_316 : vector<16xf32>
      %swap3A_318 = arith.index_cast %scan3A_227 : i32 to index
      %swap3A_319 = arith.constant 96 : index
      %swap3A_320 = tpu.vector_load %arg9[%swap3A_318, %swap3A_319] {strides = array<i32>} : memref<256x128xf32, #tpu.memory_space<vmem>>, vector<1x16xf32>,
      %swap3A_321 = vector.shape_cast %swap3A_320 : vector<1x16xf32> to vector<16xf32>
      %swap3A_322 = vector.shape_cast %max3A_317 : vector<16xf32> to vector<1x16xf32>
      tpu.vector_store %arg9[%swap3A_318, %swap3A_319], %swap3A_322 {strides = array<i32>} : memref<256x128xf32, #tpu.memory_space<vmem>>, vector<1x16xf32>,
      %get3A_323 = arith.index_cast %scan3A_227 : i32 to index
      %get3A_324 = arith.constant 112 : index
      %get3A_325 = tpu.vector_load %arg9[%get3A_323, %get3A_324] {strides = array<i32>} : memref<256x128xf32, #tpu.memory_space<vmem>>, vector<1x16xf32>,
      %get3A_326 = vector.shape_cast %get3A_325 : vector<1x16xf32> to vector<16xf32>
      %get3A_327 = arith.index_cast %scan3A_227 : i32 to index
      %get3A_328 = arith.constant 112 : index
      %get3A_329 = tpu.vector_load %arg8[%get3A_327, %get3A_328] {strides = array<i32>} : memref<256x128xf32, #tpu.memory_space<vmem>>, vector<1x16xf32>,
      %get3A_330 = vector.shape_cast %get3A_329 : vector<1x16xf32> to vector<16xf32>
      %max3A_331 = arith.maximumf %get3A_326, %get3A_330 : vector<16xf32>
      %swap3A_332 = arith.index_cast %scan3A_227 : i32 to index
      %swap3A_333 = arith.constant 112 : index
      %swap3A_334 = tpu.vector_load %arg9[%swap3A_332, %swap3A_333] {strides = array<i32>} : memref<256x128xf32, #tpu.memory_space<vmem>>, vector<1x16xf32>,
      %swap3A_335 = vector.shape_cast %swap3A_334 : vector<1x16xf32> to vector<16xf32>
      %swap3A_336 = vector.shape_cast %max3A_331 : vector<16xf32> to vector<1x16xf32>
      tpu.vector_store %arg9[%swap3A_332, %swap3A_333], %swap3A_336 {strides = array<i32>} : memref<256x128xf32, #tpu.memory_space<vmem>>, vector<1x16xf32>,
    }
    %scan3A_76 = arith.constant 256 : i32
    %run_scoped3A_77 = arith.constant 7 : i32
    "tpu.region"() ({
      %run_scoped3A_227 = tpu.sem_alloc : memref<!tpu.dma_semaphore, #tpu.memory_space<semaphore_mem>>
      %dma_start3A_228 = tpu.memref_slice %arg3[%run_scoped3A_77, %add3A_4] : memref<16x16384xi32, #tpu.memory_space<hbm>> -> memref<1x256xi32, #tpu.memory_space<hbm>>
      %dma_start3A_229 = tpu.memref_squeeze %dma_start3A_228 : memref<1x256xi32, #tpu.memory_space<hbm>> -> memref<256xi32, #tpu.memory_space<hbm>>
      %dma_start3A_230 = tpu.memref_slice %arg3[%run_scoped3A_77, %add3A_4] : memref<16x16384xi32, #tpu.memory_space<hbm>> -> memref<1x256xi32, #tpu.memory_space<hbm>>
      %dma_start3A_231 = tpu.memref_squeeze %dma_start3A_230 : memref<1x256xi32, #tpu.memory_space<hbm>> -> memref<256xi32, #tpu.memory_space<hbm>>
      tpu.enqueue_dma source(%dma_start3A_231 : memref<256xi32, #tpu.memory_space<hbm>>) target(%arg6 : memref<256xi32, #tpu.memory_space<vmem>>) target_semaphore(%run_scoped3A_227 : memref<!tpu.dma_semaphore, #tpu.memory_space<semaphore_mem>>)
      %dma_wait3A_232 = tpu.memref_slice %arg3[%run_scoped3A_77, %add3A_4] : memref<16x16384xi32, #tpu.memory_space<hbm>> -> memref<1x256xi32, #tpu.memory_space<hbm>>
      %dma_wait3A_233 = tpu.memref_squeeze %dma_wait3A_232 : memref<1x256xi32, #tpu.memory_space<hbm>> -> memref<256xi32, #tpu.memory_space<hbm>>
      %dma_wait3A_234 = tpu.memref_slice %arg3[%run_scoped3A_77, %add3A_4] : memref<16x16384xi32, #tpu.memory_space<hbm>> -> memref<1x256xi32, #tpu.memory_space<hbm>>
      %dma_wait3A_235 = tpu.memref_squeeze %dma_wait3A_234 : memref<1x256xi32, #tpu.memory_space<hbm>> -> memref<256xi32, #tpu.memory_space<hbm>>
      tpu.wait_dma2 semaphore(%run_scoped3A_227 : memref<!tpu.dma_semaphore, #tpu.memory_space<semaphore_mem>>) src(%dma_wait3A_235 : memref<256xi32, #tpu.memory_space<hbm>>) dst(%arg6 : memref<256xi32, #tpu.memory_space<vmem>>)
      tpu.yield
    }) : () -> ()
    %dma_start3A_78 = arith.constant 0 : i32
    %dma_start3A_79 = arith.constant 0 : i32
    %dma_start3A_80 = tpu.memref_slice %arg2[%dma_start3A_78, %dma_start3A_79] : memref<16384x128xf32, #tpu.memory_space<hbm>> -> memref<16384x128xf32, #tpu.memory_space<hbm>>
    tpu.enqueue_indirect_dma source(%dma_start3A_80 : memref<16384x128xf32, #tpu.memory_space<hbm>>) target(%arg8 : memref<256x128xf32, #tpu.memory_space<vmem>>) offsets(%arg6 : memref<256xi32, #tpu.memory_space<vmem>>) semaphore(%arg12 : memref<!tpu.dma_semaphore, #tpu.memory_space<semaphore_mem>>)
    %dma_wait3A_81 = arith.constant 0 : i32
    %dma_wait3A_82 = arith.constant 0 : i32
    %dma_wait3A_83 = tpu.memref_slice %arg2[%dma_wait3A_81, %dma_wait3A_82] : memref<16384x128xf32, #tpu.memory_space<hbm>> -> memref<16384x128xf32, #tpu.memory_space<hbm>>
    tpu.wait_indirect_dma semaphore(%arg11 : memref<!tpu.dma_semaphore, #tpu.memory_space<semaphore_mem>>) src(%dma_wait3A_83 : memref<16384x128xf32, #tpu.memory_space<hbm>>) dst(%arg7 : memref<256x128xf32, #tpu.memory_space<vmem>>)
    %scan3A_84 = arith.constant 0 : i32
    %scan3A_85 = arith.constant 0 : i32
    %scan3A_86 = arith.constant 256 : i32
    %scan3A_87 = arith.addi %scan3A_85, %scan3A_86 : i32
    %scan3A_88 = arith.constant 1 : i32
    scf.for %scan3A_227 = %scan3A_85 to %scan3A_87 step %scan3A_88  : i32 {
      %get3A = arith.index_cast %scan3A_227 : i32 to index
      %get3A_228 = arith.constant 0 : index
      %get3A_229 = tpu.vector_load %arg9[%get3A, %get3A_228] {strides = array<i32>} : memref<256x128xf32, #tpu.memory_space<vmem>>, vector<1x16xf32>,
      %get3A_230 = vector.shape_cast %get3A_229 : vector<1x16xf32> to vector<16xf32>
      %get3A_231 = arith.index_cast %scan3A_227 : i32 to index
      %get3A_232 = arith.constant 0 : index
      %get3A_233 = tpu.vector_load %arg7[%get3A_231, %get3A_232] {strides = array<i32>} : memref<256x128xf32, #tpu.memory_space<vmem>>, vector<1x16xf32>,
      %get3A_234 = vector.shape_cast %get3A_233 : vector<1x16xf32> to vector<16xf32>
      %max3A = arith.maximumf %get3A_230, %get3A_234 : vector<16xf32>
      %swap3A = arith.index_cast %scan3A_227 : i32 to index
      %swap3A_235 = arith.constant 0 : index
      %swap3A_236 = tpu.vector_load %arg9[%swap3A, %swap3A_235] {strides = array<i32>} : memref<256x128xf32, #tpu.memory_space<vmem>>, vector<1x16xf32>,
      %swap3A_237 = vector.shape_cast %swap3A_236 : vector<1x16xf32> to vector<16xf32>
      %swap3A_238 = vector.shape_cast %max3A : vector<16xf32> to vector<1x16xf32>
      tpu.vector_store %arg9[%swap3A, %swap3A_235], %swap3A_238 {strides = array<i32>} : memref<256x128xf32, #tpu.memory_space<vmem>>, vector<1x16xf32>,
      %get3A_239 = arith.index_cast %scan3A_227 : i32 to index
      %get3A_240 = arith.constant 16 : index
      %get3A_241 = tpu.vector_load %arg9[%get3A_239, %get3A_240] {strides = array<i32>} : memref<256x128xf32, #tpu.memory_space<vmem>>, vector<1x16xf32>,
      %get3A_242 = vector.shape_cast %get3A_241 : vector<1x16xf32> to vector<16xf32>
      %get3A_243 = arith.index_cast %scan3A_227 : i32 to index
      %get3A_244 = arith.constant 16 : index
      %get3A_245 = tpu.vector_load %arg7[%get3A_243, %get3A_244] {strides = array<i32>} : memref<256x128xf32, #tpu.memory_space<vmem>>, vector<1x16xf32>,
      %get3A_246 = vector.shape_cast %get3A_245 : vector<1x16xf32> to vector<16xf32>
      %max3A_247 = arith.maximumf %get3A_242, %get3A_246 : vector<16xf32>
      %swap3A_248 = arith.index_cast %scan3A_227 : i32 to index
      %swap3A_249 = arith.constant 16 : index
      %swap3A_250 = tpu.vector_load %arg9[%swap3A_248, %swap3A_249] {strides = array<i32>} : memref<256x128xf32, #tpu.memory_space<vmem>>, vector<1x16xf32>,
      %swap3A_251 = vector.shape_cast %swap3A_250 : vector<1x16xf32> to vector<16xf32>
      %swap3A_252 = vector.shape_cast %max3A_247 : vector<16xf32> to vector<1x16xf32>
      tpu.vector_store %arg9[%swap3A_248, %swap3A_249], %swap3A_252 {strides = array<i32>} : memref<256x128xf32, #tpu.memory_space<vmem>>, vector<1x16xf32>,
      %get3A_253 = arith.index_cast %scan3A_227 : i32 to index
      %get3A_254 = arith.constant 32 : index
      %get3A_255 = tpu.vector_load %arg9[%get3A_253, %get3A_254] {strides = array<i32>} : memref<256x128xf32, #tpu.memory_space<vmem>>, vector<1x16xf32>,
      %get3A_256 = vector.shape_cast %get3A_255 : vector<1x16xf32> to vector<16xf32>
      %get3A_257 = arith.index_cast %scan3A_227 : i32 to index
      %get3A_258 = arith.constant 32 : index
      %get3A_259 = tpu.vector_load %arg7[%get3A_257, %get3A_258] {strides = array<i32>} : memref<256x128xf32, #tpu.memory_space<vmem>>, vector<1x16xf32>,
      %get3A_260 = vector.shape_cast %get3A_259 : vector<1x16xf32> to vector<16xf32>
      %max3A_261 = arith.maximumf %get3A_256, %get3A_260 : vector<16xf32>
      %swap3A_262 = arith.index_cast %scan3A_227 : i32 to index
      %swap3A_263 = arith.constant 32 : index
      %swap3A_264 = tpu.vector_load %arg9[%swap3A_262, %swap3A_263] {strides = array<i32>} : memref<256x128xf32, #tpu.memory_space<vmem>>, vector<1x16xf32>,
      %swap3A_265 = vector.shape_cast %swap3A_264 : vector<1x16xf32> to vector<16xf32>
      %swap3A_266 = vector.shape_cast %max3A_261 : vector<16xf32> to vector<1x16xf32>
      tpu.vector_store %arg9[%swap3A_262, %swap3A_263], %swap3A_266 {strides = array<i32>} : memref<256x128xf32, #tpu.memory_space<vmem>>, vector<1x16xf32>,
      %get3A_267 = arith.index_cast %scan3A_227 : i32 to index
      %get3A_268 = arith.constant 48 : index
      %get3A_269 = tpu.vector_load %arg9[%get3A_267, %get3A_268] {strides = array<i32>} : memref<256x128xf32, #tpu.memory_space<vmem>>, vector<1x16xf32>,
      %get3A_270 = vector.shape_cast %get3A_269 : vector<1x16xf32> to vector<16xf32>
      %get3A_271 = arith.index_cast %scan3A_227 : i32 to index
      %get3A_272 = arith.constant 48 : index
      %get3A_273 = tpu.vector_load %arg7[%get3A_271, %get3A_272] {strides = array<i32>} : memref<256x128xf32, #tpu.memory_space<vmem>>, vector<1x16xf32>,
      %get3A_274 = vector.shape_cast %get3A_273 : vector<1x16xf32> to vector<16xf32>
      %max3A_275 = arith.maximumf %get3A_270, %get3A_274 : vector<16xf32>
      %swap3A_276 = arith.index_cast %scan3A_227 : i32 to index
      %swap3A_277 = arith.constant 48 : index
      %swap3A_278 = tpu.vector_load %arg9[%swap3A_276, %swap3A_277] {strides = array<i32>} : memref<256x128xf32, #tpu.memory_space<vmem>>, vector<1x16xf32>,
      %swap3A_279 = vector.shape_cast %swap3A_278 : vector<1x16xf32> to vector<16xf32>
      %swap3A_280 = vector.shape_cast %max3A_275 : vector<16xf32> to vector<1x16xf32>
      tpu.vector_store %arg9[%swap3A_276, %swap3A_277], %swap3A_280 {strides = array<i32>} : memref<256x128xf32, #tpu.memory_space<vmem>>, vector<1x16xf32>,
      %get3A_281 = arith.index_cast %scan3A_227 : i32 to index
      %get3A_282 = arith.constant 64 : index
      %get3A_283 = tpu.vector_load %arg9[%get3A_281, %get3A_282] {strides = array<i32>} : memref<256x128xf32, #tpu.memory_space<vmem>>, vector<1x16xf32>,
      %get3A_284 = vector.shape_cast %get3A_283 : vector<1x16xf32> to vector<16xf32>
      %get3A_285 = arith.index_cast %scan3A_227 : i32 to index
      %get3A_286 = arith.constant 64 : index
      %get3A_287 = tpu.vector_load %arg7[%get3A_285, %get3A_286] {strides = array<i32>} : memref<256x128xf32, #tpu.memory_space<vmem>>, vector<1x16xf32>,
      %get3A_288 = vector.shape_cast %get3A_287 : vector<1x16xf32> to vector<16xf32>
      %max3A_289 = arith.maximumf %get3A_284, %get3A_288 : vector<16xf32>
      %swap3A_290 = arith.index_cast %scan3A_227 : i32 to index
      %swap3A_291 = arith.constant 64 : index
      %swap3A_292 = tpu.vector_load %arg9[%swap3A_290, %swap3A_291] {strides = array<i32>} : memref<256x128xf32, #tpu.memory_space<vmem>>, vector<1x16xf32>,
      %swap3A_293 = vector.shape_cast %swap3A_292 : vector<1x16xf32> to vector<16xf32>
      %swap3A_294 = vector.shape_cast %max3A_289 : vector<16xf32> to vector<1x16xf32>
      tpu.vector_store %arg9[%swap3A_290, %swap3A_291], %swap3A_294 {strides = array<i32>} : memref<256x128xf32, #tpu.memory_space<vmem>>, vector<1x16xf32>,
      %get3A_295 = arith.index_cast %scan3A_227 : i32 to index
      %get3A_296 = arith.constant 80 : index
      %get3A_297 = tpu.vector_load %arg9[%get3A_295, %get3A_296] {strides = array<i32>} : memref<256x128xf32, #tpu.memory_space<vmem>>, vector<1x16xf32>,
      %get3A_298 = vector.shape_cast %get3A_297 : vector<1x16xf32> to vector<16xf32>
      %get3A_299 = arith.index_cast %scan3A_227 : i32 to index
      %get3A_300 = arith.constant 80 : index
      %get3A_301 = tpu.vector_load %arg7[%get3A_299, %get3A_300] {strides = array<i32>} : memref<256x128xf32, #tpu.memory_space<vmem>>, vector<1x16xf32>,
      %get3A_302 = vector.shape_cast %get3A_301 : vector<1x16xf32> to vector<16xf32>
      %max3A_303 = arith.maximumf %get3A_298, %get3A_302 : vector<16xf32>
      %swap3A_304 = arith.index_cast %scan3A_227 : i32 to index
      %swap3A_305 = arith.constant 80 : index
      %swap3A_306 = tpu.vector_load %arg9[%swap3A_304, %swap3A_305] {strides = array<i32>} : memref<256x128xf32, #tpu.memory_space<vmem>>, vector<1x16xf32>,
      %swap3A_307 = vector.shape_cast %swap3A_306 : vector<1x16xf32> to vector<16xf32>
      %swap3A_308 = vector.shape_cast %max3A_303 : vector<16xf32> to vector<1x16xf32>
      tpu.vector_store %arg9[%swap3A_304, %swap3A_305], %swap3A_308 {strides = array<i32>} : memref<256x128xf32, #tpu.memory_space<vmem>>, vector<1x16xf32>,
      %get3A_309 = arith.index_cast %scan3A_227 : i32 to index
      %get3A_310 = arith.constant 96 : index
      %get3A_311 = tpu.vector_load %arg9[%get3A_309, %get3A_310] {strides = array<i32>} : memref<256x128xf32, #tpu.memory_space<vmem>>, vector<1x16xf32>,
      %get3A_312 = vector.shape_cast %get3A_311 : vector<1x16xf32> to vector<16xf32>
      %get3A_313 = arith.index_cast %scan3A_227 : i32 to index
      %get3A_314 = arith.constant 96 : index
      %get3A_315 = tpu.vector_load %arg7[%get3A_313, %get3A_314] {strides = array<i32>} : memref<256x128xf32, #tpu.memory_space<vmem>>, vector<1x16xf32>,
      %get3A_316 = vector.shape_cast %get3A_315 : vector<1x16xf32> to vector<16xf32>
      %max3A_317 = arith.maximumf %get3A_312, %get3A_316 : vector<16xf32>
      %swap3A_318 = arith.index_cast %scan3A_227 : i32 to index
      %swap3A_319 = arith.constant 96 : index
      %swap3A_320 = tpu.vector_load %arg9[%swap3A_318, %swap3A_319] {strides = array<i32>} : memref<256x128xf32, #tpu.memory_space<vmem>>, vector<1x16xf32>,
      %swap3A_321 = vector.shape_cast %swap3A_320 : vector<1x16xf32> to vector<16xf32>
      %swap3A_322 = vector.shape_cast %max3A_317 : vector<16xf32> to vector<1x16xf32>
      tpu.vector_store %arg9[%swap3A_318, %swap3A_319], %swap3A_322 {strides = array<i32>} : memref<256x128xf32, #tpu.memory_space<vmem>>, vector<1x16xf32>,
      %get3A_323 = arith.index_cast %scan3A_227 : i32 to index
      %get3A_324 = arith.constant 112 : index
      %get3A_325 = tpu.vector_load %arg9[%get3A_323, %get3A_324] {strides = array<i32>} : memref<256x128xf32, #tpu.memory_space<vmem>>, vector<1x16xf32>,
      %get3A_326 = vector.shape_cast %get3A_325 : vector<1x16xf32> to vector<16xf32>
      %get3A_327 = arith.index_cast %scan3A_227 : i32 to index
      %get3A_328 = arith.constant 112 : index
      %get3A_329 = tpu.vector_load %arg7[%get3A_327, %get3A_328] {strides = array<i32>} : memref<256x128xf32, #tpu.memory_space<vmem>>, vector<1x16xf32>,
      %get3A_330 = vector.shape_cast %get3A_329 : vector<1x16xf32> to vector<16xf32>
      %max3A_331 = arith.maximumf %get3A_326, %get3A_330 : vector<16xf32>
      %swap3A_332 = arith.index_cast %scan3A_227 : i32 to index
      %swap3A_333 = arith.constant 112 : index
      %swap3A_334 = tpu.vector_load %arg9[%swap3A_332, %swap3A_333] {strides = array<i32>} : memref<256x128xf32, #tpu.memory_space<vmem>>, vector<1x16xf32>,
      %swap3A_335 = vector.shape_cast %swap3A_334 : vector<1x16xf32> to vector<16xf32>
      %swap3A_336 = vector.shape_cast %max3A_331 : vector<16xf32> to vector<1x16xf32>
      tpu.vector_store %arg9[%swap3A_332, %swap3A_333], %swap3A_336 {strides = array<i32>} : memref<256x128xf32, #tpu.memory_space<vmem>>, vector<1x16xf32>,
    }
    %scan3A_89 = arith.constant 256 : i32
    %run_scoped3A_90 = arith.constant 8 : i32
    "tpu.region"() ({
      %run_scoped3A_227 = tpu.sem_alloc : memref<!tpu.dma_semaphore, #tpu.memory_space<semaphore_mem>>
      %dma_start3A_228 = tpu.memref_slice %arg3[%run_scoped3A_90, %add3A_4] : memref<16x16384xi32, #tpu.memory_space<hbm>> -> memref<1x256xi32, #tpu.memory_space<hbm>>
      %dma_start3A_229 = tpu.memref_squeeze %dma_start3A_228 : memref<1x256xi32, #tpu.memory_space<hbm>> -> memref<256xi32, #tpu.memory_space<hbm>>
      %dma_start3A_230 = tpu.memref_slice %arg3[%run_scoped3A_90, %add3A_4] : memref<16x16384xi32, #tpu.memory_space<hbm>> -> memref<1x256xi32, #tpu.memory_space<hbm>>
      %dma_start3A_231 = tpu.memref_squeeze %dma_start3A_230 : memref<1x256xi32, #tpu.memory_space<hbm>> -> memref<256xi32, #tpu.memory_space<hbm>>
      tpu.enqueue_dma source(%dma_start3A_231 : memref<256xi32, #tpu.memory_space<hbm>>) target(%arg5 : memref<256xi32, #tpu.memory_space<vmem>>) target_semaphore(%run_scoped3A_227 : memref<!tpu.dma_semaphore, #tpu.memory_space<semaphore_mem>>)
      %dma_wait3A_232 = tpu.memref_slice %arg3[%run_scoped3A_90, %add3A_4] : memref<16x16384xi32, #tpu.memory_space<hbm>> -> memref<1x256xi32, #tpu.memory_space<hbm>>
      %dma_wait3A_233 = tpu.memref_squeeze %dma_wait3A_232 : memref<1x256xi32, #tpu.memory_space<hbm>> -> memref<256xi32, #tpu.memory_space<hbm>>
      %dma_wait3A_234 = tpu.memref_slice %arg3[%run_scoped3A_90, %add3A_4] : memref<16x16384xi32, #tpu.memory_space<hbm>> -> memref<1x256xi32, #tpu.memory_space<hbm>>
      %dma_wait3A_235 = tpu.memref_squeeze %dma_wait3A_234 : memref<1x256xi32, #tpu.memory_space<hbm>> -> memref<256xi32, #tpu.memory_space<hbm>>
      tpu.wait_dma2 semaphore(%run_scoped3A_227 : memref<!tpu.dma_semaphore, #tpu.memory_space<semaphore_mem>>) src(%dma_wait3A_235 : memref<256xi32, #tpu.memory_space<hbm>>) dst(%arg5 : memref<256xi32, #tpu.memory_space<vmem>>)
      tpu.yield
    }) : () -> ()
    %dma_start3A_91 = arith.constant 0 : i32
    %dma_start3A_92 = arith.constant 0 : i32
    %dma_start3A_93 = tpu.memref_slice %arg2[%dma_start3A_91, %dma_start3A_92] : memref<16384x128xf32, #tpu.memory_space<hbm>> -> memref<16384x128xf32, #tpu.memory_space<hbm>>
    tpu.enqueue_indirect_dma source(%dma_start3A_93 : memref<16384x128xf32, #tpu.memory_space<hbm>>) target(%arg7 : memref<256x128xf32, #tpu.memory_space<vmem>>) offsets(%arg5 : memref<256xi32, #tpu.memory_space<vmem>>) semaphore(%arg11 : memref<!tpu.dma_semaphore, #tpu.memory_space<semaphore_mem>>)
    %dma_wait3A_94 = arith.constant 0 : i32
    %dma_wait3A_95 = arith.constant 0 : i32
    %dma_wait3A_96 = tpu.memref_slice %arg2[%dma_wait3A_94, %dma_wait3A_95] : memref<16384x128xf32, #tpu.memory_space<hbm>> -> memref<16384x128xf32, #tpu.memory_space<hbm>>
    tpu.wait_indirect_dma semaphore(%arg12 : memref<!tpu.dma_semaphore, #tpu.memory_space<semaphore_mem>>) src(%dma_wait3A_96 : memref<16384x128xf32, #tpu.memory_space<hbm>>) dst(%arg8 : memref<256x128xf32, #tpu.memory_space<vmem>>)
    %scan3A_97 = arith.constant 0 : i32
    %scan3A_98 = arith.constant 0 : i32
    %scan3A_99 = arith.constant 256 : i32
    %scan3A_100 = arith.addi %scan3A_98, %scan3A_99 : i32
    %scan3A_101 = arith.constant 1 : i32
    scf.for %scan3A_227 = %scan3A_98 to %scan3A_100 step %scan3A_101  : i32 {
      %get3A = arith.index_cast %scan3A_227 : i32 to index
      %get3A_228 = arith.constant 0 : index
      %get3A_229 = tpu.vector_load %arg9[%get3A, %get3A_228] {strides = array<i32>} : memref<256x128xf32, #tpu.memory_space<vmem>>, vector<1x16xf32>,
      %get3A_230 = vector.shape_cast %get3A_229 : vector<1x16xf32> to vector<16xf32>
      %get3A_231 = arith.index_cast %scan3A_227 : i32 to index
      %get3A_232 = arith.constant 0 : index
      %get3A_233 = tpu.vector_load %arg8[%get3A_231, %get3A_232] {strides = array<i32>} : memref<256x128xf32, #tpu.memory_space<vmem>>, vector<1x16xf32>,
      %get3A_234 = vector.shape_cast %get3A_233 : vector<1x16xf32> to vector<16xf32>
      %max3A = arith.maximumf %get3A_230, %get3A_234 : vector<16xf32>
      %swap3A = arith.index_cast %scan3A_227 : i32 to index
      %swap3A_235 = arith.constant 0 : index
      %swap3A_236 = tpu.vector_load %arg9[%swap3A, %swap3A_235] {strides = array<i32>} : memref<256x128xf32, #tpu.memory_space<vmem>>, vector<1x16xf32>,
      %swap3A_237 = vector.shape_cast %swap3A_236 : vector<1x16xf32> to vector<16xf32>
      %swap3A_238 = vector.shape_cast %max3A : vector<16xf32> to vector<1x16xf32>
      tpu.vector_store %arg9[%swap3A, %swap3A_235], %swap3A_238 {strides = array<i32>} : memref<256x128xf32, #tpu.memory_space<vmem>>, vector<1x16xf32>,
      %get3A_239 = arith.index_cast %scan3A_227 : i32 to index
      %get3A_240 = arith.constant 16 : index
      %get3A_241 = tpu.vector_load %arg9[%get3A_239, %get3A_240] {strides = array<i32>} : memref<256x128xf32, #tpu.memory_space<vmem>>, vector<1x16xf32>,
      %get3A_242 = vector.shape_cast %get3A_241 : vector<1x16xf32> to vector<16xf32>
      %get3A_243 = arith.index_cast %scan3A_227 : i32 to index
      %get3A_244 = arith.constant 16 : index
      %get3A_245 = tpu.vector_load %arg8[%get3A_243, %get3A_244] {strides = array<i32>} : memref<256x128xf32, #tpu.memory_space<vmem>>, vector<1x16xf32>,
      %get3A_246 = vector.shape_cast %get3A_245 : vector<1x16xf32> to vector<16xf32>
      %max3A_247 = arith.maximumf %get3A_242, %get3A_246 : vector<16xf32>
      %swap3A_248 = arith.index_cast %scan3A_227 : i32 to index
      %swap3A_249 = arith.constant 16 : index
      %swap3A_250 = tpu.vector_load %arg9[%swap3A_248, %swap3A_249] {strides = array<i32>} : memref<256x128xf32, #tpu.memory_space<vmem>>, vector<1x16xf32>,
      %swap3A_251 = vector.shape_cast %swap3A_250 : vector<1x16xf32> to vector<16xf32>
      %swap3A_252 = vector.shape_cast %max3A_247 : vector<16xf32> to vector<1x16xf32>
      tpu.vector_store %arg9[%swap3A_248, %swap3A_249], %swap3A_252 {strides = array<i32>} : memref<256x128xf32, #tpu.memory_space<vmem>>, vector<1x16xf32>,
      %get3A_253 = arith.index_cast %scan3A_227 : i32 to index
      %get3A_254 = arith.constant 32 : index
      %get3A_255 = tpu.vector_load %arg9[%get3A_253, %get3A_254] {strides = array<i32>} : memref<256x128xf32, #tpu.memory_space<vmem>>, vector<1x16xf32>,
      %get3A_256 = vector.shape_cast %get3A_255 : vector<1x16xf32> to vector<16xf32>
      %get3A_257 = arith.index_cast %scan3A_227 : i32 to index
      %get3A_258 = arith.constant 32 : index
      %get3A_259 = tpu.vector_load %arg8[%get3A_257, %get3A_258] {strides = array<i32>} : memref<256x128xf32, #tpu.memory_space<vmem>>, vector<1x16xf32>,
      %get3A_260 = vector.shape_cast %get3A_259 : vector<1x16xf32> to vector<16xf32>
      %max3A_261 = arith.maximumf %get3A_256, %get3A_260 : vector<16xf32>
      %swap3A_262 = arith.index_cast %scan3A_227 : i32 to index
      %swap3A_263 = arith.constant 32 : index
      %swap3A_264 = tpu.vector_load %arg9[%swap3A_262, %swap3A_263] {strides = array<i32>} : memref<256x128xf32, #tpu.memory_space<vmem>>, vector<1x16xf32>,
      %swap3A_265 = vector.shape_cast %swap3A_264 : vector<1x16xf32> to vector<16xf32>
      %swap3A_266 = vector.shape_cast %max3A_261 : vector<16xf32> to vector<1x16xf32>
      tpu.vector_store %arg9[%swap3A_262, %swap3A_263], %swap3A_266 {strides = array<i32>} : memref<256x128xf32, #tpu.memory_space<vmem>>, vector<1x16xf32>,
      %get3A_267 = arith.index_cast %scan3A_227 : i32 to index
      %get3A_268 = arith.constant 48 : index
      %get3A_269 = tpu.vector_load %arg9[%get3A_267, %get3A_268] {strides = array<i32>} : memref<256x128xf32, #tpu.memory_space<vmem>>, vector<1x16xf32>,
      %get3A_270 = vector.shape_cast %get3A_269 : vector<1x16xf32> to vector<16xf32>
      %get3A_271 = arith.index_cast %scan3A_227 : i32 to index
      %get3A_272 = arith.constant 48 : index
      %get3A_273 = tpu.vector_load %arg8[%get3A_271, %get3A_272] {strides = array<i32>} : memref<256x128xf32, #tpu.memory_space<vmem>>, vector<1x16xf32>,
      %get3A_274 = vector.shape_cast %get3A_273 : vector<1x16xf32> to vector<16xf32>
      %max3A_275 = arith.maximumf %get3A_270, %get3A_274 : vector<16xf32>
      %swap3A_276 = arith.index_cast %scan3A_227 : i32 to index
      %swap3A_277 = arith.constant 48 : index
      %swap3A_278 = tpu.vector_load %arg9[%swap3A_276, %swap3A_277] {strides = array<i32>} : memref<256x128xf32, #tpu.memory_space<vmem>>, vector<1x16xf32>,
      %swap3A_279 = vector.shape_cast %swap3A_278 : vector<1x16xf32> to vector<16xf32>
      %swap3A_280 = vector.shape_cast %max3A_275 : vector<16xf32> to vector<1x16xf32>
      tpu.vector_store %arg9[%swap3A_276, %swap3A_277], %swap3A_280 {strides = array<i32>} : memref<256x128xf32, #tpu.memory_space<vmem>>, vector<1x16xf32>,
      %get3A_281 = arith.index_cast %scan3A_227 : i32 to index
      %get3A_282 = arith.constant 64 : index
      %get3A_283 = tpu.vector_load %arg9[%get3A_281, %get3A_282] {strides = array<i32>} : memref<256x128xf32, #tpu.memory_space<vmem>>, vector<1x16xf32>,
      %get3A_284 = vector.shape_cast %get3A_283 : vector<1x16xf32> to vector<16xf32>
      %get3A_285 = arith.index_cast %scan3A_227 : i32 to index
      %get3A_286 = arith.constant 64 : index
      %get3A_287 = tpu.vector_load %arg8[%get3A_285, %get3A_286] {strides = array<i32>} : memref<256x128xf32, #tpu.memory_space<vmem>>, vector<1x16xf32>,
      %get3A_288 = vector.shape_cast %get3A_287 : vector<1x16xf32> to vector<16xf32>
      %max3A_289 = arith.maximumf %get3A_284, %get3A_288 : vector<16xf32>
      %swap3A_290 = arith.index_cast %scan3A_227 : i32 to index
      %swap3A_291 = arith.constant 64 : index
      %swap3A_292 = tpu.vector_load %arg9[%swap3A_290, %swap3A_291] {strides = array<i32>} : memref<256x128xf32, #tpu.memory_space<vmem>>, vector<1x16xf32>,
      %swap3A_293 = vector.shape_cast %swap3A_292 : vector<1x16xf32> to vector<16xf32>
      %swap3A_294 = vector.shape_cast %max3A_289 : vector<16xf32> to vector<1x16xf32>
      tpu.vector_store %arg9[%swap3A_290, %swap3A_291], %swap3A_294 {strides = array<i32>} : memref<256x128xf32, #tpu.memory_space<vmem>>, vector<1x16xf32>,
      %get3A_295 = arith.index_cast %scan3A_227 : i32 to index
      %get3A_296 = arith.constant 80 : index
      %get3A_297 = tpu.vector_load %arg9[%get3A_295, %get3A_296] {strides = array<i32>} : memref<256x128xf32, #tpu.memory_space<vmem>>, vector<1x16xf32>,
      %get3A_298 = vector.shape_cast %get3A_297 : vector<1x16xf32> to vector<16xf32>
      %get3A_299 = arith.index_cast %scan3A_227 : i32 to index
      %get3A_300 = arith.constant 80 : index
      %get3A_301 = tpu.vector_load %arg8[%get3A_299, %get3A_300] {strides = array<i32>} : memref<256x128xf32, #tpu.memory_space<vmem>>, vector<1x16xf32>,
      %get3A_302 = vector.shape_cast %get3A_301 : vector<1x16xf32> to vector<16xf32>
      %max3A_303 = arith.maximumf %get3A_298, %get3A_302 : vector<16xf32>
      %swap3A_304 = arith.index_cast %scan3A_227 : i32 to index
      %swap3A_305 = arith.constant 80 : index
      %swap3A_306 = tpu.vector_load %arg9[%swap3A_304, %swap3A_305] {strides = array<i32>} : memref<256x128xf32, #tpu.memory_space<vmem>>, vector<1x16xf32>,
      %swap3A_307 = vector.shape_cast %swap3A_306 : vector<1x16xf32> to vector<16xf32>
      %swap3A_308 = vector.shape_cast %max3A_303 : vector<16xf32> to vector<1x16xf32>
      tpu.vector_store %arg9[%swap3A_304, %swap3A_305], %swap3A_308 {strides = array<i32>} : memref<256x128xf32, #tpu.memory_space<vmem>>, vector<1x16xf32>,
      %get3A_309 = arith.index_cast %scan3A_227 : i32 to index
      %get3A_310 = arith.constant 96 : index
      %get3A_311 = tpu.vector_load %arg9[%get3A_309, %get3A_310] {strides = array<i32>} : memref<256x128xf32, #tpu.memory_space<vmem>>, vector<1x16xf32>,
      %get3A_312 = vector.shape_cast %get3A_311 : vector<1x16xf32> to vector<16xf32>
      %get3A_313 = arith.index_cast %scan3A_227 : i32 to index
      %get3A_314 = arith.constant 96 : index
      %get3A_315 = tpu.vector_load %arg8[%get3A_313, %get3A_314] {strides = array<i32>} : memref<256x128xf32, #tpu.memory_space<vmem>>, vector<1x16xf32>,
      %get3A_316 = vector.shape_cast %get3A_315 : vector<1x16xf32> to vector<16xf32>
      %max3A_317 = arith.maximumf %get3A_312, %get3A_316 : vector<16xf32>
      %swap3A_318 = arith.index_cast %scan3A_227 : i32 to index
      %swap3A_319 = arith.constant 96 : index
      %swap3A_320 = tpu.vector_load %arg9[%swap3A_318, %swap3A_319] {strides = array<i32>} : memref<256x128xf32, #tpu.memory_space<vmem>>, vector<1x16xf32>,
      %swap3A_321 = vector.shape_cast %swap3A_320 : vector<1x16xf32> to vector<16xf32>
      %swap3A_322 = vector.shape_cast %max3A_317 : vector<16xf32> to vector<1x16xf32>
      tpu.vector_store %arg9[%swap3A_318, %swap3A_319], %swap3A_322 {strides = array<i32>} : memref<256x128xf32, #tpu.memory_space<vmem>>, vector<1x16xf32>,
      %get3A_323 = arith.index_cast %scan3A_227 : i32 to index
      %get3A_324 = arith.constant 112 : index
      %get3A_325 = tpu.vector_load %arg9[%get3A_323, %get3A_324] {strides = array<i32>} : memref<256x128xf32, #tpu.memory_space<vmem>>, vector<1x16xf32>,
      %get3A_326 = vector.shape_cast %get3A_325 : vector<1x16xf32> to vector<16xf32>
      %get3A_327 = arith.index_cast %scan3A_227 : i32 to index
      %get3A_328 = arith.constant 112 : index
      %get3A_329 = tpu.vector_load %arg8[%get3A_327, %get3A_328] {strides = array<i32>} : memref<256x128xf32, #tpu.memory_space<vmem>>, vector<1x16xf32>,
      %get3A_330 = vector.shape_cast %get3A_329 : vector<1x16xf32> to vector<16xf32>
      %max3A_331 = arith.maximumf %get3A_326, %get3A_330 : vector<16xf32>
      %swap3A_332 = arith.index_cast %scan3A_227 : i32 to index
      %swap3A_333 = arith.constant 112 : index
      %swap3A_334 = tpu.vector_load %arg9[%swap3A_332, %swap3A_333] {strides = array<i32>} : memref<256x128xf32, #tpu.memory_space<vmem>>, vector<1x16xf32>,
      %swap3A_335 = vector.shape_cast %swap3A_334 : vector<1x16xf32> to vector<16xf32>
      %swap3A_336 = vector.shape_cast %max3A_331 : vector<16xf32> to vector<1x16xf32>
      tpu.vector_store %arg9[%swap3A_332, %swap3A_333], %swap3A_336 {strides = array<i32>} : memref<256x128xf32, #tpu.memory_space<vmem>>, vector<1x16xf32>,
    }
    %scan3A_102 = arith.constant 256 : i32
    %dma_wait3A_103 = arith.constant 0 : i32
    %dma_wait3A_104 = arith.constant 0 : i32
    %dma_wait3A_105 = tpu.memref_slice %arg2[%dma_wait3A_103, %dma_wait3A_104] : memref<16384x128xf32, #tpu.memory_space<hbm>> -> memref<16384x128xf32, #tpu.memory_space<hbm>>
    tpu.wait_indirect_dma semaphore(%arg11 : memref<!tpu.dma_semaphore, #tpu.memory_space<semaphore_mem>>) src(%dma_wait3A_105 : memref<16384x128xf32, #tpu.memory_space<hbm>>) dst(%arg7 : memref<256x128xf32, #tpu.memory_space<vmem>>)
    %scan3A_106 = arith.constant 0 : i32
    %scan3A_107 = arith.constant 0 : i32
    %scan3A_108 = arith.constant 256 : i32
    %scan3A_109 = arith.addi %scan3A_107, %scan3A_108 : i32
    %scan3A_110 = arith.constant 1 : i32
    scf.for %scan3A_227 = %scan3A_107 to %scan3A_109 step %scan3A_110  : i32 {
      %get3A = arith.index_cast %scan3A_227 : i32 to index
      %get3A_228 = arith.constant 0 : index
      %get3A_229 = tpu.vector_load %arg9[%get3A, %get3A_228] {strides = array<i32>} : memref<256x128xf32, #tpu.memory_space<vmem>>, vector<1x16xf32>,
      %get3A_230 = vector.shape_cast %get3A_229 : vector<1x16xf32> to vector<16xf32>
      %get3A_231 = arith.index_cast %scan3A_227 : i32 to index
      %get3A_232 = arith.constant 0 : index
      %get3A_233 = tpu.vector_load %arg7[%get3A_231, %get3A_232] {strides = array<i32>} : memref<256x128xf32, #tpu.memory_space<vmem>>, vector<1x16xf32>,
      %get3A_234 = vector.shape_cast %get3A_233 : vector<1x16xf32> to vector<16xf32>
      %max3A = arith.maximumf %get3A_230, %get3A_234 : vector<16xf32>
      %swap3A = arith.index_cast %scan3A_227 : i32 to index
      %swap3A_235 = arith.constant 0 : index
      %swap3A_236 = tpu.vector_load %arg9[%swap3A, %swap3A_235] {strides = array<i32>} : memref<256x128xf32, #tpu.memory_space<vmem>>, vector<1x16xf32>,
      %swap3A_237 = vector.shape_cast %swap3A_236 : vector<1x16xf32> to vector<16xf32>
      %swap3A_238 = vector.shape_cast %max3A : vector<16xf32> to vector<1x16xf32>
      tpu.vector_store %arg9[%swap3A, %swap3A_235], %swap3A_238 {strides = array<i32>} : memref<256x128xf32, #tpu.memory_space<vmem>>, vector<1x16xf32>,
      %get3A_239 = arith.index_cast %scan3A_227 : i32 to index
      %get3A_240 = arith.constant 16 : index
      %get3A_241 = tpu.vector_load %arg9[%get3A_239, %get3A_240] {strides = array<i32>} : memref<256x128xf32, #tpu.memory_space<vmem>>, vector<1x16xf32>,
      %get3A_242 = vector.shape_cast %get3A_241 : vector<1x16xf32> to vector<16xf32>
      %get3A_243 = arith.index_cast %scan3A_227 : i32 to index
      %get3A_244 = arith.constant 16 : index
      %get3A_245 = tpu.vector_load %arg7[%get3A_243, %get3A_244] {strides = array<i32>} : memref<256x128xf32, #tpu.memory_space<vmem>>, vector<1x16xf32>,
      %get3A_246 = vector.shape_cast %get3A_245 : vector<1x16xf32> to vector<16xf32>
      %max3A_247 = arith.maximumf %get3A_242, %get3A_246 : vector<16xf32>
      %swap3A_248 = arith.index_cast %scan3A_227 : i32 to index
      %swap3A_249 = arith.constant 16 : index
      %swap3A_250 = tpu.vector_load %arg9[%swap3A_248, %swap3A_249] {strides = array<i32>} : memref<256x128xf32, #tpu.memory_space<vmem>>, vector<1x16xf32>,
      %swap3A_251 = vector.shape_cast %swap3A_250 : vector<1x16xf32> to vector<16xf32>
      %swap3A_252 = vector.shape_cast %max3A_247 : vector<16xf32> to vector<1x16xf32>
      tpu.vector_store %arg9[%swap3A_248, %swap3A_249], %swap3A_252 {strides = array<i32>} : memref<256x128xf32, #tpu.memory_space<vmem>>, vector<1x16xf32>,
      %get3A_253 = arith.index_cast %scan3A_227 : i32 to index
      %get3A_254 = arith.constant 32 : index
      %get3A_255 = tpu.vector_load %arg9[%get3A_253, %get3A_254] {strides = array<i32>} : memref<256x128xf32, #tpu.memory_space<vmem>>, vector<1x16xf32>,
      %get3A_256 = vector.shape_cast %get3A_255 : vector<1x16xf32> to vector<16xf32>
      %get3A_257 = arith.index_cast %scan3A_227 : i32 to index
      %get3A_258 = arith.constant 32 : index
      %get3A_259 = tpu.vector_load %arg7[%get3A_257, %get3A_258] {strides = array<i32>} : memref<256x128xf32, #tpu.memory_space<vmem>>, vector<1x16xf32>,
      %get3A_260 = vector.shape_cast %get3A_259 : vector<1x16xf32> to vector<16xf32>
      %max3A_261 = arith.maximumf %get3A_256, %get3A_260 : vector<16xf32>
      %swap3A_262 = arith.index_cast %scan3A_227 : i32 to index
      %swap3A_263 = arith.constant 32 : index
      %swap3A_264 = tpu.vector_load %arg9[%swap3A_262, %swap3A_263] {strides = array<i32>} : memref<256x128xf32, #tpu.memory_space<vmem>>, vector<1x16xf32>,
      %swap3A_265 = vector.shape_cast %swap3A_264 : vector<1x16xf32> to vector<16xf32>
      %swap3A_266 = vector.shape_cast %max3A_261 : vector<16xf32> to vector<1x16xf32>
      tpu.vector_store %arg9[%swap3A_262, %swap3A_263], %swap3A_266 {strides = array<i32>} : memref<256x128xf32, #tpu.memory_space<vmem>>, vector<1x16xf32>,
      %get3A_267 = arith.index_cast %scan3A_227 : i32 to index
      %get3A_268 = arith.constant 48 : index
      %get3A_269 = tpu.vector_load %arg9[%get3A_267, %get3A_268] {strides = array<i32>} : memref<256x128xf32, #tpu.memory_space<vmem>>, vector<1x16xf32>,
      %get3A_270 = vector.shape_cast %get3A_269 : vector<1x16xf32> to vector<16xf32>
      %get3A_271 = arith.index_cast %scan3A_227 : i32 to index
      %get3A_272 = arith.constant 48 : index
      %get3A_273 = tpu.vector_load %arg7[%get3A_271, %get3A_272] {strides = array<i32>} : memref<256x128xf32, #tpu.memory_space<vmem>>, vector<1x16xf32>,
      %get3A_274 = vector.shape_cast %get3A_273 : vector<1x16xf32> to vector<16xf32>
      %max3A_275 = arith.maximumf %get3A_270, %get3A_274 : vector<16xf32>
      %swap3A_276 = arith.index_cast %scan3A_227 : i32 to index
      %swap3A_277 = arith.constant 48 : index
      %swap3A_278 = tpu.vector_load %arg9[%swap3A_276, %swap3A_277] {strides = array<i32>} : memref<256x128xf32, #tpu.memory_space<vmem>>, vector<1x16xf32>,
      %swap3A_279 = vector.shape_cast %swap3A_278 : vector<1x16xf32> to vector<16xf32>
      %swap3A_280 = vector.shape_cast %max3A_275 : vector<16xf32> to vector<1x16xf32>
      tpu.vector_store %arg9[%swap3A_276, %swap3A_277], %swap3A_280 {strides = array<i32>} : memref<256x128xf32, #tpu.memory_space<vmem>>, vector<1x16xf32>,
      %get3A_281 = arith.index_cast %scan3A_227 : i32 to index
      %get3A_282 = arith.constant 64 : index
      %get3A_283 = tpu.vector_load %arg9[%get3A_281, %get3A_282] {strides = array<i32>} : memref<256x128xf32, #tpu.memory_space<vmem>>, vector<1x16xf32>,
      %get3A_284 = vector.shape_cast %get3A_283 : vector<1x16xf32> to vector<16xf32>
      %get3A_285 = arith.index_cast %scan3A_227 : i32 to index
      %get3A_286 = arith.constant 64 : index
      %get3A_287 = tpu.vector_load %arg7[%get3A_285, %get3A_286] {strides = array<i32>} : memref<256x128xf32, #tpu.memory_space<vmem>>, vector<1x16xf32>,
      %get3A_288 = vector.shape_cast %get3A_287 : vector<1x16xf32> to vector<16xf32>
      %max3A_289 = arith.maximumf %get3A_284, %get3A_288 : vector<16xf32>
      %swap3A_290 = arith.index_cast %scan3A_227 : i32 to index
      %swap3A_291 = arith.constant 64 : index
      %swap3A_292 = tpu.vector_load %arg9[%swap3A_290, %swap3A_291] {strides = array<i32>} : memref<256x128xf32, #tpu.memory_space<vmem>>, vector<1x16xf32>,
      %swap3A_293 = vector.shape_cast %swap3A_292 : vector<1x16xf32> to vector<16xf32>
      %swap3A_294 = vector.shape_cast %max3A_289 : vector<16xf32> to vector<1x16xf32>
      tpu.vector_store %arg9[%swap3A_290, %swap3A_291], %swap3A_294 {strides = array<i32>} : memref<256x128xf32, #tpu.memory_space<vmem>>, vector<1x16xf32>,
      %get3A_295 = arith.index_cast %scan3A_227 : i32 to index
      %get3A_296 = arith.constant 80 : index
      %get3A_297 = tpu.vector_load %arg9[%get3A_295, %get3A_296] {strides = array<i32>} : memref<256x128xf32, #tpu.memory_space<vmem>>, vector<1x16xf32>,
      %get3A_298 = vector.shape_cast %get3A_297 : vector<1x16xf32> to vector<16xf32>
      %get3A_299 = arith.index_cast %scan3A_227 : i32 to index
      %get3A_300 = arith.constant 80 : index
      %get3A_301 = tpu.vector_load %arg7[%get3A_299, %get3A_300] {strides = array<i32>} : memref<256x128xf32, #tpu.memory_space<vmem>>, vector<1x16xf32>,
      %get3A_302 = vector.shape_cast %get3A_301 : vector<1x16xf32> to vector<16xf32>
      %max3A_303 = arith.maximumf %get3A_298, %get3A_302 : vector<16xf32>
      %swap3A_304 = arith.index_cast %scan3A_227 : i32 to index
      %swap3A_305 = arith.constant 80 : index
      %swap3A_306 = tpu.vector_load %arg9[%swap3A_304, %swap3A_305] {strides = array<i32>} : memref<256x128xf32, #tpu.memory_space<vmem>>, vector<1x16xf32>,
      %swap3A_307 = vector.shape_cast %swap3A_306 : vector<1x16xf32> to vector<16xf32>
      %swap3A_308 = vector.shape_cast %max3A_303 : vector<16xf32> to vector<1x16xf32>
      tpu.vector_store %arg9[%swap3A_304, %swap3A_305], %swap3A_308 {strides = array<i32>} : memref<256x128xf32, #tpu.memory_space<vmem>>, vector<1x16xf32>,
      %get3A_309 = arith.index_cast %scan3A_227 : i32 to index
      %get3A_310 = arith.constant 96 : index
      %get3A_311 = tpu.vector_load %arg9[%get3A_309, %get3A_310] {strides = array<i32>} : memref<256x128xf32, #tpu.memory_space<vmem>>, vector<1x16xf32>,
      %get3A_312 = vector.shape_cast %get3A_311 : vector<1x16xf32> to vector<16xf32>
      %get3A_313 = arith.index_cast %scan3A_227 : i32 to index
      %get3A_314 = arith.constant 96 : index
      %get3A_315 = tpu.vector_load %arg7[%get3A_313, %get3A_314] {strides = array<i32>} : memref<256x128xf32, #tpu.memory_space<vmem>>, vector<1x16xf32>,
      %get3A_316 = vector.shape_cast %get3A_315 : vector<1x16xf32> to vector<16xf32>
      %max3A_317 = arith.maximumf %get3A_312, %get3A_316 : vector<16xf32>
      %swap3A_318 = arith.index_cast %scan3A_227 : i32 to index
      %swap3A_319 = arith.constant 96 : index
      %swap3A_320 = tpu.vector_load %arg9[%swap3A_318, %swap3A_319] {strides = array<i32>} : memref<256x128xf32, #tpu.memory_space<vmem>>, vector<1x16xf32>,
      %swap3A_321 = vector.shape_cast %swap3A_320 : vector<1x16xf32> to vector<16xf32>
      %swap3A_322 = vector.shape_cast %max3A_317 : vector<16xf32> to vector<1x16xf32>
      tpu.vector_store %arg9[%swap3A_318, %swap3A_319], %swap3A_322 {strides = array<i32>} : memref<256x128xf32, #tpu.memory_space<vmem>>, vector<1x16xf32>,
      %get3A_323 = arith.index_cast %scan3A_227 : i32 to index
      %get3A_324 = arith.constant 112 : index
      %get3A_325 = tpu.vector_load %arg9[%get3A_323, %get3A_324] {strides = array<i32>} : memref<256x128xf32, #tpu.memory_space<vmem>>, vector<1x16xf32>,
      %get3A_326 = vector.shape_cast %get3A_325 : vector<1x16xf32> to vector<16xf32>
      %get3A_327 = arith.index_cast %scan3A_227 : i32 to index
      %get3A_328 = arith.constant 112 : index
      %get3A_329 = tpu.vector_load %arg7[%get3A_327, %get3A_328] {strides = array<i32>} : memref<256x128xf32, #tpu.memory_space<vmem>>, vector<1x16xf32>,
      %get3A_330 = vector.shape_cast %get3A_329 : vector<1x16xf32> to vector<16xf32>
      %max3A_331 = arith.maximumf %get3A_326, %get3A_330 : vector<16xf32>
      %swap3A_332 = arith.index_cast %scan3A_227 : i32 to index
      %swap3A_333 = arith.constant 112 : index
      %swap3A_334 = tpu.vector_load %arg9[%swap3A_332, %swap3A_333] {strides = array<i32>} : memref<256x128xf32, #tpu.memory_space<vmem>>, vector<1x16xf32>,
      %swap3A_335 = vector.shape_cast %swap3A_334 : vector<1x16xf32> to vector<16xf32>
      %swap3A_336 = vector.shape_cast %max3A_331 : vector<16xf32> to vector<1x16xf32>
      tpu.vector_store %arg9[%swap3A_332, %swap3A_333], %swap3A_336 {strides = array<i32>} : memref<256x128xf32, #tpu.memory_space<vmem>>, vector<1x16xf32>,
    }
    %scan3A_111 = arith.constant 256 : i32
    "tpu.region"() ({
      %run_scoped3A_227 = tpu.sem_alloc : memref<!tpu.dma_semaphore, #tpu.memory_space<semaphore_mem>>
      %dma_start3A_228 = arith.constant 0 : i32
      %dma_start3A_229 = tpu.memref_slice %arg4[%add3A_4, %dma_start3A_228] : memref<16384x128xf32, #tpu.memory_space<hbm>> -> memref<256x128xf32, #tpu.memory_space<hbm>>
      %dma_start3A_230 = arith.constant 0 : i32
      %dma_start3A_231 = tpu.memref_slice %arg4[%add3A_4, %dma_start3A_230] : memref<16384x128xf32, #tpu.memory_space<hbm>> -> memref<256x128xf32, #tpu.memory_space<hbm>>
      tpu.enqueue_dma source(%arg9 : memref<256x128xf32, #tpu.memory_space<vmem>>) target(%dma_start3A_231 : memref<256x128xf32, #tpu.memory_space<hbm>>) target_semaphore(%run_scoped3A_227 : memref<!tpu.dma_semaphore, #tpu.memory_space<semaphore_mem>>)
      %dma_wait3A_232 = arith.constant 0 : i32
      %dma_wait3A_233 = tpu.memref_slice %arg4[%add3A_4, %dma_wait3A_232] : memref<16384x128xf32, #tpu.memory_space<hbm>> -> memref<256x128xf32, #tpu.memory_space<hbm>>
      %dma_wait3A_234 = arith.constant 0 : i32
      %dma_wait3A_235 = tpu.memref_slice %arg4[%add3A_4, %dma_wait3A_234] : memref<16384x128xf32, #tpu.memory_space<hbm>> -> memref<256x128xf32, #tpu.memory_space<hbm>>
      tpu.wait_dma2 semaphore(%run_scoped3A_227 : memref<!tpu.dma_semaphore, #tpu.memory_space<semaphore_mem>>) src(%arg9 : memref<256x128xf32, #tpu.memory_space<vmem>>) dst(%dma_wait3A_235 : memref<256x128xf32, #tpu.memory_space<hbm>>)
      tpu.yield
    }) : () -> ()
    %mul3A_112 = arith.constant 512 : i32
    %mul3A_113 = arith.muli %add3A, %mul3A_112 : i32
    %add3A_114 = arith.constant 256 : i32
    %add3A_115 = arith.addi %mul3A_113, %add3A_114 : i32
    %run_scoped3A_116 = arith.constant 0 : i32
    "tpu.region"() ({
      %run_scoped3A_227 = tpu.sem_alloc : memref<!tpu.dma_semaphore, #tpu.memory_space<semaphore_mem>>
      %dma_start3A_228 = tpu.memref_slice %arg3[%run_scoped3A_116, %add3A_115] : memref<16x16384xi32, #tpu.memory_space<hbm>> -> memref<1x256xi32, #tpu.memory_space<hbm>>
      %dma_start3A_229 = tpu.memref_squeeze %dma_start3A_228 : memref<1x256xi32, #tpu.memory_space<hbm>> -> memref<256xi32, #tpu.memory_space<hbm>>
      %dma_start3A_230 = tpu.memref_slice %arg3[%run_scoped3A_116, %add3A_115] : memref<16x16384xi32, #tpu.memory_space<hbm>> -> memref<1x256xi32, #tpu.memory_space<hbm>>
      %dma_start3A_231 = tpu.memref_squeeze %dma_start3A_230 : memref<1x256xi32, #tpu.memory_space<hbm>> -> memref<256xi32, #tpu.memory_space<hbm>>
      tpu.enqueue_dma source(%dma_start3A_231 : memref<256xi32, #tpu.memory_space<hbm>>) target(%arg5 : memref<256xi32, #tpu.memory_space<vmem>>) target_semaphore(%run_scoped3A_227 : memref<!tpu.dma_semaphore, #tpu.memory_space<semaphore_mem>>)
      %dma_wait3A_232 = tpu.memref_slice %arg3[%run_scoped3A_116, %add3A_115] : memref<16x16384xi32, #tpu.memory_space<hbm>> -> memref<1x256xi32, #tpu.memory_space<hbm>>
      %dma_wait3A_233 = tpu.memref_squeeze %dma_wait3A_232 : memref<1x256xi32, #tpu.memory_space<hbm>> -> memref<256xi32, #tpu.memory_space<hbm>>
      %dma_wait3A_234 = tpu.memref_slice %arg3[%run_scoped3A_116, %add3A_115] : memref<16x16384xi32, #tpu.memory_space<hbm>> -> memref<1x256xi32, #tpu.memory_space<hbm>>
      %dma_wait3A_235 = tpu.memref_squeeze %dma_wait3A_234 : memref<1x256xi32, #tpu.memory_space<hbm>> -> memref<256xi32, #tpu.memory_space<hbm>>
      tpu.wait_dma2 semaphore(%run_scoped3A_227 : memref<!tpu.dma_semaphore, #tpu.memory_space<semaphore_mem>>) src(%dma_wait3A_235 : memref<256xi32, #tpu.memory_space<hbm>>) dst(%arg5 : memref<256xi32, #tpu.memory_space<vmem>>)
      tpu.yield
    }) : () -> ()
    %dma_start3A_117 = arith.constant 0 : i32
    %dma_start3A_118 = arith.constant 0 : i32
    %dma_start3A_119 = tpu.memref_slice %arg2[%dma_start3A_117, %dma_start3A_118] : memref<16384x128xf32, #tpu.memory_space<hbm>> -> memref<16384x128xf32, #tpu.memory_space<hbm>>
    tpu.enqueue_indirect_dma source(%dma_start3A_119 : memref<16384x128xf32, #tpu.memory_space<hbm>>) target(%arg9 : memref<256x128xf32, #tpu.memory_space<vmem>>) offsets(%arg5 : memref<256xi32, #tpu.memory_space<vmem>>) semaphore(%arg10 : memref<!tpu.dma_semaphore, #tpu.memory_space<semaphore_mem>>)
    %run_scoped3A_120 = arith.constant 1 : i32
    "tpu.region"() ({
      %run_scoped3A_227 = tpu.sem_alloc : memref<!tpu.dma_semaphore, #tpu.memory_space<semaphore_mem>>
      %dma_start3A_228 = tpu.memref_slice %arg3[%run_scoped3A_120, %add3A_115] : memref<16x16384xi32, #tpu.memory_space<hbm>> -> memref<1x256xi32, #tpu.memory_space<hbm>>
      %dma_start3A_229 = tpu.memref_squeeze %dma_start3A_228 : memref<1x256xi32, #tpu.memory_space<hbm>> -> memref<256xi32, #tpu.memory_space<hbm>>
      %dma_start3A_230 = tpu.memref_slice %arg3[%run_scoped3A_120, %add3A_115] : memref<16x16384xi32, #tpu.memory_space<hbm>> -> memref<1x256xi32, #tpu.memory_space<hbm>>
      %dma_start3A_231 = tpu.memref_squeeze %dma_start3A_230 : memref<1x256xi32, #tpu.memory_space<hbm>> -> memref<256xi32, #tpu.memory_space<hbm>>
      tpu.enqueue_dma source(%dma_start3A_231 : memref<256xi32, #tpu.memory_space<hbm>>) target(%arg6 : memref<256xi32, #tpu.memory_space<vmem>>) target_semaphore(%run_scoped3A_227 : memref<!tpu.dma_semaphore, #tpu.memory_space<semaphore_mem>>)
      %dma_wait3A_232 = tpu.memref_slice %arg3[%run_scoped3A_120, %add3A_115] : memref<16x16384xi32, #tpu.memory_space<hbm>> -> memref<1x256xi32, #tpu.memory_space<hbm>>
      %dma_wait3A_233 = tpu.memref_squeeze %dma_wait3A_232 : memref<1x256xi32, #tpu.memory_space<hbm>> -> memref<256xi32, #tpu.memory_space<hbm>>
      %dma_wait3A_234 = tpu.memref_slice %arg3[%run_scoped3A_120, %add3A_115] : memref<16x16384xi32, #tpu.memory_space<hbm>> -> memref<1x256xi32, #tpu.memory_space<hbm>>
      %dma_wait3A_235 = tpu.memref_squeeze %dma_wait3A_234 : memref<1x256xi32, #tpu.memory_space<hbm>> -> memref<256xi32, #tpu.memory_space<hbm>>
      tpu.wait_dma2 semaphore(%run_scoped3A_227 : memref<!tpu.dma_semaphore, #tpu.memory_space<semaphore_mem>>) src(%dma_wait3A_235 : memref<256xi32, #tpu.memory_space<hbm>>) dst(%arg6 : memref<256xi32, #tpu.memory_space<vmem>>)
      tpu.yield
    }) : () -> ()
    %dma_start3A_121 = arith.constant 0 : i32
    %dma_start3A_122 = arith.constant 0 : i32
    %dma_start3A_123 = tpu.memref_slice %arg2[%dma_start3A_121, %dma_start3A_122] : memref<16384x128xf32, #tpu.memory_space<hbm>> -> memref<16384x128xf32, #tpu.memory_space<hbm>>
    tpu.enqueue_indirect_dma source(%dma_start3A_123 : memref<16384x128xf32, #tpu.memory_space<hbm>>) target(%arg8 : memref<256x128xf32, #tpu.memory_space<vmem>>) offsets(%arg6 : memref<256xi32, #tpu.memory_space<vmem>>) semaphore(%arg12 : memref<!tpu.dma_semaphore, #tpu.memory_space<semaphore_mem>>)
    %dma_wait3A_124 = arith.constant 0 : i32
    %dma_wait3A_125 = arith.constant 0 : i32
    %dma_wait3A_126 = tpu.memref_slice %arg2[%dma_wait3A_124, %dma_wait3A_125] : memref<16384x128xf32, #tpu.memory_space<hbm>> -> memref<16384x128xf32, #tpu.memory_space<hbm>>
    tpu.wait_indirect_dma semaphore(%arg10 : memref<!tpu.dma_semaphore, #tpu.memory_space<semaphore_mem>>) src(%dma_wait3A_126 : memref<16384x128xf32, #tpu.memory_space<hbm>>) dst(%arg9 : memref<256x128xf32, #tpu.memory_space<vmem>>)
    %run_scoped3A_127 = arith.constant 2 : i32
    "tpu.region"() ({
      %run_scoped3A_227 = tpu.sem_alloc : memref<!tpu.dma_semaphore, #tpu.memory_space<semaphore_mem>>
      %dma_start3A_228 = tpu.memref_slice %arg3[%run_scoped3A_127, %add3A_115] : memref<16x16384xi32, #tpu.memory_space<hbm>> -> memref<1x256xi32, #tpu.memory_space<hbm>>
      %dma_start3A_229 = tpu.memref_squeeze %dma_start3A_228 : memref<1x256xi32, #tpu.memory_space<hbm>> -> memref<256xi32, #tpu.memory_space<hbm>>
      %dma_start3A_230 = tpu.memref_slice %arg3[%run_scoped3A_127, %add3A_115] : memref<16x16384xi32, #tpu.memory_space<hbm>> -> memref<1x256xi32, #tpu.memory_space<hbm>>
      %dma_start3A_231 = tpu.memref_squeeze %dma_start3A_230 : memref<1x256xi32, #tpu.memory_space<hbm>> -> memref<256xi32, #tpu.memory_space<hbm>>
      tpu.enqueue_dma source(%dma_start3A_231 : memref<256xi32, #tpu.memory_space<hbm>>) target(%arg5 : memref<256xi32, #tpu.memory_space<vmem>>) target_semaphore(%run_scoped3A_227 : memref<!tpu.dma_semaphore, #tpu.memory_space<semaphore_mem>>)
      %dma_wait3A_232 = tpu.memref_slice %arg3[%run_scoped3A_127, %add3A_115] : memref<16x16384xi32, #tpu.memory_space<hbm>> -> memref<1x256xi32, #tpu.memory_space<hbm>>
      %dma_wait3A_233 = tpu.memref_squeeze %dma_wait3A_232 : memref<1x256xi32, #tpu.memory_space<hbm>> -> memref<256xi32, #tpu.memory_space<hbm>>
      %dma_wait3A_234 = tpu.memref_slice %arg3[%run_scoped3A_127, %add3A_115] : memref<16x16384xi32, #tpu.memory_space<hbm>> -> memref<1x256xi32, #tpu.memory_space<hbm>>
      %dma_wait3A_235 = tpu.memref_squeeze %dma_wait3A_234 : memref<1x256xi32, #tpu.memory_space<hbm>> -> memref<256xi32, #tpu.memory_space<hbm>>
      tpu.wait_dma2 semaphore(%run_scoped3A_227 : memref<!tpu.dma_semaphore, #tpu.memory_space<semaphore_mem>>) src(%dma_wait3A_235 : memref<256xi32, #tpu.memory_space<hbm>>) dst(%arg5 : memref<256xi32, #tpu.memory_space<vmem>>)
      tpu.yield
    }) : () -> ()
    %dma_start3A_128 = arith.constant 0 : i32
    %dma_start3A_129 = arith.constant 0 : i32
    %dma_start3A_130 = tpu.memref_slice %arg2[%dma_start3A_128, %dma_start3A_129] : memref<16384x128xf32, #tpu.memory_space<hbm>> -> memref<16384x128xf32, #tpu.memory_space<hbm>>
    tpu.enqueue_indirect_dma source(%dma_start3A_130 : memref<16384x128xf32, #tpu.memory_space<hbm>>) target(%arg7 : memref<256x128xf32, #tpu.memory_space<vmem>>) offsets(%arg5 : memref<256xi32, #tpu.memory_space<vmem>>) semaphore(%arg11 : memref<!tpu.dma_semaphore, #tpu.memory_space<semaphore_mem>>)
    %dma_wait3A_131 = arith.constant 0 : i32
    %dma_wait3A_132 = arith.constant 0 : i32
    %dma_wait3A_133 = tpu.memref_slice %arg2[%dma_wait3A_131, %dma_wait3A_132] : memref<16384x128xf32, #tpu.memory_space<hbm>> -> memref<16384x128xf32, #tpu.memory_space<hbm>>
    tpu.wait_indirect_dma semaphore(%arg12 : memref<!tpu.dma_semaphore, #tpu.memory_space<semaphore_mem>>) src(%dma_wait3A_133 : memref<16384x128xf32, #tpu.memory_space<hbm>>) dst(%arg8 : memref<256x128xf32, #tpu.memory_space<vmem>>)
    %scan3A_134 = arith.constant 0 : i32
    %scan3A_135 = arith.constant 0 : i32
    %scan3A_136 = arith.constant 256 : i32
    %scan3A_137 = arith.addi %scan3A_135, %scan3A_136 : i32
    %scan3A_138 = arith.constant 1 : i32
    scf.for %scan3A_227 = %scan3A_135 to %scan3A_137 step %scan3A_138  : i32 {
      %get3A = arith.index_cast %scan3A_227 : i32 to index
      %get3A_228 = arith.constant 0 : index
      %get3A_229 = tpu.vector_load %arg9[%get3A, %get3A_228] {strides = array<i32>} : memref<256x128xf32, #tpu.memory_space<vmem>>, vector<1x16xf32>,
      %get3A_230 = vector.shape_cast %get3A_229 : vector<1x16xf32> to vector<16xf32>
      %get3A_231 = arith.index_cast %scan3A_227 : i32 to index
      %get3A_232 = arith.constant 0 : index
      %get3A_233 = tpu.vector_load %arg8[%get3A_231, %get3A_232] {strides = array<i32>} : memref<256x128xf32, #tpu.memory_space<vmem>>, vector<1x16xf32>,
      %get3A_234 = vector.shape_cast %get3A_233 : vector<1x16xf32> to vector<16xf32>
      %max3A = arith.maximumf %get3A_230, %get3A_234 : vector<16xf32>
      %swap3A = arith.index_cast %scan3A_227 : i32 to index
      %swap3A_235 = arith.constant 0 : index
      %swap3A_236 = tpu.vector_load %arg9[%swap3A, %swap3A_235] {strides = array<i32>} : memref<256x128xf32, #tpu.memory_space<vmem>>, vector<1x16xf32>,
      %swap3A_237 = vector.shape_cast %swap3A_236 : vector<1x16xf32> to vector<16xf32>
      %swap3A_238 = vector.shape_cast %max3A : vector<16xf32> to vector<1x16xf32>
      tpu.vector_store %arg9[%swap3A, %swap3A_235], %swap3A_238 {strides = array<i32>} : memref<256x128xf32, #tpu.memory_space<vmem>>, vector<1x16xf32>,
      %get3A_239 = arith.index_cast %scan3A_227 : i32 to index
      %get3A_240 = arith.constant 16 : index
      %get3A_241 = tpu.vector_load %arg9[%get3A_239, %get3A_240] {strides = array<i32>} : memref<256x128xf32, #tpu.memory_space<vmem>>, vector<1x16xf32>,
      %get3A_242 = vector.shape_cast %get3A_241 : vector<1x16xf32> to vector<16xf32>
      %get3A_243 = arith.index_cast %scan3A_227 : i32 to index
      %get3A_244 = arith.constant 16 : index
      %get3A_245 = tpu.vector_load %arg8[%get3A_243, %get3A_244] {strides = array<i32>} : memref<256x128xf32, #tpu.memory_space<vmem>>, vector<1x16xf32>,
      %get3A_246 = vector.shape_cast %get3A_245 : vector<1x16xf32> to vector<16xf32>
      %max3A_247 = arith.maximumf %get3A_242, %get3A_246 : vector<16xf32>
      %swap3A_248 = arith.index_cast %scan3A_227 : i32 to index
      %swap3A_249 = arith.constant 16 : index
      %swap3A_250 = tpu.vector_load %arg9[%swap3A_248, %swap3A_249] {strides = array<i32>} : memref<256x128xf32, #tpu.memory_space<vmem>>, vector<1x16xf32>,
      %swap3A_251 = vector.shape_cast %swap3A_250 : vector<1x16xf32> to vector<16xf32>
      %swap3A_252 = vector.shape_cast %max3A_247 : vector<16xf32> to vector<1x16xf32>
      tpu.vector_store %arg9[%swap3A_248, %swap3A_249], %swap3A_252 {strides = array<i32>} : memref<256x128xf32, #tpu.memory_space<vmem>>, vector<1x16xf32>,
      %get3A_253 = arith.index_cast %scan3A_227 : i32 to index
      %get3A_254 = arith.constant 32 : index
      %get3A_255 = tpu.vector_load %arg9[%get3A_253, %get3A_254] {strides = array<i32>} : memref<256x128xf32, #tpu.memory_space<vmem>>, vector<1x16xf32>,
      %get3A_256 = vector.shape_cast %get3A_255 : vector<1x16xf32> to vector<16xf32>
      %get3A_257 = arith.index_cast %scan3A_227 : i32 to index
      %get3A_258 = arith.constant 32 : index
      %get3A_259 = tpu.vector_load %arg8[%get3A_257, %get3A_258] {strides = array<i32>} : memref<256x128xf32, #tpu.memory_space<vmem>>, vector<1x16xf32>,
      %get3A_260 = vector.shape_cast %get3A_259 : vector<1x16xf32> to vector<16xf32>
      %max3A_261 = arith.maximumf %get3A_256, %get3A_260 : vector<16xf32>
      %swap3A_262 = arith.index_cast %scan3A_227 : i32 to index
      %swap3A_263 = arith.constant 32 : index
      %swap3A_264 = tpu.vector_load %arg9[%swap3A_262, %swap3A_263] {strides = array<i32>} : memref<256x128xf32, #tpu.memory_space<vmem>>, vector<1x16xf32>,
      %swap3A_265 = vector.shape_cast %swap3A_264 : vector<1x16xf32> to vector<16xf32>
      %swap3A_266 = vector.shape_cast %max3A_261 : vector<16xf32> to vector<1x16xf32>
      tpu.vector_store %arg9[%swap3A_262, %swap3A_263], %swap3A_266 {strides = array<i32>} : memref<256x128xf32, #tpu.memory_space<vmem>>, vector<1x16xf32>,
      %get3A_267 = arith.index_cast %scan3A_227 : i32 to index
      %get3A_268 = arith.constant 48 : index
      %get3A_269 = tpu.vector_load %arg9[%get3A_267, %get3A_268] {strides = array<i32>} : memref<256x128xf32, #tpu.memory_space<vmem>>, vector<1x16xf32>,
      %get3A_270 = vector.shape_cast %get3A_269 : vector<1x16xf32> to vector<16xf32>
      %get3A_271 = arith.index_cast %scan3A_227 : i32 to index
      %get3A_272 = arith.constant 48 : index
      %get3A_273 = tpu.vector_load %arg8[%get3A_271, %get3A_272] {strides = array<i32>} : memref<256x128xf32, #tpu.memory_space<vmem>>, vector<1x16xf32>,
      %get3A_274 = vector.shape_cast %get3A_273 : vector<1x16xf32> to vector<16xf32>
      %max3A_275 = arith.maximumf %get3A_270, %get3A_274 : vector<16xf32>
      %swap3A_276 = arith.index_cast %scan3A_227 : i32 to index
      %swap3A_277 = arith.constant 48 : index
      %swap3A_278 = tpu.vector_load %arg9[%swap3A_276, %swap3A_277] {strides = array<i32>} : memref<256x128xf32, #tpu.memory_space<vmem>>, vector<1x16xf32>,
      %swap3A_279 = vector.shape_cast %swap3A_278 : vector<1x16xf32> to vector<16xf32>
      %swap3A_280 = vector.shape_cast %max3A_275 : vector<16xf32> to vector<1x16xf32>
      tpu.vector_store %arg9[%swap3A_276, %swap3A_277], %swap3A_280 {strides = array<i32>} : memref<256x128xf32, #tpu.memory_space<vmem>>, vector<1x16xf32>,
      %get3A_281 = arith.index_cast %scan3A_227 : i32 to index
      %get3A_282 = arith.constant 64 : index
      %get3A_283 = tpu.vector_load %arg9[%get3A_281, %get3A_282] {strides = array<i32>} : memref<256x128xf32, #tpu.memory_space<vmem>>, vector<1x16xf32>,
      %get3A_284 = vector.shape_cast %get3A_283 : vector<1x16xf32> to vector<16xf32>
      %get3A_285 = arith.index_cast %scan3A_227 : i32 to index
      %get3A_286 = arith.constant 64 : index
      %get3A_287 = tpu.vector_load %arg8[%get3A_285, %get3A_286] {strides = array<i32>} : memref<256x128xf32, #tpu.memory_space<vmem>>, vector<1x16xf32>,
      %get3A_288 = vector.shape_cast %get3A_287 : vector<1x16xf32> to vector<16xf32>
      %max3A_289 = arith.maximumf %get3A_284, %get3A_288 : vector<16xf32>
      %swap3A_290 = arith.index_cast %scan3A_227 : i32 to index
      %swap3A_291 = arith.constant 64 : index
      %swap3A_292 = tpu.vector_load %arg9[%swap3A_290, %swap3A_291] {strides = array<i32>} : memref<256x128xf32, #tpu.memory_space<vmem>>, vector<1x16xf32>,
      %swap3A_293 = vector.shape_cast %swap3A_292 : vector<1x16xf32> to vector<16xf32>
      %swap3A_294 = vector.shape_cast %max3A_289 : vector<16xf32> to vector<1x16xf32>
      tpu.vector_store %arg9[%swap3A_290, %swap3A_291], %swap3A_294 {strides = array<i32>} : memref<256x128xf32, #tpu.memory_space<vmem>>, vector<1x16xf32>,
      %get3A_295 = arith.index_cast %scan3A_227 : i32 to index
      %get3A_296 = arith.constant 80 : index
      %get3A_297 = tpu.vector_load %arg9[%get3A_295, %get3A_296] {strides = array<i32>} : memref<256x128xf32, #tpu.memory_space<vmem>>, vector<1x16xf32>,
      %get3A_298 = vector.shape_cast %get3A_297 : vector<1x16xf32> to vector<16xf32>
      %get3A_299 = arith.index_cast %scan3A_227 : i32 to index
      %get3A_300 = arith.constant 80 : index
      %get3A_301 = tpu.vector_load %arg8[%get3A_299, %get3A_300] {strides = array<i32>} : memref<256x128xf32, #tpu.memory_space<vmem>>, vector<1x16xf32>,
      %get3A_302 = vector.shape_cast %get3A_301 : vector<1x16xf32> to vector<16xf32>
      %max3A_303 = arith.maximumf %get3A_298, %get3A_302 : vector<16xf32>
      %swap3A_304 = arith.index_cast %scan3A_227 : i32 to index
      %swap3A_305 = arith.constant 80 : index
      %swap3A_306 = tpu.vector_load %arg9[%swap3A_304, %swap3A_305] {strides = array<i32>} : memref<256x128xf32, #tpu.memory_space<vmem>>, vector<1x16xf32>,
      %swap3A_307 = vector.shape_cast %swap3A_306 : vector<1x16xf32> to vector<16xf32>
      %swap3A_308 = vector.shape_cast %max3A_303 : vector<16xf32> to vector<1x16xf32>
      tpu.vector_store %arg9[%swap3A_304, %swap3A_305], %swap3A_308 {strides = array<i32>} : memref<256x128xf32, #tpu.memory_space<vmem>>, vector<1x16xf32>,
      %get3A_309 = arith.index_cast %scan3A_227 : i32 to index
      %get3A_310 = arith.constant 96 : index
      %get3A_311 = tpu.vector_load %arg9[%get3A_309, %get3A_310] {strides = array<i32>} : memref<256x128xf32, #tpu.memory_space<vmem>>, vector<1x16xf32>,
      %get3A_312 = vector.shape_cast %get3A_311 : vector<1x16xf32> to vector<16xf32>
      %get3A_313 = arith.index_cast %scan3A_227 : i32 to index
      %get3A_314 = arith.constant 96 : index
      %get3A_315 = tpu.vector_load %arg8[%get3A_313, %get3A_314] {strides = array<i32>} : memref<256x128xf32, #tpu.memory_space<vmem>>, vector<1x16xf32>,
      %get3A_316 = vector.shape_cast %get3A_315 : vector<1x16xf32> to vector<16xf32>
      %max3A_317 = arith.maximumf %get3A_312, %get3A_316 : vector<16xf32>
      %swap3A_318 = arith.index_cast %scan3A_227 : i32 to index
      %swap3A_319 = arith.constant 96 : index
      %swap3A_320 = tpu.vector_load %arg9[%swap3A_318, %swap3A_319] {strides = array<i32>} : memref<256x128xf32, #tpu.memory_space<vmem>>, vector<1x16xf32>,
      %swap3A_321 = vector.shape_cast %swap3A_320 : vector<1x16xf32> to vector<16xf32>
      %swap3A_322 = vector.shape_cast %max3A_317 : vector<16xf32> to vector<1x16xf32>
      tpu.vector_store %arg9[%swap3A_318, %swap3A_319], %swap3A_322 {strides = array<i32>} : memref<256x128xf32, #tpu.memory_space<vmem>>, vector<1x16xf32>,
      %get3A_323 = arith.index_cast %scan3A_227 : i32 to index
      %get3A_324 = arith.constant 112 : index
      %get3A_325 = tpu.vector_load %arg9[%get3A_323, %get3A_324] {strides = array<i32>} : memref<256x128xf32, #tpu.memory_space<vmem>>, vector<1x16xf32>,
      %get3A_326 = vector.shape_cast %get3A_325 : vector<1x16xf32> to vector<16xf32>
      %get3A_327 = arith.index_cast %scan3A_227 : i32 to index
      %get3A_328 = arith.constant 112 : index
      %get3A_329 = tpu.vector_load %arg8[%get3A_327, %get3A_328] {strides = array<i32>} : memref<256x128xf32, #tpu.memory_space<vmem>>, vector<1x16xf32>,
      %get3A_330 = vector.shape_cast %get3A_329 : vector<1x16xf32> to vector<16xf32>
      %max3A_331 = arith.maximumf %get3A_326, %get3A_330 : vector<16xf32>
      %swap3A_332 = arith.index_cast %scan3A_227 : i32 to index
      %swap3A_333 = arith.constant 112 : index
      %swap3A_334 = tpu.vector_load %arg9[%swap3A_332, %swap3A_333] {strides = array<i32>} : memref<256x128xf32, #tpu.memory_space<vmem>>, vector<1x16xf32>,
      %swap3A_335 = vector.shape_cast %swap3A_334 : vector<1x16xf32> to vector<16xf32>
      %swap3A_336 = vector.shape_cast %max3A_331 : vector<16xf32> to vector<1x16xf32>
      tpu.vector_store %arg9[%swap3A_332, %swap3A_333], %swap3A_336 {strides = array<i32>} : memref<256x128xf32, #tpu.memory_space<vmem>>, vector<1x16xf32>,
    }
    %scan3A_139 = arith.constant 256 : i32
    %run_scoped3A_140 = arith.constant 3 : i32
    "tpu.region"() ({
      %run_scoped3A_227 = tpu.sem_alloc : memref<!tpu.dma_semaphore, #tpu.memory_space<semaphore_mem>>
      %dma_start3A_228 = tpu.memref_slice %arg3[%run_scoped3A_140, %add3A_115] : memref<16x16384xi32, #tpu.memory_space<hbm>> -> memref<1x256xi32, #tpu.memory_space<hbm>>
      %dma_start3A_229 = tpu.memref_squeeze %dma_start3A_228 : memref<1x256xi32, #tpu.memory_space<hbm>> -> memref<256xi32, #tpu.memory_space<hbm>>
      %dma_start3A_230 = tpu.memref_slice %arg3[%run_scoped3A_140, %add3A_115] : memref<16x16384xi32, #tpu.memory_space<hbm>> -> memref<1x256xi32, #tpu.memory_space<hbm>>
      %dma_start3A_231 = tpu.memref_squeeze %dma_start3A_230 : memref<1x256xi32, #tpu.memory_space<hbm>> -> memref<256xi32, #tpu.memory_space<hbm>>
      tpu.enqueue_dma source(%dma_start3A_231 : memref<256xi32, #tpu.memory_space<hbm>>) target(%arg6 : memref<256xi32, #tpu.memory_space<vmem>>) target_semaphore(%run_scoped3A_227 : memref<!tpu.dma_semaphore, #tpu.memory_space<semaphore_mem>>)
      %dma_wait3A_232 = tpu.memref_slice %arg3[%run_scoped3A_140, %add3A_115] : memref<16x16384xi32, #tpu.memory_space<hbm>> -> memref<1x256xi32, #tpu.memory_space<hbm>>
      %dma_wait3A_233 = tpu.memref_squeeze %dma_wait3A_232 : memref<1x256xi32, #tpu.memory_space<hbm>> -> memref<256xi32, #tpu.memory_space<hbm>>
      %dma_wait3A_234 = tpu.memref_slice %arg3[%run_scoped3A_140, %add3A_115] : memref<16x16384xi32, #tpu.memory_space<hbm>> -> memref<1x256xi32, #tpu.memory_space<hbm>>
      %dma_wait3A_235 = tpu.memref_squeeze %dma_wait3A_234 : memref<1x256xi32, #tpu.memory_space<hbm>> -> memref<256xi32, #tpu.memory_space<hbm>>
      tpu.wait_dma2 semaphore(%run_scoped3A_227 : memref<!tpu.dma_semaphore, #tpu.memory_space<semaphore_mem>>) src(%dma_wait3A_235 : memref<256xi32, #tpu.memory_space<hbm>>) dst(%arg6 : memref<256xi32, #tpu.memory_space<vmem>>)
      tpu.yield
    }) : () -> ()
    %dma_start3A_141 = arith.constant 0 : i32
    %dma_start3A_142 = arith.constant 0 : i32
    %dma_start3A_143 = tpu.memref_slice %arg2[%dma_start3A_141, %dma_start3A_142] : memref<16384x128xf32, #tpu.memory_space<hbm>> -> memref<16384x128xf32, #tpu.memory_space<hbm>>
    tpu.enqueue_indirect_dma source(%dma_start3A_143 : memref<16384x128xf32, #tpu.memory_space<hbm>>) target(%arg8 : memref<256x128xf32, #tpu.memory_space<vmem>>) offsets(%arg6 : memref<256xi32, #tpu.memory_space<vmem>>) semaphore(%arg12 : memref<!tpu.dma_semaphore, #tpu.memory_space<semaphore_mem>>)
    %dma_wait3A_144 = arith.constant 0 : i32
    %dma_wait3A_145 = arith.constant 0 : i32
    %dma_wait3A_146 = tpu.memref_slice %arg2[%dma_wait3A_144, %dma_wait3A_145] : memref<16384x128xf32, #tpu.memory_space<hbm>> -> memref<16384x128xf32, #tpu.memory_space<hbm>>
    tpu.wait_indirect_dma semaphore(%arg11 : memref<!tpu.dma_semaphore, #tpu.memory_space<semaphore_mem>>) src(%dma_wait3A_146 : memref<16384x128xf32, #tpu.memory_space<hbm>>) dst(%arg7 : memref<256x128xf32, #tpu.memory_space<vmem>>)
    %scan3A_147 = arith.constant 0 : i32
    %scan3A_148 = arith.constant 0 : i32
    %scan3A_149 = arith.constant 256 : i32
    %scan3A_150 = arith.addi %scan3A_148, %scan3A_149 : i32
    %scan3A_151 = arith.constant 1 : i32
    scf.for %scan3A_227 = %scan3A_148 to %scan3A_150 step %scan3A_151  : i32 {
      %get3A = arith.index_cast %scan3A_227 : i32 to index
      %get3A_228 = arith.constant 0 : index
      %get3A_229 = tpu.vector_load %arg9[%get3A, %get3A_228] {strides = array<i32>} : memref<256x128xf32, #tpu.memory_space<vmem>>, vector<1x16xf32>,
      %get3A_230 = vector.shape_cast %get3A_229 : vector<1x16xf32> to vector<16xf32>
      %get3A_231 = arith.index_cast %scan3A_227 : i32 to index
      %get3A_232 = arith.constant 0 : index
      %get3A_233 = tpu.vector_load %arg7[%get3A_231, %get3A_232] {strides = array<i32>} : memref<256x128xf32, #tpu.memory_space<vmem>>, vector<1x16xf32>,
      %get3A_234 = vector.shape_cast %get3A_233 : vector<1x16xf32> to vector<16xf32>
      %max3A = arith.maximumf %get3A_230, %get3A_234 : vector<16xf32>
      %swap3A = arith.index_cast %scan3A_227 : i32 to index
      %swap3A_235 = arith.constant 0 : index
      %swap3A_236 = tpu.vector_load %arg9[%swap3A, %swap3A_235] {strides = array<i32>} : memref<256x128xf32, #tpu.memory_space<vmem>>, vector<1x16xf32>,
      %swap3A_237 = vector.shape_cast %swap3A_236 : vector<1x16xf32> to vector<16xf32>
      %swap3A_238 = vector.shape_cast %max3A : vector<16xf32> to vector<1x16xf32>
      tpu.vector_store %arg9[%swap3A, %swap3A_235], %swap3A_238 {strides = array<i32>} : memref<256x128xf32, #tpu.memory_space<vmem>>, vector<1x16xf32>,
      %get3A_239 = arith.index_cast %scan3A_227 : i32 to index
      %get3A_240 = arith.constant 16 : index
      %get3A_241 = tpu.vector_load %arg9[%get3A_239, %get3A_240] {strides = array<i32>} : memref<256x128xf32, #tpu.memory_space<vmem>>, vector<1x16xf32>,
      %get3A_242 = vector.shape_cast %get3A_241 : vector<1x16xf32> to vector<16xf32>
      %get3A_243 = arith.index_cast %scan3A_227 : i32 to index
      %get3A_244 = arith.constant 16 : index
      %get3A_245 = tpu.vector_load %arg7[%get3A_243, %get3A_244] {strides = array<i32>} : memref<256x128xf32, #tpu.memory_space<vmem>>, vector<1x16xf32>,
      %get3A_246 = vector.shape_cast %get3A_245 : vector<1x16xf32> to vector<16xf32>
      %max3A_247 = arith.maximumf %get3A_242, %get3A_246 : vector<16xf32>
      %swap3A_248 = arith.index_cast %scan3A_227 : i32 to index
      %swap3A_249 = arith.constant 16 : index
      %swap3A_250 = tpu.vector_load %arg9[%swap3A_248, %swap3A_249] {strides = array<i32>} : memref<256x128xf32, #tpu.memory_space<vmem>>, vector<1x16xf32>,
      %swap3A_251 = vector.shape_cast %swap3A_250 : vector<1x16xf32> to vector<16xf32>
      %swap3A_252 = vector.shape_cast %max3A_247 : vector<16xf32> to vector<1x16xf32>
      tpu.vector_store %arg9[%swap3A_248, %swap3A_249], %swap3A_252 {strides = array<i32>} : memref<256x128xf32, #tpu.memory_space<vmem>>, vector<1x16xf32>,
      %get3A_253 = arith.index_cast %scan3A_227 : i32 to index
      %get3A_254 = arith.constant 32 : index
      %get3A_255 = tpu.vector_load %arg9[%get3A_253, %get3A_254] {strides = array<i32>} : memref<256x128xf32, #tpu.memory_space<vmem>>, vector<1x16xf32>,
      %get3A_256 = vector.shape_cast %get3A_255 : vector<1x16xf32> to vector<16xf32>
      %get3A_257 = arith.index_cast %scan3A_227 : i32 to index
      %get3A_258 = arith.constant 32 : index
      %get3A_259 = tpu.vector_load %arg7[%get3A_257, %get3A_258] {strides = array<i32>} : memref<256x128xf32, #tpu.memory_space<vmem>>, vector<1x16xf32>,
      %get3A_260 = vector.shape_cast %get3A_259 : vector<1x16xf32> to vector<16xf32>
      %max3A_261 = arith.maximumf %get3A_256, %get3A_260 : vector<16xf32>
      %swap3A_262 = arith.index_cast %scan3A_227 : i32 to index
      %swap3A_263 = arith.constant 32 : index
      %swap3A_264 = tpu.vector_load %arg9[%swap3A_262, %swap3A_263] {strides = array<i32>} : memref<256x128xf32, #tpu.memory_space<vmem>>, vector<1x16xf32>,
      %swap3A_265 = vector.shape_cast %swap3A_264 : vector<1x16xf32> to vector<16xf32>
      %swap3A_266 = vector.shape_cast %max3A_261 : vector<16xf32> to vector<1x16xf32>
      tpu.vector_store %arg9[%swap3A_262, %swap3A_263], %swap3A_266 {strides = array<i32>} : memref<256x128xf32, #tpu.memory_space<vmem>>, vector<1x16xf32>,
      %get3A_267 = arith.index_cast %scan3A_227 : i32 to index
      %get3A_268 = arith.constant 48 : index
      %get3A_269 = tpu.vector_load %arg9[%get3A_267, %get3A_268] {strides = array<i32>} : memref<256x128xf32, #tpu.memory_space<vmem>>, vector<1x16xf32>,
      %get3A_270 = vector.shape_cast %get3A_269 : vector<1x16xf32> to vector<16xf32>
      %get3A_271 = arith.index_cast %scan3A_227 : i32 to index
      %get3A_272 = arith.constant 48 : index
      %get3A_273 = tpu.vector_load %arg7[%get3A_271, %get3A_272] {strides = array<i32>} : memref<256x128xf32, #tpu.memory_space<vmem>>, vector<1x16xf32>,
      %get3A_274 = vector.shape_cast %get3A_273 : vector<1x16xf32> to vector<16xf32>
      %max3A_275 = arith.maximumf %get3A_270, %get3A_274 : vector<16xf32>
      %swap3A_276 = arith.index_cast %scan3A_227 : i32 to index
      %swap3A_277 = arith.constant 48 : index
      %swap3A_278 = tpu.vector_load %arg9[%swap3A_276, %swap3A_277] {strides = array<i32>} : memref<256x128xf32, #tpu.memory_space<vmem>>, vector<1x16xf32>,
      %swap3A_279 = vector.shape_cast %swap3A_278 : vector<1x16xf32> to vector<16xf32>
      %swap3A_280 = vector.shape_cast %max3A_275 : vector<16xf32> to vector<1x16xf32>
      tpu.vector_store %arg9[%swap3A_276, %swap3A_277], %swap3A_280 {strides = array<i32>} : memref<256x128xf32, #tpu.memory_space<vmem>>, vector<1x16xf32>,
      %get3A_281 = arith.index_cast %scan3A_227 : i32 to index
      %get3A_282 = arith.constant 64 : index
      %get3A_283 = tpu.vector_load %arg9[%get3A_281, %get3A_282] {strides = array<i32>} : memref<256x128xf32, #tpu.memory_space<vmem>>, vector<1x16xf32>,
      %get3A_284 = vector.shape_cast %get3A_283 : vector<1x16xf32> to vector<16xf32>
      %get3A_285 = arith.index_cast %scan3A_227 : i32 to index
      %get3A_286 = arith.constant 64 : index
      %get3A_287 = tpu.vector_load %arg7[%get3A_285, %get3A_286] {strides = array<i32>} : memref<256x128xf32, #tpu.memory_space<vmem>>, vector<1x16xf32>,
      %get3A_288 = vector.shape_cast %get3A_287 : vector<1x16xf32> to vector<16xf32>
      %max3A_289 = arith.maximumf %get3A_284, %get3A_288 : vector<16xf32>
      %swap3A_290 = arith.index_cast %scan3A_227 : i32 to index
      %swap3A_291 = arith.constant 64 : index
      %swap3A_292 = tpu.vector_load %arg9[%swap3A_290, %swap3A_291] {strides = array<i32>} : memref<256x128xf32, #tpu.memory_space<vmem>>, vector<1x16xf32>,
      %swap3A_293 = vector.shape_cast %swap3A_292 : vector<1x16xf32> to vector<16xf32>
      %swap3A_294 = vector.shape_cast %max3A_289 : vector<16xf32> to vector<1x16xf32>
      tpu.vector_store %arg9[%swap3A_290, %swap3A_291], %swap3A_294 {strides = array<i32>} : memref<256x128xf32, #tpu.memory_space<vmem>>, vector<1x16xf32>,
      %get3A_295 = arith.index_cast %scan3A_227 : i32 to index
      %get3A_296 = arith.constant 80 : index
      %get3A_297 = tpu.vector_load %arg9[%get3A_295, %get3A_296] {strides = array<i32>} : memref<256x128xf32, #tpu.memory_space<vmem>>, vector<1x16xf32>,
      %get3A_298 = vector.shape_cast %get3A_297 : vector<1x16xf32> to vector<16xf32>
      %get3A_299 = arith.index_cast %scan3A_227 : i32 to index
      %get3A_300 = arith.constant 80 : index
      %get3A_301 = tpu.vector_load %arg7[%get3A_299, %get3A_300] {strides = array<i32>} : memref<256x128xf32, #tpu.memory_space<vmem>>, vector<1x16xf32>,
      %get3A_302 = vector.shape_cast %get3A_301 : vector<1x16xf32> to vector<16xf32>
      %max3A_303 = arith.maximumf %get3A_298, %get3A_302 : vector<16xf32>
      %swap3A_304 = arith.index_cast %scan3A_227 : i32 to index
      %swap3A_305 = arith.constant 80 : index
      %swap3A_306 = tpu.vector_load %arg9[%swap3A_304, %swap3A_305] {strides = array<i32>} : memref<256x128xf32, #tpu.memory_space<vmem>>, vector<1x16xf32>,
      %swap3A_307 = vector.shape_cast %swap3A_306 : vector<1x16xf32> to vector<16xf32>
      %swap3A_308 = vector.shape_cast %max3A_303 : vector<16xf32> to vector<1x16xf32>
      tpu.vector_store %arg9[%swap3A_304, %swap3A_305], %swap3A_308 {strides = array<i32>} : memref<256x128xf32, #tpu.memory_space<vmem>>, vector<1x16xf32>,
      %get3A_309 = arith.index_cast %scan3A_227 : i32 to index
      %get3A_310 = arith.constant 96 : index
      %get3A_311 = tpu.vector_load %arg9[%get3A_309, %get3A_310] {strides = array<i32>} : memref<256x128xf32, #tpu.memory_space<vmem>>, vector<1x16xf32>,
      %get3A_312 = vector.shape_cast %get3A_311 : vector<1x16xf32> to vector<16xf32>
      %get3A_313 = arith.index_cast %scan3A_227 : i32 to index
      %get3A_314 = arith.constant 96 : index
      %get3A_315 = tpu.vector_load %arg7[%get3A_313, %get3A_314] {strides = array<i32>} : memref<256x128xf32, #tpu.memory_space<vmem>>, vector<1x16xf32>,
      %get3A_316 = vector.shape_cast %get3A_315 : vector<1x16xf32> to vector<16xf32>
      %max3A_317 = arith.maximumf %get3A_312, %get3A_316 : vector<16xf32>
      %swap3A_318 = arith.index_cast %scan3A_227 : i32 to index
      %swap3A_319 = arith.constant 96 : index
      %swap3A_320 = tpu.vector_load %arg9[%swap3A_318, %swap3A_319] {strides = array<i32>} : memref<256x128xf32, #tpu.memory_space<vmem>>, vector<1x16xf32>,
      %swap3A_321 = vector.shape_cast %swap3A_320 : vector<1x16xf32> to vector<16xf32>
      %swap3A_322 = vector.shape_cast %max3A_317 : vector<16xf32> to vector<1x16xf32>
      tpu.vector_store %arg9[%swap3A_318, %swap3A_319], %swap3A_322 {strides = array<i32>} : memref<256x128xf32, #tpu.memory_space<vmem>>, vector<1x16xf32>,
      %get3A_323 = arith.index_cast %scan3A_227 : i32 to index
      %get3A_324 = arith.constant 112 : index
      %get3A_325 = tpu.vector_load %arg9[%get3A_323, %get3A_324] {strides = array<i32>} : memref<256x128xf32, #tpu.memory_space<vmem>>, vector<1x16xf32>,
      %get3A_326 = vector.shape_cast %get3A_325 : vector<1x16xf32> to vector<16xf32>
      %get3A_327 = arith.index_cast %scan3A_227 : i32 to index
      %get3A_328 = arith.constant 112 : index
      %get3A_329 = tpu.vector_load %arg7[%get3A_327, %get3A_328] {strides = array<i32>} : memref<256x128xf32, #tpu.memory_space<vmem>>, vector<1x16xf32>,
      %get3A_330 = vector.shape_cast %get3A_329 : vector<1x16xf32> to vector<16xf32>
      %max3A_331 = arith.maximumf %get3A_326, %get3A_330 : vector<16xf32>
      %swap3A_332 = arith.index_cast %scan3A_227 : i32 to index
      %swap3A_333 = arith.constant 112 : index
      %swap3A_334 = tpu.vector_load %arg9[%swap3A_332, %swap3A_333] {strides = array<i32>} : memref<256x128xf32, #tpu.memory_space<vmem>>, vector<1x16xf32>,
      %swap3A_335 = vector.shape_cast %swap3A_334 : vector<1x16xf32> to vector<16xf32>
      %swap3A_336 = vector.shape_cast %max3A_331 : vector<16xf32> to vector<1x16xf32>
      tpu.vector_store %arg9[%swap3A_332, %swap3A_333], %swap3A_336 {strides = array<i32>} : memref<256x128xf32, #tpu.memory_space<vmem>>, vector<1x16xf32>,
    }
    %scan3A_152 = arith.constant 256 : i32
    %run_scoped3A_153 = arith.constant 4 : i32
    "tpu.region"() ({
      %run_scoped3A_227 = tpu.sem_alloc : memref<!tpu.dma_semaphore, #tpu.memory_space<semaphore_mem>>
      %dma_start3A_228 = tpu.memref_slice %arg3[%run_scoped3A_153, %add3A_115] : memref<16x16384xi32, #tpu.memory_space<hbm>> -> memref<1x256xi32, #tpu.memory_space<hbm>>
      %dma_start3A_229 = tpu.memref_squeeze %dma_start3A_228 : memref<1x256xi32, #tpu.memory_space<hbm>> -> memref<256xi32, #tpu.memory_space<hbm>>
      %dma_start3A_230 = tpu.memref_slice %arg3[%run_scoped3A_153, %add3A_115] : memref<16x16384xi32, #tpu.memory_space<hbm>> -> memref<1x256xi32, #tpu.memory_space<hbm>>
      %dma_start3A_231 = tpu.memref_squeeze %dma_start3A_230 : memref<1x256xi32, #tpu.memory_space<hbm>> -> memref<256xi32, #tpu.memory_space<hbm>>
      tpu.enqueue_dma source(%dma_start3A_231 : memref<256xi32, #tpu.memory_space<hbm>>) target(%arg5 : memref<256xi32, #tpu.memory_space<vmem>>) target_semaphore(%run_scoped3A_227 : memref<!tpu.dma_semaphore, #tpu.memory_space<semaphore_mem>>)
      %dma_wait3A_232 = tpu.memref_slice %arg3[%run_scoped3A_153, %add3A_115] : memref<16x16384xi32, #tpu.memory_space<hbm>> -> memref<1x256xi32, #tpu.memory_space<hbm>>
      %dma_wait3A_233 = tpu.memref_squeeze %dma_wait3A_232 : memref<1x256xi32, #tpu.memory_space<hbm>> -> memref<256xi32, #tpu.memory_space<hbm>>
      %dma_wait3A_234 = tpu.memref_slice %arg3[%run_scoped3A_153, %add3A_115] : memref<16x16384xi32, #tpu.memory_space<hbm>> -> memref<1x256xi32, #tpu.memory_space<hbm>>
      %dma_wait3A_235 = tpu.memref_squeeze %dma_wait3A_234 : memref<1x256xi32, #tpu.memory_space<hbm>> -> memref<256xi32, #tpu.memory_space<hbm>>
      tpu.wait_dma2 semaphore(%run_scoped3A_227 : memref<!tpu.dma_semaphore, #tpu.memory_space<semaphore_mem>>) src(%dma_wait3A_235 : memref<256xi32, #tpu.memory_space<hbm>>) dst(%arg5 : memref<256xi32, #tpu.memory_space<vmem>>)
      tpu.yield
    }) : () -> ()
    %dma_start3A_154 = arith.constant 0 : i32
    %dma_start3A_155 = arith.constant 0 : i32
    %dma_start3A_156 = tpu.memref_slice %arg2[%dma_start3A_154, %dma_start3A_155] : memref<16384x128xf32, #tpu.memory_space<hbm>> -> memref<16384x128xf32, #tpu.memory_space<hbm>>
    tpu.enqueue_indirect_dma source(%dma_start3A_156 : memref<16384x128xf32, #tpu.memory_space<hbm>>) target(%arg7 : memref<256x128xf32, #tpu.memory_space<vmem>>) offsets(%arg5 : memref<256xi32, #tpu.memory_space<vmem>>) semaphore(%arg11 : memref<!tpu.dma_semaphore, #tpu.memory_space<semaphore_mem>>)
    %dma_wait3A_157 = arith.constant 0 : i32
    %dma_wait3A_158 = arith.constant 0 : i32
    %dma_wait3A_159 = tpu.memref_slice %arg2[%dma_wait3A_157, %dma_wait3A_158] : memref<16384x128xf32, #tpu.memory_space<hbm>> -> memref<16384x128xf32, #tpu.memory_space<hbm>>
    tpu.wait_indirect_dma semaphore(%arg12 : memref<!tpu.dma_semaphore, #tpu.memory_space<semaphore_mem>>) src(%dma_wait3A_159 : memref<16384x128xf32, #tpu.memory_space<hbm>>) dst(%arg8 : memref<256x128xf32, #tpu.memory_space<vmem>>)
    %scan3A_160 = arith.constant 0 : i32
    %scan3A_161 = arith.constant 0 : i32
    %scan3A_162 = arith.constant 256 : i32
    %scan3A_163 = arith.addi %scan3A_161, %scan3A_162 : i32
    %scan3A_164 = arith.constant 1 : i32
    scf.for %scan3A_227 = %scan3A_161 to %scan3A_163 step %scan3A_164  : i32 {
      %get3A = arith.index_cast %scan3A_227 : i32 to index
      %get3A_228 = arith.constant 0 : index
      %get3A_229 = tpu.vector_load %arg9[%get3A, %get3A_228] {strides = array<i32>} : memref<256x128xf32, #tpu.memory_space<vmem>>, vector<1x16xf32>,
      %get3A_230 = vector.shape_cast %get3A_229 : vector<1x16xf32> to vector<16xf32>
      %get3A_231 = arith.index_cast %scan3A_227 : i32 to index
      %get3A_232 = arith.constant 0 : index
      %get3A_233 = tpu.vector_load %arg8[%get3A_231, %get3A_232] {strides = array<i32>} : memref<256x128xf32, #tpu.memory_space<vmem>>, vector<1x16xf32>,
      %get3A_234 = vector.shape_cast %get3A_233 : vector<1x16xf32> to vector<16xf32>
      %max3A = arith.maximumf %get3A_230, %get3A_234 : vector<16xf32>
      %swap3A = arith.index_cast %scan3A_227 : i32 to index
      %swap3A_235 = arith.constant 0 : index
      %swap3A_236 = tpu.vector_load %arg9[%swap3A, %swap3A_235] {strides = array<i32>} : memref<256x128xf32, #tpu.memory_space<vmem>>, vector<1x16xf32>,
      %swap3A_237 = vector.shape_cast %swap3A_236 : vector<1x16xf32> to vector<16xf32>
      %swap3A_238 = vector.shape_cast %max3A : vector<16xf32> to vector<1x16xf32>
      tpu.vector_store %arg9[%swap3A, %swap3A_235], %swap3A_238 {strides = array<i32>} : memref<256x128xf32, #tpu.memory_space<vmem>>, vector<1x16xf32>,
      %get3A_239 = arith.index_cast %scan3A_227 : i32 to index
      %get3A_240 = arith.constant 16 : index
      %get3A_241 = tpu.vector_load %arg9[%get3A_239, %get3A_240] {strides = array<i32>} : memref<256x128xf32, #tpu.memory_space<vmem>>, vector<1x16xf32>,
      %get3A_242 = vector.shape_cast %get3A_241 : vector<1x16xf32> to vector<16xf32>
      %get3A_243 = arith.index_cast %scan3A_227 : i32 to index
      %get3A_244 = arith.constant 16 : index
      %get3A_245 = tpu.vector_load %arg8[%get3A_243, %get3A_244] {strides = array<i32>} : memref<256x128xf32, #tpu.memory_space<vmem>>, vector<1x16xf32>,
      %get3A_246 = vector.shape_cast %get3A_245 : vector<1x16xf32> to vector<16xf32>
      %max3A_247 = arith.maximumf %get3A_242, %get3A_246 : vector<16xf32>
      %swap3A_248 = arith.index_cast %scan3A_227 : i32 to index
      %swap3A_249 = arith.constant 16 : index
      %swap3A_250 = tpu.vector_load %arg9[%swap3A_248, %swap3A_249] {strides = array<i32>} : memref<256x128xf32, #tpu.memory_space<vmem>>, vector<1x16xf32>,
      %swap3A_251 = vector.shape_cast %swap3A_250 : vector<1x16xf32> to vector<16xf32>
      %swap3A_252 = vector.shape_cast %max3A_247 : vector<16xf32> to vector<1x16xf32>
      tpu.vector_store %arg9[%swap3A_248, %swap3A_249], %swap3A_252 {strides = array<i32>} : memref<256x128xf32, #tpu.memory_space<vmem>>, vector<1x16xf32>,
      %get3A_253 = arith.index_cast %scan3A_227 : i32 to index
      %get3A_254 = arith.constant 32 : index
      %get3A_255 = tpu.vector_load %arg9[%get3A_253, %get3A_254] {strides = array<i32>} : memref<256x128xf32, #tpu.memory_space<vmem>>, vector<1x16xf32>,
      %get3A_256 = vector.shape_cast %get3A_255 : vector<1x16xf32> to vector<16xf32>
      %get3A_257 = arith.index_cast %scan3A_227 : i32 to index
      %get3A_258 = arith.constant 32 : index
      %get3A_259 = tpu.vector_load %arg8[%get3A_257, %get3A_258] {strides = array<i32>} : memref<256x128xf32, #tpu.memory_space<vmem>>, vector<1x16xf32>,
      %get3A_260 = vector.shape_cast %get3A_259 : vector<1x16xf32> to vector<16xf32>
      %max3A_261 = arith.maximumf %get3A_256, %get3A_260 : vector<16xf32>
      %swap3A_262 = arith.index_cast %scan3A_227 : i32 to index
      %swap3A_263 = arith.constant 32 : index
      %swap3A_264 = tpu.vector_load %arg9[%swap3A_262, %swap3A_263] {strides = array<i32>} : memref<256x128xf32, #tpu.memory_space<vmem>>, vector<1x16xf32>,
      %swap3A_265 = vector.shape_cast %swap3A_264 : vector<1x16xf32> to vector<16xf32>
      %swap3A_266 = vector.shape_cast %max3A_261 : vector<16xf32> to vector<1x16xf32>
      tpu.vector_store %arg9[%swap3A_262, %swap3A_263], %swap3A_266 {strides = array<i32>} : memref<256x128xf32, #tpu.memory_space<vmem>>, vector<1x16xf32>,
      %get3A_267 = arith.index_cast %scan3A_227 : i32 to index
      %get3A_268 = arith.constant 48 : index
      %get3A_269 = tpu.vector_load %arg9[%get3A_267, %get3A_268] {strides = array<i32>} : memref<256x128xf32, #tpu.memory_space<vmem>>, vector<1x16xf32>,
      %get3A_270 = vector.shape_cast %get3A_269 : vector<1x16xf32> to vector<16xf32>
      %get3A_271 = arith.index_cast %scan3A_227 : i32 to index
      %get3A_272 = arith.constant 48 : index
      %get3A_273 = tpu.vector_load %arg8[%get3A_271, %get3A_272] {strides = array<i32>} : memref<256x128xf32, #tpu.memory_space<vmem>>, vector<1x16xf32>,
      %get3A_274 = vector.shape_cast %get3A_273 : vector<1x16xf32> to vector<16xf32>
      %max3A_275 = arith.maximumf %get3A_270, %get3A_274 : vector<16xf32>
      %swap3A_276 = arith.index_cast %scan3A_227 : i32 to index
      %swap3A_277 = arith.constant 48 : index
      %swap3A_278 = tpu.vector_load %arg9[%swap3A_276, %swap3A_277] {strides = array<i32>} : memref<256x128xf32, #tpu.memory_space<vmem>>, vector<1x16xf32>,
      %swap3A_279 = vector.shape_cast %swap3A_278 : vector<1x16xf32> to vector<16xf32>
      %swap3A_280 = vector.shape_cast %max3A_275 : vector<16xf32> to vector<1x16xf32>
      tpu.vector_store %arg9[%swap3A_276, %swap3A_277], %swap3A_280 {strides = array<i32>} : memref<256x128xf32, #tpu.memory_space<vmem>>, vector<1x16xf32>,
      %get3A_281 = arith.index_cast %scan3A_227 : i32 to index
      %get3A_282 = arith.constant 64 : index
      %get3A_283 = tpu.vector_load %arg9[%get3A_281, %get3A_282] {strides = array<i32>} : memref<256x128xf32, #tpu.memory_space<vmem>>, vector<1x16xf32>,
      %get3A_284 = vector.shape_cast %get3A_283 : vector<1x16xf32> to vector<16xf32>
      %get3A_285 = arith.index_cast %scan3A_227 : i32 to index
      %get3A_286 = arith.constant 64 : index
      %get3A_287 = tpu.vector_load %arg8[%get3A_285, %get3A_286] {strides = array<i32>} : memref<256x128xf32, #tpu.memory_space<vmem>>, vector<1x16xf32>,
      %get3A_288 = vector.shape_cast %get3A_287 : vector<1x16xf32> to vector<16xf32>
      %max3A_289 = arith.maximumf %get3A_284, %get3A_288 : vector<16xf32>
      %swap3A_290 = arith.index_cast %scan3A_227 : i32 to index
      %swap3A_291 = arith.constant 64 : index
      %swap3A_292 = tpu.vector_load %arg9[%swap3A_290, %swap3A_291] {strides = array<i32>} : memref<256x128xf32, #tpu.memory_space<vmem>>, vector<1x16xf32>,
      %swap3A_293 = vector.shape_cast %swap3A_292 : vector<1x16xf32> to vector<16xf32>
      %swap3A_294 = vector.shape_cast %max3A_289 : vector<16xf32> to vector<1x16xf32>
      tpu.vector_store %arg9[%swap3A_290, %swap3A_291], %swap3A_294 {strides = array<i32>} : memref<256x128xf32, #tpu.memory_space<vmem>>, vector<1x16xf32>,
      %get3A_295 = arith.index_cast %scan3A_227 : i32 to index
      %get3A_296 = arith.constant 80 : index
      %get3A_297 = tpu.vector_load %arg9[%get3A_295, %get3A_296] {strides = array<i32>} : memref<256x128xf32, #tpu.memory_space<vmem>>, vector<1x16xf32>,
      %get3A_298 = vector.shape_cast %get3A_297 : vector<1x16xf32> to vector<16xf32>
      %get3A_299 = arith.index_cast %scan3A_227 : i32 to index
      %get3A_300 = arith.constant 80 : index
      %get3A_301 = tpu.vector_load %arg8[%get3A_299, %get3A_300] {strides = array<i32>} : memref<256x128xf32, #tpu.memory_space<vmem>>, vector<1x16xf32>,
      %get3A_302 = vector.shape_cast %get3A_301 : vector<1x16xf32> to vector<16xf32>
      %max3A_303 = arith.maximumf %get3A_298, %get3A_302 : vector<16xf32>
      %swap3A_304 = arith.index_cast %scan3A_227 : i32 to index
      %swap3A_305 = arith.constant 80 : index
      %swap3A_306 = tpu.vector_load %arg9[%swap3A_304, %swap3A_305] {strides = array<i32>} : memref<256x128xf32, #tpu.memory_space<vmem>>, vector<1x16xf32>,
      %swap3A_307 = vector.shape_cast %swap3A_306 : vector<1x16xf32> to vector<16xf32>
      %swap3A_308 = vector.shape_cast %max3A_303 : vector<16xf32> to vector<1x16xf32>
      tpu.vector_store %arg9[%swap3A_304, %swap3A_305], %swap3A_308 {strides = array<i32>} : memref<256x128xf32, #tpu.memory_space<vmem>>, vector<1x16xf32>,
      %get3A_309 = arith.index_cast %scan3A_227 : i32 to index
      %get3A_310 = arith.constant 96 : index
      %get3A_311 = tpu.vector_load %arg9[%get3A_309, %get3A_310] {strides = array<i32>} : memref<256x128xf32, #tpu.memory_space<vmem>>, vector<1x16xf32>,
      %get3A_312 = vector.shape_cast %get3A_311 : vector<1x16xf32> to vector<16xf32>
      %get3A_313 = arith.index_cast %scan3A_227 : i32 to index
      %get3A_314 = arith.constant 96 : index
      %get3A_315 = tpu.vector_load %arg8[%get3A_313, %get3A_314] {strides = array<i32>} : memref<256x128xf32, #tpu.memory_space<vmem>>, vector<1x16xf32>,
      %get3A_316 = vector.shape_cast %get3A_315 : vector<1x16xf32> to vector<16xf32>
      %max3A_317 = arith.maximumf %get3A_312, %get3A_316 : vector<16xf32>
      %swap3A_318 = arith.index_cast %scan3A_227 : i32 to index
      %swap3A_319 = arith.constant 96 : index
      %swap3A_320 = tpu.vector_load %arg9[%swap3A_318, %swap3A_319] {strides = array<i32>} : memref<256x128xf32, #tpu.memory_space<vmem>>, vector<1x16xf32>,
      %swap3A_321 = vector.shape_cast %swap3A_320 : vector<1x16xf32> to vector<16xf32>
      %swap3A_322 = vector.shape_cast %max3A_317 : vector<16xf32> to vector<1x16xf32>
      tpu.vector_store %arg9[%swap3A_318, %swap3A_319], %swap3A_322 {strides = array<i32>} : memref<256x128xf32, #tpu.memory_space<vmem>>, vector<1x16xf32>,
      %get3A_323 = arith.index_cast %scan3A_227 : i32 to index
      %get3A_324 = arith.constant 112 : index
      %get3A_325 = tpu.vector_load %arg9[%get3A_323, %get3A_324] {strides = array<i32>} : memref<256x128xf32, #tpu.memory_space<vmem>>, vector<1x16xf32>,
      %get3A_326 = vector.shape_cast %get3A_325 : vector<1x16xf32> to vector<16xf32>
      %get3A_327 = arith.index_cast %scan3A_227 : i32 to index
      %get3A_328 = arith.constant 112 : index
      %get3A_329 = tpu.vector_load %arg8[%get3A_327, %get3A_328] {strides = array<i32>} : memref<256x128xf32, #tpu.memory_space<vmem>>, vector<1x16xf32>,
      %get3A_330 = vector.shape_cast %get3A_329 : vector<1x16xf32> to vector<16xf32>
      %max3A_331 = arith.maximumf %get3A_326, %get3A_330 : vector<16xf32>
      %swap3A_332 = arith.index_cast %scan3A_227 : i32 to index
      %swap3A_333 = arith.constant 112 : index
      %swap3A_334 = tpu.vector_load %arg9[%swap3A_332, %swap3A_333] {strides = array<i32>} : memref<256x128xf32, #tpu.memory_space<vmem>>, vector<1x16xf32>,
      %swap3A_335 = vector.shape_cast %swap3A_334 : vector<1x16xf32> to vector<16xf32>
      %swap3A_336 = vector.shape_cast %max3A_331 : vector<16xf32> to vector<1x16xf32>
      tpu.vector_store %arg9[%swap3A_332, %swap3A_333], %swap3A_336 {strides = array<i32>} : memref<256x128xf32, #tpu.memory_space<vmem>>, vector<1x16xf32>,
    }
    %scan3A_165 = arith.constant 256 : i32
    %run_scoped3A_166 = arith.constant 5 : i32
    "tpu.region"() ({
      %run_scoped3A_227 = tpu.sem_alloc : memref<!tpu.dma_semaphore, #tpu.memory_space<semaphore_mem>>
      %dma_start3A_228 = tpu.memref_slice %arg3[%run_scoped3A_166, %add3A_115] : memref<16x16384xi32, #tpu.memory_space<hbm>> -> memref<1x256xi32, #tpu.memory_space<hbm>>
      %dma_start3A_229 = tpu.memref_squeeze %dma_start3A_228 : memref<1x256xi32, #tpu.memory_space<hbm>> -> memref<256xi32, #tpu.memory_space<hbm>>
      %dma_start3A_230 = tpu.memref_slice %arg3[%run_scoped3A_166, %add3A_115] : memref<16x16384xi32, #tpu.memory_space<hbm>> -> memref<1x256xi32, #tpu.memory_space<hbm>>
      %dma_start3A_231 = tpu.memref_squeeze %dma_start3A_230 : memref<1x256xi32, #tpu.memory_space<hbm>> -> memref<256xi32, #tpu.memory_space<hbm>>
      tpu.enqueue_dma source(%dma_start3A_231 : memref<256xi32, #tpu.memory_space<hbm>>) target(%arg6 : memref<256xi32, #tpu.memory_space<vmem>>) target_semaphore(%run_scoped3A_227 : memref<!tpu.dma_semaphore, #tpu.memory_space<semaphore_mem>>)
      %dma_wait3A_232 = tpu.memref_slice %arg3[%run_scoped3A_166, %add3A_115] : memref<16x16384xi32, #tpu.memory_space<hbm>> -> memref<1x256xi32, #tpu.memory_space<hbm>>
      %dma_wait3A_233 = tpu.memref_squeeze %dma_wait3A_232 : memref<1x256xi32, #tpu.memory_space<hbm>> -> memref<256xi32, #tpu.memory_space<hbm>>
      %dma_wait3A_234 = tpu.memref_slice %arg3[%run_scoped3A_166, %add3A_115] : memref<16x16384xi32, #tpu.memory_space<hbm>> -> memref<1x256xi32, #tpu.memory_space<hbm>>
      %dma_wait3A_235 = tpu.memref_squeeze %dma_wait3A_234 : memref<1x256xi32, #tpu.memory_space<hbm>> -> memref<256xi32, #tpu.memory_space<hbm>>
      tpu.wait_dma2 semaphore(%run_scoped3A_227 : memref<!tpu.dma_semaphore, #tpu.memory_space<semaphore_mem>>) src(%dma_wait3A_235 : memref<256xi32, #tpu.memory_space<hbm>>) dst(%arg6 : memref<256xi32, #tpu.memory_space<vmem>>)
      tpu.yield
    }) : () -> ()
    %dma_start3A_167 = arith.constant 0 : i32
    %dma_start3A_168 = arith.constant 0 : i32
    %dma_start3A_169 = tpu.memref_slice %arg2[%dma_start3A_167, %dma_start3A_168] : memref<16384x128xf32, #tpu.memory_space<hbm>> -> memref<16384x128xf32, #tpu.memory_space<hbm>>
    tpu.enqueue_indirect_dma source(%dma_start3A_169 : memref<16384x128xf32, #tpu.memory_space<hbm>>) target(%arg8 : memref<256x128xf32, #tpu.memory_space<vmem>>) offsets(%arg6 : memref<256xi32, #tpu.memory_space<vmem>>) semaphore(%arg12 : memref<!tpu.dma_semaphore, #tpu.memory_space<semaphore_mem>>)
    %dma_wait3A_170 = arith.constant 0 : i32
    %dma_wait3A_171 = arith.constant 0 : i32
    %dma_wait3A_172 = tpu.memref_slice %arg2[%dma_wait3A_170, %dma_wait3A_171] : memref<16384x128xf32, #tpu.memory_space<hbm>> -> memref<16384x128xf32, #tpu.memory_space<hbm>>
    tpu.wait_indirect_dma semaphore(%arg11 : memref<!tpu.dma_semaphore, #tpu.memory_space<semaphore_mem>>) src(%dma_wait3A_172 : memref<16384x128xf32, #tpu.memory_space<hbm>>) dst(%arg7 : memref<256x128xf32, #tpu.memory_space<vmem>>)
    %scan3A_173 = arith.constant 0 : i32
    %scan3A_174 = arith.constant 0 : i32
    %scan3A_175 = arith.constant 256 : i32
    %scan3A_176 = arith.addi %scan3A_174, %scan3A_175 : i32
    %scan3A_177 = arith.constant 1 : i32
    scf.for %scan3A_227 = %scan3A_174 to %scan3A_176 step %scan3A_177  : i32 {
      %get3A = arith.index_cast %scan3A_227 : i32 to index
      %get3A_228 = arith.constant 0 : index
      %get3A_229 = tpu.vector_load %arg9[%get3A, %get3A_228] {strides = array<i32>} : memref<256x128xf32, #tpu.memory_space<vmem>>, vector<1x16xf32>,
      %get3A_230 = vector.shape_cast %get3A_229 : vector<1x16xf32> to vector<16xf32>
      %get3A_231 = arith.index_cast %scan3A_227 : i32 to index
      %get3A_232 = arith.constant 0 : index
      %get3A_233 = tpu.vector_load %arg7[%get3A_231, %get3A_232] {strides = array<i32>} : memref<256x128xf32, #tpu.memory_space<vmem>>, vector<1x16xf32>,
      %get3A_234 = vector.shape_cast %get3A_233 : vector<1x16xf32> to vector<16xf32>
      %max3A = arith.maximumf %get3A_230, %get3A_234 : vector<16xf32>
      %swap3A = arith.index_cast %scan3A_227 : i32 to index
      %swap3A_235 = arith.constant 0 : index
      %swap3A_236 = tpu.vector_load %arg9[%swap3A, %swap3A_235] {strides = array<i32>} : memref<256x128xf32, #tpu.memory_space<vmem>>, vector<1x16xf32>,
      %swap3A_237 = vector.shape_cast %swap3A_236 : vector<1x16xf32> to vector<16xf32>
      %swap3A_238 = vector.shape_cast %max3A : vector<16xf32> to vector<1x16xf32>
      tpu.vector_store %arg9[%swap3A, %swap3A_235], %swap3A_238 {strides = array<i32>} : memref<256x128xf32, #tpu.memory_space<vmem>>, vector<1x16xf32>,
      %get3A_239 = arith.index_cast %scan3A_227 : i32 to index
      %get3A_240 = arith.constant 16 : index
      %get3A_241 = tpu.vector_load %arg9[%get3A_239, %get3A_240] {strides = array<i32>} : memref<256x128xf32, #tpu.memory_space<vmem>>, vector<1x16xf32>,
      %get3A_242 = vector.shape_cast %get3A_241 : vector<1x16xf32> to vector<16xf32>
      %get3A_243 = arith.index_cast %scan3A_227 : i32 to index
      %get3A_244 = arith.constant 16 : index
      %get3A_245 = tpu.vector_load %arg7[%get3A_243, %get3A_244] {strides = array<i32>} : memref<256x128xf32, #tpu.memory_space<vmem>>, vector<1x16xf32>,
      %get3A_246 = vector.shape_cast %get3A_245 : vector<1x16xf32> to vector<16xf32>
      %max3A_247 = arith.maximumf %get3A_242, %get3A_246 : vector<16xf32>
      %swap3A_248 = arith.index_cast %scan3A_227 : i32 to index
      %swap3A_249 = arith.constant 16 : index
      %swap3A_250 = tpu.vector_load %arg9[%swap3A_248, %swap3A_249] {strides = array<i32>} : memref<256x128xf32, #tpu.memory_space<vmem>>, vector<1x16xf32>,
      %swap3A_251 = vector.shape_cast %swap3A_250 : vector<1x16xf32> to vector<16xf32>
      %swap3A_252 = vector.shape_cast %max3A_247 : vector<16xf32> to vector<1x16xf32>
      tpu.vector_store %arg9[%swap3A_248, %swap3A_249], %swap3A_252 {strides = array<i32>} : memref<256x128xf32, #tpu.memory_space<vmem>>, vector<1x16xf32>,
      %get3A_253 = arith.index_cast %scan3A_227 : i32 to index
      %get3A_254 = arith.constant 32 : index
      %get3A_255 = tpu.vector_load %arg9[%get3A_253, %get3A_254] {strides = array<i32>} : memref<256x128xf32, #tpu.memory_space<vmem>>, vector<1x16xf32>,
      %get3A_256 = vector.shape_cast %get3A_255 : vector<1x16xf32> to vector<16xf32>
      %get3A_257 = arith.index_cast %scan3A_227 : i32 to index
      %get3A_258 = arith.constant 32 : index
      %get3A_259 = tpu.vector_load %arg7[%get3A_257, %get3A_258] {strides = array<i32>} : memref<256x128xf32, #tpu.memory_space<vmem>>, vector<1x16xf32>,
      %get3A_260 = vector.shape_cast %get3A_259 : vector<1x16xf32> to vector<16xf32>
      %max3A_261 = arith.maximumf %get3A_256, %get3A_260 : vector<16xf32>
      %swap3A_262 = arith.index_cast %scan3A_227 : i32 to index
      %swap3A_263 = arith.constant 32 : index
      %swap3A_264 = tpu.vector_load %arg9[%swap3A_262, %swap3A_263] {strides = array<i32>} : memref<256x128xf32, #tpu.memory_space<vmem>>, vector<1x16xf32>,
      %swap3A_265 = vector.shape_cast %swap3A_264 : vector<1x16xf32> to vector<16xf32>
      %swap3A_266 = vector.shape_cast %max3A_261 : vector<16xf32> to vector<1x16xf32>
      tpu.vector_store %arg9[%swap3A_262, %swap3A_263], %swap3A_266 {strides = array<i32>} : memref<256x128xf32, #tpu.memory_space<vmem>>, vector<1x16xf32>,
      %get3A_267 = arith.index_cast %scan3A_227 : i32 to index
      %get3A_268 = arith.constant 48 : index
      %get3A_269 = tpu.vector_load %arg9[%get3A_267, %get3A_268] {strides = array<i32>} : memref<256x128xf32, #tpu.memory_space<vmem>>, vector<1x16xf32>,
      %get3A_270 = vector.shape_cast %get3A_269 : vector<1x16xf32> to vector<16xf32>
      %get3A_271 = arith.index_cast %scan3A_227 : i32 to index
      %get3A_272 = arith.constant 48 : index
      %get3A_273 = tpu.vector_load %arg7[%get3A_271, %get3A_272] {strides = array<i32>} : memref<256x128xf32, #tpu.memory_space<vmem>>, vector<1x16xf32>,
      %get3A_274 = vector.shape_cast %get3A_273 : vector<1x16xf32> to vector<16xf32>
      %max3A_275 = arith.maximumf %get3A_270, %get3A_274 : vector<16xf32>
      %swap3A_276 = arith.index_cast %scan3A_227 : i32 to index
      %swap3A_277 = arith.constant 48 : index
      %swap3A_278 = tpu.vector_load %arg9[%swap3A_276, %swap3A_277] {strides = array<i32>} : memref<256x128xf32, #tpu.memory_space<vmem>>, vector<1x16xf32>,
      %swap3A_279 = vector.shape_cast %swap3A_278 : vector<1x16xf32> to vector<16xf32>
      %swap3A_280 = vector.shape_cast %max3A_275 : vector<16xf32> to vector<1x16xf32>
      tpu.vector_store %arg9[%swap3A_276, %swap3A_277], %swap3A_280 {strides = array<i32>} : memref<256x128xf32, #tpu.memory_space<vmem>>, vector<1x16xf32>,
      %get3A_281 = arith.index_cast %scan3A_227 : i32 to index
      %get3A_282 = arith.constant 64 : index
      %get3A_283 = tpu.vector_load %arg9[%get3A_281, %get3A_282] {strides = array<i32>} : memref<256x128xf32, #tpu.memory_space<vmem>>, vector<1x16xf32>,
      %get3A_284 = vector.shape_cast %get3A_283 : vector<1x16xf32> to vector<16xf32>
      %get3A_285 = arith.index_cast %scan3A_227 : i32 to index
      %get3A_286 = arith.constant 64 : index
      %get3A_287 = tpu.vector_load %arg7[%get3A_285, %get3A_286] {strides = array<i32>} : memref<256x128xf32, #tpu.memory_space<vmem>>, vector<1x16xf32>,
      %get3A_288 = vector.shape_cast %get3A_287 : vector<1x16xf32> to vector<16xf32>
      %max3A_289 = arith.maximumf %get3A_284, %get3A_288 : vector<16xf32>
      %swap3A_290 = arith.index_cast %scan3A_227 : i32 to index
      %swap3A_291 = arith.constant 64 : index
      %swap3A_292 = tpu.vector_load %arg9[%swap3A_290, %swap3A_291] {strides = array<i32>} : memref<256x128xf32, #tpu.memory_space<vmem>>, vector<1x16xf32>,
      %swap3A_293 = vector.shape_cast %swap3A_292 : vector<1x16xf32> to vector<16xf32>
      %swap3A_294 = vector.shape_cast %max3A_289 : vector<16xf32> to vector<1x16xf32>
      tpu.vector_store %arg9[%swap3A_290, %swap3A_291], %swap3A_294 {strides = array<i32>} : memref<256x128xf32, #tpu.memory_space<vmem>>, vector<1x16xf32>,
      %get3A_295 = arith.index_cast %scan3A_227 : i32 to index
      %get3A_296 = arith.constant 80 : index
      %get3A_297 = tpu.vector_load %arg9[%get3A_295, %get3A_296] {strides = array<i32>} : memref<256x128xf32, #tpu.memory_space<vmem>>, vector<1x16xf32>,
      %get3A_298 = vector.shape_cast %get3A_297 : vector<1x16xf32> to vector<16xf32>
      %get3A_299 = arith.index_cast %scan3A_227 : i32 to index
      %get3A_300 = arith.constant 80 : index
      %get3A_301 = tpu.vector_load %arg7[%get3A_299, %get3A_300] {strides = array<i32>} : memref<256x128xf32, #tpu.memory_space<vmem>>, vector<1x16xf32>,
      %get3A_302 = vector.shape_cast %get3A_301 : vector<1x16xf32> to vector<16xf32>
      %max3A_303 = arith.maximumf %get3A_298, %get3A_302 : vector<16xf32>
      %swap3A_304 = arith.index_cast %scan3A_227 : i32 to index
      %swap3A_305 = arith.constant 80 : index
      %swap3A_306 = tpu.vector_load %arg9[%swap3A_304, %swap3A_305] {strides = array<i32>} : memref<256x128xf32, #tpu.memory_space<vmem>>, vector<1x16xf32>,
      %swap3A_307 = vector.shape_cast %swap3A_306 : vector<1x16xf32> to vector<16xf32>
      %swap3A_308 = vector.shape_cast %max3A_303 : vector<16xf32> to vector<1x16xf32>
      tpu.vector_store %arg9[%swap3A_304, %swap3A_305], %swap3A_308 {strides = array<i32>} : memref<256x128xf32, #tpu.memory_space<vmem>>, vector<1x16xf32>,
      %get3A_309 = arith.index_cast %scan3A_227 : i32 to index
      %get3A_310 = arith.constant 96 : index
      %get3A_311 = tpu.vector_load %arg9[%get3A_309, %get3A_310] {strides = array<i32>} : memref<256x128xf32, #tpu.memory_space<vmem>>, vector<1x16xf32>,
      %get3A_312 = vector.shape_cast %get3A_311 : vector<1x16xf32> to vector<16xf32>
      %get3A_313 = arith.index_cast %scan3A_227 : i32 to index
      %get3A_314 = arith.constant 96 : index
      %get3A_315 = tpu.vector_load %arg7[%get3A_313, %get3A_314] {strides = array<i32>} : memref<256x128xf32, #tpu.memory_space<vmem>>, vector<1x16xf32>,
      %get3A_316 = vector.shape_cast %get3A_315 : vector<1x16xf32> to vector<16xf32>
      %max3A_317 = arith.maximumf %get3A_312, %get3A_316 : vector<16xf32>
      %swap3A_318 = arith.index_cast %scan3A_227 : i32 to index
      %swap3A_319 = arith.constant 96 : index
      %swap3A_320 = tpu.vector_load %arg9[%swap3A_318, %swap3A_319] {strides = array<i32>} : memref<256x128xf32, #tpu.memory_space<vmem>>, vector<1x16xf32>,
      %swap3A_321 = vector.shape_cast %swap3A_320 : vector<1x16xf32> to vector<16xf32>
      %swap3A_322 = vector.shape_cast %max3A_317 : vector<16xf32> to vector<1x16xf32>
      tpu.vector_store %arg9[%swap3A_318, %swap3A_319], %swap3A_322 {strides = array<i32>} : memref<256x128xf32, #tpu.memory_space<vmem>>, vector<1x16xf32>,
      %get3A_323 = arith.index_cast %scan3A_227 : i32 to index
      %get3A_324 = arith.constant 112 : index
      %get3A_325 = tpu.vector_load %arg9[%get3A_323, %get3A_324] {strides = array<i32>} : memref<256x128xf32, #tpu.memory_space<vmem>>, vector<1x16xf32>,
      %get3A_326 = vector.shape_cast %get3A_325 : vector<1x16xf32> to vector<16xf32>
      %get3A_327 = arith.index_cast %scan3A_227 : i32 to index
      %get3A_328 = arith.constant 112 : index
      %get3A_329 = tpu.vector_load %arg7[%get3A_327, %get3A_328] {strides = array<i32>} : memref<256x128xf32, #tpu.memory_space<vmem>>, vector<1x16xf32>,
      %get3A_330 = vector.shape_cast %get3A_329 : vector<1x16xf32> to vector<16xf32>
      %max3A_331 = arith.maximumf %get3A_326, %get3A_330 : vector<16xf32>
      %swap3A_332 = arith.index_cast %scan3A_227 : i32 to index
      %swap3A_333 = arith.constant 112 : index
      %swap3A_334 = tpu.vector_load %arg9[%swap3A_332, %swap3A_333] {strides = array<i32>} : memref<256x128xf32, #tpu.memory_space<vmem>>, vector<1x16xf32>,
      %swap3A_335 = vector.shape_cast %swap3A_334 : vector<1x16xf32> to vector<16xf32>
      %swap3A_336 = vector.shape_cast %max3A_331 : vector<16xf32> to vector<1x16xf32>
      tpu.vector_store %arg9[%swap3A_332, %swap3A_333], %swap3A_336 {strides = array<i32>} : memref<256x128xf32, #tpu.memory_space<vmem>>, vector<1x16xf32>,
    }
    %scan3A_178 = arith.constant 256 : i32
    %run_scoped3A_179 = arith.constant 6 : i32
    "tpu.region"() ({
      %run_scoped3A_227 = tpu.sem_alloc : memref<!tpu.dma_semaphore, #tpu.memory_space<semaphore_mem>>
      %dma_start3A_228 = tpu.memref_slice %arg3[%run_scoped3A_179, %add3A_115] : memref<16x16384xi32, #tpu.memory_space<hbm>> -> memref<1x256xi32, #tpu.memory_space<hbm>>
      %dma_start3A_229 = tpu.memref_squeeze %dma_start3A_228 : memref<1x256xi32, #tpu.memory_space<hbm>> -> memref<256xi32, #tpu.memory_space<hbm>>
      %dma_start3A_230 = tpu.memref_slice %arg3[%run_scoped3A_179, %add3A_115] : memref<16x16384xi32, #tpu.memory_space<hbm>> -> memref<1x256xi32, #tpu.memory_space<hbm>>
      %dma_start3A_231 = tpu.memref_squeeze %dma_start3A_230 : memref<1x256xi32, #tpu.memory_space<hbm>> -> memref<256xi32, #tpu.memory_space<hbm>>
      tpu.enqueue_dma source(%dma_start3A_231 : memref<256xi32, #tpu.memory_space<hbm>>) target(%arg5 : memref<256xi32, #tpu.memory_space<vmem>>) target_semaphore(%run_scoped3A_227 : memref<!tpu.dma_semaphore, #tpu.memory_space<semaphore_mem>>)
      %dma_wait3A_232 = tpu.memref_slice %arg3[%run_scoped3A_179, %add3A_115] : memref<16x16384xi32, #tpu.memory_space<hbm>> -> memref<1x256xi32, #tpu.memory_space<hbm>>
      %dma_wait3A_233 = tpu.memref_squeeze %dma_wait3A_232 : memref<1x256xi32, #tpu.memory_space<hbm>> -> memref<256xi32, #tpu.memory_space<hbm>>
      %dma_wait3A_234 = tpu.memref_slice %arg3[%run_scoped3A_179, %add3A_115] : memref<16x16384xi32, #tpu.memory_space<hbm>> -> memref<1x256xi32, #tpu.memory_space<hbm>>
      %dma_wait3A_235 = tpu.memref_squeeze %dma_wait3A_234 : memref<1x256xi32, #tpu.memory_space<hbm>> -> memref<256xi32, #tpu.memory_space<hbm>>
      tpu.wait_dma2 semaphore(%run_scoped3A_227 : memref<!tpu.dma_semaphore, #tpu.memory_space<semaphore_mem>>) src(%dma_wait3A_235 : memref<256xi32, #tpu.memory_space<hbm>>) dst(%arg5 : memref<256xi32, #tpu.memory_space<vmem>>)
      tpu.yield
    }) : () -> ()
    %dma_start3A_180 = arith.constant 0 : i32
    %dma_start3A_181 = arith.constant 0 : i32
    %dma_start3A_182 = tpu.memref_slice %arg2[%dma_start3A_180, %dma_start3A_181] : memref<16384x128xf32, #tpu.memory_space<hbm>> -> memref<16384x128xf32, #tpu.memory_space<hbm>>
    tpu.enqueue_indirect_dma source(%dma_start3A_182 : memref<16384x128xf32, #tpu.memory_space<hbm>>) target(%arg7 : memref<256x128xf32, #tpu.memory_space<vmem>>) offsets(%arg5 : memref<256xi32, #tpu.memory_space<vmem>>) semaphore(%arg11 : memref<!tpu.dma_semaphore, #tpu.memory_space<semaphore_mem>>)
    %dma_wait3A_183 = arith.constant 0 : i32
    %dma_wait3A_184 = arith.constant 0 : i32
    %dma_wait3A_185 = tpu.memref_slice %arg2[%dma_wait3A_183, %dma_wait3A_184] : memref<16384x128xf32, #tpu.memory_space<hbm>> -> memref<16384x128xf32, #tpu.memory_space<hbm>>
    tpu.wait_indirect_dma semaphore(%arg12 : memref<!tpu.dma_semaphore, #tpu.memory_space<semaphore_mem>>) src(%dma_wait3A_185 : memref<16384x128xf32, #tpu.memory_space<hbm>>) dst(%arg8 : memref<256x128xf32, #tpu.memory_space<vmem>>)
    %scan3A_186 = arith.constant 0 : i32
    %scan3A_187 = arith.constant 0 : i32
    %scan3A_188 = arith.constant 256 : i32
    %scan3A_189 = arith.addi %scan3A_187, %scan3A_188 : i32
    %scan3A_190 = arith.constant 1 : i32
    scf.for %scan3A_227 = %scan3A_187 to %scan3A_189 step %scan3A_190  : i32 {
      %get3A = arith.index_cast %scan3A_227 : i32 to index
      %get3A_228 = arith.constant 0 : index
      %get3A_229 = tpu.vector_load %arg9[%get3A, %get3A_228] {strides = array<i32>} : memref<256x128xf32, #tpu.memory_space<vmem>>, vector<1x16xf32>,
      %get3A_230 = vector.shape_cast %get3A_229 : vector<1x16xf32> to vector<16xf32>
      %get3A_231 = arith.index_cast %scan3A_227 : i32 to index
      %get3A_232 = arith.constant 0 : index
      %get3A_233 = tpu.vector_load %arg8[%get3A_231, %get3A_232] {strides = array<i32>} : memref<256x128xf32, #tpu.memory_space<vmem>>, vector<1x16xf32>,
      %get3A_234 = vector.shape_cast %get3A_233 : vector<1x16xf32> to vector<16xf32>
      %max3A = arith.maximumf %get3A_230, %get3A_234 : vector<16xf32>
      %swap3A = arith.index_cast %scan3A_227 : i32 to index
      %swap3A_235 = arith.constant 0 : index
      %swap3A_236 = tpu.vector_load %arg9[%swap3A, %swap3A_235] {strides = array<i32>} : memref<256x128xf32, #tpu.memory_space<vmem>>, vector<1x16xf32>,
      %swap3A_237 = vector.shape_cast %swap3A_236 : vector<1x16xf32> to vector<16xf32>
      %swap3A_238 = vector.shape_cast %max3A : vector<16xf32> to vector<1x16xf32>
      tpu.vector_store %arg9[%swap3A, %swap3A_235], %swap3A_238 {strides = array<i32>} : memref<256x128xf32, #tpu.memory_space<vmem>>, vector<1x16xf32>,
      %get3A_239 = arith.index_cast %scan3A_227 : i32 to index
      %get3A_240 = arith.constant 16 : index
      %get3A_241 = tpu.vector_load %arg9[%get3A_239, %get3A_240] {strides = array<i32>} : memref<256x128xf32, #tpu.memory_space<vmem>>, vector<1x16xf32>,
      %get3A_242 = vector.shape_cast %get3A_241 : vector<1x16xf32> to vector<16xf32>
      %get3A_243 = arith.index_cast %scan3A_227 : i32 to index
      %get3A_244 = arith.constant 16 : index
      %get3A_245 = tpu.vector_load %arg8[%get3A_243, %get3A_244] {strides = array<i32>} : memref<256x128xf32, #tpu.memory_space<vmem>>, vector<1x16xf32>,
      %get3A_246 = vector.shape_cast %get3A_245 : vector<1x16xf32> to vector<16xf32>
      %max3A_247 = arith.maximumf %get3A_242, %get3A_246 : vector<16xf32>
      %swap3A_248 = arith.index_cast %scan3A_227 : i32 to index
      %swap3A_249 = arith.constant 16 : index
      %swap3A_250 = tpu.vector_load %arg9[%swap3A_248, %swap3A_249] {strides = array<i32>} : memref<256x128xf32, #tpu.memory_space<vmem>>, vector<1x16xf32>,
      %swap3A_251 = vector.shape_cast %swap3A_250 : vector<1x16xf32> to vector<16xf32>
      %swap3A_252 = vector.shape_cast %max3A_247 : vector<16xf32> to vector<1x16xf32>
      tpu.vector_store %arg9[%swap3A_248, %swap3A_249], %swap3A_252 {strides = array<i32>} : memref<256x128xf32, #tpu.memory_space<vmem>>, vector<1x16xf32>,
      %get3A_253 = arith.index_cast %scan3A_227 : i32 to index
      %get3A_254 = arith.constant 32 : index
      %get3A_255 = tpu.vector_load %arg9[%get3A_253, %get3A_254] {strides = array<i32>} : memref<256x128xf32, #tpu.memory_space<vmem>>, vector<1x16xf32>,
      %get3A_256 = vector.shape_cast %get3A_255 : vector<1x16xf32> to vector<16xf32>
      %get3A_257 = arith.index_cast %scan3A_227 : i32 to index
      %get3A_258 = arith.constant 32 : index
      %get3A_259 = tpu.vector_load %arg8[%get3A_257, %get3A_258] {strides = array<i32>} : memref<256x128xf32, #tpu.memory_space<vmem>>, vector<1x16xf32>,
      %get3A_260 = vector.shape_cast %get3A_259 : vector<1x16xf32> to vector<16xf32>
      %max3A_261 = arith.maximumf %get3A_256, %get3A_260 : vector<16xf32>
      %swap3A_262 = arith.index_cast %scan3A_227 : i32 to index
      %swap3A_263 = arith.constant 32 : index
      %swap3A_264 = tpu.vector_load %arg9[%swap3A_262, %swap3A_263] {strides = array<i32>} : memref<256x128xf32, #tpu.memory_space<vmem>>, vector<1x16xf32>,
      %swap3A_265 = vector.shape_cast %swap3A_264 : vector<1x16xf32> to vector<16xf32>
      %swap3A_266 = vector.shape_cast %max3A_261 : vector<16xf32> to vector<1x16xf32>
      tpu.vector_store %arg9[%swap3A_262, %swap3A_263], %swap3A_266 {strides = array<i32>} : memref<256x128xf32, #tpu.memory_space<vmem>>, vector<1x16xf32>,
      %get3A_267 = arith.index_cast %scan3A_227 : i32 to index
      %get3A_268 = arith.constant 48 : index
      %get3A_269 = tpu.vector_load %arg9[%get3A_267, %get3A_268] {strides = array<i32>} : memref<256x128xf32, #tpu.memory_space<vmem>>, vector<1x16xf32>,
      %get3A_270 = vector.shape_cast %get3A_269 : vector<1x16xf32> to vector<16xf32>
      %get3A_271 = arith.index_cast %scan3A_227 : i32 to index
      %get3A_272 = arith.constant 48 : index
      %get3A_273 = tpu.vector_load %arg8[%get3A_271, %get3A_272] {strides = array<i32>} : memref<256x128xf32, #tpu.memory_space<vmem>>, vector<1x16xf32>,
      %get3A_274 = vector.shape_cast %get3A_273 : vector<1x16xf32> to vector<16xf32>
      %max3A_275 = arith.maximumf %get3A_270, %get3A_274 : vector<16xf32>
      %swap3A_276 = arith.index_cast %scan3A_227 : i32 to index
      %swap3A_277 = arith.constant 48 : index
      %swap3A_278 = tpu.vector_load %arg9[%swap3A_276, %swap3A_277] {strides = array<i32>} : memref<256x128xf32, #tpu.memory_space<vmem>>, vector<1x16xf32>,
      %swap3A_279 = vector.shape_cast %swap3A_278 : vector<1x16xf32> to vector<16xf32>
      %swap3A_280 = vector.shape_cast %max3A_275 : vector<16xf32> to vector<1x16xf32>
      tpu.vector_store %arg9[%swap3A_276, %swap3A_277], %swap3A_280 {strides = array<i32>} : memref<256x128xf32, #tpu.memory_space<vmem>>, vector<1x16xf32>,
      %get3A_281 = arith.index_cast %scan3A_227 : i32 to index
      %get3A_282 = arith.constant 64 : index
      %get3A_283 = tpu.vector_load %arg9[%get3A_281, %get3A_282] {strides = array<i32>} : memref<256x128xf32, #tpu.memory_space<vmem>>, vector<1x16xf32>,
      %get3A_284 = vector.shape_cast %get3A_283 : vector<1x16xf32> to vector<16xf32>
      %get3A_285 = arith.index_cast %scan3A_227 : i32 to index
      %get3A_286 = arith.constant 64 : index
      %get3A_287 = tpu.vector_load %arg8[%get3A_285, %get3A_286] {strides = array<i32>} : memref<256x128xf32, #tpu.memory_space<vmem>>, vector<1x16xf32>,
      %get3A_288 = vector.shape_cast %get3A_287 : vector<1x16xf32> to vector<16xf32>
      %max3A_289 = arith.maximumf %get3A_284, %get3A_288 : vector<16xf32>
      %swap3A_290 = arith.index_cast %scan3A_227 : i32 to index
      %swap3A_291 = arith.constant 64 : index
      %swap3A_292 = tpu.vector_load %arg9[%swap3A_290, %swap3A_291] {strides = array<i32>} : memref<256x128xf32, #tpu.memory_space<vmem>>, vector<1x16xf32>,
      %swap3A_293 = vector.shape_cast %swap3A_292 : vector<1x16xf32> to vector<16xf32>
      %swap3A_294 = vector.shape_cast %max3A_289 : vector<16xf32> to vector<1x16xf32>
      tpu.vector_store %arg9[%swap3A_290, %swap3A_291], %swap3A_294 {strides = array<i32>} : memref<256x128xf32, #tpu.memory_space<vmem>>, vector<1x16xf32>,
      %get3A_295 = arith.index_cast %scan3A_227 : i32 to index
      %get3A_296 = arith.constant 80 : index
      %get3A_297 = tpu.vector_load %arg9[%get3A_295, %get3A_296] {strides = array<i32>} : memref<256x128xf32, #tpu.memory_space<vmem>>, vector<1x16xf32>,
      %get3A_298 = vector.shape_cast %get3A_297 : vector<1x16xf32> to vector<16xf32>
      %get3A_299 = arith.index_cast %scan3A_227 : i32 to index
      %get3A_300 = arith.constant 80 : index
      %get3A_301 = tpu.vector_load %arg8[%get3A_299, %get3A_300] {strides = array<i32>} : memref<256x128xf32, #tpu.memory_space<vmem>>, vector<1x16xf32>,
      %get3A_302 = vector.shape_cast %get3A_301 : vector<1x16xf32> to vector<16xf32>
      %max3A_303 = arith.maximumf %get3A_298, %get3A_302 : vector<16xf32>
      %swap3A_304 = arith.index_cast %scan3A_227 : i32 to index
      %swap3A_305 = arith.constant 80 : index
      %swap3A_306 = tpu.vector_load %arg9[%swap3A_304, %swap3A_305] {strides = array<i32>} : memref<256x128xf32, #tpu.memory_space<vmem>>, vector<1x16xf32>,
      %swap3A_307 = vector.shape_cast %swap3A_306 : vector<1x16xf32> to vector<16xf32>
      %swap3A_308 = vector.shape_cast %max3A_303 : vector<16xf32> to vector<1x16xf32>
      tpu.vector_store %arg9[%swap3A_304, %swap3A_305], %swap3A_308 {strides = array<i32>} : memref<256x128xf32, #tpu.memory_space<vmem>>, vector<1x16xf32>,
      %get3A_309 = arith.index_cast %scan3A_227 : i32 to index
      %get3A_310 = arith.constant 96 : index
      %get3A_311 = tpu.vector_load %arg9[%get3A_309, %get3A_310] {strides = array<i32>} : memref<256x128xf32, #tpu.memory_space<vmem>>, vector<1x16xf32>,
      %get3A_312 = vector.shape_cast %get3A_311 : vector<1x16xf32> to vector<16xf32>
      %get3A_313 = arith.index_cast %scan3A_227 : i32 to index
      %get3A_314 = arith.constant 96 : index
      %get3A_315 = tpu.vector_load %arg8[%get3A_313, %get3A_314] {strides = array<i32>} : memref<256x128xf32, #tpu.memory_space<vmem>>, vector<1x16xf32>,
      %get3A_316 = vector.shape_cast %get3A_315 : vector<1x16xf32> to vector<16xf32>
      %max3A_317 = arith.maximumf %get3A_312, %get3A_316 : vector<16xf32>
      %swap3A_318 = arith.index_cast %scan3A_227 : i32 to index
      %swap3A_319 = arith.constant 96 : index
      %swap3A_320 = tpu.vector_load %arg9[%swap3A_318, %swap3A_319] {strides = array<i32>} : memref<256x128xf32, #tpu.memory_space<vmem>>, vector<1x16xf32>,
      %swap3A_321 = vector.shape_cast %swap3A_320 : vector<1x16xf32> to vector<16xf32>
      %swap3A_322 = vector.shape_cast %max3A_317 : vector<16xf32> to vector<1x16xf32>
      tpu.vector_store %arg9[%swap3A_318, %swap3A_319], %swap3A_322 {strides = array<i32>} : memref<256x128xf32, #tpu.memory_space<vmem>>, vector<1x16xf32>,
      %get3A_323 = arith.index_cast %scan3A_227 : i32 to index
      %get3A_324 = arith.constant 112 : index
      %get3A_325 = tpu.vector_load %arg9[%get3A_323, %get3A_324] {strides = array<i32>} : memref<256x128xf32, #tpu.memory_space<vmem>>, vector<1x16xf32>,
      %get3A_326 = vector.shape_cast %get3A_325 : vector<1x16xf32> to vector<16xf32>
      %get3A_327 = arith.index_cast %scan3A_227 : i32 to index
      %get3A_328 = arith.constant 112 : index
      %get3A_329 = tpu.vector_load %arg8[%get3A_327, %get3A_328] {strides = array<i32>} : memref<256x128xf32, #tpu.memory_space<vmem>>, vector<1x16xf32>,
      %get3A_330 = vector.shape_cast %get3A_329 : vector<1x16xf32> to vector<16xf32>
      %max3A_331 = arith.maximumf %get3A_326, %get3A_330 : vector<16xf32>
      %swap3A_332 = arith.index_cast %scan3A_227 : i32 to index
      %swap3A_333 = arith.constant 112 : index
      %swap3A_334 = tpu.vector_load %arg9[%swap3A_332, %swap3A_333] {strides = array<i32>} : memref<256x128xf32, #tpu.memory_space<vmem>>, vector<1x16xf32>,
      %swap3A_335 = vector.shape_cast %swap3A_334 : vector<1x16xf32> to vector<16xf32>
      %swap3A_336 = vector.shape_cast %max3A_331 : vector<16xf32> to vector<1x16xf32>
      tpu.vector_store %arg9[%swap3A_332, %swap3A_333], %swap3A_336 {strides = array<i32>} : memref<256x128xf32, #tpu.memory_space<vmem>>, vector<1x16xf32>,
    }
    %scan3A_191 = arith.constant 256 : i32
    %run_scoped3A_192 = arith.constant 7 : i32
    "tpu.region"() ({
      %run_scoped3A_227 = tpu.sem_alloc : memref<!tpu.dma_semaphore, #tpu.memory_space<semaphore_mem>>
      %dma_start3A_228 = tpu.memref_slice %arg3[%run_scoped3A_192, %add3A_115] : memref<16x16384xi32, #tpu.memory_space<hbm>> -> memref<1x256xi32, #tpu.memory_space<hbm>>
      %dma_start3A_229 = tpu.memref_squeeze %dma_start3A_228 : memref<1x256xi32, #tpu.memory_space<hbm>> -> memref<256xi32, #tpu.memory_space<hbm>>
      %dma_start3A_230 = tpu.memref_slice %arg3[%run_scoped3A_192, %add3A_115] : memref<16x16384xi32, #tpu.memory_space<hbm>> -> memref<1x256xi32, #tpu.memory_space<hbm>>
      %dma_start3A_231 = tpu.memref_squeeze %dma_start3A_230 : memref<1x256xi32, #tpu.memory_space<hbm>> -> memref<256xi32, #tpu.memory_space<hbm>>
      tpu.enqueue_dma source(%dma_start3A_231 : memref<256xi32, #tpu.memory_space<hbm>>) target(%arg6 : memref<256xi32, #tpu.memory_space<vmem>>) target_semaphore(%run_scoped3A_227 : memref<!tpu.dma_semaphore, #tpu.memory_space<semaphore_mem>>)
      %dma_wait3A_232 = tpu.memref_slice %arg3[%run_scoped3A_192, %add3A_115] : memref<16x16384xi32, #tpu.memory_space<hbm>> -> memref<1x256xi32, #tpu.memory_space<hbm>>
      %dma_wait3A_233 = tpu.memref_squeeze %dma_wait3A_232 : memref<1x256xi32, #tpu.memory_space<hbm>> -> memref<256xi32, #tpu.memory_space<hbm>>
      %dma_wait3A_234 = tpu.memref_slice %arg3[%run_scoped3A_192, %add3A_115] : memref<16x16384xi32, #tpu.memory_space<hbm>> -> memref<1x256xi32, #tpu.memory_space<hbm>>
      %dma_wait3A_235 = tpu.memref_squeeze %dma_wait3A_234 : memref<1x256xi32, #tpu.memory_space<hbm>> -> memref<256xi32, #tpu.memory_space<hbm>>
      tpu.wait_dma2 semaphore(%run_scoped3A_227 : memref<!tpu.dma_semaphore, #tpu.memory_space<semaphore_mem>>) src(%dma_wait3A_235 : memref<256xi32, #tpu.memory_space<hbm>>) dst(%arg6 : memref<256xi32, #tpu.memory_space<vmem>>)
      tpu.yield
    }) : () -> ()
    %dma_start3A_193 = arith.constant 0 : i32
    %dma_start3A_194 = arith.constant 0 : i32
    %dma_start3A_195 = tpu.memref_slice %arg2[%dma_start3A_193, %dma_start3A_194] : memref<16384x128xf32, #tpu.memory_space<hbm>> -> memref<16384x128xf32, #tpu.memory_space<hbm>>
    tpu.enqueue_indirect_dma source(%dma_start3A_195 : memref<16384x128xf32, #tpu.memory_space<hbm>>) target(%arg8 : memref<256x128xf32, #tpu.memory_space<vmem>>) offsets(%arg6 : memref<256xi32, #tpu.memory_space<vmem>>) semaphore(%arg12 : memref<!tpu.dma_semaphore, #tpu.memory_space<semaphore_mem>>)
    %dma_wait3A_196 = arith.constant 0 : i32
    %dma_wait3A_197 = arith.constant 0 : i32
    %dma_wait3A_198 = tpu.memref_slice %arg2[%dma_wait3A_196, %dma_wait3A_197] : memref<16384x128xf32, #tpu.memory_space<hbm>> -> memref<16384x128xf32, #tpu.memory_space<hbm>>
    tpu.wait_indirect_dma semaphore(%arg11 : memref<!tpu.dma_semaphore, #tpu.memory_space<semaphore_mem>>) src(%dma_wait3A_198 : memref<16384x128xf32, #tpu.memory_space<hbm>>) dst(%arg7 : memref<256x128xf32, #tpu.memory_space<vmem>>)
    %scan3A_199 = arith.constant 0 : i32
    %scan3A_200 = arith.constant 0 : i32
    %scan3A_201 = arith.constant 256 : i32
    %scan3A_202 = arith.addi %scan3A_200, %scan3A_201 : i32
    %scan3A_203 = arith.constant 1 : i32
    scf.for %scan3A_227 = %scan3A_200 to %scan3A_202 step %scan3A_203  : i32 {
      %get3A = arith.index_cast %scan3A_227 : i32 to index
      %get3A_228 = arith.constant 0 : index
      %get3A_229 = tpu.vector_load %arg9[%get3A, %get3A_228] {strides = array<i32>} : memref<256x128xf32, #tpu.memory_space<vmem>>, vector<1x16xf32>,
      %get3A_230 = vector.shape_cast %get3A_229 : vector<1x16xf32> to vector<16xf32>
      %get3A_231 = arith.index_cast %scan3A_227 : i32 to index
      %get3A_232 = arith.constant 0 : index
      %get3A_233 = tpu.vector_load %arg7[%get3A_231, %get3A_232] {strides = array<i32>} : memref<256x128xf32, #tpu.memory_space<vmem>>, vector<1x16xf32>,
      %get3A_234 = vector.shape_cast %get3A_233 : vector<1x16xf32> to vector<16xf32>
      %max3A = arith.maximumf %get3A_230, %get3A_234 : vector<16xf32>
      %swap3A = arith.index_cast %scan3A_227 : i32 to index
      %swap3A_235 = arith.constant 0 : index
      %swap3A_236 = tpu.vector_load %arg9[%swap3A, %swap3A_235] {strides = array<i32>} : memref<256x128xf32, #tpu.memory_space<vmem>>, vector<1x16xf32>,
      %swap3A_237 = vector.shape_cast %swap3A_236 : vector<1x16xf32> to vector<16xf32>
      %swap3A_238 = vector.shape_cast %max3A : vector<16xf32> to vector<1x16xf32>
      tpu.vector_store %arg9[%swap3A, %swap3A_235], %swap3A_238 {strides = array<i32>} : memref<256x128xf32, #tpu.memory_space<vmem>>, vector<1x16xf32>,
      %get3A_239 = arith.index_cast %scan3A_227 : i32 to index
      %get3A_240 = arith.constant 16 : index
      %get3A_241 = tpu.vector_load %arg9[%get3A_239, %get3A_240] {strides = array<i32>} : memref<256x128xf32, #tpu.memory_space<vmem>>, vector<1x16xf32>,
      %get3A_242 = vector.shape_cast %get3A_241 : vector<1x16xf32> to vector<16xf32>
      %get3A_243 = arith.index_cast %scan3A_227 : i32 to index
      %get3A_244 = arith.constant 16 : index
      %get3A_245 = tpu.vector_load %arg7[%get3A_243, %get3A_244] {strides = array<i32>} : memref<256x128xf32, #tpu.memory_space<vmem>>, vector<1x16xf32>,
      %get3A_246 = vector.shape_cast %get3A_245 : vector<1x16xf32> to vector<16xf32>
      %max3A_247 = arith.maximumf %get3A_242, %get3A_246 : vector<16xf32>
      %swap3A_248 = arith.index_cast %scan3A_227 : i32 to index
      %swap3A_249 = arith.constant 16 : index
      %swap3A_250 = tpu.vector_load %arg9[%swap3A_248, %swap3A_249] {strides = array<i32>} : memref<256x128xf32, #tpu.memory_space<vmem>>, vector<1x16xf32>,
      %swap3A_251 = vector.shape_cast %swap3A_250 : vector<1x16xf32> to vector<16xf32>
      %swap3A_252 = vector.shape_cast %max3A_247 : vector<16xf32> to vector<1x16xf32>
      tpu.vector_store %arg9[%swap3A_248, %swap3A_249], %swap3A_252 {strides = array<i32>} : memref<256x128xf32, #tpu.memory_space<vmem>>, vector<1x16xf32>,
      %get3A_253 = arith.index_cast %scan3A_227 : i32 to index
      %get3A_254 = arith.constant 32 : index
      %get3A_255 = tpu.vector_load %arg9[%get3A_253, %get3A_254] {strides = array<i32>} : memref<256x128xf32, #tpu.memory_space<vmem>>, vector<1x16xf32>,
      %get3A_256 = vector.shape_cast %get3A_255 : vector<1x16xf32> to vector<16xf32>
      %get3A_257 = arith.index_cast %scan3A_227 : i32 to index
      %get3A_258 = arith.constant 32 : index
      %get3A_259 = tpu.vector_load %arg7[%get3A_257, %get3A_258] {strides = array<i32>} : memref<256x128xf32, #tpu.memory_space<vmem>>, vector<1x16xf32>,
      %get3A_260 = vector.shape_cast %get3A_259 : vector<1x16xf32> to vector<16xf32>
      %max3A_261 = arith.maximumf %get3A_256, %get3A_260 : vector<16xf32>
      %swap3A_262 = arith.index_cast %scan3A_227 : i32 to index
      %swap3A_263 = arith.constant 32 : index
      %swap3A_264 = tpu.vector_load %arg9[%swap3A_262, %swap3A_263] {strides = array<i32>} : memref<256x128xf32, #tpu.memory_space<vmem>>, vector<1x16xf32>,
      %swap3A_265 = vector.shape_cast %swap3A_264 : vector<1x16xf32> to vector<16xf32>
      %swap3A_266 = vector.shape_cast %max3A_261 : vector<16xf32> to vector<1x16xf32>
      tpu.vector_store %arg9[%swap3A_262, %swap3A_263], %swap3A_266 {strides = array<i32>} : memref<256x128xf32, #tpu.memory_space<vmem>>, vector<1x16xf32>,
      %get3A_267 = arith.index_cast %scan3A_227 : i32 to index
      %get3A_268 = arith.constant 48 : index
      %get3A_269 = tpu.vector_load %arg9[%get3A_267, %get3A_268] {strides = array<i32>} : memref<256x128xf32, #tpu.memory_space<vmem>>, vector<1x16xf32>,
      %get3A_270 = vector.shape_cast %get3A_269 : vector<1x16xf32> to vector<16xf32>
      %get3A_271 = arith.index_cast %scan3A_227 : i32 to index
      %get3A_272 = arith.constant 48 : index
      %get3A_273 = tpu.vector_load %arg7[%get3A_271, %get3A_272] {strides = array<i32>} : memref<256x128xf32, #tpu.memory_space<vmem>>, vector<1x16xf32>,
      %get3A_274 = vector.shape_cast %get3A_273 : vector<1x16xf32> to vector<16xf32>
      %max3A_275 = arith.maximumf %get3A_270, %get3A_274 : vector<16xf32>
      %swap3A_276 = arith.index_cast %scan3A_227 : i32 to index
      %swap3A_277 = arith.constant 48 : index
      %swap3A_278 = tpu.vector_load %arg9[%swap3A_276, %swap3A_277] {strides = array<i32>} : memref<256x128xf32, #tpu.memory_space<vmem>>, vector<1x16xf32>,
      %swap3A_279 = vector.shape_cast %swap3A_278 : vector<1x16xf32> to vector<16xf32>
      %swap3A_280 = vector.shape_cast %max3A_275 : vector<16xf32> to vector<1x16xf32>
      tpu.vector_store %arg9[%swap3A_276, %swap3A_277], %swap3A_280 {strides = array<i32>} : memref<256x128xf32, #tpu.memory_space<vmem>>, vector<1x16xf32>,
      %get3A_281 = arith.index_cast %scan3A_227 : i32 to index
      %get3A_282 = arith.constant 64 : index
      %get3A_283 = tpu.vector_load %arg9[%get3A_281, %get3A_282] {strides = array<i32>} : memref<256x128xf32, #tpu.memory_space<vmem>>, vector<1x16xf32>,
      %get3A_284 = vector.shape_cast %get3A_283 : vector<1x16xf32> to vector<16xf32>
      %get3A_285 = arith.index_cast %scan3A_227 : i32 to index
      %get3A_286 = arith.constant 64 : index
      %get3A_287 = tpu.vector_load %arg7[%get3A_285, %get3A_286] {strides = array<i32>} : memref<256x128xf32, #tpu.memory_space<vmem>>, vector<1x16xf32>,
      %get3A_288 = vector.shape_cast %get3A_287 : vector<1x16xf32> to vector<16xf32>
      %max3A_289 = arith.maximumf %get3A_284, %get3A_288 : vector<16xf32>
      %swap3A_290 = arith.index_cast %scan3A_227 : i32 to index
      %swap3A_291 = arith.constant 64 : index
      %swap3A_292 = tpu.vector_load %arg9[%swap3A_290, %swap3A_291] {strides = array<i32>} : memref<256x128xf32, #tpu.memory_space<vmem>>, vector<1x16xf32>,
      %swap3A_293 = vector.shape_cast %swap3A_292 : vector<1x16xf32> to vector<16xf32>
      %swap3A_294 = vector.shape_cast %max3A_289 : vector<16xf32> to vector<1x16xf32>
      tpu.vector_store %arg9[%swap3A_290, %swap3A_291], %swap3A_294 {strides = array<i32>} : memref<256x128xf32, #tpu.memory_space<vmem>>, vector<1x16xf32>,
      %get3A_295 = arith.index_cast %scan3A_227 : i32 to index
      %get3A_296 = arith.constant 80 : index
      %get3A_297 = tpu.vector_load %arg9[%get3A_295, %get3A_296] {strides = array<i32>} : memref<256x128xf32, #tpu.memory_space<vmem>>, vector<1x16xf32>,
      %get3A_298 = vector.shape_cast %get3A_297 : vector<1x16xf32> to vector<16xf32>
      %get3A_299 = arith.index_cast %scan3A_227 : i32 to index
      %get3A_300 = arith.constant 80 : index
      %get3A_301 = tpu.vector_load %arg7[%get3A_299, %get3A_300] {strides = array<i32>} : memref<256x128xf32, #tpu.memory_space<vmem>>, vector<1x16xf32>,
      %get3A_302 = vector.shape_cast %get3A_301 : vector<1x16xf32> to vector<16xf32>
      %max3A_303 = arith.maximumf %get3A_298, %get3A_302 : vector<16xf32>
      %swap3A_304 = arith.index_cast %scan3A_227 : i32 to index
      %swap3A_305 = arith.constant 80 : index
      %swap3A_306 = tpu.vector_load %arg9[%swap3A_304, %swap3A_305] {strides = array<i32>} : memref<256x128xf32, #tpu.memory_space<vmem>>, vector<1x16xf32>,
      %swap3A_307 = vector.shape_cast %swap3A_306 : vector<1x16xf32> to vector<16xf32>
      %swap3A_308 = vector.shape_cast %max3A_303 : vector<16xf32> to vector<1x16xf32>
      tpu.vector_store %arg9[%swap3A_304, %swap3A_305], %swap3A_308 {strides = array<i32>} : memref<256x128xf32, #tpu.memory_space<vmem>>, vector<1x16xf32>,
      %get3A_309 = arith.index_cast %scan3A_227 : i32 to index
      %get3A_310 = arith.constant 96 : index
      %get3A_311 = tpu.vector_load %arg9[%get3A_309, %get3A_310] {strides = array<i32>} : memref<256x128xf32, #tpu.memory_space<vmem>>, vector<1x16xf32>,
      %get3A_312 = vector.shape_cast %get3A_311 : vector<1x16xf32> to vector<16xf32>
      %get3A_313 = arith.index_cast %scan3A_227 : i32 to index
      %get3A_314 = arith.constant 96 : index
      %get3A_315 = tpu.vector_load %arg7[%get3A_313, %get3A_314] {strides = array<i32>} : memref<256x128xf32, #tpu.memory_space<vmem>>, vector<1x16xf32>,
      %get3A_316 = vector.shape_cast %get3A_315 : vector<1x16xf32> to vector<16xf32>
      %max3A_317 = arith.maximumf %get3A_312, %get3A_316 : vector<16xf32>
      %swap3A_318 = arith.index_cast %scan3A_227 : i32 to index
      %swap3A_319 = arith.constant 96 : index
      %swap3A_320 = tpu.vector_load %arg9[%swap3A_318, %swap3A_319] {strides = array<i32>} : memref<256x128xf32, #tpu.memory_space<vmem>>, vector<1x16xf32>,
      %swap3A_321 = vector.shape_cast %swap3A_320 : vector<1x16xf32> to vector<16xf32>
      %swap3A_322 = vector.shape_cast %max3A_317 : vector<16xf32> to vector<1x16xf32>
      tpu.vector_store %arg9[%swap3A_318, %swap3A_319], %swap3A_322 {strides = array<i32>} : memref<256x128xf32, #tpu.memory_space<vmem>>, vector<1x16xf32>,
      %get3A_323 = arith.index_cast %scan3A_227 : i32 to index
      %get3A_324 = arith.constant 112 : index
      %get3A_325 = tpu.vector_load %arg9[%get3A_323, %get3A_324] {strides = array<i32>} : memref<256x128xf32, #tpu.memory_space<vmem>>, vector<1x16xf32>,
      %get3A_326 = vector.shape_cast %get3A_325 : vector<1x16xf32> to vector<16xf32>
      %get3A_327 = arith.index_cast %scan3A_227 : i32 to index
      %get3A_328 = arith.constant 112 : index
      %get3A_329 = tpu.vector_load %arg7[%get3A_327, %get3A_328] {strides = array<i32>} : memref<256x128xf32, #tpu.memory_space<vmem>>, vector<1x16xf32>,
      %get3A_330 = vector.shape_cast %get3A_329 : vector<1x16xf32> to vector<16xf32>
      %max3A_331 = arith.maximumf %get3A_326, %get3A_330 : vector<16xf32>
      %swap3A_332 = arith.index_cast %scan3A_227 : i32 to index
      %swap3A_333 = arith.constant 112 : index
      %swap3A_334 = tpu.vector_load %arg9[%swap3A_332, %swap3A_333] {strides = array<i32>} : memref<256x128xf32, #tpu.memory_space<vmem>>, vector<1x16xf32>,
      %swap3A_335 = vector.shape_cast %swap3A_334 : vector<1x16xf32> to vector<16xf32>
      %swap3A_336 = vector.shape_cast %max3A_331 : vector<16xf32> to vector<1x16xf32>
      tpu.vector_store %arg9[%swap3A_332, %swap3A_333], %swap3A_336 {strides = array<i32>} : memref<256x128xf32, #tpu.memory_space<vmem>>, vector<1x16xf32>,
    }
    %scan3A_204 = arith.constant 256 : i32
    %run_scoped3A_205 = arith.constant 8 : i32
    "tpu.region"() ({
      %run_scoped3A_227 = tpu.sem_alloc : memref<!tpu.dma_semaphore, #tpu.memory_space<semaphore_mem>>
      %dma_start3A_228 = tpu.memref_slice %arg3[%run_scoped3A_205, %add3A_115] : memref<16x16384xi32, #tpu.memory_space<hbm>> -> memref<1x256xi32, #tpu.memory_space<hbm>>
      %dma_start3A_229 = tpu.memref_squeeze %dma_start3A_228 : memref<1x256xi32, #tpu.memory_space<hbm>> -> memref<256xi32, #tpu.memory_space<hbm>>
      %dma_start3A_230 = tpu.memref_slice %arg3[%run_scoped3A_205, %add3A_115] : memref<16x16384xi32, #tpu.memory_space<hbm>> -> memref<1x256xi32, #tpu.memory_space<hbm>>
      %dma_start3A_231 = tpu.memref_squeeze %dma_start3A_230 : memref<1x256xi32, #tpu.memory_space<hbm>> -> memref<256xi32, #tpu.memory_space<hbm>>
      tpu.enqueue_dma source(%dma_start3A_231 : memref<256xi32, #tpu.memory_space<hbm>>) target(%arg5 : memref<256xi32, #tpu.memory_space<vmem>>) target_semaphore(%run_scoped3A_227 : memref<!tpu.dma_semaphore, #tpu.memory_space<semaphore_mem>>)
      %dma_wait3A_232 = tpu.memref_slice %arg3[%run_scoped3A_205, %add3A_115] : memref<16x16384xi32, #tpu.memory_space<hbm>> -> memref<1x256xi32, #tpu.memory_space<hbm>>
      %dma_wait3A_233 = tpu.memref_squeeze %dma_wait3A_232 : memref<1x256xi32, #tpu.memory_space<hbm>> -> memref<256xi32, #tpu.memory_space<hbm>>
      %dma_wait3A_234 = tpu.memref_slice %arg3[%run_scoped3A_205, %add3A_115] : memref<16x16384xi32, #tpu.memory_space<hbm>> -> memref<1x256xi32, #tpu.memory_space<hbm>>
      %dma_wait3A_235 = tpu.memref_squeeze %dma_wait3A_234 : memref<1x256xi32, #tpu.memory_space<hbm>> -> memref<256xi32, #tpu.memory_space<hbm>>
      tpu.wait_dma2 semaphore(%run_scoped3A_227 : memref<!tpu.dma_semaphore, #tpu.memory_space<semaphore_mem>>) src(%dma_wait3A_235 : memref<256xi32, #tpu.memory_space<hbm>>) dst(%arg5 : memref<256xi32, #tpu.memory_space<vmem>>)
      tpu.yield
    }) : () -> ()
    %dma_start3A_206 = arith.constant 0 : i32
    %dma_start3A_207 = arith.constant 0 : i32
    %dma_start3A_208 = tpu.memref_slice %arg2[%dma_start3A_206, %dma_start3A_207] : memref<16384x128xf32, #tpu.memory_space<hbm>> -> memref<16384x128xf32, #tpu.memory_space<hbm>>
    tpu.enqueue_indirect_dma source(%dma_start3A_208 : memref<16384x128xf32, #tpu.memory_space<hbm>>) target(%arg7 : memref<256x128xf32, #tpu.memory_space<vmem>>) offsets(%arg5 : memref<256xi32, #tpu.memory_space<vmem>>) semaphore(%arg11 : memref<!tpu.dma_semaphore, #tpu.memory_space<semaphore_mem>>)
    %dma_wait3A_209 = arith.constant 0 : i32
    %dma_wait3A_210 = arith.constant 0 : i32
    %dma_wait3A_211 = tpu.memref_slice %arg2[%dma_wait3A_209, %dma_wait3A_210] : memref<16384x128xf32, #tpu.memory_space<hbm>> -> memref<16384x128xf32, #tpu.memory_space<hbm>>
    tpu.wait_indirect_dma semaphore(%arg12 : memref<!tpu.dma_semaphore, #tpu.memory_space<semaphore_mem>>) src(%dma_wait3A_211 : memref<16384x128xf32, #tpu.memory_space<hbm>>) dst(%arg8 : memref<256x128xf32, #tpu.memory_space<vmem>>)
    %scan3A_212 = arith.constant 0 : i32
    %scan3A_213 = arith.constant 0 : i32
    %scan3A_214 = arith.constant 256 : i32
    %scan3A_215 = arith.addi %scan3A_213, %scan3A_214 : i32
    %scan3A_216 = arith.constant 1 : i32
    scf.for %scan3A_227 = %scan3A_213 to %scan3A_215 step %scan3A_216  : i32 {
      %get3A = arith.index_cast %scan3A_227 : i32 to index
      %get3A_228 = arith.constant 0 : index
      %get3A_229 = tpu.vector_load %arg9[%get3A, %get3A_228] {strides = array<i32>} : memref<256x128xf32, #tpu.memory_space<vmem>>, vector<1x16xf32>,
      %get3A_230 = vector.shape_cast %get3A_229 : vector<1x16xf32> to vector<16xf32>
      %get3A_231 = arith.index_cast %scan3A_227 : i32 to index
      %get3A_232 = arith.constant 0 : index
      %get3A_233 = tpu.vector_load %arg8[%get3A_231, %get3A_232] {strides = array<i32>} : memref<256x128xf32, #tpu.memory_space<vmem>>, vector<1x16xf32>,
      %get3A_234 = vector.shape_cast %get3A_233 : vector<1x16xf32> to vector<16xf32>
      %max3A = arith.maximumf %get3A_230, %get3A_234 : vector<16xf32>
      %swap3A = arith.index_cast %scan3A_227 : i32 to index
      %swap3A_235 = arith.constant 0 : index
      %swap3A_236 = tpu.vector_load %arg9[%swap3A, %swap3A_235] {strides = array<i32>} : memref<256x128xf32, #tpu.memory_space<vmem>>, vector<1x16xf32>,
      %swap3A_237 = vector.shape_cast %swap3A_236 : vector<1x16xf32> to vector<16xf32>
      %swap3A_238 = vector.shape_cast %max3A : vector<16xf32> to vector<1x16xf32>
      tpu.vector_store %arg9[%swap3A, %swap3A_235], %swap3A_238 {strides = array<i32>} : memref<256x128xf32, #tpu.memory_space<vmem>>, vector<1x16xf32>,
      %get3A_239 = arith.index_cast %scan3A_227 : i32 to index
      %get3A_240 = arith.constant 16 : index
      %get3A_241 = tpu.vector_load %arg9[%get3A_239, %get3A_240] {strides = array<i32>} : memref<256x128xf32, #tpu.memory_space<vmem>>, vector<1x16xf32>,
      %get3A_242 = vector.shape_cast %get3A_241 : vector<1x16xf32> to vector<16xf32>
      %get3A_243 = arith.index_cast %scan3A_227 : i32 to index
      %get3A_244 = arith.constant 16 : index
      %get3A_245 = tpu.vector_load %arg8[%get3A_243, %get3A_244] {strides = array<i32>} : memref<256x128xf32, #tpu.memory_space<vmem>>, vector<1x16xf32>,
      %get3A_246 = vector.shape_cast %get3A_245 : vector<1x16xf32> to vector<16xf32>
      %max3A_247 = arith.maximumf %get3A_242, %get3A_246 : vector<16xf32>
      %swap3A_248 = arith.index_cast %scan3A_227 : i32 to index
      %swap3A_249 = arith.constant 16 : index
      %swap3A_250 = tpu.vector_load %arg9[%swap3A_248, %swap3A_249] {strides = array<i32>} : memref<256x128xf32, #tpu.memory_space<vmem>>, vector<1x16xf32>,
      %swap3A_251 = vector.shape_cast %swap3A_250 : vector<1x16xf32> to vector<16xf32>
      %swap3A_252 = vector.shape_cast %max3A_247 : vector<16xf32> to vector<1x16xf32>
      tpu.vector_store %arg9[%swap3A_248, %swap3A_249], %swap3A_252 {strides = array<i32>} : memref<256x128xf32, #tpu.memory_space<vmem>>, vector<1x16xf32>,
      %get3A_253 = arith.index_cast %scan3A_227 : i32 to index
      %get3A_254 = arith.constant 32 : index
      %get3A_255 = tpu.vector_load %arg9[%get3A_253, %get3A_254] {strides = array<i32>} : memref<256x128xf32, #tpu.memory_space<vmem>>, vector<1x16xf32>,
      %get3A_256 = vector.shape_cast %get3A_255 : vector<1x16xf32> to vector<16xf32>
      %get3A_257 = arith.index_cast %scan3A_227 : i32 to index
      %get3A_258 = arith.constant 32 : index
      %get3A_259 = tpu.vector_load %arg8[%get3A_257, %get3A_258] {strides = array<i32>} : memref<256x128xf32, #tpu.memory_space<vmem>>, vector<1x16xf32>,
      %get3A_260 = vector.shape_cast %get3A_259 : vector<1x16xf32> to vector<16xf32>
      %max3A_261 = arith.maximumf %get3A_256, %get3A_260 : vector<16xf32>
      %swap3A_262 = arith.index_cast %scan3A_227 : i32 to index
      %swap3A_263 = arith.constant 32 : index
      %swap3A_264 = tpu.vector_load %arg9[%swap3A_262, %swap3A_263] {strides = array<i32>} : memref<256x128xf32, #tpu.memory_space<vmem>>, vector<1x16xf32>,
      %swap3A_265 = vector.shape_cast %swap3A_264 : vector<1x16xf32> to vector<16xf32>
      %swap3A_266 = vector.shape_cast %max3A_261 : vector<16xf32> to vector<1x16xf32>
      tpu.vector_store %arg9[%swap3A_262, %swap3A_263], %swap3A_266 {strides = array<i32>} : memref<256x128xf32, #tpu.memory_space<vmem>>, vector<1x16xf32>,
      %get3A_267 = arith.index_cast %scan3A_227 : i32 to index
      %get3A_268 = arith.constant 48 : index
      %get3A_269 = tpu.vector_load %arg9[%get3A_267, %get3A_268] {strides = array<i32>} : memref<256x128xf32, #tpu.memory_space<vmem>>, vector<1x16xf32>,
      %get3A_270 = vector.shape_cast %get3A_269 : vector<1x16xf32> to vector<16xf32>
      %get3A_271 = arith.index_cast %scan3A_227 : i32 to index
      %get3A_272 = arith.constant 48 : index
      %get3A_273 = tpu.vector_load %arg8[%get3A_271, %get3A_272] {strides = array<i32>} : memref<256x128xf32, #tpu.memory_space<vmem>>, vector<1x16xf32>,
      %get3A_274 = vector.shape_cast %get3A_273 : vector<1x16xf32> to vector<16xf32>
      %max3A_275 = arith.maximumf %get3A_270, %get3A_274 : vector<16xf32>
      %swap3A_276 = arith.index_cast %scan3A_227 : i32 to index
      %swap3A_277 = arith.constant 48 : index
      %swap3A_278 = tpu.vector_load %arg9[%swap3A_276, %swap3A_277] {strides = array<i32>} : memref<256x128xf32, #tpu.memory_space<vmem>>, vector<1x16xf32>,
      %swap3A_279 = vector.shape_cast %swap3A_278 : vector<1x16xf32> to vector<16xf32>
      %swap3A_280 = vector.shape_cast %max3A_275 : vector<16xf32> to vector<1x16xf32>
      tpu.vector_store %arg9[%swap3A_276, %swap3A_277], %swap3A_280 {strides = array<i32>} : memref<256x128xf32, #tpu.memory_space<vmem>>, vector<1x16xf32>,
      %get3A_281 = arith.index_cast %scan3A_227 : i32 to index
      %get3A_282 = arith.constant 64 : index
      %get3A_283 = tpu.vector_load %arg9[%get3A_281, %get3A_282] {strides = array<i32>} : memref<256x128xf32, #tpu.memory_space<vmem>>, vector<1x16xf32>,
      %get3A_284 = vector.shape_cast %get3A_283 : vector<1x16xf32> to vector<16xf32>
      %get3A_285 = arith.index_cast %scan3A_227 : i32 to index
      %get3A_286 = arith.constant 64 : index
      %get3A_287 = tpu.vector_load %arg8[%get3A_285, %get3A_286] {strides = array<i32>} : memref<256x128xf32, #tpu.memory_space<vmem>>, vector<1x16xf32>,
      %get3A_288 = vector.shape_cast %get3A_287 : vector<1x16xf32> to vector<16xf32>
      %max3A_289 = arith.maximumf %get3A_284, %get3A_288 : vector<16xf32>
      %swap3A_290 = arith.index_cast %scan3A_227 : i32 to index
      %swap3A_291 = arith.constant 64 : index
      %swap3A_292 = tpu.vector_load %arg9[%swap3A_290, %swap3A_291] {strides = array<i32>} : memref<256x128xf32, #tpu.memory_space<vmem>>, vector<1x16xf32>,
      %swap3A_293 = vector.shape_cast %swap3A_292 : vector<1x16xf32> to vector<16xf32>
      %swap3A_294 = vector.shape_cast %max3A_289 : vector<16xf32> to vector<1x16xf32>
      tpu.vector_store %arg9[%swap3A_290, %swap3A_291], %swap3A_294 {strides = array<i32>} : memref<256x128xf32, #tpu.memory_space<vmem>>, vector<1x16xf32>,
      %get3A_295 = arith.index_cast %scan3A_227 : i32 to index
      %get3A_296 = arith.constant 80 : index
      %get3A_297 = tpu.vector_load %arg9[%get3A_295, %get3A_296] {strides = array<i32>} : memref<256x128xf32, #tpu.memory_space<vmem>>, vector<1x16xf32>,
      %get3A_298 = vector.shape_cast %get3A_297 : vector<1x16xf32> to vector<16xf32>
      %get3A_299 = arith.index_cast %scan3A_227 : i32 to index
      %get3A_300 = arith.constant 80 : index
      %get3A_301 = tpu.vector_load %arg8[%get3A_299, %get3A_300] {strides = array<i32>} : memref<256x128xf32, #tpu.memory_space<vmem>>, vector<1x16xf32>,
      %get3A_302 = vector.shape_cast %get3A_301 : vector<1x16xf32> to vector<16xf32>
      %max3A_303 = arith.maximumf %get3A_298, %get3A_302 : vector<16xf32>
      %swap3A_304 = arith.index_cast %scan3A_227 : i32 to index
      %swap3A_305 = arith.constant 80 : index
      %swap3A_306 = tpu.vector_load %arg9[%swap3A_304, %swap3A_305] {strides = array<i32>} : memref<256x128xf32, #tpu.memory_space<vmem>>, vector<1x16xf32>,
      %swap3A_307 = vector.shape_cast %swap3A_306 : vector<1x16xf32> to vector<16xf32>
      %swap3A_308 = vector.shape_cast %max3A_303 : vector<16xf32> to vector<1x16xf32>
      tpu.vector_store %arg9[%swap3A_304, %swap3A_305], %swap3A_308 {strides = array<i32>} : memref<256x128xf32, #tpu.memory_space<vmem>>, vector<1x16xf32>,
      %get3A_309 = arith.index_cast %scan3A_227 : i32 to index
      %get3A_310 = arith.constant 96 : index
      %get3A_311 = tpu.vector_load %arg9[%get3A_309, %get3A_310] {strides = array<i32>} : memref<256x128xf32, #tpu.memory_space<vmem>>, vector<1x16xf32>,
      %get3A_312 = vector.shape_cast %get3A_311 : vector<1x16xf32> to vector<16xf32>
      %get3A_313 = arith.index_cast %scan3A_227 : i32 to index
      %get3A_314 = arith.constant 96 : index
      %get3A_315 = tpu.vector_load %arg8[%get3A_313, %get3A_314] {strides = array<i32>} : memref<256x128xf32, #tpu.memory_space<vmem>>, vector<1x16xf32>,
      %get3A_316 = vector.shape_cast %get3A_315 : vector<1x16xf32> to vector<16xf32>
      %max3A_317 = arith.maximumf %get3A_312, %get3A_316 : vector<16xf32>
      %swap3A_318 = arith.index_cast %scan3A_227 : i32 to index
      %swap3A_319 = arith.constant 96 : index
      %swap3A_320 = tpu.vector_load %arg9[%swap3A_318, %swap3A_319] {strides = array<i32>} : memref<256x128xf32, #tpu.memory_space<vmem>>, vector<1x16xf32>,
      %swap3A_321 = vector.shape_cast %swap3A_320 : vector<1x16xf32> to vector<16xf32>
      %swap3A_322 = vector.shape_cast %max3A_317 : vector<16xf32> to vector<1x16xf32>
      tpu.vector_store %arg9[%swap3A_318, %swap3A_319], %swap3A_322 {strides = array<i32>} : memref<256x128xf32, #tpu.memory_space<vmem>>, vector<1x16xf32>,
      %get3A_323 = arith.index_cast %scan3A_227 : i32 to index
      %get3A_324 = arith.constant 112 : index
      %get3A_325 = tpu.vector_load %arg9[%get3A_323, %get3A_324] {strides = array<i32>} : memref<256x128xf32, #tpu.memory_space<vmem>>, vector<1x16xf32>,
      %get3A_326 = vector.shape_cast %get3A_325 : vector<1x16xf32> to vector<16xf32>
      %get3A_327 = arith.index_cast %scan3A_227 : i32 to index
      %get3A_328 = arith.constant 112 : index
      %get3A_329 = tpu.vector_load %arg8[%get3A_327, %get3A_328] {strides = array<i32>} : memref<256x128xf32, #tpu.memory_space<vmem>>, vector<1x16xf32>,
      %get3A_330 = vector.shape_cast %get3A_329 : vector<1x16xf32> to vector<16xf32>
      %max3A_331 = arith.maximumf %get3A_326, %get3A_330 : vector<16xf32>
      %swap3A_332 = arith.index_cast %scan3A_227 : i32 to index
      %swap3A_333 = arith.constant 112 : index
      %swap3A_334 = tpu.vector_load %arg9[%swap3A_332, %swap3A_333] {strides = array<i32>} : memref<256x128xf32, #tpu.memory_space<vmem>>, vector<1x16xf32>,
      %swap3A_335 = vector.shape_cast %swap3A_334 : vector<1x16xf32> to vector<16xf32>
      %swap3A_336 = vector.shape_cast %max3A_331 : vector<16xf32> to vector<1x16xf32>
      tpu.vector_store %arg9[%swap3A_332, %swap3A_333], %swap3A_336 {strides = array<i32>} : memref<256x128xf32, #tpu.memory_space<vmem>>, vector<1x16xf32>,
    }
    %scan3A_217 = arith.constant 256 : i32
    %dma_wait3A_218 = arith.constant 0 : i32
    %dma_wait3A_219 = arith.constant 0 : i32
    %dma_wait3A_220 = tpu.memref_slice %arg2[%dma_wait3A_218, %dma_wait3A_219] : memref<16384x128xf32, #tpu.memory_space<hbm>> -> memref<16384x128xf32, #tpu.memory_space<hbm>>
    tpu.wait_indirect_dma semaphore(%arg11 : memref<!tpu.dma_semaphore, #tpu.memory_space<semaphore_mem>>) src(%dma_wait3A_220 : memref<16384x128xf32, #tpu.memory_space<hbm>>) dst(%arg7 : memref<256x128xf32, #tpu.memory_space<vmem>>)
    %scan3A_221 = arith.constant 0 : i32
    %scan3A_222 = arith.constant 0 : i32
    %scan3A_223 = arith.constant 256 : i32
    %scan3A_224 = arith.addi %scan3A_222, %scan3A_223 : i32
    %scan3A_225 = arith.constant 1 : i32
    scf.for %scan3A_227 = %scan3A_222 to %scan3A_224 step %scan3A_225  : i32 {
      %get3A = arith.index_cast %scan3A_227 : i32 to index
      %get3A_228 = arith.constant 0 : index
      %get3A_229 = tpu.vector_load %arg9[%get3A, %get3A_228] {strides = array<i32>} : memref<256x128xf32, #tpu.memory_space<vmem>>, vector<1x16xf32>,
      %get3A_230 = vector.shape_cast %get3A_229 : vector<1x16xf32> to vector<16xf32>
      %get3A_231 = arith.index_cast %scan3A_227 : i32 to index
      %get3A_232 = arith.constant 0 : index
      %get3A_233 = tpu.vector_load %arg7[%get3A_231, %get3A_232] {strides = array<i32>} : memref<256x128xf32, #tpu.memory_space<vmem>>, vector<1x16xf32>,
      %get3A_234 = vector.shape_cast %get3A_233 : vector<1x16xf32> to vector<16xf32>
      %max3A = arith.maximumf %get3A_230, %get3A_234 : vector<16xf32>
      %swap3A = arith.index_cast %scan3A_227 : i32 to index
      %swap3A_235 = arith.constant 0 : index
      %swap3A_236 = tpu.vector_load %arg9[%swap3A, %swap3A_235] {strides = array<i32>} : memref<256x128xf32, #tpu.memory_space<vmem>>, vector<1x16xf32>,
      %swap3A_237 = vector.shape_cast %swap3A_236 : vector<1x16xf32> to vector<16xf32>
      %swap3A_238 = vector.shape_cast %max3A : vector<16xf32> to vector<1x16xf32>
      tpu.vector_store %arg9[%swap3A, %swap3A_235], %swap3A_238 {strides = array<i32>} : memref<256x128xf32, #tpu.memory_space<vmem>>, vector<1x16xf32>,
      %get3A_239 = arith.index_cast %scan3A_227 : i32 to index
      %get3A_240 = arith.constant 16 : index
      %get3A_241 = tpu.vector_load %arg9[%get3A_239, %get3A_240] {strides = array<i32>} : memref<256x128xf32, #tpu.memory_space<vmem>>, vector<1x16xf32>,
      %get3A_242 = vector.shape_cast %get3A_241 : vector<1x16xf32> to vector<16xf32>
      %get3A_243 = arith.index_cast %scan3A_227 : i32 to index
      %get3A_244 = arith.constant 16 : index
      %get3A_245 = tpu.vector_load %arg7[%get3A_243, %get3A_244] {strides = array<i32>} : memref<256x128xf32, #tpu.memory_space<vmem>>, vector<1x16xf32>,
      %get3A_246 = vector.shape_cast %get3A_245 : vector<1x16xf32> to vector<16xf32>
      %max3A_247 = arith.maximumf %get3A_242, %get3A_246 : vector<16xf32>
      %swap3A_248 = arith.index_cast %scan3A_227 : i32 to index
      %swap3A_249 = arith.constant 16 : index
      %swap3A_250 = tpu.vector_load %arg9[%swap3A_248, %swap3A_249] {strides = array<i32>} : memref<256x128xf32, #tpu.memory_space<vmem>>, vector<1x16xf32>,
      %swap3A_251 = vector.shape_cast %swap3A_250 : vector<1x16xf32> to vector<16xf32>
      %swap3A_252 = vector.shape_cast %max3A_247 : vector<16xf32> to vector<1x16xf32>
      tpu.vector_store %arg9[%swap3A_248, %swap3A_249], %swap3A_252 {strides = array<i32>} : memref<256x128xf32, #tpu.memory_space<vmem>>, vector<1x16xf32>,
      %get3A_253 = arith.index_cast %scan3A_227 : i32 to index
      %get3A_254 = arith.constant 32 : index
      %get3A_255 = tpu.vector_load %arg9[%get3A_253, %get3A_254] {strides = array<i32>} : memref<256x128xf32, #tpu.memory_space<vmem>>, vector<1x16xf32>,
      %get3A_256 = vector.shape_cast %get3A_255 : vector<1x16xf32> to vector<16xf32>
      %get3A_257 = arith.index_cast %scan3A_227 : i32 to index
      %get3A_258 = arith.constant 32 : index
      %get3A_259 = tpu.vector_load %arg7[%get3A_257, %get3A_258] {strides = array<i32>} : memref<256x128xf32, #tpu.memory_space<vmem>>, vector<1x16xf32>,
      %get3A_260 = vector.shape_cast %get3A_259 : vector<1x16xf32> to vector<16xf32>
      %max3A_261 = arith.maximumf %get3A_256, %get3A_260 : vector<16xf32>
      %swap3A_262 = arith.index_cast %scan3A_227 : i32 to index
      %swap3A_263 = arith.constant 32 : index
      %swap3A_264 = tpu.vector_load %arg9[%swap3A_262, %swap3A_263] {strides = array<i32>} : memref<256x128xf32, #tpu.memory_space<vmem>>, vector<1x16xf32>,
      %swap3A_265 = vector.shape_cast %swap3A_264 : vector<1x16xf32> to vector<16xf32>
      %swap3A_266 = vector.shape_cast %max3A_261 : vector<16xf32> to vector<1x16xf32>
      tpu.vector_store %arg9[%swap3A_262, %swap3A_263], %swap3A_266 {strides = array<i32>} : memref<256x128xf32, #tpu.memory_space<vmem>>, vector<1x16xf32>,
      %get3A_267 = arith.index_cast %scan3A_227 : i32 to index
      %get3A_268 = arith.constant 48 : index
      %get3A_269 = tpu.vector_load %arg9[%get3A_267, %get3A_268] {strides = array<i32>} : memref<256x128xf32, #tpu.memory_space<vmem>>, vector<1x16xf32>,
      %get3A_270 = vector.shape_cast %get3A_269 : vector<1x16xf32> to vector<16xf32>
      %get3A_271 = arith.index_cast %scan3A_227 : i32 to index
      %get3A_272 = arith.constant 48 : index
      %get3A_273 = tpu.vector_load %arg7[%get3A_271, %get3A_272] {strides = array<i32>} : memref<256x128xf32, #tpu.memory_space<vmem>>, vector<1x16xf32>,
      %get3A_274 = vector.shape_cast %get3A_273 : vector<1x16xf32> to vector<16xf32>
      %max3A_275 = arith.maximumf %get3A_270, %get3A_274 : vector<16xf32>
      %swap3A_276 = arith.index_cast %scan3A_227 : i32 to index
      %swap3A_277 = arith.constant 48 : index
      %swap3A_278 = tpu.vector_load %arg9[%swap3A_276, %swap3A_277] {strides = array<i32>} : memref<256x128xf32, #tpu.memory_space<vmem>>, vector<1x16xf32>,
      %swap3A_279 = vector.shape_cast %swap3A_278 : vector<1x16xf32> to vector<16xf32>
      %swap3A_280 = vector.shape_cast %max3A_275 : vector<16xf32> to vector<1x16xf32>
      tpu.vector_store %arg9[%swap3A_276, %swap3A_277], %swap3A_280 {strides = array<i32>} : memref<256x128xf32, #tpu.memory_space<vmem>>, vector<1x16xf32>,
      %get3A_281 = arith.index_cast %scan3A_227 : i32 to index
      %get3A_282 = arith.constant 64 : index
      %get3A_283 = tpu.vector_load %arg9[%get3A_281, %get3A_282] {strides = array<i32>} : memref<256x128xf32, #tpu.memory_space<vmem>>, vector<1x16xf32>,
      %get3A_284 = vector.shape_cast %get3A_283 : vector<1x16xf32> to vector<16xf32>
      %get3A_285 = arith.index_cast %scan3A_227 : i32 to index
      %get3A_286 = arith.constant 64 : index
      %get3A_287 = tpu.vector_load %arg7[%get3A_285, %get3A_286] {strides = array<i32>} : memref<256x128xf32, #tpu.memory_space<vmem>>, vector<1x16xf32>,
      %get3A_288 = vector.shape_cast %get3A_287 : vector<1x16xf32> to vector<16xf32>
      %max3A_289 = arith.maximumf %get3A_284, %get3A_288 : vector<16xf32>
      %swap3A_290 = arith.index_cast %scan3A_227 : i32 to index
      %swap3A_291 = arith.constant 64 : index
      %swap3A_292 = tpu.vector_load %arg9[%swap3A_290, %swap3A_291] {strides = array<i32>} : memref<256x128xf32, #tpu.memory_space<vmem>>, vector<1x16xf32>,
      %swap3A_293 = vector.shape_cast %swap3A_292 : vector<1x16xf32> to vector<16xf32>
      %swap3A_294 = vector.shape_cast %max3A_289 : vector<16xf32> to vector<1x16xf32>
      tpu.vector_store %arg9[%swap3A_290, %swap3A_291], %swap3A_294 {strides = array<i32>} : memref<256x128xf32, #tpu.memory_space<vmem>>, vector<1x16xf32>,
      %get3A_295 = arith.index_cast %scan3A_227 : i32 to index
      %get3A_296 = arith.constant 80 : index
      %get3A_297 = tpu.vector_load %arg9[%get3A_295, %get3A_296] {strides = array<i32>} : memref<256x128xf32, #tpu.memory_space<vmem>>, vector<1x16xf32>,
      %get3A_298 = vector.shape_cast %get3A_297 : vector<1x16xf32> to vector<16xf32>
      %get3A_299 = arith.index_cast %scan3A_227 : i32 to index
      %get3A_300 = arith.constant 80 : index
      %get3A_301 = tpu.vector_load %arg7[%get3A_299, %get3A_300] {strides = array<i32>} : memref<256x128xf32, #tpu.memory_space<vmem>>, vector<1x16xf32>,
      %get3A_302 = vector.shape_cast %get3A_301 : vector<1x16xf32> to vector<16xf32>
      %max3A_303 = arith.maximumf %get3A_298, %get3A_302 : vector<16xf32>
      %swap3A_304 = arith.index_cast %scan3A_227 : i32 to index
      %swap3A_305 = arith.constant 80 : index
      %swap3A_306 = tpu.vector_load %arg9[%swap3A_304, %swap3A_305] {strides = array<i32>} : memref<256x128xf32, #tpu.memory_space<vmem>>, vector<1x16xf32>,
      %swap3A_307 = vector.shape_cast %swap3A_306 : vector<1x16xf32> to vector<16xf32>
      %swap3A_308 = vector.shape_cast %max3A_303 : vector<16xf32> to vector<1x16xf32>
      tpu.vector_store %arg9[%swap3A_304, %swap3A_305], %swap3A_308 {strides = array<i32>} : memref<256x128xf32, #tpu.memory_space<vmem>>, vector<1x16xf32>,
      %get3A_309 = arith.index_cast %scan3A_227 : i32 to index
      %get3A_310 = arith.constant 96 : index
      %get3A_311 = tpu.vector_load %arg9[%get3A_309, %get3A_310] {strides = array<i32>} : memref<256x128xf32, #tpu.memory_space<vmem>>, vector<1x16xf32>,
      %get3A_312 = vector.shape_cast %get3A_311 : vector<1x16xf32> to vector<16xf32>
      %get3A_313 = arith.index_cast %scan3A_227 : i32 to index
      %get3A_314 = arith.constant 96 : index
      %get3A_315 = tpu.vector_load %arg7[%get3A_313, %get3A_314] {strides = array<i32>} : memref<256x128xf32, #tpu.memory_space<vmem>>, vector<1x16xf32>,
      %get3A_316 = vector.shape_cast %get3A_315 : vector<1x16xf32> to vector<16xf32>
      %max3A_317 = arith.maximumf %get3A_312, %get3A_316 : vector<16xf32>
      %swap3A_318 = arith.index_cast %scan3A_227 : i32 to index
      %swap3A_319 = arith.constant 96 : index
      %swap3A_320 = tpu.vector_load %arg9[%swap3A_318, %swap3A_319] {strides = array<i32>} : memref<256x128xf32, #tpu.memory_space<vmem>>, vector<1x16xf32>,
      %swap3A_321 = vector.shape_cast %swap3A_320 : vector<1x16xf32> to vector<16xf32>
      %swap3A_322 = vector.shape_cast %max3A_317 : vector<16xf32> to vector<1x16xf32>
      tpu.vector_store %arg9[%swap3A_318, %swap3A_319], %swap3A_322 {strides = array<i32>} : memref<256x128xf32, #tpu.memory_space<vmem>>, vector<1x16xf32>,
      %get3A_323 = arith.index_cast %scan3A_227 : i32 to index
      %get3A_324 = arith.constant 112 : index
      %get3A_325 = tpu.vector_load %arg9[%get3A_323, %get3A_324] {strides = array<i32>} : memref<256x128xf32, #tpu.memory_space<vmem>>, vector<1x16xf32>,
      %get3A_326 = vector.shape_cast %get3A_325 : vector<1x16xf32> to vector<16xf32>
      %get3A_327 = arith.index_cast %scan3A_227 : i32 to index
      %get3A_328 = arith.constant 112 : index
      %get3A_329 = tpu.vector_load %arg7[%get3A_327, %get3A_328] {strides = array<i32>} : memref<256x128xf32, #tpu.memory_space<vmem>>, vector<1x16xf32>,
      %get3A_330 = vector.shape_cast %get3A_329 : vector<1x16xf32> to vector<16xf32>
      %max3A_331 = arith.maximumf %get3A_326, %get3A_330 : vector<16xf32>
      %swap3A_332 = arith.index_cast %scan3A_227 : i32 to index
      %swap3A_333 = arith.constant 112 : index
      %swap3A_334 = tpu.vector_load %arg9[%swap3A_332, %swap3A_333] {strides = array<i32>} : memref<256x128xf32, #tpu.memory_space<vmem>>, vector<1x16xf32>,
      %swap3A_335 = vector.shape_cast %swap3A_334 : vector<1x16xf32> to vector<16xf32>
      %swap3A_336 = vector.shape_cast %max3A_331 : vector<16xf32> to vector<1x16xf32>
      tpu.vector_store %arg9[%swap3A_332, %swap3A_333], %swap3A_336 {strides = array<i32>} : memref<256x128xf32, #tpu.memory_space<vmem>>, vector<1x16xf32>,
    }
    %scan3A_226 = arith.constant 256 : i32
    "tpu.region"() ({
      %run_scoped3A_227 = tpu.sem_alloc : memref<!tpu.dma_semaphore, #tpu.memory_space<semaphore_mem>>
      %dma_start3A_228 = arith.constant 0 : i32
      %dma_start3A_229 = tpu.memref_slice %arg4[%add3A_115, %dma_start3A_228] : memref<16384x128xf32, #tpu.memory_space<hbm>> -> memref<256x128xf32, #tpu.memory_space<hbm>>
      %dma_start3A_230 = arith.constant 0 : i32
      %dma_start3A_231 = tpu.memref_slice %arg4[%add3A_115, %dma_start3A_230] : memref<16384x128xf32, #tpu.memory_space<hbm>> -> memref<256x128xf32, #tpu.memory_space<hbm>>
      tpu.enqueue_dma source(%arg9 : memref<256x128xf32, #tpu.memory_space<vmem>>) target(%dma_start3A_231 : memref<256x128xf32, #tpu.memory_space<hbm>>) target_semaphore(%run_scoped3A_227 : memref<!tpu.dma_semaphore, #tpu.memory_space<semaphore_mem>>)
      %dma_wait3A_232 = arith.constant 0 : i32
      %dma_wait3A_233 = tpu.memref_slice %arg4[%add3A_115, %dma_wait3A_232] : memref<16384x128xf32, #tpu.memory_space<hbm>> -> memref<256x128xf32, #tpu.memory_space<hbm>>
      %dma_wait3A_234 = arith.constant 0 : i32
      %dma_wait3A_235 = tpu.memref_slice %arg4[%add3A_115, %dma_wait3A_234] : memref<16384x128xf32, #tpu.memory_space<hbm>> -> memref<256x128xf32, #tpu.memory_space<hbm>>
      tpu.wait_dma2 semaphore(%run_scoped3A_227 : memref<!tpu.dma_semaphore, #tpu.memory_space<semaphore_mem>>) src(%arg9 : memref<256x128xf32, #tpu.memory_space<vmem>>) dst(%dma_wait3A_235 : memref<256x128xf32, #tpu.memory_space<hbm>>)
      tpu.yield
    }) : () -> ()
    return
  }
}

module attributes {stable_mosaic.version = 14 : i64} {
  func.func @_out_body(%arg0: i32, %arg1: memref<256x128xf32, #tpu.memory_space<vmem>>, %arg2: memref<256x128xf32, #tpu.memory_space<vmem>>, %arg3: memref<256x128xf32, #tpu.memory_space<vmem>>, %arg4: memref<1x128xf32, #tpu.memory_space<vmem>>, %arg5: memref<256x128xf32, #tpu.memory_space<vmem>>) attributes {dimension_semantics = [#tpu.dimension_semantics<arbitrary>], iteration_bounds = array<i64: 64>, scalar_prefetch = 0 : i64, scratch_operands = 0 : i64, tpu.core_type = #tpu.core_type<tc>, window_params = [{transform_indices = @transform_0, window_bounds = array<i64: 256, 128>}, {transform_indices = @transform_1, window_bounds = array<i64: 256, 128>}, {pipeline_mode = #tpu.pipeline_mode<synchronous>, transform_indices = @transform_2, window_bounds = array<i64: 256, 128>}, {pipeline_mode = #tpu.pipeline_mode<synchronous>, transform_indices = @transform_3, window_bounds = array<i64: 1, 128>}, {transform_indices = @transform_4, window_bounds = array<i64: 256, 128>}]} {
    %get3A = arith.constant 0 : index
    %get3A_0 = arith.constant 0 : index
    %get3A_1 = vector.load %arg3[%get3A, %get3A_0] : memref<256x128xf32, #tpu.memory_space<vmem>>, vector<128x128xf32>
    %get3A_2 = arith.constant 128 : index
    %get3A_3 = arith.constant 0 : index
    %get3A_4 = vector.load %arg3[%get3A_2, %get3A_3] : memref<256x128xf32, #tpu.memory_space<vmem>>, vector<128x128xf32>
    %get3A_5 = arith.constant 0 : index
    %get3A_6 = arith.constant 0 : index
    %get3A_7 = vector.load %arg1[%get3A_5, %get3A_6] : memref<256x128xf32, #tpu.memory_space<vmem>>, vector<256x128xf32>
    %sub3A = arith.subf %get3A_1, %get3A_4 : vector<128x128xf32>
    %dot_general3A = arith.constant dense<0.000000e+00> : vector<256x128xf32>
    %dot_general3A_8 = tpu.matmul %get3A_7, %sub3A, %dot_general3A {dimension_numbers = #tpu.dot_dimension_numbers<[1], [0], [0], [1], [0, 0, 1, 1], [], []>, transpose_lhs_hint = false} : vector<256x128xf32>, vector<128x128xf32>, vector<256x128xf32> -> vector<256x128xf32>
    %get3A_9 = arith.constant 0 : index
    %get3A_10 = arith.constant 0 : index
    %get3A_11 = vector.load %arg2[%get3A_9, %get3A_10] : memref<256x128xf32, #tpu.memory_space<vmem>>, vector<256x128xf32>
    %dot_general3A_12 = arith.constant dense<0.000000e+00> : vector<256x128xf32>
    %dot_general3A_13 = tpu.matmul %get3A_11, %get3A_4, %dot_general3A_12 {dimension_numbers = #tpu.dot_dimension_numbers<[1], [0], [0], [1], [0, 0, 1, 1], [], []>, transpose_lhs_hint = false} : vector<256x128xf32>, vector<128x128xf32>, vector<256x128xf32> -> vector<256x128xf32>
    %add3A = arith.addf %dot_general3A_8, %dot_general3A_13 : vector<256x128xf32>
    %get3A_14 = arith.constant 0 : index
    %get3A_15 = arith.constant 0 : index
    %get3A_16 = vector.load %arg4[%get3A_14, %get3A_15] : memref<1x128xf32, #tpu.memory_space<vmem>>, vector<1x128xf32>
    %add3A_17 = vector.broadcast %get3A_16 : vector<1x128xf32> to vector<256x128xf32>
    %add3A_18 = arith.addf %add3A, %add3A_17 : vector<256x128xf32>
    %swap3A = arith.constant 0 : index
    %swap3A_19 = arith.constant 0 : index
    %swap3A_20 = vector.load %arg5[%swap3A, %swap3A_19] : memref<256x128xf32, #tpu.memory_space<vmem>>, vector<256x128xf32>
    tpu.vector_store %arg5[%swap3A, %swap3A_19], %add3A_18 {strides = array<i32>} : memref<256x128xf32, #tpu.memory_space<vmem>>, vector<256x128xf32>,
    return
  }
  func.func @transform_0(%arg0: i32) -> (i32, i32) {
    %c0_i32 = arith.constant 0 : i32
    %c0_i32_0 = arith.constant 0 : i32
    return %arg0, %c0_i32 : i32, i32
  }
  func.func @transform_1(%arg0: i32) -> (i32, i32) {
    %c0_i32 = arith.constant 0 : i32
    %c0_i32_0 = arith.constant 0 : i32
    return %arg0, %c0_i32 : i32, i32
  }
  func.func @transform_2(%arg0: i32) -> (i32, i32) {
    %c0_i32 = arith.constant 0 : i32
    %c0_i32_0 = arith.constant 0 : i32
    %c0_i32_1 = arith.constant 0 : i32
    return %c0_i32, %c0_i32_0 : i32, i32
  }
  func.func @transform_3(%arg0: i32) -> (i32, i32) {
    %c0_i32 = arith.constant 0 : i32
    %c0_i32_0 = arith.constant 0 : i32
    %c0_i32_1 = arith.constant 0 : i32
    return %c0_i32, %c0_i32_0 : i32, i32
  }
  func.func @transform_4(%arg0: i32) -> (i32, i32) {
    %c0_i32 = arith.constant 0 : i32
    %c0_i32_0 = arith.constant 0 : i32
    return %arg0, %c0_i32 : i32, i32
  }
}

module attributes {stable_mosaic.version = 14 : i64} {
  func.func @_knn_body(%arg0: i32, %arg1: memref<256x128xf32, #tpu.memory_space<vmem>>, %arg2: memref<16384x128xf32, #tpu.memory_space<vmem>>, %arg3: memref<320x128xf32, #tpu.memory_space<vmem>>, %arg4: memref<16x256xi32, #tpu.memory_space<vmem>>, %arg5: memref<256x128xf32, #tpu.memory_space<vmem>>, %arg6: memref<1x16384xf32, #tpu.memory_space<vmem>>) attributes {dimension_semantics = [#tpu.dimension_semantics<arbitrary>], iteration_bounds = array<i64: 64>, scalar_prefetch = 0 : i64, scratch_operands = 1 : i64, tpu.core_type = #tpu.core_type<tc>, window_params = [{transform_indices = @transform_0, window_bounds = array<i64: 256, 128>}, {pipeline_mode = #tpu.pipeline_mode<synchronous>, transform_indices = @transform_1, window_bounds = array<i64: 16384, 128>}, {pipeline_mode = #tpu.pipeline_mode<synchronous>, transform_indices = @transform_2, window_bounds = array<i64: 320, 128>}, {transform_indices = @transform_3, window_bounds = array<i64: 16, 256>}, {transform_indices = @transform_4, window_bounds = array<i64: 256, 128>}]} {
    %get3A = arith.constant 0 : index
    %get3A_0 = arith.constant 0 : index
    %get3A_1 = vector.load %arg1[%get3A, %get3A_0] : memref<256x128xf32, #tpu.memory_space<vmem>>, vector<256x128xf32>
    %get3A_2 = arith.constant 0 : index
    %get3A_3 = arith.constant 0 : index
    %get3A_4 = vector.load %arg2[%get3A_2, %get3A_3] : memref<16384x128xf32, #tpu.memory_space<vmem>>, vector<16384x128xf32>
    %eq3A = arith.constant 0 : i32
    %eq3A_5 = arith.cmpi eq, %arg0, %eq3A : i32
    %convert_element_type3A = arith.extui %eq3A_5 : i1 to i32
    %cond3A = arith.constant 0 : i32
    %cond3A_6 = arith.cmpi ne, %convert_element_type3A, %cond3A : i32
    scf.if %cond3A_6 {
      %mul3A_378 = arith.mulf %get3A_4, %get3A_4 : vector<16384x128xf32>
      %reduce_sum3A = arith.constant dense<0.000000e+00> : vector<16384xf32>
      %reduce_sum3A_379 = vector.multi_reduction <add>, %mul3A_378, %reduce_sum3A [1] : vector<16384x128xf32> to vector<16384xf32>
      %broadcast_in_dim3A_380 = vector.shape_cast %reduce_sum3A_379 : vector<16384xf32> to vector<1x16384xf32>
      %swap3A_381 = arith.constant 0 : index
      %swap3A_382 = arith.constant 0 : index
      %swap3A_383 = vector.load %arg6[%swap3A_381, %swap3A_382] : memref<1x16384xf32, #tpu.memory_space<vmem>>, vector<1x16384xf32>
      tpu.vector_store %arg6[%swap3A_381, %swap3A_382], %broadcast_in_dim3A_380 {strides = array<i32>} : memref<1x16384xf32, #tpu.memory_space<vmem>>, vector<1x16384xf32>,
    } else {
    }
    %get3A_7 = arith.constant 0 : index
    %get3A_8 = arith.constant 0 : index
    %get3A_9 = vector.load %arg6[%get3A_7, %get3A_8] : memref<1x16384xf32, #tpu.memory_space<vmem>>, vector<1x16384xf32>
    %add3A = arith.addf %get3A_1, %get3A_1 : vector<256x128xf32>
    %dot_general3A = arith.constant dense<0.000000e+00> : vector<256x16384xf32>
    %dot_general3A_10 = tpu.matmul %add3A, %get3A_4, %dot_general3A {dimension_numbers = #tpu.dot_dimension_numbers<[1], [1], [0], [0], [0, 0, 1, 0], [], []>, transpose_lhs_hint = false} : vector<256x128xf32>, vector<16384x128xf32>, vector<256x16384xf32> -> vector<256x16384xf32>
    %sub3A = vector.broadcast %get3A_9 : vector<1x16384xf32> to vector<256x16384xf32>
    %sub3A_11 = arith.subf %sub3A, %dot_general3A_10 : vector<256x16384xf32>
    %iota3A = tpu.iota {dimensions = array<i32: 1>} : vector<256x16384xi32>
    %slice3A = vector.extract_strided_slice %sub3A_11 {offsets = [0, 0], sizes = [256, 8192], strides = [1, 1]} : vector<256x16384xf32> to vector<256x8192xf32>
    %slice3A_12 = vector.extract_strided_slice %sub3A_11 {offsets = [0, 8192], sizes = [256, 8192], strides = [1, 1]} : vector<256x16384xf32> to vector<256x8192xf32>
    %slice3A_13 = vector.extract_strided_slice %iota3A {offsets = [0, 0], sizes = [256, 8192], strides = [1, 1]} : vector<256x16384xi32> to vector<256x8192xi32>
    %slice3A_14 = vector.extract_strided_slice %iota3A {offsets = [0, 8192], sizes = [256, 8192], strides = [1, 1]} : vector<256x16384xi32> to vector<256x8192xi32>
    %le3A = arith.cmpf ole, %slice3A, %slice3A_12 : vector<256x8192xf32>
    %select_n3A = arith.select %le3A, %slice3A, %slice3A_12 : vector<256x8192xi1>, vector<256x8192xf32>
    %select_n3A_15 = arith.select %le3A, %slice3A_12, %slice3A : vector<256x8192xi1>, vector<256x8192xf32>
    %select_n3A_16 = arith.select %le3A, %slice3A_13, %slice3A_14 : vector<256x8192xi1>, vector<256x8192xi32>
    %select_n3A_17 = arith.select %le3A, %slice3A_14, %slice3A_13 : vector<256x8192xi1>, vector<256x8192xi32>
    %slice3A_18 = vector.extract_strided_slice %select_n3A {offsets = [0, 0], sizes = [256, 4096], strides = [1, 1]} : vector<256x8192xf32> to vector<256x4096xf32>
    %slice3A_19 = vector.extract_strided_slice %select_n3A {offsets = [0, 4096], sizes = [256, 4096], strides = [1, 1]} : vector<256x8192xf32> to vector<256x4096xf32>
    %slice3A_20 = vector.extract_strided_slice %select_n3A_15 {offsets = [0, 0], sizes = [256, 4096], strides = [1, 1]} : vector<256x8192xf32> to vector<256x4096xf32>
    %slice3A_21 = vector.extract_strided_slice %select_n3A_15 {offsets = [0, 4096], sizes = [256, 4096], strides = [1, 1]} : vector<256x8192xf32> to vector<256x4096xf32>
    %slice3A_22 = vector.extract_strided_slice %select_n3A_16 {offsets = [0, 0], sizes = [256, 4096], strides = [1, 1]} : vector<256x8192xi32> to vector<256x4096xi32>
    %slice3A_23 = vector.extract_strided_slice %select_n3A_16 {offsets = [0, 4096], sizes = [256, 4096], strides = [1, 1]} : vector<256x8192xi32> to vector<256x4096xi32>
    %slice3A_24 = vector.extract_strided_slice %select_n3A_17 {offsets = [0, 0], sizes = [256, 4096], strides = [1, 1]} : vector<256x8192xi32> to vector<256x4096xi32>
    %slice3A_25 = vector.extract_strided_slice %select_n3A_17 {offsets = [0, 4096], sizes = [256, 4096], strides = [1, 1]} : vector<256x8192xi32> to vector<256x4096xi32>
    %le3A_26 = arith.cmpf ole, %slice3A_18, %slice3A_19 : vector<256x4096xf32>
    %select_n3A_27 = arith.select %le3A_26, %slice3A_18, %slice3A_19 : vector<256x4096xi1>, vector<256x4096xf32>
    %select_n3A_28 = arith.select %le3A_26, %slice3A_22, %slice3A_23 : vector<256x4096xi1>, vector<256x4096xi32>
    %select_n3A_29 = arith.select %le3A_26, %slice3A_19, %slice3A_18 : vector<256x4096xi1>, vector<256x4096xf32>
    %select_n3A_30 = arith.select %le3A_26, %slice3A_23, %slice3A_22 : vector<256x4096xi1>, vector<256x4096xi32>
    %le3A_31 = arith.cmpf ole, %slice3A_20, %slice3A_21 : vector<256x4096xf32>
    %select_n3A_32 = arith.select %le3A_31, %slice3A_20, %slice3A_21 : vector<256x4096xi1>, vector<256x4096xf32>
    %select_n3A_33 = arith.select %le3A_31, %slice3A_24, %slice3A_25 : vector<256x4096xi1>, vector<256x4096xi32>
    %le3A_34 = arith.cmpf ole, %select_n3A_29, %select_n3A_32 : vector<256x4096xf32>
    %select_n3A_35 = arith.select %le3A_34, %select_n3A_29, %select_n3A_32 : vector<256x4096xi1>, vector<256x4096xf32>
    %select_n3A_36 = arith.select %le3A_34, %select_n3A_30, %select_n3A_33 : vector<256x4096xi1>, vector<256x4096xi32>
    %slice3A_37 = vector.extract_strided_slice %select_n3A_27 {offsets = [0, 0], sizes = [256, 2048], strides = [1, 1]} : vector<256x4096xf32> to vector<256x2048xf32>
    %slice3A_38 = vector.extract_strided_slice %select_n3A_27 {offsets = [0, 2048], sizes = [256, 2048], strides = [1, 1]} : vector<256x4096xf32> to vector<256x2048xf32>
    %slice3A_39 = vector.extract_strided_slice %select_n3A_35 {offsets = [0, 0], sizes = [256, 2048], strides = [1, 1]} : vector<256x4096xf32> to vector<256x2048xf32>
    %slice3A_40 = vector.extract_strided_slice %select_n3A_35 {offsets = [0, 2048], sizes = [256, 2048], strides = [1, 1]} : vector<256x4096xf32> to vector<256x2048xf32>
    %slice3A_41 = vector.extract_strided_slice %select_n3A_28 {offsets = [0, 0], sizes = [256, 2048], strides = [1, 1]} : vector<256x4096xi32> to vector<256x2048xi32>
    %slice3A_42 = vector.extract_strided_slice %select_n3A_28 {offsets = [0, 2048], sizes = [256, 2048], strides = [1, 1]} : vector<256x4096xi32> to vector<256x2048xi32>
    %slice3A_43 = vector.extract_strided_slice %select_n3A_36 {offsets = [0, 0], sizes = [256, 2048], strides = [1, 1]} : vector<256x4096xi32> to vector<256x2048xi32>
    %slice3A_44 = vector.extract_strided_slice %select_n3A_36 {offsets = [0, 2048], sizes = [256, 2048], strides = [1, 1]} : vector<256x4096xi32> to vector<256x2048xi32>
    %le3A_45 = arith.cmpf ole, %slice3A_37, %slice3A_38 : vector<256x2048xf32>
    %select_n3A_46 = arith.select %le3A_45, %slice3A_37, %slice3A_38 : vector<256x2048xi1>, vector<256x2048xf32>
    %select_n3A_47 = arith.select %le3A_45, %slice3A_41, %slice3A_42 : vector<256x2048xi1>, vector<256x2048xi32>
    %select_n3A_48 = arith.select %le3A_45, %slice3A_38, %slice3A_37 : vector<256x2048xi1>, vector<256x2048xf32>
    %select_n3A_49 = arith.select %le3A_45, %slice3A_42, %slice3A_41 : vector<256x2048xi1>, vector<256x2048xi32>
    %le3A_50 = arith.cmpf ole, %slice3A_39, %slice3A_40 : vector<256x2048xf32>
    %select_n3A_51 = arith.select %le3A_50, %slice3A_39, %slice3A_40 : vector<256x2048xi1>, vector<256x2048xf32>
    %select_n3A_52 = arith.select %le3A_50, %slice3A_43, %slice3A_44 : vector<256x2048xi1>, vector<256x2048xi32>
    %le3A_53 = arith.cmpf ole, %select_n3A_48, %select_n3A_51 : vector<256x2048xf32>
    %select_n3A_54 = arith.select %le3A_53, %select_n3A_48, %select_n3A_51 : vector<256x2048xi1>, vector<256x2048xf32>
    %select_n3A_55 = arith.select %le3A_53, %select_n3A_49, %select_n3A_52 : vector<256x2048xi1>, vector<256x2048xi32>
    %slice3A_56 = vector.extract_strided_slice %select_n3A_46 {offsets = [0, 0], sizes = [256, 1024], strides = [1, 1]} : vector<256x2048xf32> to vector<256x1024xf32>
    %slice3A_57 = vector.extract_strided_slice %select_n3A_46 {offsets = [0, 1024], sizes = [256, 1024], strides = [1, 1]} : vector<256x2048xf32> to vector<256x1024xf32>
    %slice3A_58 = vector.extract_strided_slice %select_n3A_54 {offsets = [0, 0], sizes = [256, 1024], strides = [1, 1]} : vector<256x2048xf32> to vector<256x1024xf32>
    %slice3A_59 = vector.extract_strided_slice %select_n3A_54 {offsets = [0, 1024], sizes = [256, 1024], strides = [1, 1]} : vector<256x2048xf32> to vector<256x1024xf32>
    %slice3A_60 = vector.extract_strided_slice %select_n3A_47 {offsets = [0, 0], sizes = [256, 1024], strides = [1, 1]} : vector<256x2048xi32> to vector<256x1024xi32>
    %slice3A_61 = vector.extract_strided_slice %select_n3A_47 {offsets = [0, 1024], sizes = [256, 1024], strides = [1, 1]} : vector<256x2048xi32> to vector<256x1024xi32>
    %slice3A_62 = vector.extract_strided_slice %select_n3A_55 {offsets = [0, 0], sizes = [256, 1024], strides = [1, 1]} : vector<256x2048xi32> to vector<256x1024xi32>
    %slice3A_63 = vector.extract_strided_slice %select_n3A_55 {offsets = [0, 1024], sizes = [256, 1024], strides = [1, 1]} : vector<256x2048xi32> to vector<256x1024xi32>
    %le3A_64 = arith.cmpf ole, %slice3A_56, %slice3A_57 : vector<256x1024xf32>
    %select_n3A_65 = arith.select %le3A_64, %slice3A_56, %slice3A_57 : vector<256x1024xi1>, vector<256x1024xf32>
    %select_n3A_66 = arith.select %le3A_64, %slice3A_60, %slice3A_61 : vector<256x1024xi1>, vector<256x1024xi32>
    %select_n3A_67 = arith.select %le3A_64, %slice3A_57, %slice3A_56 : vector<256x1024xi1>, vector<256x1024xf32>
    %select_n3A_68 = arith.select %le3A_64, %slice3A_61, %slice3A_60 : vector<256x1024xi1>, vector<256x1024xi32>
    %le3A_69 = arith.cmpf ole, %slice3A_58, %slice3A_59 : vector<256x1024xf32>
    %select_n3A_70 = arith.select %le3A_69, %slice3A_58, %slice3A_59 : vector<256x1024xi1>, vector<256x1024xf32>
    %select_n3A_71 = arith.select %le3A_69, %slice3A_62, %slice3A_63 : vector<256x1024xi1>, vector<256x1024xi32>
    %le3A_72 = arith.cmpf ole, %select_n3A_67, %select_n3A_70 : vector<256x1024xf32>
    %select_n3A_73 = arith.select %le3A_72, %select_n3A_67, %select_n3A_70 : vector<256x1024xi1>, vector<256x1024xf32>
    %select_n3A_74 = arith.select %le3A_72, %select_n3A_68, %select_n3A_71 : vector<256x1024xi1>, vector<256x1024xi32>
    %slice3A_75 = vector.extract_strided_slice %select_n3A_65 {offsets = [0, 0], sizes = [256, 512], strides = [1, 1]} : vector<256x1024xf32> to vector<256x512xf32>
    %slice3A_76 = vector.extract_strided_slice %select_n3A_65 {offsets = [0, 512], sizes = [256, 512], strides = [1, 1]} : vector<256x1024xf32> to vector<256x512xf32>
    %slice3A_77 = vector.extract_strided_slice %select_n3A_73 {offsets = [0, 0], sizes = [256, 512], strides = [1, 1]} : vector<256x1024xf32> to vector<256x512xf32>
    %slice3A_78 = vector.extract_strided_slice %select_n3A_73 {offsets = [0, 512], sizes = [256, 512], strides = [1, 1]} : vector<256x1024xf32> to vector<256x512xf32>
    %slice3A_79 = vector.extract_strided_slice %select_n3A_66 {offsets = [0, 0], sizes = [256, 512], strides = [1, 1]} : vector<256x1024xi32> to vector<256x512xi32>
    %slice3A_80 = vector.extract_strided_slice %select_n3A_66 {offsets = [0, 512], sizes = [256, 512], strides = [1, 1]} : vector<256x1024xi32> to vector<256x512xi32>
    %slice3A_81 = vector.extract_strided_slice %select_n3A_74 {offsets = [0, 0], sizes = [256, 512], strides = [1, 1]} : vector<256x1024xi32> to vector<256x512xi32>
    %slice3A_82 = vector.extract_strided_slice %select_n3A_74 {offsets = [0, 512], sizes = [256, 512], strides = [1, 1]} : vector<256x1024xi32> to vector<256x512xi32>
    %le3A_83 = arith.cmpf ole, %slice3A_75, %slice3A_76 : vector<256x512xf32>
    %select_n3A_84 = arith.select %le3A_83, %slice3A_75, %slice3A_76 : vector<256x512xi1>, vector<256x512xf32>
    %select_n3A_85 = arith.select %le3A_83, %slice3A_79, %slice3A_80 : vector<256x512xi1>, vector<256x512xi32>
    %select_n3A_86 = arith.select %le3A_83, %slice3A_76, %slice3A_75 : vector<256x512xi1>, vector<256x512xf32>
    %select_n3A_87 = arith.select %le3A_83, %slice3A_80, %slice3A_79 : vector<256x512xi1>, vector<256x512xi32>
    %le3A_88 = arith.cmpf ole, %slice3A_77, %slice3A_78 : vector<256x512xf32>
    %select_n3A_89 = arith.select %le3A_88, %slice3A_77, %slice3A_78 : vector<256x512xi1>, vector<256x512xf32>
    %select_n3A_90 = arith.select %le3A_88, %slice3A_81, %slice3A_82 : vector<256x512xi1>, vector<256x512xi32>
    %le3A_91 = arith.cmpf ole, %select_n3A_86, %select_n3A_89 : vector<256x512xf32>
    %select_n3A_92 = arith.select %le3A_91, %select_n3A_86, %select_n3A_89 : vector<256x512xi1>, vector<256x512xf32>
    %select_n3A_93 = arith.select %le3A_91, %select_n3A_87, %select_n3A_90 : vector<256x512xi1>, vector<256x512xi32>
    %concatenate3A = tpu.concatenate %select_n3A_84, %select_n3A_92 in 1 : vector<256x512xf32>, vector<256x512xf32> -> vector<256x1024xf32>
    %concatenate3A_94 = tpu.concatenate %select_n3A_85, %select_n3A_93 in 1 : vector<256x512xi32>, vector<256x512xi32> -> vector<256x1024xi32>
    %reduce_min3A = arith.constant dense<0x7F800000> : vector<256xf32>
    %reduce_min3A_95 = vector.multi_reduction <minimumf>, %concatenate3A, %reduce_min3A [1] : vector<256x1024xf32> to vector<256xf32>
    %broadcast_in_dim3A = vector.shape_cast %reduce_min3A_95 : vector<256xf32> to vector<256x1xf32>
    %eq3A_96 = vector.broadcast %broadcast_in_dim3A : vector<256x1xf32> to vector<256x1024xf32>
    %eq3A_97 = arith.cmpf oeq, %concatenate3A, %eq3A_96 : vector<256x1024xf32>
    %jit3A = arith.constant 0x7F800000 : f32
    %broadcast_in_dim3A_98 = vector.broadcast %jit3A : f32 to vector<256x1024xf32>
    %select_n3A_99 = arith.select %eq3A_97, %broadcast_in_dim3A_98, %concatenate3A : vector<256x1024xi1>, vector<256x1024xf32>
    %reduce_min3A_100 = arith.constant dense<0x7F800000> : vector<256xf32>
    %reduce_min3A_101 = vector.multi_reduction <minimumf>, %select_n3A_99, %reduce_min3A_100 [1] : vector<256x1024xf32> to vector<256xf32>
    %broadcast_in_dim3A_102 = vector.shape_cast %reduce_min3A_101 : vector<256xf32> to vector<256x1xf32>
    %eq3A_103 = vector.broadcast %broadcast_in_dim3A_102 : vector<256x1xf32> to vector<256x1024xf32>
    %eq3A_104 = arith.cmpf oeq, %select_n3A_99, %eq3A_103 : vector<256x1024xf32>
    %jit3A_105 = arith.constant 16384 : i32
    %broadcast_in_dim3A_106 = vector.broadcast %jit3A_105 : i32 to vector<256x1024xi32>
    %select_n3A_107 = arith.select %eq3A_104, %concatenate3A_94, %broadcast_in_dim3A_106 : vector<256x1024xi1>, vector<256x1024xi32>
    %reduce_min3A_108 = arith.constant dense<2147483647> : vector<256xi32>
    %reduce_min3A_109 = vector.multi_reduction <minsi>, %select_n3A_107, %reduce_min3A_108 [1] : vector<256x1024xi32> to vector<256xi32>
    %swap3A = arith.constant 0 : index
    %swap3A_110 = arith.constant 0 : index
    %swap3A_111 = vector.load %arg4[%swap3A, %swap3A_110] : memref<16x256xi32, #tpu.memory_space<vmem>>, vector<1x256xi32>
    %swap3A_112 = vector.shape_cast %swap3A_111 : vector<1x256xi32> to vector<256xi32>
    %swap3A_113 = vector.shape_cast %reduce_min3A_109 : vector<256xi32> to vector<1x256xi32>
    tpu.vector_store %arg4[%swap3A, %swap3A_110], %swap3A_113 {strides = array<i32>} : memref<16x256xi32, #tpu.memory_space<vmem>>, vector<1x256xi32>,
    %jit3A_114 = arith.constant 0x7F800000 : f32
    %broadcast_in_dim3A_115 = vector.broadcast %jit3A_114 : f32 to vector<256x1024xf32>
    %select_n3A_116 = arith.select %eq3A_104, %broadcast_in_dim3A_115, %select_n3A_99 : vector<256x1024xi1>, vector<256x1024xf32>
    %reduce_min3A_117 = arith.constant dense<0x7F800000> : vector<256xf32>
    %reduce_min3A_118 = vector.multi_reduction <minimumf>, %select_n3A_116, %reduce_min3A_117 [1] : vector<256x1024xf32> to vector<256xf32>
    %broadcast_in_dim3A_119 = vector.shape_cast %reduce_min3A_118 : vector<256xf32> to vector<256x1xf32>
    %eq3A_120 = vector.broadcast %broadcast_in_dim3A_119 : vector<256x1xf32> to vector<256x1024xf32>
    %eq3A_121 = arith.cmpf oeq, %select_n3A_116, %eq3A_120 : vector<256x1024xf32>
    %jit3A_122 = arith.constant 16384 : i32
    %broadcast_in_dim3A_123 = vector.broadcast %jit3A_122 : i32 to vector<256x1024xi32>
    %select_n3A_124 = arith.select %eq3A_121, %concatenate3A_94, %broadcast_in_dim3A_123 : vector<256x1024xi1>, vector<256x1024xi32>
    %reduce_min3A_125 = arith.constant dense<2147483647> : vector<256xi32>
    %reduce_min3A_126 = vector.multi_reduction <minsi>, %select_n3A_124, %reduce_min3A_125 [1] : vector<256x1024xi32> to vector<256xi32>
    %swap3A_127 = arith.constant 1 : index
    %swap3A_128 = arith.constant 0 : index
    %swap3A_129 = vector.load %arg4[%swap3A_127, %swap3A_128] : memref<16x256xi32, #tpu.memory_space<vmem>>, vector<1x256xi32>
    %swap3A_130 = vector.shape_cast %swap3A_129 : vector<1x256xi32> to vector<256xi32>
    %swap3A_131 = vector.shape_cast %reduce_min3A_126 : vector<256xi32> to vector<1x256xi32>
    tpu.vector_store %arg4[%swap3A_127, %swap3A_128], %swap3A_131 {strides = array<i32>} : memref<16x256xi32, #tpu.memory_space<vmem>>, vector<1x256xi32>,
    %jit3A_132 = arith.constant 0x7F800000 : f32
    %broadcast_in_dim3A_133 = vector.broadcast %jit3A_132 : f32 to vector<256x1024xf32>
    %select_n3A_134 = arith.select %eq3A_121, %broadcast_in_dim3A_133, %select_n3A_116 : vector<256x1024xi1>, vector<256x1024xf32>
    %reduce_min3A_135 = arith.constant dense<0x7F800000> : vector<256xf32>
    %reduce_min3A_136 = vector.multi_reduction <minimumf>, %select_n3A_134, %reduce_min3A_135 [1] : vector<256x1024xf32> to vector<256xf32>
    %broadcast_in_dim3A_137 = vector.shape_cast %reduce_min3A_136 : vector<256xf32> to vector<256x1xf32>
    %eq3A_138 = vector.broadcast %broadcast_in_dim3A_137 : vector<256x1xf32> to vector<256x1024xf32>
    %eq3A_139 = arith.cmpf oeq, %select_n3A_134, %eq3A_138 : vector<256x1024xf32>
    %jit3A_140 = arith.constant 16384 : i32
    %broadcast_in_dim3A_141 = vector.broadcast %jit3A_140 : i32 to vector<256x1024xi32>
    %select_n3A_142 = arith.select %eq3A_139, %concatenate3A_94, %broadcast_in_dim3A_141 : vector<256x1024xi1>, vector<256x1024xi32>
    %reduce_min3A_143 = arith.constant dense<2147483647> : vector<256xi32>
    %reduce_min3A_144 = vector.multi_reduction <minsi>, %select_n3A_142, %reduce_min3A_143 [1] : vector<256x1024xi32> to vector<256xi32>
    %swap3A_145 = arith.constant 2 : index
    %swap3A_146 = arith.constant 0 : index
    %swap3A_147 = vector.load %arg4[%swap3A_145, %swap3A_146] : memref<16x256xi32, #tpu.memory_space<vmem>>, vector<1x256xi32>
    %swap3A_148 = vector.shape_cast %swap3A_147 : vector<1x256xi32> to vector<256xi32>
    %swap3A_149 = vector.shape_cast %reduce_min3A_144 : vector<256xi32> to vector<1x256xi32>
    tpu.vector_store %arg4[%swap3A_145, %swap3A_146], %swap3A_149 {strides = array<i32>} : memref<16x256xi32, #tpu.memory_space<vmem>>, vector<1x256xi32>,
    %jit3A_150 = arith.constant 0x7F800000 : f32
    %broadcast_in_dim3A_151 = vector.broadcast %jit3A_150 : f32 to vector<256x1024xf32>
    %select_n3A_152 = arith.select %eq3A_139, %broadcast_in_dim3A_151, %select_n3A_134 : vector<256x1024xi1>, vector<256x1024xf32>
    %reduce_min3A_153 = arith.constant dense<0x7F800000> : vector<256xf32>
    %reduce_min3A_154 = vector.multi_reduction <minimumf>, %select_n3A_152, %reduce_min3A_153 [1] : vector<256x1024xf32> to vector<256xf32>
    %broadcast_in_dim3A_155 = vector.shape_cast %reduce_min3A_154 : vector<256xf32> to vector<256x1xf32>
    %eq3A_156 = vector.broadcast %broadcast_in_dim3A_155 : vector<256x1xf32> to vector<256x1024xf32>
    %eq3A_157 = arith.cmpf oeq, %select_n3A_152, %eq3A_156 : vector<256x1024xf32>
    %jit3A_158 = arith.constant 16384 : i32
    %broadcast_in_dim3A_159 = vector.broadcast %jit3A_158 : i32 to vector<256x1024xi32>
    %select_n3A_160 = arith.select %eq3A_157, %concatenate3A_94, %broadcast_in_dim3A_159 : vector<256x1024xi1>, vector<256x1024xi32>
    %reduce_min3A_161 = arith.constant dense<2147483647> : vector<256xi32>
    %reduce_min3A_162 = vector.multi_reduction <minsi>, %select_n3A_160, %reduce_min3A_161 [1] : vector<256x1024xi32> to vector<256xi32>
    %swap3A_163 = arith.constant 3 : index
    %swap3A_164 = arith.constant 0 : index
    %swap3A_165 = vector.load %arg4[%swap3A_163, %swap3A_164] : memref<16x256xi32, #tpu.memory_space<vmem>>, vector<1x256xi32>
    %swap3A_166 = vector.shape_cast %swap3A_165 : vector<1x256xi32> to vector<256xi32>
    %swap3A_167 = vector.shape_cast %reduce_min3A_162 : vector<256xi32> to vector<1x256xi32>
    tpu.vector_store %arg4[%swap3A_163, %swap3A_164], %swap3A_167 {strides = array<i32>} : memref<16x256xi32, #tpu.memory_space<vmem>>, vector<1x256xi32>,
    %jit3A_168 = arith.constant 0x7F800000 : f32
    %broadcast_in_dim3A_169 = vector.broadcast %jit3A_168 : f32 to vector<256x1024xf32>
    %select_n3A_170 = arith.select %eq3A_157, %broadcast_in_dim3A_169, %select_n3A_152 : vector<256x1024xi1>, vector<256x1024xf32>
    %reduce_min3A_171 = arith.constant dense<0x7F800000> : vector<256xf32>
    %reduce_min3A_172 = vector.multi_reduction <minimumf>, %select_n3A_170, %reduce_min3A_171 [1] : vector<256x1024xf32> to vector<256xf32>
    %broadcast_in_dim3A_173 = vector.shape_cast %reduce_min3A_172 : vector<256xf32> to vector<256x1xf32>
    %eq3A_174 = vector.broadcast %broadcast_in_dim3A_173 : vector<256x1xf32> to vector<256x1024xf32>
    %eq3A_175 = arith.cmpf oeq, %select_n3A_170, %eq3A_174 : vector<256x1024xf32>
    %jit3A_176 = arith.constant 16384 : i32
    %broadcast_in_dim3A_177 = vector.broadcast %jit3A_176 : i32 to vector<256x1024xi32>
    %select_n3A_178 = arith.select %eq3A_175, %concatenate3A_94, %broadcast_in_dim3A_177 : vector<256x1024xi1>, vector<256x1024xi32>
    %reduce_min3A_179 = arith.constant dense<2147483647> : vector<256xi32>
    %reduce_min3A_180 = vector.multi_reduction <minsi>, %select_n3A_178, %reduce_min3A_179 [1] : vector<256x1024xi32> to vector<256xi32>
    %swap3A_181 = arith.constant 4 : index
    %swap3A_182 = arith.constant 0 : index
    %swap3A_183 = vector.load %arg4[%swap3A_181, %swap3A_182] : memref<16x256xi32, #tpu.memory_space<vmem>>, vector<1x256xi32>
    %swap3A_184 = vector.shape_cast %swap3A_183 : vector<1x256xi32> to vector<256xi32>
    %swap3A_185 = vector.shape_cast %reduce_min3A_180 : vector<256xi32> to vector<1x256xi32>
    tpu.vector_store %arg4[%swap3A_181, %swap3A_182], %swap3A_185 {strides = array<i32>} : memref<16x256xi32, #tpu.memory_space<vmem>>, vector<1x256xi32>,
    %jit3A_186 = arith.constant 0x7F800000 : f32
    %broadcast_in_dim3A_187 = vector.broadcast %jit3A_186 : f32 to vector<256x1024xf32>
    %select_n3A_188 = arith.select %eq3A_175, %broadcast_in_dim3A_187, %select_n3A_170 : vector<256x1024xi1>, vector<256x1024xf32>
    %reduce_min3A_189 = arith.constant dense<0x7F800000> : vector<256xf32>
    %reduce_min3A_190 = vector.multi_reduction <minimumf>, %select_n3A_188, %reduce_min3A_189 [1] : vector<256x1024xf32> to vector<256xf32>
    %broadcast_in_dim3A_191 = vector.shape_cast %reduce_min3A_190 : vector<256xf32> to vector<256x1xf32>
    %eq3A_192 = vector.broadcast %broadcast_in_dim3A_191 : vector<256x1xf32> to vector<256x1024xf32>
    %eq3A_193 = arith.cmpf oeq, %select_n3A_188, %eq3A_192 : vector<256x1024xf32>
    %jit3A_194 = arith.constant 16384 : i32
    %broadcast_in_dim3A_195 = vector.broadcast %jit3A_194 : i32 to vector<256x1024xi32>
    %select_n3A_196 = arith.select %eq3A_193, %concatenate3A_94, %broadcast_in_dim3A_195 : vector<256x1024xi1>, vector<256x1024xi32>
    %reduce_min3A_197 = arith.constant dense<2147483647> : vector<256xi32>
    %reduce_min3A_198 = vector.multi_reduction <minsi>, %select_n3A_196, %reduce_min3A_197 [1] : vector<256x1024xi32> to vector<256xi32>
    %swap3A_199 = arith.constant 5 : index
    %swap3A_200 = arith.constant 0 : index
    %swap3A_201 = vector.load %arg4[%swap3A_199, %swap3A_200] : memref<16x256xi32, #tpu.memory_space<vmem>>, vector<1x256xi32>
    %swap3A_202 = vector.shape_cast %swap3A_201 : vector<1x256xi32> to vector<256xi32>
    %swap3A_203 = vector.shape_cast %reduce_min3A_198 : vector<256xi32> to vector<1x256xi32>
    tpu.vector_store %arg4[%swap3A_199, %swap3A_200], %swap3A_203 {strides = array<i32>} : memref<16x256xi32, #tpu.memory_space<vmem>>, vector<1x256xi32>,
    %jit3A_204 = arith.constant 0x7F800000 : f32
    %broadcast_in_dim3A_205 = vector.broadcast %jit3A_204 : f32 to vector<256x1024xf32>
    %select_n3A_206 = arith.select %eq3A_193, %broadcast_in_dim3A_205, %select_n3A_188 : vector<256x1024xi1>, vector<256x1024xf32>
    %reduce_min3A_207 = arith.constant dense<0x7F800000> : vector<256xf32>
    %reduce_min3A_208 = vector.multi_reduction <minimumf>, %select_n3A_206, %reduce_min3A_207 [1] : vector<256x1024xf32> to vector<256xf32>
    %broadcast_in_dim3A_209 = vector.shape_cast %reduce_min3A_208 : vector<256xf32> to vector<256x1xf32>
    %eq3A_210 = vector.broadcast %broadcast_in_dim3A_209 : vector<256x1xf32> to vector<256x1024xf32>
    %eq3A_211 = arith.cmpf oeq, %select_n3A_206, %eq3A_210 : vector<256x1024xf32>
    %jit3A_212 = arith.constant 16384 : i32
    %broadcast_in_dim3A_213 = vector.broadcast %jit3A_212 : i32 to vector<256x1024xi32>
    %select_n3A_214 = arith.select %eq3A_211, %concatenate3A_94, %broadcast_in_dim3A_213 : vector<256x1024xi1>, vector<256x1024xi32>
    %reduce_min3A_215 = arith.constant dense<2147483647> : vector<256xi32>
    %reduce_min3A_216 = vector.multi_reduction <minsi>, %select_n3A_214, %reduce_min3A_215 [1] : vector<256x1024xi32> to vector<256xi32>
    %swap3A_217 = arith.constant 6 : index
    %swap3A_218 = arith.constant 0 : index
    %swap3A_219 = vector.load %arg4[%swap3A_217, %swap3A_218] : memref<16x256xi32, #tpu.memory_space<vmem>>, vector<1x256xi32>
    %swap3A_220 = vector.shape_cast %swap3A_219 : vector<1x256xi32> to vector<256xi32>
    %swap3A_221 = vector.shape_cast %reduce_min3A_216 : vector<256xi32> to vector<1x256xi32>
    tpu.vector_store %arg4[%swap3A_217, %swap3A_218], %swap3A_221 {strides = array<i32>} : memref<16x256xi32, #tpu.memory_space<vmem>>, vector<1x256xi32>,
    %jit3A_222 = arith.constant 0x7F800000 : f32
    %broadcast_in_dim3A_223 = vector.broadcast %jit3A_222 : f32 to vector<256x1024xf32>
    %select_n3A_224 = arith.select %eq3A_211, %broadcast_in_dim3A_223, %select_n3A_206 : vector<256x1024xi1>, vector<256x1024xf32>
    %reduce_min3A_225 = arith.constant dense<0x7F800000> : vector<256xf32>
    %reduce_min3A_226 = vector.multi_reduction <minimumf>, %select_n3A_224, %reduce_min3A_225 [1] : vector<256x1024xf32> to vector<256xf32>
    %broadcast_in_dim3A_227 = vector.shape_cast %reduce_min3A_226 : vector<256xf32> to vector<256x1xf32>
    %eq3A_228 = vector.broadcast %broadcast_in_dim3A_227 : vector<256x1xf32> to vector<256x1024xf32>
    %eq3A_229 = arith.cmpf oeq, %select_n3A_224, %eq3A_228 : vector<256x1024xf32>
    %jit3A_230 = arith.constant 16384 : i32
    %broadcast_in_dim3A_231 = vector.broadcast %jit3A_230 : i32 to vector<256x1024xi32>
    %select_n3A_232 = arith.select %eq3A_229, %concatenate3A_94, %broadcast_in_dim3A_231 : vector<256x1024xi1>, vector<256x1024xi32>
    %reduce_min3A_233 = arith.constant dense<2147483647> : vector<256xi32>
    %reduce_min3A_234 = vector.multi_reduction <minsi>, %select_n3A_232, %reduce_min3A_233 [1] : vector<256x1024xi32> to vector<256xi32>
    %swap3A_235 = arith.constant 7 : index
    %swap3A_236 = arith.constant 0 : index
    %swap3A_237 = vector.load %arg4[%swap3A_235, %swap3A_236] : memref<16x256xi32, #tpu.memory_space<vmem>>, vector<1x256xi32>
    %swap3A_238 = vector.shape_cast %swap3A_237 : vector<1x256xi32> to vector<256xi32>
    %swap3A_239 = vector.shape_cast %reduce_min3A_234 : vector<256xi32> to vector<1x256xi32>
    tpu.vector_store %arg4[%swap3A_235, %swap3A_236], %swap3A_239 {strides = array<i32>} : memref<16x256xi32, #tpu.memory_space<vmem>>, vector<1x256xi32>,
    %jit3A_240 = arith.constant 0x7F800000 : f32
    %broadcast_in_dim3A_241 = vector.broadcast %jit3A_240 : f32 to vector<256x1024xf32>
    %select_n3A_242 = arith.select %eq3A_229, %broadcast_in_dim3A_241, %select_n3A_224 : vector<256x1024xi1>, vector<256x1024xf32>
    %reduce_min3A_243 = arith.constant dense<0x7F800000> : vector<256xf32>
    %reduce_min3A_244 = vector.multi_reduction <minimumf>, %select_n3A_242, %reduce_min3A_243 [1] : vector<256x1024xf32> to vector<256xf32>
    %broadcast_in_dim3A_245 = vector.shape_cast %reduce_min3A_244 : vector<256xf32> to vector<256x1xf32>
    %eq3A_246 = vector.broadcast %broadcast_in_dim3A_245 : vector<256x1xf32> to vector<256x1024xf32>
    %eq3A_247 = arith.cmpf oeq, %select_n3A_242, %eq3A_246 : vector<256x1024xf32>
    %jit3A_248 = arith.constant 16384 : i32
    %broadcast_in_dim3A_249 = vector.broadcast %jit3A_248 : i32 to vector<256x1024xi32>
    %select_n3A_250 = arith.select %eq3A_247, %concatenate3A_94, %broadcast_in_dim3A_249 : vector<256x1024xi1>, vector<256x1024xi32>
    %reduce_min3A_251 = arith.constant dense<2147483647> : vector<256xi32>
    %reduce_min3A_252 = vector.multi_reduction <minsi>, %select_n3A_250, %reduce_min3A_251 [1] : vector<256x1024xi32> to vector<256xi32>
    %swap3A_253 = arith.constant 8 : index
    %swap3A_254 = arith.constant 0 : index
    %swap3A_255 = vector.load %arg4[%swap3A_253, %swap3A_254] : memref<16x256xi32, #tpu.memory_space<vmem>>, vector<1x256xi32>
    %swap3A_256 = vector.shape_cast %swap3A_255 : vector<1x256xi32> to vector<256xi32>
    %swap3A_257 = vector.shape_cast %reduce_min3A_252 : vector<256xi32> to vector<1x256xi32>
    tpu.vector_store %arg4[%swap3A_253, %swap3A_254], %swap3A_257 {strides = array<i32>} : memref<16x256xi32, #tpu.memory_space<vmem>>, vector<1x256xi32>,
    %broadcast_in_dim3A_258 = arith.constant 0 : i32
    %broadcast_in_dim3A_259 = vector.broadcast %broadcast_in_dim3A_258 : i32 to vector<256xi32>
    %swap3A_260 = arith.constant 9 : index
    %swap3A_261 = arith.constant 0 : index
    %swap3A_262 = vector.load %arg4[%swap3A_260, %swap3A_261] : memref<16x256xi32, #tpu.memory_space<vmem>>, vector<1x256xi32>
    %swap3A_263 = vector.shape_cast %swap3A_262 : vector<1x256xi32> to vector<256xi32>
    %swap3A_264 = vector.shape_cast %broadcast_in_dim3A_259 : vector<256xi32> to vector<1x256xi32>
    tpu.vector_store %arg4[%swap3A_260, %swap3A_261], %swap3A_264 {strides = array<i32>} : memref<16x256xi32, #tpu.memory_space<vmem>>, vector<1x256xi32>,
    %broadcast_in_dim3A_265 = arith.constant 0 : i32
    %broadcast_in_dim3A_266 = vector.broadcast %broadcast_in_dim3A_265 : i32 to vector<256xi32>
    %swap3A_267 = arith.constant 10 : index
    %swap3A_268 = arith.constant 0 : index
    %swap3A_269 = vector.load %arg4[%swap3A_267, %swap3A_268] : memref<16x256xi32, #tpu.memory_space<vmem>>, vector<1x256xi32>
    %swap3A_270 = vector.shape_cast %swap3A_269 : vector<1x256xi32> to vector<256xi32>
    %swap3A_271 = vector.shape_cast %broadcast_in_dim3A_266 : vector<256xi32> to vector<1x256xi32>
    tpu.vector_store %arg4[%swap3A_267, %swap3A_268], %swap3A_271 {strides = array<i32>} : memref<16x256xi32, #tpu.memory_space<vmem>>, vector<1x256xi32>,
    %broadcast_in_dim3A_272 = arith.constant 0 : i32
    %broadcast_in_dim3A_273 = vector.broadcast %broadcast_in_dim3A_272 : i32 to vector<256xi32>
    %swap3A_274 = arith.constant 11 : index
    %swap3A_275 = arith.constant 0 : index
    %swap3A_276 = vector.load %arg4[%swap3A_274, %swap3A_275] : memref<16x256xi32, #tpu.memory_space<vmem>>, vector<1x256xi32>
    %swap3A_277 = vector.shape_cast %swap3A_276 : vector<1x256xi32> to vector<256xi32>
    %swap3A_278 = vector.shape_cast %broadcast_in_dim3A_273 : vector<256xi32> to vector<1x256xi32>
    tpu.vector_store %arg4[%swap3A_274, %swap3A_275], %swap3A_278 {strides = array<i32>} : memref<16x256xi32, #tpu.memory_space<vmem>>, vector<1x256xi32>,
    %broadcast_in_dim3A_279 = arith.constant 0 : i32
    %broadcast_in_dim3A_280 = vector.broadcast %broadcast_in_dim3A_279 : i32 to vector<256xi32>
    %swap3A_281 = arith.constant 12 : index
    %swap3A_282 = arith.constant 0 : index
    %swap3A_283 = vector.load %arg4[%swap3A_281, %swap3A_282] : memref<16x256xi32, #tpu.memory_space<vmem>>, vector<1x256xi32>
    %swap3A_284 = vector.shape_cast %swap3A_283 : vector<1x256xi32> to vector<256xi32>
    %swap3A_285 = vector.shape_cast %broadcast_in_dim3A_280 : vector<256xi32> to vector<1x256xi32>
    tpu.vector_store %arg4[%swap3A_281, %swap3A_282], %swap3A_285 {strides = array<i32>} : memref<16x256xi32, #tpu.memory_space<vmem>>, vector<1x256xi32>,
    %broadcast_in_dim3A_286 = arith.constant 0 : i32
    %broadcast_in_dim3A_287 = vector.broadcast %broadcast_in_dim3A_286 : i32 to vector<256xi32>
    %swap3A_288 = arith.constant 13 : index
    %swap3A_289 = arith.constant 0 : index
    %swap3A_290 = vector.load %arg4[%swap3A_288, %swap3A_289] : memref<16x256xi32, #tpu.memory_space<vmem>>, vector<1x256xi32>
    %swap3A_291 = vector.shape_cast %swap3A_290 : vector<1x256xi32> to vector<256xi32>
    %swap3A_292 = vector.shape_cast %broadcast_in_dim3A_287 : vector<256xi32> to vector<1x256xi32>
    tpu.vector_store %arg4[%swap3A_288, %swap3A_289], %swap3A_292 {strides = array<i32>} : memref<16x256xi32, #tpu.memory_space<vmem>>, vector<1x256xi32>,
    %broadcast_in_dim3A_293 = arith.constant 0 : i32
    %broadcast_in_dim3A_294 = vector.broadcast %broadcast_in_dim3A_293 : i32 to vector<256xi32>
    %swap3A_295 = arith.constant 14 : index
    %swap3A_296 = arith.constant 0 : index
    %swap3A_297 = vector.load %arg4[%swap3A_295, %swap3A_296] : memref<16x256xi32, #tpu.memory_space<vmem>>, vector<1x256xi32>
    %swap3A_298 = vector.shape_cast %swap3A_297 : vector<1x256xi32> to vector<256xi32>
    %swap3A_299 = vector.shape_cast %broadcast_in_dim3A_294 : vector<256xi32> to vector<1x256xi32>
    tpu.vector_store %arg4[%swap3A_295, %swap3A_296], %swap3A_299 {strides = array<i32>} : memref<16x256xi32, #tpu.memory_space<vmem>>, vector<1x256xi32>,
    %broadcast_in_dim3A_300 = arith.constant 0 : i32
    %broadcast_in_dim3A_301 = vector.broadcast %broadcast_in_dim3A_300 : i32 to vector<256xi32>
    %swap3A_302 = arith.constant 15 : index
    %swap3A_303 = arith.constant 0 : index
    %swap3A_304 = vector.load %arg4[%swap3A_302, %swap3A_303] : memref<16x256xi32, #tpu.memory_space<vmem>>, vector<1x256xi32>
    %swap3A_305 = vector.shape_cast %swap3A_304 : vector<1x256xi32> to vector<256xi32>
    %swap3A_306 = vector.shape_cast %broadcast_in_dim3A_301 : vector<256xi32> to vector<1x256xi32>
    tpu.vector_store %arg4[%swap3A_302, %swap3A_303], %swap3A_306 {strides = array<i32>} : memref<16x256xi32, #tpu.memory_space<vmem>>, vector<1x256xi32>,
    %mul3A = arith.constant 256 : i32
    %mul3A_307 = arith.muli %arg0, %mul3A : i32
    %iota3A_308 = tpu.iota {dimensions = array<i32: 1>} : vector<1x256xi32>
    %iota3A_309 = vector.shape_cast %iota3A_308 : vector<1x256xi32> to vector<256xi32>
    %add3A_310 = vector.broadcast %mul3A_307 : i32 to vector<256xi32>
    %add3A_311 = arith.addi %add3A_310, %iota3A_309 : vector<256xi32>
    %jit3A_312 = arith.constant 128 : i32
    %div3A = vector.broadcast %jit3A_312 : i32 to vector<256xi32>
    %div3A_313 = arith.divsi %add3A_311, %div3A : vector<256xi32>
    %sign3A = arith.constant 0 : i32
    %sign3A_314 = vector.broadcast %sign3A : i32 to vector<256xi32>
    %sign3A_315 = arith.cmpi sgt, %add3A_311, %sign3A_314 : vector<256xi32>
    %sign3A_316 = arith.extui %sign3A_315 : vector<256xi1> to vector<256xi32>
    %sign3A_317 = arith.constant 0 : i32
    %sign3A_318 = vector.broadcast %sign3A_317 : i32 to vector<256xi32>
    %sign3A_319 = arith.cmpi slt, %add3A_311, %sign3A_318 : vector<256xi32>
    %sign3A_320 = arith.extui %sign3A_319 : vector<256xi1> to vector<256xi32>
    %sign3A_321 = arith.subi %sign3A_316, %sign3A_320 : vector<256xi32>
    %sign3A_322 = arith.constant 0 : i32
    %sign3A_323 = arith.cmpi sgt, %jit3A_312, %sign3A_322 : i32
    %sign3A_324 = arith.extui %sign3A_323 : i1 to i32
    %sign3A_325 = arith.constant 0 : i32
    %sign3A_326 = arith.cmpi slt, %jit3A_312, %sign3A_325 : i32
    %sign3A_327 = arith.extui %sign3A_326 : i1 to i32
    %sign3A_328 = arith.subi %sign3A_324, %sign3A_327 : i32
    %ne3A = vector.broadcast %sign3A_328 : i32 to vector<256xi32>
    %ne3A_329 = arith.cmpi ne, %sign3A_321, %ne3A : vector<256xi32>
    %rem3A = vector.broadcast %jit3A_312 : i32 to vector<256xi32>
    %rem3A_330 = arith.remsi %add3A_311, %rem3A : vector<256xi32>
    %ne3A_331 = arith.constant 0 : i32
    %ne3A_332 = vector.broadcast %ne3A_331 : i32 to vector<256xi32>
    %ne3A_333 = arith.cmpi ne, %rem3A_330, %ne3A_332 : vector<256xi32>
    %and3A = arith.andi %ne3A_329, %ne3A_333 : vector<256xi1>
    %sub3A_334 = arith.constant 1 : i32
    %sub3A_335 = vector.broadcast %sub3A_334 : i32 to vector<256xi32>
    %sub3A_336 = arith.subi %div3A_313, %sub3A_335 : vector<256xi32>
    %select_n3A_337 = arith.select %and3A, %sub3A_336, %div3A_313 : vector<256xi1>, vector<256xi32>
    %jit3A_338 = arith.constant 128 : i32
    %eq3A_339 = arith.constant 0 : i32
    %eq3A_340 = arith.cmpi eq, %jit3A_338, %eq3A_339 : i32
    %jit3A_341 = arith.constant 1 : i32
    %select_n3A_342 = arith.select %eq3A_340, %jit3A_341, %jit3A_338 : i32
    %rem3A_343 = vector.broadcast %select_n3A_342 : i32 to vector<256xi32>
    %rem3A_344 = arith.remsi %add3A_311, %rem3A_343 : vector<256xi32>
    %ne3A_345 = arith.constant 0 : i32
    %ne3A_346 = vector.broadcast %ne3A_345 : i32 to vector<256xi32>
    %ne3A_347 = arith.cmpi ne, %rem3A_344, %ne3A_346 : vector<256xi32>
    %lt3A = arith.constant 0 : i32
    %lt3A_348 = vector.broadcast %lt3A : i32 to vector<256xi32>
    %lt3A_349 = arith.cmpi slt, %rem3A_344, %lt3A_348 : vector<256xi32>
    %lt3A_350 = arith.constant 0 : i32
    %lt3A_351 = arith.cmpi slt, %select_n3A_342, %lt3A_350 : i32
    %ne3A_352 = vector.broadcast %lt3A_351 : i1 to vector<256xi1>
    %ne3A_353 = vector.broadcast %ne3A_352 : vector<256xi1> to vector<256xi1>
    %ne3A_354 = arith.xori %lt3A_349, %ne3A_353 : vector<256xi1>
    %and3A_355 = arith.andi %ne3A_354, %ne3A_347 : vector<256xi1>
    %add3A_356 = vector.broadcast %select_n3A_342 : i32 to vector<256xi32>
    %add3A_357 = arith.addi %rem3A_344, %add3A_356 : vector<256xi32>
    %select_n3A_358 = arith.select %and3A_355, %add3A_357, %rem3A_344 : vector<256xi1>, vector<256xi32>
    %sub3A_359 = arith.subi %select_n3A_337, %select_n3A_358 : vector<256xi32>
    %add3A_360 = arith.constant 127 : i32
    %add3A_361 = vector.broadcast %add3A_360 : i32 to vector<256xi32>
    %add3A_362 = arith.addi %sub3A_359, %add3A_361 : vector<256xi32>
    %broadcast_in_dim3A_363 = vector.shape_cast %add3A_362 : vector<256xi32> to vector<256x1xi32>
    %iota3A_364 = tpu.iota {dimensions = array<i32: 1>} : vector<256x320xi32>
    %eq3A_365 = vector.broadcast %broadcast_in_dim3A_363 : vector<256x1xi32> to vector<256x320xi32>
    %eq3A_366 = arith.cmpi eq, %eq3A_365, %iota3A_364 : vector<256x320xi32>
    %convert_element_type3A_367 = arith.extui %eq3A_366 : vector<256x320xi1> to vector<256x320xi32>
    %convert_element_type3A_368 = arith.sitofp %convert_element_type3A_367 : vector<256x320xi32> to vector<256x320xf32>
    %get3A_369 = arith.constant 0 : index
    %get3A_370 = arith.constant 0 : index
    %get3A_371 = vector.load %arg3[%get3A_369, %get3A_370] : memref<320x128xf32, #tpu.memory_space<vmem>>, vector<320x128xf32>
    %dot_general3A_372 = arith.constant dense<0.000000e+00> : vector<256x128xf32>
    %dot_general3A_373 = tpu.matmul %convert_element_type3A_368, %get3A_371, %dot_general3A_372 {dimension_numbers = #tpu.dot_dimension_numbers<[1], [0], [0], [1], [0, 0, 1, 1], [], []>, transpose_lhs_hint = false} : vector<256x320xf32>, vector<320x128xf32>, vector<256x128xf32> -> vector<256x128xf32>
    %add3A_374 = arith.addf %get3A_1, %dot_general3A_373 : vector<256x128xf32>
    %swap3A_375 = arith.constant 0 : index
    %swap3A_376 = arith.constant 0 : index
    %swap3A_377 = vector.load %arg5[%swap3A_375, %swap3A_376] : memref<256x128xf32, #tpu.memory_space<vmem>>, vector<256x128xf32>
    tpu.vector_store %arg5[%swap3A_375, %swap3A_376], %add3A_374 {strides = array<i32>} : memref<256x128xf32, #tpu.memory_space<vmem>>, vector<256x128xf32>,
    return
  }
  func.func @transform_0(%arg0: i32) -> (i32, i32) {
    %c0_i32 = arith.constant 0 : i32
    %c0_i32_0 = arith.constant 0 : i32
    return %arg0, %c0_i32 : i32, i32
  }
  func.func @transform_1(%arg0: i32) -> (i32, i32) {
    %c0_i32 = arith.constant 0 : i32
    %c0_i32_0 = arith.constant 0 : i32
    %c0_i32_1 = arith.constant 0 : i32
    return %c0_i32, %c0_i32_0 : i32, i32
  }
  func.func @transform_2(%arg0: i32) -> (i32, i32) {
    %c0_i32 = arith.constant 0 : i32
    %c0_i32_0 = arith.constant 0 : i32
    %c0_i32_1 = arith.constant 0 : i32
    return %c0_i32, %c0_i32_0 : i32, i32
  }
  func.func @transform_3(%arg0: i32) -> (i32, i32) {
    %c0_i32 = arith.constant 0 : i32
    %c0_i32_0 = arith.constant 0 : i32
    return %c0_i32, %arg0 : i32, i32
  }
  func.func @transform_4(%arg0: i32) -> (i32, i32) {
    %c0_i32 = arith.constant 0 : i32
    %c0_i32_0 = arith.constant 0 : i32
    return %arg0, %c0_i32 : i32, i32
  }
}

</mosaic_0001>

<sc_bundles>
// kernel: kernel.5.cloned.1.call-start
scs
__scs_entry_jumppad:
0x0: {  	(pc) =	sbr.rel $0x88, $3  }
0x1: {  	(tag) =	ssettag $0x0;
	lr =	simm.s32 $0x1  }
0x2: {  	[smem:$0x3F9D] =	sst lr;
	_ =	strace $0xD0000000  }
0x3: {  	_ = 	snop  }
0x4: {  	_ = 	snop  }
0x5: {  	_ = 	snop  }
0x6: {  	_ = 	snop  }
0x7: {  	_ = 	snop  }
__scs_overlays_trampoline_lowered:
0x8: {  	[smem:$0x3FAC] =	sst s0  }
0x9: {  	[smem:$0x3FAD] =	sst s1  }
0xa: {  	[smem:$0x3FAE] =	sst s2  }
0xb: {  	[smem:$0x3FAF] =	sst s3  }
0xc: {  	[smem:$0x3FB0] =	sst s4  }
0xd: {  	[smem:$0x3FB1] =	sst s5  }
0xe: {  	[smem:$0x3FB2] =	sst s6  }
0xf: {  	[smem:$0x3FB3] =	sst s7  }
0x10: {  	[smem:$0x3FB4] =	sst s8  }
0x11: {  	[smem:$0x3FB5] =	sst s9;
	s0 =	simm.s32 @!p0 $0x0  }
0x12: {  	s1 =	sld [smem:$0x3F9B];
	s0 =	simm.s32 @p0 $0x1  }
0x13: {  	[smem:$0x3FB6] =	sst s0;
	s0 =	simm.s32 @!p1 $0x0  }
0x14: {  	s2 =	sld [smem:$0x3F9A];
	s0 =	simm.s32 @p1 $0x1  }
0x15: {  	[smem:$0x3FB7] =	sst s0;
	s0 =	simm.s32 @!p2 $0x0  }
0x16: {  	s3 =	sld [smem:$0x3FDB];
	s0 =	simm.s32 @p2 $0x1  }
0x17: {  	s4 =	simm.s32 $0x1BF5;
	[smem:$0x3FB9] =	sst s0  }
0x18: {  	s0 =	sld [smem:$0x3F9C];
	_ =	swait.ge [sflag:s4], $0x0  }
0x19: {  	s7 =	sld [smem:$0x3F9D]  }
0x1a: {  	s8 =	sadd.s32 $0xFFFFE003, lr  }
0x1b: {  	s9 =	sadd.s32 $0xFFFFFEF7, lr;
	s5 =	simm.s32 $0xFFFFFFFF;
	p2 =	slt.u32 s8, $0xFFFFF086  }
0x1c: {  	p1 =	slt.u32 s9, $0xF7A;
	s5 =	simm.s32 @!p2 $0x0  }
0x1d: {  	s5 =	simm.s32 @p1 $0x1;
	p0 =	seq.s32 s7, s2  }
0x1e: {  	s7 =	smul.u32 @!p0 $0xF7A, s2;
	p2 =	seq.s32 @!p0 s5, $0x0  }
0x1f: {  	s9 =	smul.u32 $0xF7A, s1;
	s8 =	simm.s32 @!p0 $0x1BF5;
	p2 =	por !p2, p0  }
0x20: {  	[sflag:s8] =	ssyncset.s32 @!p0 $0xFFFFF086;
	s6 =	sadd.s32 @!p0 s3, s7;
	s7 =	simm.s32 @!p0 $0x108  }
0x21: {  	s3 =	sadd.s32 s3, s9;
	s6 =	sadd.s32 @!p0 $0x88, s6;
	s7 =	simm.s32 @p2 $0x1082  }
0x22: {  	[simem:s7], [sflag:s8] =	dma.local @!p0 [hbm:s6], $0xF7A  }
0x23: {  	s9 =	sor.u32 $0xD0000000, s2;
	s6 =	simm.s32 $0x108;
	_ =	swait.ge @!p0 [sflag:s8], $0x0  }
0x24: {  	s3 =	sadd.s32 $0x88, s3;
	s6 =	simm.s32 @!p1 $0x1082;
	[sflag:s4] =	ssyncset.s32 $0xFFFFF086  }
0x25: {  	[simem:s6], [sflag:s4] =	dma.local [hbm:s3], $0xF7A  }
0x26: {  	[smem:$0x3F9D] =	sst s1;
	(tag) =	ssettag s2;
	_ =	strace s9  }
0x27: {  	s1 =	sld [smem:$0x3FAD]  }
0x28: {  	s2 =	sld [smem:$0x3FAE]  }
0x29: {  	s4 =	sld [smem:$0x3FB0]  }
0x2a: {  	p0 =	seq.s32 s5, $0x0;
	s5 =	sld [smem:$0x3FB1]  }
0x2b: {  	s6 =	sld [smem:$0x3FB2]  }
0x2c: {  	s7 =	sld [smem:$0x3FB3]  }
0x2d: {  	s3 =	simm.s32 $0x108;
	s8 =	sld [smem:$0x3FB4]  }
0x2e: {  	s3 =	simm.s32 @!p0 $0x1082;
	s9 =	sld [smem:$0x3FB5]  }
0x2f: {  	lr =	sadd.s32 s0, s3;
	s0 =	sld [smem:$0x3FAC]  }
0x30: {  	s3 =	sld [smem:$0x3FAF]  }
0x31: {  	[smem:$0x3FB8] =	sst s10  }
0x32: {  	s10 =	sld [smem:$0x3FB6];
	_ =	sdelay $0x3  }
0x33: {  	p0 =	seq.s32 s10, $0x1;
	s10 =	sld [smem:$0x3FB8];
	_ =	sdelay $0x3  }
0x34: {  	[smem:$0x3FB8] =	sst s10  }
0x35: {  	s10 =	sld [smem:$0x3FB7];
	_ =	sdelay $0x3  }
0x36: {  	p1 =	seq.s32 s10, $0x1;
	s10 =	sld [smem:$0x3FB8];
	_ =	sdelay $0x3  }
0x37: {  	[smem:$0x3FB8] =	sst s10  }
0x38: {  	s10 =	sld [smem:$0x3FB9]  }
0x39: {  	_ = 	snop;
	(pc) =	sbr.ind lr, $3  }
0x3a: {  	_ = 	snop  }
0x3b: {  	_ = 	snop  }
0x3c: {  	p2 =	seq.s32 s10, $0x1;
	s10 =	sld [smem:$0x3FB8]  }
0x3d: {  	_ =	shalt  }
0x3e: {  	_ =	shalt  }
0x3f: {  	_ =	shalt  }
0x40: {  	_ =	shalt  }
0x41: {  	_ =	shalt  }
0x42: {  	_ =	shalt  }
0x43: {  	_ =	shalt  }
0x44: {  	_ =	shalt  }
0x45: {  	_ =	shalt  }
0x46: {  	_ =	shalt  }
0x47: {  	_ =	shalt  }
0x48: {  	_ =	shalt  }
0x49: {  	_ =	shalt  }
0x4a: {  	_ =	shalt  }
0x4b: {  	_ =	shalt  }
0x4c: {  	_ =	shalt  }
0x4d: {  	_ =	shalt  }
0x4e: {  	_ =	shalt  }
0x4f: {  	_ =	shalt  }
0x50: {  	_ =	shalt  }
0x51: {  	_ =	shalt  }
0x52: {  	_ =	shalt  }
0x53: {  	_ =	shalt  }
0x54: {  	_ =	shalt  }
0x55: {  	_ =	shalt  }
0x56: {  	_ =	shalt  }
0x57: {  	_ =	shalt  }
0x58: {  	_ =	shalt  }
0x59: {  	_ =	shalt  }
0x5a: {  	_ =	shalt  }
0x5b: {  	_ =	shalt  }
0x5c: {  	_ =	shalt  }
0x5d: {  	_ =	shalt  }
0x5e: {  	_ =	shalt  }
0x5f: {  	_ =	shalt  }
0x60: {  	_ =	shalt  }
0x61: {  	_ =	shalt  }
0x62: {  	_ =	shalt  }
0x63: {  	_ =	shalt  }
0x64: {  	_ =	shalt  }
0x65: {  	_ =	shalt  }
0x66: {  	_ =	shalt  }
0x67: {  	_ =	shalt  }
0x68: {  	_ =	shalt  }
0x69: {  	_ =	shalt  }
0x6a: {  	_ =	shalt  }
0x6b: {  	_ =	shalt  }
0x6c: {  	_ =	shalt  }
0x6d: {  	_ =	shalt  }
0x6e: {  	_ =	shalt  }
0x6f: {  	_ =	shalt  }
0x70: {  	_ =	shalt  }
0x71: {  	_ =	shalt  }
0x72: {  	_ =	shalt  }
0x73: {  	_ =	shalt  }
0x74: {  	_ =	shalt  }
0x75: {  	_ =	shalt  }
0x76: {  	_ =	shalt  }
0x77: {  	_ =	shalt  }
0x78: {  	_ =	shalt  }
0x79: {  	_ =	shalt  }
0x7a: {  	_ =	shalt  }
0x7b: {  	_ =	shalt  }
0x7c: {  	_ =	shalt  }
0x7d: {  	_ =	shalt  }
0x7e: {  	_ =	shalt  }
0x7f: {  	_ =	shalt  }
0x80: {  	_ =	shalt  }
0x81: {  	_ =	shalt  }
0x82: {  	_ =	shalt  }
0x83: {  	_ =	shalt  }
0x84: {  	_ =	shalt  }
0x85: {  	_ =	shalt  }
0x86: {  	_ =	shalt  }
0x87: {  	_ =	shalt  }
.Lfunc_end0:
.L_simem_size_0:
called_computation_lowered:
.L_overlay_start_0:
0x88: {  	s2 =	sld [smem:$0x3FD9]  }
0x89: {  	s3 =	sld [smem:$0x3FFE];
	_ =	sdelay $0x1  }
0x8a: {  	s1 =	srdreg.scid  }
0x8b: {  	s0 =	sand.u32 $0x1, s1  }
0x8c: {  	s17 =	sshll.u32 s0, $0xA;
	s2 =	sadd.s32 s3, s2  }
0x8d: {  	s2 =	sadd.s32 s2, s17  }
0x8e: {  	[smem:$0x3FC4] =	sst s2  }
0x8f: {  	_ = 	snop  }
0x90: {  	s2 =	sld [smem:$0x3FD0];
	(tm) =	ssettm $0x1  }
0x91: {  	s18 =	sld [smem:$0x3FFB];
	_ =	sdelay $0x3  }
0x92: {  	_ =	strace s18  }
0x93: {  	s3 =	sld [smem:$0x3FFC];
	_ =	sdelay $0x3  }
0x94: {  	_ =	strace s3  }
0x95: {  	s3 =	sld [smem:$0x3FFD];
	_ =	sdelay $0x3  }
0x96: {  	_ =	strace s3  }
0x97: {  	_ =	strace $0x8FFFFFFF  }
0x98: {  	s19 =	sld [smem:$0x3FDB];
	_ =	sdelay $0x1  }
0x99: {  	s4 =	simm.s32 $_scs_section_size  }
0x9a: {  	s5 =	simm.s32 $_size__tile_overlayer_lowered;
	s6 =	simm.s32 $_tile_overlayer_lowered  }
0x9b: {  	s22 =	simm.s32 $0x1BFF;
	s21 =	sshll.u32 s6, $0x1;
	s3 =	sadd.s32 s4, s19  }
0x9c: {  	s7 =	simm.s32 $0x0;
	s20 =	sshll.u32 s5, $0x1;
	s5 =	sadd.s32 s21, s3  }
0x9d: {  	[timem:s7], [sflag:s22] =	dma.local [hbm:s5], s20  }
0x9e: {  	_ =	swait.ge [sflag:s22], s20  }
0x9f: {  	s4 =	ssub.s32 $0x0, s20;
	[sflag:s22] =	ssyncset.done $0x0  }
0xa0: {  	[sflag:s22] =	ssyncadd.s32 s4;
	_ =	sdelay $0x1  }
0xa1: {  	s23 =	simm.s32 $0x1B8B  }
0xa2: {  	_ =	swait.ge [sflag:s23], $0x1  }
0xa3: {  	[sflag:s23] =	ssyncset.done $0x0  }
0xa4: {  	s25 =	simm.s32 $0x1B8E;
	s24 =	sld [smem:$0x3FFE];
	[sflag:s23] =	ssyncadd.s32 $0xFFFFFFFF  }
0xa5: {  	s26 =	simm.s32 $execute0_lowered;
	[smem:$0x3FD2] =	sst s25  }
0xa6: {  	s5 =	sshll.u32 s26, $0x1;
	_ =	strace $0x80000046;
	[dreg:$0x1] =	wrdreg $0xFFFFFFFF  }
0xa7: {  	s28 =	simm.s32 $_size_execute0_lowered;
	s3 =	sadd.s32 s3, s5;
	[dreg:$0x0] =	wrdreg $0x0  }
0xa8: {  	s5 =	sshll.u32 s28, $0x1;
	[dreg:$0x2] =	wrdreg s3  }
0xa9: {  	[dreg:$0x3] =	wrdreg s5  }
0xaa: {  	[dreg:$0x4] =	wrdreg $0xC0  }
0xab: {  	_ =	task [dreg:s7], $0x5FFFF  }
0xac: {  	[dreg:$0x1] =	wrdreg $0xFFFFFFFF  }
0xad: {  	[dreg:$0x0] =	wrdreg $0x60  }
0xae: {  	[dreg:$0x2] =	wrdreg s2  }
0xaf: {  	[dreg:$0x3] =	wrdreg s24  }
0xb0: {  	[dreg:$0x4] =	wrdreg $0x9  }
0xb1: {  	_ =	task.clear_ibuf [dreg:s7], $0x5FFFF;
	_ =	strace $0x90000046  }
0xb2: {  	s29 =	simm.s32 $0x9;
	_ =	strace $0x80000048  }
0xb3: {  	_ =	swait.ge [sflag:s29], $0x1  }
0xb4: {  	[sflag:s29] =	ssyncadd.s32 $0xFFFFFFFF  }
0xb5: {  	_ =	strace $0x90000048  }
0xb6: {  	_ =	sfence  }
0xb7: {  	s30 =	sld [smem:$0x0];
	_ =	sdelay $0x2  }
0xb8: {  	s31 =	sshll.u32 s1, $0xD;
	s1 =	sshrl.u32 s1, $0x2  }
0xb9: {  	s3 =	sand.u32 $0x4000, s31;
	s1 =	sadd.s32 s1, s30  }
0xba: {  	s0 =	sor.u32 s3, s0;
	s1 =	sshll.u32 s1, $0x11  }
0xbb: {  	s0 =	sor.u32 s1, s0  }
0xbc: {  	s0 =	sadd.s32 $0x8F2B, s0  }
0xbd: {  	[sflag:s0] =	ssyncadd.remote.s32 $0x1  }
0xbe: {  	_ =	sfence.sel $0xFFFF  }
0xbf: {  	[dreg:$0x0] =	wrdreg $0xFFFFFFFF;
	(pc) =	sbr.abs _section_cstart, $3  }
0xc0: {  	[dreg:$0x1] =	wrdreg $0xFFFFFFFF  }
0xc1: {  	_ =	task.clear_ibuf [dreg:s7], $0x2FFFF;
	_ =	strace $0x9FFFFFFF  }
0xc2: {  	(tm) =	ssettm $0x7FFFFFFF  }
0xc3: {  	_ =	shalt  }
tec
execute0_lowered:
.L_overlay_start_1:
0x0: {  	(tag) =	ssettag $0x1  }
0x1: {  	s1 =	rddreg [dreg:$0x0]  }
0x2: {  	s0 =	rddreg [dreg:$0x1];
	s2 =	srdreg.scid  }
0x3: {  	s3 =	simm.s32 $0x0;
	s4 =	stileid.u32;
	s28 =	simm.s32 $0x4  }
0x4: {  	s29 =	simm.s32 $0x100;
	s30 =	simm.s32 $0x10200;
	s31 =	simm.s32 $0x8200  }
0x5: {  	s2 =	sand.u32 $0x1, s2;
	[smem:$0x7FF] =	sst s3;
	s4 =	sshll.u32 s4, $0xA  }
0x6: {  	s6 =	sadd.s32 $0x1400, s0;
	s5 =	sshll.u32 s2, $0x9;
	s2 =	ssub.s32 $0x2, s2  }
0x7: {  	s0 =	sadd.s32 $0x9400, s0;
	s5 =	sor.u32 s5, s4;
	s7 =	sshrl.u32 s2, $0x1  }
0x8: {  	_ =	strace $0x80000047;
	s4 =	sadd.s32 s6, s5;
	s2 =	ssub.s32 s2, s7  }
0x9: {  	s26 =	sshll.u32 s5, $0x4;
	s5 =	sor.u32 $0x100, s5;
	s7 =	simm.s32 $0x0  }
0xa: {  	s20 =	sadd.s32 $0x10, s4;
	s21 =	sadd.s32 $0x20, s4;
	s22 =	sadd.s32 $0x30, s4  }
0xb: {  	s23 =	sadd.s32 $0x40, s4;
	s24 =	sadd.s32 $0x50, s4;
	s25 =	sadd.s32 $0x60, s4  }
0xc: {  	s11 =	sadd.s32 $0x70, s4;
	s12 =	sadd.s32 $0x4000, s4;
	[dreg:$0x3] =	wrdreg s20  }
0xd: {  	s13 =	sadd.s32 s0, s26;
	s14 =	sadd.s32 s6, s5;
	[dreg:$0x4] =	wrdreg s21  }
0xe: {  	s15 =	sadd.s32 $0x110, s4;
	s16 =	sadd.s32 $0x120, s4;
	[dreg:$0x5] =	wrdreg s22  }
0xf: {  	s17 =	sadd.s32 $0x130, s4;
	s18 =	sadd.s32 $0x140, s4;
	[dreg:$0x6] =	wrdreg s23  }
0x10: {  	s19 =	sadd.s32 $0x150, s4;
	s5 =	sshll.u32 s5, $0x4;
	[dreg:$0x7] =	wrdreg s24  }
0x11: {  	s26 =	simm.s32 $0x400;
	s6 =	simm.s32 $0x2;
	[dreg:$0x8] =	wrdreg s25  }
0x12: {  	s20 =	sadd.s32 $0x160, s4;
	s21 =	sadd.s32 $0x170, s4;
	s22 =	sadd.s32 $0x4100, s4  }
0x13: {  	s23 =	sadd.s32 s0, s5;
	s24 =	smax.u32 s2, $0x1;
	s25 =	simm.s32 $0x80  }
0x14: {  	s0 =	simm.s32 $0x1;
	s2 =	simm.s32 $0x200;
	s5 =	simm.s32 $0x3  }
.LBB2_1:
0x15: {  	[tilespmem:s3], [sflag:$0x4] =	stream.strided.gather [hbm4b:s4+s25], $0x100, s26, s25, $0x38;
	[tilespmem:$0x18200] =	vst v63  }
0x16: {  	_ =	swait.ge [sflag:s28], $0x100  }
0x17: {  	[sflag:s28] =	ssyncset.done $0x0  }
0x18: {  	[sflag:s28] =	ssyncadd.s32 $0xFFFFFF00  }
0x19: {  	[tilespmem:s30], [sflag:$0x1] =	stream.indirect.gather [hbm4b:s1+s29], $0x80, s3, s29, $0xb8;
	[tilespmem:$0x18200] =	vst v63  }
0x1a: {  	s8 =	rddreg [dreg:$0x3]  }
0x1b: {  	[tilespmem:s29], [sflag:$0x4] =	stream.strided.gather [hbm4b:s8+s25], $0x100, s26, s25, $0x38;
	[tilespmem:$0x18200] =	vst v63  }
0x1c: {  	_ =	swait.ge [sflag:s28], $0x100  }
0x1d: {  	[sflag:s28] =	ssyncset.done $0x0  }
0x1e: {  	[sflag:s28] =	ssyncadd.s32 $0xFFFFFF00  }
0x1f: {  	[tilespmem:s31], [sflag:$0x3] =	stream.indirect.gather [hbm4b:s1+s29], $0x80, s29, s29, $0xb8;
	[tilespmem:$0x18200] =	vst v63  }
0x20: {  	_ =	swait.ge [sflag:s0], $0x8000  }
0x21: {  	[sflag:s0] =	ssyncset.done $0x0  }
0x22: {  	s10 =	rddreg [dreg:$0x4];
	[sflag:s0] =	ssyncadd.s32 $0xFFFF8000  }
0x23: {  	[tilespmem:s3], [sflag:$0x4] =	stream.strided.gather [hbm4b:s10+s25], $0x100, s26, s25, $0x38;
	[tilespmem:$0x18200] =	vst v63  }
0x24: {  	_ =	swait.ge [sflag:s28], $0x100  }
0x25: {  	[sflag:s28] =	ssyncset.done $0x0  }
0x26: {  	[sflag:s28] =	ssyncadd.s32 $0xFFFFFF00  }
0x27: {  	[tilespmem:s2], [sflag:$0x2] =	stream.indirect.gather [hbm4b:s1+s29], $0x80, s3, s29, $0xb8;
	[tilespmem:$0x18200] =	vst v63  }
0x28: {  	_ =	swait.ge [sflag:s5], $0x8000  }
0x29: {  	[sflag:s5] =	ssyncset.done $0x0  }
0x2a: {  	s8 =	simm.s32 $0x0;
	[sflag:s5] =	ssyncadd.s32 $0xFFFF8000  }
0x2b: {  	v6 =	vld [tilespmem:s8+$0x8200]  }
0x2c: {  	v8 =	vld [tilespmem:s8+$0x8210]  }
0x2d: {  	v5 =	vld [tilespmem:s8+$0x8220]  }
0x2e: {  	v4 =	vld [tilespmem:s8+$0x8230]  }
0x2f: {  	v3 =	vld [tilespmem:s8+$0x8240]  }
0x30: {  	v2 =	vld [tilespmem:s8+$0x8250]  }
0x31: {  	v1 =	vld [tilespmem:s8+$0x8260]  }
0x32: {  	v0 =	vld [tilespmem:s8+$0x8270]  }
0x33: {  	v11 =	vld [tilespmem:s8+$0x10200]  }
0x34: {  	v12 =	vld [tilespmem:s8+$0x10210]  }
0x35: {  	v10 =	vld [tilespmem:s8+$0x10220]  }
0x36: {  	v9 =	vld [tilespmem:s8+$0x10230]  }
0x37: {  	v7 =	vld [tilespmem:s8+$0x10240]  }
0x38: {  	v11 =	vmax.f32 v11, v6;
	v6 =	vld [tilespmem:s8+$0x10250]  }
0x39: {  	s9 =	simm.s32 $0x200;
	[tilespmem:s8+$0x10200] =	vst v11;
	v11 =	vmax.f32 v12, v8;
	v8 =	vld [tilespmem:s8+$0x10260]  }
.LBB2_2:
0x3a: {  	s10 =	sshra.s32 s9, $0x2;
	p0 =	sne.s32 s9, $0x1FE00;
	[tilespmem:s8+$0x10210] =	vst v11;
	v5 =	vmax.f32 v10, v5;
	v10 =	vld [tilespmem:s8+$0x10270]  }
0x3b: {  	v11 =	vld [tilespmem:s10+$0x8200];
	[tilespmem:s8+$0x10220] =	vst v5;
	v4 =	vmax.f32 v9, v4  }
0x3c: {  	v12 =	vld [tilespmem:s10+$0x8210];
	[tilespmem:s8+$0x10230] =	vst v4;
	v3 =	vmax.f32 v7, v3  }
0x3d: {  	v5 =	vld [tilespmem:s10+$0x8220];
	[tilespmem:s8+$0x10240] =	vst v3;
	v2 =	vmax.f32 v6, v2  }
0x3e: {  	v4 =	vld [tilespmem:s10+$0x8230];
	[tilespmem:s8+$0x10250] =	vst v2;
	v1 =	vmax.f32 v8, v1  }
0x3f: {  	v3 =	vld [tilespmem:s10+$0x8240];
	[tilespmem:s8+$0x10260] =	vst v1;
	v0 =	vmax.f32 v10, v0  }
0x40: {  	v2 =	vld [tilespmem:s10+$0x8250];
	[tilespmem:s8+$0x10270] =	vst v0;
	s8 =	smov.u32 s10  }
0x41: {  	v1 =	vld [tilespmem:s8+$0x8260]  }
0x42: {  	v0 =	vld [tilespmem:s8+$0x8270]  }
0x43: {  	v6 =	vld [tilespmem:s8+$0x10200]  }
0x44: {  	v8 =	vld [tilespmem:s8+$0x10210]  }
.Ltmp0:
0x45: {  	v10 =	vld [tilespmem:s8+$0x10220];
	(pc) =	sbr.rel @p0 .LBB2_2-.Ltmp0, $4  }
0x46: {  	v9 =	vld [tilespmem:s8+$0x10230]  }
0x47: {  	v7 =	vld [tilespmem:s8+$0x10240]  }
0x48: {  	v11 =	vmax.f32 v6, v11;
	v6 =	vld [tilespmem:s8+$0x10250]  }
0x49: {  	s9 =	sadd.s32 $0x200, s9;
	[tilespmem:s8+$0x10200] =	vst v11;
	v11 =	vmax.f32 v8, v12;
	v8 =	vld [tilespmem:s8+$0x10260]  }
0x4a: {  	[tilespmem:s8+$0x10210] =	vst v11;
	v5 =	vmax.f32 v10, v5;
	v10 =	vld [tilespmem:s8+$0x10270]  }
0x4b: {  	[tilespmem:s8+$0x10220] =	vst v5;
	v4 =	vmax.f32 v9, v4  }
0x4c: {  	[tilespmem:s8+$0x10230] =	vst v4;
	v3 =	vmax.f32 v7, v3  }
0x4d: {  	[tilespmem:s8+$0x10240] =	vst v3;
	v2 =	vmax.f32 v6, v2  }
0x4e: {  	[tilespmem:s8+$0x10250] =	vst v2;
	v1 =	vmax.f32 v8, v1  }
0x4f: {  	[tilespmem:s8+$0x10260] =	vst v1;
	v0 =	vmax.f32 v10, v0  }
0x50: {  	s10 =	rddreg [dreg:$0x5];
	[tilespmem:s8+$0x10270] =	vst v0  }
0x51: {  	[tilespmem:s29], [sflag:$0x4] =	stream.strided.gather [hbm4b:s10+s25], $0x100, s26, s25, $0x38;
	[tilespmem:$0x18200] =	vst v63  }
0x52: {  	_ =	swait.ge [sflag:s28], $0x100  }
0x53: {  	[sflag:s28] =	ssyncset.done $0x0  }
0x54: {  	[sflag:s28] =	ssyncadd.s32 $0xFFFFFF00  }
0x55: {  	[tilespmem:s31], [sflag:$0x3] =	stream.indirect.gather [hbm4b:s1+s29], $0x80, s29, s29, $0xb8;
	[tilespmem:$0x18200] =	vst v63  }
0x56: {  	_ =	swait.ge [sflag:s6], $0x8000  }
0x57: {  	[sflag:s6] =	ssyncset.done $0x0  }
0x58: {  	s8 =	simm.s32 $0x0;
	[sflag:s6] =	ssyncadd.s32 $0xFFFF8000  }
0x59: {  	v6 =	vld [tilespmem:s8+$0x200]  }
0x5a: {  	v8 =	vld [tilespmem:s8+$0x210]  }
0x5b: {  	v5 =	vld [tilespmem:s8+$0x220]  }
0x5c: {  	v4 =	vld [tilespmem:s8+$0x230]  }
0x5d: {  	v3 =	vld [tilespmem:s8+$0x240]  }
0x5e: {  	v2 =	vld [tilespmem:s8+$0x250]  }
0x5f: {  	v1 =	vld [tilespmem:s8+$0x260]  }
0x60: {  	v0 =	vld [tilespmem:s8+$0x270]  }
0x61: {  	v11 =	vld [tilespmem:s8+$0x10200]  }
0x62: {  	v12 =	vld [tilespmem:s8+$0x10210]  }
0x63: {  	v10 =	vld [tilespmem:s8+$0x10220]  }
0x64: {  	v9 =	vld [tilespmem:s8+$0x10230]  }
0x65: {  	v7 =	vld [tilespmem:s8+$0x10240]  }
0x66: {  	v11 =	vmax.f32 v11, v6;
	v6 =	vld [tilespmem:s8+$0x10250]  }
0x67: {  	s9 =	simm.s32 $0x200;
	[tilespmem:s8+$0x10200] =	vst v11;
	v11 =	vmax.f32 v12, v8;
	v8 =	vld [tilespmem:s8+$0x10260]  }
.LBB2_4:
0x68: {  	s10 =	sshra.s32 s9, $0x2;
	p0 =	sne.s32 s9, $0x1FE00;
	[tilespmem:s8+$0x10210] =	vst v11;
	v5 =	vmax.f32 v10, v5;
	v10 =	vld [tilespmem:s8+$0x10270]  }
0x69: {  	v11 =	vld [tilespmem:s10+$0x200];
	[tilespmem:s8+$0x10220] =	vst v5;
	v4 =	vmax.f32 v9, v4  }
0x6a: {  	v12 =	vld [tilespmem:s10+$0x210];
	[tilespmem:s8+$0x10230] =	vst v4;
	v3 =	vmax.f32 v7, v3  }
0x6b: {  	v5 =	vld [tilespmem:s10+$0x220];
	[tilespmem:s8+$0x10240] =	vst v3;
	v2 =	vmax.f32 v6, v2  }
0x6c: {  	v4 =	vld [tilespmem:s10+$0x230];
	[tilespmem:s8+$0x10250] =	vst v2;
	v1 =	vmax.f32 v8, v1  }
0x6d: {  	v3 =	vld [tilespmem:s10+$0x240];
	[tilespmem:s8+$0x10260] =	vst v1;
	v0 =	vmax.f32 v10, v0  }
0x6e: {  	v2 =	vld [tilespmem:s10+$0x250];
	[tilespmem:s8+$0x10270] =	vst v0;
	s8 =	smov.u32 s10  }
0x6f: {  	v1 =	vld [tilespmem:s8+$0x260]  }
0x70: {  	v0 =	vld [tilespmem:s8+$0x270]  }
0x71: {  	v6 =	vld [tilespmem:s8+$0x10200]  }
0x72: {  	v8 =	vld [tilespmem:s8+$0x10210]  }
.Ltmp1:
0x73: {  	v10 =	vld [tilespmem:s8+$0x10220];
	(pc) =	sbr.rel @p0 .LBB2_4-.Ltmp1, $4  }
0x74: {  	v9 =	vld [tilespmem:s8+$0x10230]  }
0x75: {  	v7 =	vld [tilespmem:s8+$0x10240]  }
0x76: {  	v11 =	vmax.f32 v6, v11;
	v6 =	vld [tilespmem:s8+$0x10250]  }
0x77: {  	s9 =	sadd.s32 $0x200, s9;
	[tilespmem:s8+$0x10200] =	vst v11;
	v11 =	vmax.f32 v8, v12;
	v8 =	vld [tilespmem:s8+$0x10260]  }
0x78: {  	[tilespmem:s8+$0x10210] =	vst v11;
	v5 =	vmax.f32 v10, v5;
	v10 =	vld [tilespmem:s8+$0x10270]  }
0x79: {  	[tilespmem:s8+$0x10220] =	vst v5;
	v4 =	vmax.f32 v9, v4  }
0x7a: {  	[tilespmem:s8+$0x10230] =	vst v4;
	v3 =	vmax.f32 v7, v3  }
0x7b: {  	[tilespmem:s8+$0x10240] =	vst v3;
	v2 =	vmax.f32 v6, v2  }
0x7c: {  	[tilespmem:s8+$0x10250] =	vst v2;
	v1 =	vmax.f32 v8, v1  }
0x7d: {  	[tilespmem:s8+$0x10260] =	vst v1;
	v0 =	vmax.f32 v10, v0  }
0x7e: {  	s10 =	simm.s32 $0x0;
	s9 =	rddreg [dreg:$0x6];
	[tilespmem:s8+$0x10270] =	vst v0  }
0x7f: {  	[tilespmem:s10], [sflag:$0x4] =	stream.strided.gather [hbm4b:s9+s25], $0x100, s26, s25, $0x38;
	[tilespmem:$0x18200] =	vst v63  }
0x80: {  	_ =	swait.ge [sflag:s28], $0x100  }
0x81: {  	[sflag:s28] =	ssyncset.done $0x0  }
0x82: {  	[sflag:s28] =	ssyncadd.s32 $0xFFFFFF00  }
0x83: {  	[tilespmem:s2], [sflag:$0x2] =	stream.indirect.gather [hbm4b:s1+s29], $0x80, s10, s29, $0xb8;
	[tilespmem:$0x18200] =	vst v63  }
0x84: {  	_ =	swait.ge [sflag:s5], $0x8000  }
0x85: {  	[sflag:s5] =	ssyncset.done $0x0  }
0x86: {  	s8 =	simm.s32 $0x0;
	[sflag:s5] =	ssyncadd.s32 $0xFFFF8000  }
0x87: {  	v6 =	vld [tilespmem:s8+$0x8200]  }
0x88: {  	v8 =	vld [tilespmem:s8+$0x8210]  }
0x89: {  	v5 =	vld [tilespmem:s8+$0x8220]  }
0x8a: {  	v4 =	vld [tilespmem:s8+$0x8230]  }
0x8b: {  	v3 =	vld [tilespmem:s8+$0x8240]  }
0x8c: {  	v2 =	vld [tilespmem:s8+$0x8250]  }
0x8d: {  	v1 =	vld [tilespmem:s8+$0x8260]  }
0x8e: {  	v0 =	vld [tilespmem:s8+$0x8270]  }
0x8f: {  	v11 =	vld [tilespmem:s8+$0x10200]  }
0x90: {  	v12 =	vld [tilespmem:s8+$0x10210]  }
0x91: {  	v10 =	vld [tilespmem:s8+$0x10220]  }
0x92: {  	v9 =	vld [tilespmem:s8+$0x10230]  }
0x93: {  	v7 =	vld [tilespmem:s8+$0x10240]  }
0x94: {  	v11 =	vmax.f32 v11, v6;
	v6 =	vld [tilespmem:s8+$0x10250]  }
0x95: {  	s9 =	simm.s32 $0x200;
	[tilespmem:s8+$0x10200] =	vst v11;
	v11 =	vmax.f32 v12, v8;
	v8 =	vld [tilespmem:s8+$0x10260]  }
.LBB2_6:
0x96: {  	s10 =	sshra.s32 s9, $0x2;
	p0 =	sne.s32 s9, $0x1FE00;
	[tilespmem:s8+$0x10210] =	vst v11;
	v5 =	vmax.f32 v10, v5;
	v10 =	vld [tilespmem:s8+$0x10270]  }
0x97: {  	v11 =	vld [tilespmem:s10+$0x8200];
	[tilespmem:s8+$0x10220] =	vst v5;
	v4 =	vmax.f32 v9, v4  }
0x98: {  	v12 =	vld [tilespmem:s10+$0x8210];
	[tilespmem:s8+$0x10230] =	vst v4;
	v3 =	vmax.f32 v7, v3  }
0x99: {  	v5 =	vld [tilespmem:s10+$0x8220];
	[tilespmem:s8+$0x10240] =	vst v3;
	v2 =	vmax.f32 v6, v2  }
0x9a: {  	v4 =	vld [tilespmem:s10+$0x8230];
	[tilespmem:s8+$0x10250] =	vst v2;
	v1 =	vmax.f32 v8, v1  }
0x9b: {  	v3 =	vld [tilespmem:s10+$0x8240];
	[tilespmem:s8+$0x10260] =	vst v1;
	v0 =	vmax.f32 v10, v0  }
0x9c: {  	v2 =	vld [tilespmem:s10+$0x8250];
	[tilespmem:s8+$0x10270] =	vst v0;
	s8 =	smov.u32 s10  }
0x9d: {  	v1 =	vld [tilespmem:s8+$0x8260]  }
0x9e: {  	v0 =	vld [tilespmem:s8+$0x8270]  }
0x9f: {  	v6 =	vld [tilespmem:s8+$0x10200]  }
0xa0: {  	v8 =	vld [tilespmem:s8+$0x10210]  }
.Ltmp2:
0xa1: {  	v10 =	vld [tilespmem:s8+$0x10220];
	(pc) =	sbr.rel @p0 .LBB2_6-.Ltmp2, $4  }
0xa2: {  	v9 =	vld [tilespmem:s8+$0x10230]  }
0xa3: {  	v7 =	vld [tilespmem:s8+$0x10240]  }
0xa4: {  	v11 =	vmax.f32 v6, v11;
	v6 =	vld [tilespmem:s8+$0x10250]  }
0xa5: {  	s9 =	sadd.s32 $0x200, s9;
	[tilespmem:s8+$0x10200] =	vst v11;
	v11 =	vmax.f32 v8, v12;
	v8 =	vld [tilespmem:s8+$0x10260]  }
0xa6: {  	[tilespmem:s8+$0x10210] =	vst v11;
	v5 =	vmax.f32 v10, v5;
	v10 =	vld [tilespmem:s8+$0x10270]  }
0xa7: {  	[tilespmem:s8+$0x10220] =	vst v5;
	v4 =	vmax.f32 v9, v4  }
0xa8: {  	[tilespmem:s8+$0x10230] =	vst v4;
	v3 =	vmax.f32 v7, v3  }
0xa9: {  	[tilespmem:s8+$0x10240] =	vst v3;
	v2 =	vmax.f32 v6, v2  }
0xaa: {  	[tilespmem:s8+$0x10250] =	vst v2;
	v1 =	vmax.f32 v8, v1  }
0xab: {  	[tilespmem:s8+$0x10260] =	vst v1;
	v0 =	vmax.f32 v10, v0  }
0xac: {  	s10 =	rddreg [dreg:$0x7];
	[tilespmem:s8+$0x10270] =	vst v0  }
0xad: {  	[tilespmem:s29], [sflag:$0x4] =	stream.strided.gather [hbm4b:s10+s25], $0x100, s26, s25, $0x38;
	[tilespmem:$0x18200] =	vst v63  }
0xae: {  	_ =	swait.ge [sflag:s28], $0x100  }
0xaf: {  	[sflag:s28] =	ssyncset.done $0x0  }
0xb0: {  	[sflag:s28] =	ssyncadd.s32 $0xFFFFFF00  }
0xb1: {  	[tilespmem:s31], [sflag:$0x3] =	stream.indirect.gather [hbm4b:s1+s29], $0x80, s29, s29, $0xb8;
	[tilespmem:$0x18200] =	vst v63  }
0xb2: {  	_ =	swait.ge [sflag:s6], $0x8000  }
0xb3: {  	[sflag:s6] =	ssyncset.done $0x0  }
0xb4: {  	s8 =	simm.s32 $0x0;
	[sflag:s6] =	ssyncadd.s32 $0xFFFF8000  }
0xb5: {  	v6 =	vld [tilespmem:s8+$0x200]  }
0xb6: {  	v8 =	vld [tilespmem:s8+$0x210]  }
0xb7: {  	v5 =	vld [tilespmem:s8+$0x220]  }
0xb8: {  	v4 =	vld [tilespmem:s8+$0x230]  }
0xb9: {  	v3 =	vld [tilespmem:s8+$0x240]  }
0xba: {  	v2 =	vld [tilespmem:s8+$0x250]  }
0xbb: {  	v1 =	vld [tilespmem:s8+$0x260]  }
0xbc: {  	v0 =	vld [tilespmem:s8+$0x270]  }
0xbd: {  	v11 =	vld [tilespmem:s8+$0x10200]  }
0xbe: {  	v12 =	vld [tilespmem:s8+$0x10210]  }
0xbf: {  	v10 =	vld [tilespmem:s8+$0x10220]  }
0xc0: {  	v9 =	vld [tilespmem:s8+$0x10230]  }
0xc1: {  	v7 =	vld [tilespmem:s8+$0x10240]  }
0xc2: {  	v11 =	vmax.f32 v11, v6;
	v6 =	vld [tilespmem:s8+$0x10250]  }
0xc3: {  	s9 =	simm.s32 $0x200;
	[tilespmem:s8+$0x10200] =	vst v11;
	v11 =	vmax.f32 v12, v8;
	v8 =	vld [tilespmem:s8+$0x10260]  }
.LBB2_8:
0xc4: {  	s10 =	sshra.s32 s9, $0x2;
	p0 =	sne.s32 s9, $0x1FE00;
	[tilespmem:s8+$0x10210] =	vst v11;
	v5 =	vmax.f32 v10, v5;
	v10 =	vld [tilespmem:s8+$0x10270]  }
0xc5: {  	v11 =	vld [tilespmem:s10+$0x200];
	[tilespmem:s8+$0x10220] =	vst v5;
	v4 =	vmax.f32 v9, v4  }
0xc6: {  	v12 =	vld [tilespmem:s10+$0x210];
	[tilespmem:s8+$0x10230] =	vst v4;
	v3 =	vmax.f32 v7, v3  }
0xc7: {  	v5 =	vld [tilespmem:s10+$0x220];
	[tilespmem:s8+$0x10240] =	vst v3;
	v2 =	vmax.f32 v6, v2  }
0xc8: {  	v4 =	vld [tilespmem:s10+$0x230];
	[tilespmem:s8+$0x10250] =	vst v2;
	v1 =	vmax.f32 v8, v1  }
0xc9: {  	v3 =	vld [tilespmem:s10+$0x240];
	[tilespmem:s8+$0x10260] =	vst v1;
	v0 =	vmax.f32 v10, v0  }
0xca: {  	v2 =	vld [tilespmem:s10+$0x250];
	[tilespmem:s8+$0x10270] =	vst v0;
	s8 =	smov.u32 s10  }
0xcb: {  	v1 =	vld [tilespmem:s8+$0x260]  }
0xcc: {  	v0 =	vld [tilespmem:s8+$0x270]  }
0xcd: {  	v6 =	vld [tilespmem:s8+$0x10200]  }
0xce: {  	v8 =	vld [tilespmem:s8+$0x10210]  }
.Ltmp3:
0xcf: {  	v10 =	vld [tilespmem:s8+$0x10220];
	(pc) =	sbr.rel @p0 .LBB2_8-.Ltmp3, $4  }
0xd0: {  	v9 =	vld [tilespmem:s8+$0x10230]  }
0xd1: {  	v7 =	vld [tilespmem:s8+$0x10240]  }
0xd2: {  	v11 =	vmax.f32 v6, v11;
	v6 =	vld [tilespmem:s8+$0x10250]  }
0xd3: {  	s9 =	sadd.s32 $0x200, s9;
	[tilespmem:s8+$0x10200] =	vst v11;
	v11 =	vmax.f32 v8, v12;
	v8 =	vld [tilespmem:s8+$0x10260]  }
0xd4: {  	[tilespmem:s8+$0x10210] =	vst v11;
	v5 =	vmax.f32 v10, v5;
	v10 =	vld [tilespmem:s8+$0x10270]  }
0xd5: {  	[tilespmem:s8+$0x10220] =	vst v5;
	v4 =	vmax.f32 v9, v4  }
0xd6: {  	[tilespmem:s8+$0x10230] =	vst v4;
	v3 =	vmax.f32 v7, v3  }
0xd7: {  	[tilespmem:s8+$0x10240] =	vst v3;
	v2 =	vmax.f32 v6, v2  }
0xd8: {  	[tilespmem:s8+$0x10250] =	vst v2;
	v1 =	vmax.f32 v8, v1  }
0xd9: {  	[tilespmem:s8+$0x10260] =	vst v1;
	v0 =	vmax.f32 v10, v0  }
0xda: {  	s10 =	simm.s32 $0x0;
	s9 =	rddreg [dreg:$0x8];
	[tilespmem:s8+$0x10270] =	vst v0  }
0xdb: {  	[tilespmem:s10], [sflag:$0x4] =	stream.strided.gather [hbm4b:s9+s25], $0x100, s26, s25, $0x38;
	[tilespmem:$0x18200] =	vst v63  }
0xdc: {  	_ =	swait.ge [sflag:s28], $0x100  }
0xdd: {  	[sflag:s28] =	ssyncset.done $0x0  }
0xde: {  	[sflag:s28] =	ssyncadd.s32 $0xFFFFFF00  }
0xdf: {  	[tilespmem:s2], [sflag:$0x2] =	stream.indirect.gather [hbm4b:s1+s29], $0x80, s10, s29, $0xb8;
	[tilespmem:$0x18200] =	vst v63  }
0xe0: {  	_ =	swait.ge [sflag:s5], $0x8000  }
0xe1: {  	[sflag:s5] =	ssyncset.done $0x0  }
0xe2: {  	s8 =	simm.s32 $0x0;
	[sflag:s5] =	ssyncadd.s32 $0xFFFF8000  }
0xe3: {  	v6 =	vld [tilespmem:s8+$0x8200]  }
0xe4: {  	v8 =	vld [tilespmem:s8+$0x8210]  }
0xe5: {  	v5 =	vld [tilespmem:s8+$0x8220]  }
0xe6: {  	v4 =	vld [tilespmem:s8+$0x8230]  }
0xe7: {  	v3 =	vld [tilespmem:s8+$0x8240]  }
0xe8: {  	v2 =	vld [tilespmem:s8+$0x8250]  }
0xe9: {  	v1 =	vld [tilespmem:s8+$0x8260]  }
0xea: {  	v0 =	vld [tilespmem:s8+$0x8270]  }
0xeb: {  	v11 =	vld [tilespmem:s8+$0x10200]  }
0xec: {  	v12 =	vld [tilespmem:s8+$0x10210]  }
0xed: {  	v10 =	vld [tilespmem:s8+$0x10220]  }
0xee: {  	v9 =	vld [tilespmem:s8+$0x10230]  }
0xef: {  	v7 =	vld [tilespmem:s8+$0x10240]  }
0xf0: {  	v11 =	vmax.f32 v11, v6;
	v6 =	vld [tilespmem:s8+$0x10250]  }
0xf1: {  	s9 =	simm.s32 $0x200;
	[tilespmem:s8+$0x10200] =	vst v11;
	v11 =	vmax.f32 v12, v8;
	v8 =	vld [tilespmem:s8+$0x10260]  }
.LBB2_10:
0xf2: {  	s10 =	sshra.s32 s9, $0x2;
	p0 =	sne.s32 s9, $0x1FE00;
	[tilespmem:s8+$0x10210] =	vst v11;
	v5 =	vmax.f32 v10, v5;
	v10 =	vld [tilespmem:s8+$0x10270]  }
0xf3: {  	v11 =	vld [tilespmem:s10+$0x8200];
	[tilespmem:s8+$0x10220] =	vst v5;
	v4 =	vmax.f32 v9, v4  }
0xf4: {  	v12 =	vld [tilespmem:s10+$0x8210];
	[tilespmem:s8+$0x10230] =	vst v4;
	v3 =	vmax.f32 v7, v3  }
0xf5: {  	v5 =	vld [tilespmem:s10+$0x8220];
	[tilespmem:s8+$0x10240] =	vst v3;
	v2 =	vmax.f32 v6, v2  }
0xf6: {  	v4 =	vld [tilespmem:s10+$0x8230];
	[tilespmem:s8+$0x10250] =	vst v2;
	v1 =	vmax.f32 v8, v1  }
0xf7: {  	v3 =	vld [tilespmem:s10+$0x8240];
	[tilespmem:s8+$0x10260] =	vst v1;
	v0 =	vmax.f32 v10, v0  }
0xf8: {  	v2 =	vld [tilespmem:s10+$0x8250];
	[tilespmem:s8+$0x10270] =	vst v0;
	s8 =	smov.u32 s10  }
0xf9: {  	v1 =	vld [tilespmem:s8+$0x8260]  }
0xfa: {  	v0 =	vld [tilespmem:s8+$0x8270]  }
0xfb: {  	v6 =	vld [tilespmem:s8+$0x10200]  }
0xfc: {  	v8 =	vld [tilespmem:s8+$0x10210]  }
.Ltmp4:
0xfd: {  	v10 =	vld [tilespmem:s8+$0x10220];
	(pc) =	sbr.rel @p0 .LBB2_10-.Ltmp4, $4  }
0xfe: {  	v9 =	vld [tilespmem:s8+$0x10230]  }
0xff: {  	v7 =	vld [tilespmem:s8+$0x10240]  }
0x100: {  	v11 =	vmax.f32 v6, v11;
	v6 =	vld [tilespmem:s8+$0x10250]  }
0x101: {  	s9 =	sadd.s32 $0x200, s9;
	[tilespmem:s8+$0x10200] =	vst v11;
	v11 =	vmax.f32 v8, v12;
	v8 =	vld [tilespmem:s8+$0x10260]  }
0x102: {  	[tilespmem:s8+$0x10210] =	vst v11;
	v5 =	vmax.f32 v10, v5;
	v10 =	vld [tilespmem:s8+$0x10270]  }
0x103: {  	[tilespmem:s8+$0x10220] =	vst v5;
	v4 =	vmax.f32 v9, v4  }
0x104: {  	[tilespmem:s8+$0x10230] =	vst v4;
	v3 =	vmax.f32 v7, v3  }
0x105: {  	[tilespmem:s8+$0x10240] =	vst v3;
	v2 =	vmax.f32 v6, v2  }
0x106: {  	[tilespmem:s8+$0x10250] =	vst v2;
	v1 =	vmax.f32 v8, v1  }
0x107: {  	[tilespmem:s8+$0x10260] =	vst v1;
	v0 =	vmax.f32 v10, v0  }
0x108: {  	[tilespmem:s8+$0x10270] =	vst v0  }
0x109: {  	[tilespmem:s29], [sflag:$0x4] =	stream.strided.gather [hbm4b:s11+s25], $0x100, s26, s25, $0x38;
	[tilespmem:$0x18200] =	vst v63  }
0x10a: {  	_ =	swait.ge [sflag:s28], $0x100  }
0x10b: {  	[sflag:s28] =	ssyncset.done $0x0  }
0x10c: {  	[sflag:s28] =	ssyncadd.s32 $0xFFFFFF00  }
0x10d: {  	[tilespmem:s31], [sflag:$0x3] =	stream.indirect.gather [hbm4b:s1+s29], $0x80, s29, s29, $0xb8;
	[tilespmem:$0x18200] =	vst v63  }
0x10e: {  	_ =	swait.ge [sflag:s6], $0x8000  }
0x10f: {  	[sflag:s6] =	ssyncset.done $0x0  }
0x110: {  	s8 =	simm.s32 $0x0;
	[sflag:s6] =	ssyncadd.s32 $0xFFFF8000  }
0x111: {  	v6 =	vld [tilespmem:s8+$0x200]  }
0x112: {  	v8 =	vld [tilespmem:s8+$0x210]  }
0x113: {  	v5 =	vld [tilespmem:s8+$0x220]  }
0x114: {  	v4 =	vld [tilespmem:s8+$0x230]  }
0x115: {  	v3 =	vld [tilespmem:s8+$0x240]  }
0x116: {  	v2 =	vld [tilespmem:s8+$0x250]  }
0x117: {  	v1 =	vld [tilespmem:s8+$0x260]  }
0x118: {  	v0 =	vld [tilespmem:s8+$0x270]  }
0x119: {  	v11 =	vld [tilespmem:s8+$0x10200]  }
0x11a: {  	v12 =	vld [tilespmem:s8+$0x10210]  }
0x11b: {  	v10 =	vld [tilespmem:s8+$0x10220]  }
0x11c: {  	v9 =	vld [tilespmem:s8+$0x10230]  }
0x11d: {  	v7 =	vld [tilespmem:s8+$0x10240]  }
0x11e: {  	v11 =	vmax.f32 v11, v6;
	v6 =	vld [tilespmem:s8+$0x10250]  }
0x11f: {  	s9 =	simm.s32 $0x200;
	[tilespmem:s8+$0x10200] =	vst v11;
	v11 =	vmax.f32 v12, v8;
	v8 =	vld [tilespmem:s8+$0x10260]  }
.LBB2_12:
0x120: {  	s10 =	sshra.s32 s9, $0x2;
	p0 =	sne.s32 s9, $0x1FE00;
	[tilespmem:s8+$0x10210] =	vst v11;
	v5 =	vmax.f32 v10, v5;
	v10 =	vld [tilespmem:s8+$0x10270]  }
0x121: {  	v11 =	vld [tilespmem:s10+$0x200];
	[tilespmem:s8+$0x10220] =	vst v5;
	v4 =	vmax.f32 v9, v4  }
0x122: {  	v12 =	vld [tilespmem:s10+$0x210];
	[tilespmem:s8+$0x10230] =	vst v4;
	v3 =	vmax.f32 v7, v3  }
0x123: {  	v5 =	vld [tilespmem:s10+$0x220];
	[tilespmem:s8+$0x10240] =	vst v3;
	v2 =	vmax.f32 v6, v2  }
0x124: {  	v4 =	vld [tilespmem:s10+$0x230];
	[tilespmem:s8+$0x10250] =	vst v2;
	v1 =	vmax.f32 v8, v1  }
0x125: {  	v3 =	vld [tilespmem:s10+$0x240];
	[tilespmem:s8+$0x10260] =	vst v1;
	v0 =	vmax.f32 v10, v0  }
0x126: {  	v2 =	vld [tilespmem:s10+$0x250];
	[tilespmem:s8+$0x10270] =	vst v0;
	s8 =	smov.u32 s10  }
0x127: {  	v1 =	vld [tilespmem:s8+$0x260]  }
0x128: {  	v0 =	vld [tilespmem:s8+$0x270]  }
0x129: {  	v6 =	vld [tilespmem:s8+$0x10200]  }
0x12a: {  	v8 =	vld [tilespmem:s8+$0x10210]  }
.Ltmp5:
0x12b: {  	v10 =	vld [tilespmem:s8+$0x10220];
	(pc) =	sbr.rel @p0 .LBB2_12-.Ltmp5, $4  }
0x12c: {  	v9 =	vld [tilespmem:s8+$0x10230]  }
0x12d: {  	v7 =	vld [tilespmem:s8+$0x10240]  }
0x12e: {  	v11 =	vmax.f32 v6, v11;
	v6 =	vld [tilespmem:s8+$0x10250]  }
0x12f: {  	s9 =	sadd.s32 $0x200, s9;
	[tilespmem:s8+$0x10200] =	vst v11;
	v11 =	vmax.f32 v8, v12;
	v8 =	vld [tilespmem:s8+$0x10260]  }
0x130: {  	[tilespmem:s8+$0x10210] =	vst v11;
	v5 =	vmax.f32 v10, v5;
	v10 =	vld [tilespmem:s8+$0x10270]  }
0x131: {  	[tilespmem:s8+$0x10220] =	vst v5;
	v4 =	vmax.f32 v9, v4  }
0x132: {  	[tilespmem:s8+$0x10230] =	vst v4;
	v3 =	vmax.f32 v7, v3  }
0x133: {  	[tilespmem:s8+$0x10240] =	vst v3;
	v2 =	vmax.f32 v6, v2  }
0x134: {  	[tilespmem:s8+$0x10250] =	vst v2;
	v1 =	vmax.f32 v8, v1  }
0x135: {  	[tilespmem:s8+$0x10260] =	vst v1;
	v0 =	vmax.f32 v10, v0  }
0x136: {  	s10 =	simm.s32 $0x0;
	[tilespmem:s8+$0x10270] =	vst v0  }
0x137: {  	[tilespmem:s10], [sflag:$0x4] =	stream.strided.gather [hbm4b:s12+s25], $0x100, s26, s25, $0x38;
	[tilespmem:$0x18200] =	vst v63  }
0x138: {  	_ =	swait.ge [sflag:s28], $0x100  }
0x139: {  	[sflag:s28] =	ssyncset.done $0x0  }
0x13a: {  	[sflag:s28] =	ssyncadd.s32 $0xFFFFFF00  }
0x13b: {  	[tilespmem:s2], [sflag:$0x2] =	stream.indirect.gather [hbm4b:s1+s29], $0x80, s10, s29, $0xb8;
	[tilespmem:$0x18200] =	vst v63  }
0x13c: {  	_ =	swait.ge [sflag:s5], $0x8000  }
0x13d: {  	[sflag:s5] =	ssyncset.done $0x0  }
0x13e: {  	s8 =	simm.s32 $0x0;
	[sflag:s5] =	ssyncadd.s32 $0xFFFF8000  }
0x13f: {  	v6 =	vld [tilespmem:s8+$0x8200]  }
0x140: {  	v8 =	vld [tilespmem:s8+$0x8210]  }
0x141: {  	v5 =	vld [tilespmem:s8+$0x8220]  }
0x142: {  	v4 =	vld [tilespmem:s8+$0x8230]  }
0x143: {  	v3 =	vld [tilespmem:s8+$0x8240]  }
0x144: {  	v2 =	vld [tilespmem:s8+$0x8250]  }
0x145: {  	v1 =	vld [tilespmem:s8+$0x8260]  }
0x146: {  	v0 =	vld [tilespmem:s8+$0x8270]  }
0x147: {  	v11 =	vld [tilespmem:s8+$0x10200]  }
0x148: {  	v12 =	vld [tilespmem:s8+$0x10210]  }
0x149: {  	v10 =	vld [tilespmem:s8+$0x10220]  }
0x14a: {  	v9 =	vld [tilespmem:s8+$0x10230]  }
0x14b: {  	v7 =	vld [tilespmem:s8+$0x10240]  }
0x14c: {  	v11 =	vmax.f32 v11, v6;
	v6 =	vld [tilespmem:s8+$0x10250]  }
0x14d: {  	s9 =	simm.s32 $0x200;
	[tilespmem:s8+$0x10200] =	vst v11;
	v11 =	vmax.f32 v12, v8;
	v8 =	vld [tilespmem:s8+$0x10260]  }
.LBB2_14:
0x14e: {  	s10 =	sshra.s32 s9, $0x2;
	p0 =	sne.s32 s9, $0x1FE00;
	[tilespmem:s8+$0x10210] =	vst v11;
	v5 =	vmax.f32 v10, v5;
	v10 =	vld [tilespmem:s8+$0x10270]  }
0x14f: {  	v11 =	vld [tilespmem:s10+$0x8200];
	[tilespmem:s8+$0x10220] =	vst v5;
	v4 =	vmax.f32 v9, v4  }
0x150: {  	v12 =	vld [tilespmem:s10+$0x8210];
	[tilespmem:s8+$0x10230] =	vst v4;
	v3 =	vmax.f32 v7, v3  }
0x151: {  	v5 =	vld [tilespmem:s10+$0x8220];
	[tilespmem:s8+$0x10240] =	vst v3;
	v2 =	vmax.f32 v6, v2  }
0x152: {  	v4 =	vld [tilespmem:s10+$0x8230];
	[tilespmem:s8+$0x10250] =	vst v2;
	v1 =	vmax.f32 v8, v1  }
0x153: {  	v3 =	vld [tilespmem:s10+$0x8240];
	[tilespmem:s8+$0x10260] =	vst v1;
	v0 =	vmax.f32 v10, v0  }
0x154: {  	v2 =	vld [tilespmem:s10+$0x8250];
	[tilespmem:s8+$0x10270] =	vst v0;
	s8 =	smov.u32 s10  }
0x155: {  	v1 =	vld [tilespmem:s8+$0x8260]  }
0x156: {  	v0 =	vld [tilespmem:s8+$0x8270]  }
0x157: {  	v6 =	vld [tilespmem:s8+$0x10200]  }
0x158: {  	v8 =	vld [tilespmem:s8+$0x10210]  }
.Ltmp6:
0x159: {  	v10 =	vld [tilespmem:s8+$0x10220];
	(pc) =	sbr.rel @p0 .LBB2_14-.Ltmp6, $4  }
0x15a: {  	v9 =	vld [tilespmem:s8+$0x10230]  }
0x15b: {  	v7 =	vld [tilespmem:s8+$0x10240]  }
0x15c: {  	v11 =	vmax.f32 v6, v11;
	v6 =	vld [tilespmem:s8+$0x10250]  }
0x15d: {  	s9 =	sadd.s32 $0x200, s9;
	[tilespmem:s8+$0x10200] =	vst v11;
	v11 =	vmax.f32 v8, v12;
	v8 =	vld [tilespmem:s8+$0x10260]  }
0x15e: {  	[tilespmem:s8+$0x10210] =	vst v11;
	v5 =	vmax.f32 v10, v5;
	v10 =	vld [tilespmem:s8+$0x10270]  }
0x15f: {  	[tilespmem:s8+$0x10220] =	vst v5;
	v4 =	vmax.f32 v9, v4  }
0x160: {  	[tilespmem:s8+$0x10230] =	vst v4;
	v3 =	vmax.f32 v7, v3  }
0x161: {  	[tilespmem:s8+$0x10240] =	vst v3;
	v2 =	vmax.f32 v6, v2  }
0x162: {  	[tilespmem:s8+$0x10250] =	vst v2;
	v1 =	vmax.f32 v8, v1  }
0x163: {  	[tilespmem:s8+$0x10260] =	vst v1;
	v0 =	vmax.f32 v10, v0  }
0x164: {  	[tilespmem:s8+$0x10270] =	vst v0  }
0x165: {  	_ =	swait.ge [sflag:s6], $0x8000  }
0x166: {  	[sflag:s6] =	ssyncset.done $0x0  }
0x167: {  	s8 =	simm.s32 $0x0;
	[sflag:s6] =	ssyncadd.s32 $0xFFFF8000  }
0x168: {  	v6 =	vld [tilespmem:s8+$0x200]  }
0x169: {  	v8 =	vld [tilespmem:s8+$0x210]  }
0x16a: {  	v5 =	vld [tilespmem:s8+$0x220]  }
0x16b: {  	v4 =	vld [tilespmem:s8+$0x230]  }
0x16c: {  	v3 =	vld [tilespmem:s8+$0x240]  }
0x16d: {  	v2 =	vld [tilespmem:s8+$0x250]  }
0x16e: {  	v1 =	vld [tilespmem:s8+$0x260]  }
0x16f: {  	v0 =	vld [tilespmem:s8+$0x270]  }
0x170: {  	v11 =	vld [tilespmem:s8+$0x10200]  }
0x171: {  	v12 =	vld [tilespmem:s8+$0x10210]  }
0x172: {  	v10 =	vld [tilespmem:s8+$0x10220]  }
0x173: {  	v9 =	vld [tilespmem:s8+$0x10230]  }
0x174: {  	v7 =	vld [tilespmem:s8+$0x10240]  }
0x175: {  	v11 =	vmax.f32 v11, v6;
	v6 =	vld [tilespmem:s8+$0x10250]  }
0x176: {  	s9 =	simm.s32 $0x200;
	[tilespmem:s8+$0x10200] =	vst v11;
	v11 =	vmax.f32 v12, v8;
	v8 =	vld [tilespmem:s8+$0x10260]  }
.LBB2_16:
0x177: {  	s10 =	sshra.s32 s9, $0x2;
	p0 =	sne.s32 s9, $0x1FE00;
	[tilespmem:s8+$0x10210] =	vst v11;
	v5 =	vmax.f32 v10, v5;
	v10 =	vld [tilespmem:s8+$0x10270]  }
0x178: {  	v11 =	vld [tilespmem:s10+$0x200];
	[tilespmem:s8+$0x10220] =	vst v5;
	v4 =	vmax.f32 v9, v4  }
0x179: {  	v12 =	vld [tilespmem:s10+$0x210];
	[tilespmem:s8+$0x10230] =	vst v4;
	v3 =	vmax.f32 v7, v3  }
0x17a: {  	v5 =	vld [tilespmem:s10+$0x220];
	[tilespmem:s8+$0x10240] =	vst v3;
	v2 =	vmax.f32 v6, v2  }
0x17b: {  	v4 =	vld [tilespmem:s10+$0x230];
	[tilespmem:s8+$0x10250] =	vst v2;
	v1 =	vmax.f32 v8, v1  }
0x17c: {  	v3 =	vld [tilespmem:s10+$0x240];
	[tilespmem:s8+$0x10260] =	vst v1;
	v0 =	vmax.f32 v10, v0  }
0x17d: {  	v2 =	vld [tilespmem:s10+$0x250];
	[tilespmem:s8+$0x10270] =	vst v0;
	s8 =	smov.u32 s10  }
0x17e: {  	v1 =	vld [tilespmem:s8+$0x260]  }
0x17f: {  	v0 =	vld [tilespmem:s8+$0x270]  }
0x180: {  	v6 =	vld [tilespmem:s8+$0x10200]  }
0x181: {  	v8 =	vld [tilespmem:s8+$0x10210]  }
.Ltmp7:
0x182: {  	v10 =	vld [tilespmem:s8+$0x10220];
	(pc) =	sbr.rel @p0 .LBB2_16-.Ltmp7, $4  }
0x183: {  	v9 =	vld [tilespmem:s8+$0x10230]  }
0x184: {  	v7 =	vld [tilespmem:s8+$0x10240]  }
0x185: {  	v11 =	vmax.f32 v6, v11;
	v6 =	vld [tilespmem:s8+$0x10250]  }
0x186: {  	s9 =	sadd.s32 $0x200, s9;
	[tilespmem:s8+$0x10200] =	vst v11;
	v11 =	vmax.f32 v8, v12;
	v8 =	vld [tilespmem:s8+$0x10260]  }
0x187: {  	[tilespmem:s8+$0x10210] =	vst v11;
	v5 =	vmax.f32 v10, v5;
	v10 =	vld [tilespmem:s8+$0x10270]  }
0x188: {  	[tilespmem:s8+$0x10220] =	vst v5;
	v4 =	vmax.f32 v9, v4  }
0x189: {  	[tilespmem:s8+$0x10230] =	vst v4;
	v3 =	vmax.f32 v7, v3  }
0x18a: {  	[tilespmem:s8+$0x10240] =	vst v3;
	v2 =	vmax.f32 v6, v2  }
0x18b: {  	[tilespmem:s8+$0x10250] =	vst v2;
	v1 =	vmax.f32 v8, v1  }
0x18c: {  	[tilespmem:s8+$0x10260] =	vst v1;
	v0 =	vmax.f32 v10, v0  }
0x18d: {  	s10 =	simm.s32 $0x0;
	[tilespmem:s8+$0x10270] =	vst v0  }
0x18e: {  	[hbm4b:s13+s10] =	stream.linear.scatter [tilespmem:s30], [sflag:$0x4], $0x8000, $0x38;
	[tilespmem:$0x18200] =	vst v63  }
0x18f: {  	_ =	swait.ge [sflag:s28], $0x8000  }
0x190: {  	[sflag:s28] =	ssyncset.done $0x0  }
0x191: {  	[sflag:s28] =	ssyncadd.s32 $0xFFFF8000  }
0x192: {  	[tilespmem:s10], [sflag:$0x4] =	stream.strided.gather [hbm4b:s14+s25], $0x100, s26, s25, $0x38;
	[tilespmem:$0x18200] =	vst v63  }
0x193: {  	_ =	swait.ge [sflag:s28], $0x100  }
0x194: {  	[sflag:s28] =	ssyncset.done $0x0  }
0x195: {  	[sflag:s28] =	ssyncadd.s32 $0xFFFFFF00  }
0x196: {  	[tilespmem:s30], [sflag:$0x1] =	stream.indirect.gather [hbm4b:s1+s29], $0x80, s10, s29, $0xb8;
	[tilespmem:$0x18200] =	vst v63  }
0x197: {  	_ = 	snop  }
0x198: {  	[tilespmem:s29], [sflag:$0x4] =	stream.strided.gather [hbm4b:s15+s25], $0x100, s26, s25, $0x38;
	[tilespmem:$0x18200] =	vst v63  }
0x199: {  	_ =	swait.ge [sflag:s28], $0x100  }
0x19a: {  	[sflag:s28] =	ssyncset.done $0x0  }
0x19b: {  	[sflag:s28] =	ssyncadd.s32 $0xFFFFFF00  }
0x19c: {  	[tilespmem:s31], [sflag:$0x3] =	stream.indirect.gather [hbm4b:s1+s29], $0x80, s29, s29, $0xb8;
	[tilespmem:$0x18200] =	vst v63  }
0x19d: {  	_ =	swait.ge [sflag:s0], $0x8000  }
0x19e: {  	[sflag:s0] =	ssyncset.done $0x0  }
0x19f: {  	[sflag:s0] =	ssyncadd.s32 $0xFFFF8000  }
0x1a0: {  	[tilespmem:s10], [sflag:$0x4] =	stream.strided.gather [hbm4b:s16+s25], $0x100, s26, s25, $0x38;
	[tilespmem:$0x18200] =	vst v63  }
0x1a1: {  	_ =	swait.ge [sflag:s28], $0x100  }
0x1a2: {  	[sflag:s28] =	ssyncset.done $0x0  }
0x1a3: {  	[sflag:s28] =	ssyncadd.s32 $0xFFFFFF00  }
0x1a4: {  	[tilespmem:s2], [sflag:$0x2] =	stream.indirect.gather [hbm4b:s1+s29], $0x80, s10, s29, $0xb8;
	[tilespmem:$0x18200] =	vst v63  }
0x1a5: {  	_ =	swait.ge [sflag:s5], $0x8000  }
0x1a6: {  	[sflag:s5] =	ssyncset.done $0x0  }
0x1a7: {  	s8 =	simm.s32 $0x0;
	[sflag:s5] =	ssyncadd.s32 $0xFFFF8000  }
0x1a8: {  	v6 =	vld [tilespmem:s8+$0x8200]  }
0x1a9: {  	v8 =	vld [tilespmem:s8+$0x8210]  }
0x1aa: {  	v5 =	vld [tilespmem:s8+$0x8220]  }
0x1ab: {  	v4 =	vld [tilespmem:s8+$0x8230]  }
0x1ac: {  	v3 =	vld [tilespmem:s8+$0x8240]  }
0x1ad: {  	v2 =	vld [tilespmem:s8+$0x8250]  }
0x1ae: {  	v1 =	vld [tilespmem:s8+$0x8260]  }
0x1af: {  	v0 =	vld [tilespmem:s8+$0x8270]  }
0x1b0: {  	v11 =	vld [tilespmem:s8+$0x10200]  }
0x1b1: {  	v12 =	vld [tilespmem:s8+$0x10210]  }
0x1b2: {  	v10 =	vld [tilespmem:s8+$0x10220]  }
0x1b3: {  	v9 =	vld [tilespmem:s8+$0x10230]  }
0x1b4: {  	v7 =	vld [tilespmem:s8+$0x10240]  }
0x1b5: {  	v11 =	vmax.f32 v11, v6;
	v6 =	vld [tilespmem:s8+$0x10250]  }
0x1b6: {  	s9 =	simm.s32 $0x200;
	[tilespmem:s8+$0x10200] =	vst v11;
	v11 =	vmax.f32 v12, v8;
	v8 =	vld [tilespmem:s8+$0x10260]  }
.LBB2_18:
0x1b7: {  	s10 =	sshra.s32 s9, $0x2;
	p0 =	sne.s32 s9, $0x1FE00;
	[tilespmem:s8+$0x10210] =	vst v11;
	v5 =	vmax.f32 v10, v5;
	v10 =	vld [tilespmem:s8+$0x10270]  }
0x1b8: {  	v11 =	vld [tilespmem:s10+$0x8200];
	[tilespmem:s8+$0x10220] =	vst v5;
	v4 =	vmax.f32 v9, v4  }
0x1b9: {  	v12 =	vld [tilespmem:s10+$0x8210];
	[tilespmem:s8+$0x10230] =	vst v4;
	v3 =	vmax.f32 v7, v3  }
0x1ba: {  	v5 =	vld [tilespmem:s10+$0x8220];
	[tilespmem:s8+$0x10240] =	vst v3;
	v2 =	vmax.f32 v6, v2  }
0x1bb: {  	v4 =	vld [tilespmem:s10+$0x8230];
	[tilespmem:s8+$0x10250] =	vst v2;
	v1 =	vmax.f32 v8, v1  }
0x1bc: {  	v3 =	vld [tilespmem:s10+$0x8240];
	[tilespmem:s8+$0x10260] =	vst v1;
	v0 =	vmax.f32 v10, v0  }
0x1bd: {  	v2 =	vld [tilespmem:s10+$0x8250];
	[tilespmem:s8+$0x10270] =	vst v0;
	s8 =	smov.u32 s10  }
0x1be: {  	v1 =	vld [tilespmem:s8+$0x8260]  }
0x1bf: {  	v0 =	vld [tilespmem:s8+$0x8270]  }
0x1c0: {  	v6 =	vld [tilespmem:s8+$0x10200]  }
0x1c1: {  	v8 =	vld [tilespmem:s8+$0x10210]  }
.Ltmp8:
0x1c2: {  	v10 =	vld [tilespmem:s8+$0x10220];
	(pc) =	sbr.rel @p0 .LBB2_18-.Ltmp8, $4  }
0x1c3: {  	v9 =	vld [tilespmem:s8+$0x10230]  }
0x1c4: {  	v7 =	vld [tilespmem:s8+$0x10240]  }
0x1c5: {  	v11 =	vmax.f32 v6, v11;
	v6 =	vld [tilespmem:s8+$0x10250]  }
0x1c6: {  	s9 =	sadd.s32 $0x200, s9;
	[tilespmem:s8+$0x10200] =	vst v11;
	v11 =	vmax.f32 v8, v12;
	v8 =	vld [tilespmem:s8+$0x10260]  }
0x1c7: {  	[tilespmem:s8+$0x10210] =	vst v11;
	v5 =	vmax.f32 v10, v5;
	v10 =	vld [tilespmem:s8+$0x10270]  }
0x1c8: {  	[tilespmem:s8+$0x10220] =	vst v5;
	v4 =	vmax.f32 v9, v4  }
0x1c9: {  	[tilespmem:s8+$0x10230] =	vst v4;
	v3 =	vmax.f32 v7, v3  }
0x1ca: {  	[tilespmem:s8+$0x10240] =	vst v3;
	v2 =	vmax.f32 v6, v2  }
0x1cb: {  	[tilespmem:s8+$0x10250] =	vst v2;
	v1 =	vmax.f32 v8, v1  }
0x1cc: {  	[tilespmem:s8+$0x10260] =	vst v1;
	v0 =	vmax.f32 v10, v0  }
0x1cd: {  	[tilespmem:s8+$0x10270] =	vst v0  }
0x1ce: {  	[tilespmem:s29], [sflag:$0x4] =	stream.strided.gather [hbm4b:s17+s25], $0x100, s26, s25, $0x38;
	[tilespmem:$0x18200] =	vst v63  }
0x1cf: {  	_ =	swait.ge [sflag:s28], $0x100  }
0x1d0: {  	[sflag:s28] =	ssyncset.done $0x0  }
0x1d1: {  	[sflag:s28] =	ssyncadd.s32 $0xFFFFFF00  }
0x1d2: {  	[tilespmem:s31], [sflag:$0x3] =	stream.indirect.gather [hbm4b:s1+s29], $0x80, s29, s29, $0xb8;
	[tilespmem:$0x18200] =	vst v63  }
0x1d3: {  	_ =	swait.ge [sflag:s6], $0x8000  }
0x1d4: {  	[sflag:s6] =	ssyncset.done $0x0  }
0x1d5: {  	s8 =	simm.s32 $0x0;
	[sflag:s6] =	ssyncadd.s32 $0xFFFF8000  }
0x1d6: {  	v6 =	vld [tilespmem:s8+$0x200]  }
0x1d7: {  	v8 =	vld [tilespmem:s8+$0x210]  }
0x1d8: {  	v5 =	vld [tilespmem:s8+$0x220]  }
0x1d9: {  	v4 =	vld [tilespmem:s8+$0x230]  }
0x1da: {  	v3 =	vld [tilespmem:s8+$0x240]  }
0x1db: {  	v2 =	vld [tilespmem:s8+$0x250]  }
0x1dc: {  	v1 =	vld [tilespmem:s8+$0x260]  }
0x1dd: {  	v0 =	vld [tilespmem:s8+$0x270]  }
0x1de: {  	v11 =	vld [tilespmem:s8+$0x10200]  }
0x1df: {  	v12 =	vld [tilespmem:s8+$0x10210]  }
0x1e0: {  	v10 =	vld [tilespmem:s8+$0x10220]  }
0x1e1: {  	v9 =	vld [tilespmem:s8+$0x10230]  }
0x1e2: {  	v7 =	vld [tilespmem:s8+$0x10240]  }
0x1e3: {  	v11 =	vmax.f32 v11, v6;
	v6 =	vld [tilespmem:s8+$0x10250]  }
0x1e4: {  	s9 =	simm.s32 $0x200;
	[tilespmem:s8+$0x10200] =	vst v11;
	v11 =	vmax.f32 v12, v8;
	v8 =	vld [tilespmem:s8+$0x10260]  }
.LBB2_20:
0x1e5: {  	s10 =	sshra.s32 s9, $0x2;
	p0 =	sne.s32 s9, $0x1FE00;
	[tilespmem:s8+$0x10210] =	vst v11;
	v5 =	vmax.f32 v10, v5;
	v10 =	vld [tilespmem:s8+$0x10270]  }
0x1e6: {  	v11 =	vld [tilespmem:s10+$0x200];
	[tilespmem:s8+$0x10220] =	vst v5;
	v4 =	vmax.f32 v9, v4  }
0x1e7: {  	v12 =	vld [tilespmem:s10+$0x210];
	[tilespmem:s8+$0x10230] =	vst v4;
	v3 =	vmax.f32 v7, v3  }
0x1e8: {  	v5 =	vld [tilespmem:s10+$0x220];
	[tilespmem:s8+$0x10240] =	vst v3;
	v2 =	vmax.f32 v6, v2  }
0x1e9: {  	v4 =	vld [tilespmem:s10+$0x230];
	[tilespmem:s8+$0x10250] =	vst v2;
	v1 =	vmax.f32 v8, v1  }
0x1ea: {  	v3 =	vld [tilespmem:s10+$0x240];
	[tilespmem:s8+$0x10260] =	vst v1;
	v0 =	vmax.f32 v10, v0  }
0x1eb: {  	v2 =	vld [tilespmem:s10+$0x250];
	[tilespmem:s8+$0x10270] =	vst v0;
	s8 =	smov.u32 s10  }
0x1ec: {  	v1 =	vld [tilespmem:s8+$0x260]  }
0x1ed: {  	v0 =	vld [tilespmem:s8+$0x270]  }
0x1ee: {  	v6 =	vld [tilespmem:s8+$0x10200]  }
0x1ef: {  	v8 =	vld [tilespmem:s8+$0x10210]  }
.Ltmp9:
0x1f0: {  	v10 =	vld [tilespmem:s8+$0x10220];
	(pc) =	sbr.rel @p0 .LBB2_20-.Ltmp9, $4  }
0x1f1: {  	v9 =	vld [tilespmem:s8+$0x10230]  }
0x1f2: {  	v7 =	vld [tilespmem:s8+$0x10240]  }
0x1f3: {  	v11 =	vmax.f32 v6, v11;
	v6 =	vld [tilespmem:s8+$0x10250]  }
0x1f4: {  	s9 =	sadd.s32 $0x200, s9;
	[tilespmem:s8+$0x10200] =	vst v11;
	v11 =	vmax.f32 v8, v12;
	v8 =	vld [tilespmem:s8+$0x10260]  }
0x1f5: {  	[tilespmem:s8+$0x10210] =	vst v11;
	v5 =	vmax.f32 v10, v5;
	v10 =	vld [tilespmem:s8+$0x10270]  }
0x1f6: {  	[tilespmem:s8+$0x10220] =	vst v5;
	v4 =	vmax.f32 v9, v4  }
0x1f7: {  	[tilespmem:s8+$0x10230] =	vst v4;
	v3 =	vmax.f32 v7, v3  }
0x1f8: {  	[tilespmem:s8+$0x10240] =	vst v3;
	v2 =	vmax.f32 v6, v2  }
0x1f9: {  	[tilespmem:s8+$0x10250] =	vst v2;
	v1 =	vmax.f32 v8, v1  }
0x1fa: {  	[tilespmem:s8+$0x10260] =	vst v1;
	v0 =	vmax.f32 v10, v0  }
0x1fb: {  	s10 =	simm.s32 $0x0;
	[tilespmem:s8+$0x10270] =	vst v0  }
0x1fc: {  	[tilespmem:s10], [sflag:$0x4] =	stream.strided.gather [hbm4b:s18+s25], $0x100, s26, s25, $0x38;
	[tilespmem:$0x18200] =	vst v63  }
0x1fd: {  	_ =	swait.ge [sflag:s28], $0x100  }
0x1fe: {  	[sflag:s28] =	ssyncset.done $0x0  }
0x1ff: {  	[sflag:s28] =	ssyncadd.s32 $0xFFFFFF00  }
0x200: {  	[tilespmem:s2], [sflag:$0x2] =	stream.indirect.gather [hbm4b:s1+s29], $0x80, s10, s29, $0xb8;
	[tilespmem:$0x18200] =	vst v63  }
0x201: {  	_ =	swait.ge [sflag:s5], $0x8000  }
0x202: {  	[sflag:s5] =	ssyncset.done $0x0  }
0x203: {  	s8 =	simm.s32 $0x0;
	[sflag:s5] =	ssyncadd.s32 $0xFFFF8000  }
0x204: {  	v6 =	vld [tilespmem:s8+$0x8200]  }
0x205: {  	v8 =	vld [tilespmem:s8+$0x8210]  }
0x206: {  	v5 =	vld [tilespmem:s8+$0x8220]  }
0x207: {  	v4 =	vld [tilespmem:s8+$0x8230]  }
0x208: {  	v3 =	vld [tilespmem:s8+$0x8240]  }
0x209: {  	v2 =	vld [tilespmem:s8+$0x8250]  }
0x20a: {  	v1 =	vld [tilespmem:s8+$0x8260]  }
0x20b: {  	v0 =	vld [tilespmem:s8+$0x8270]  }
0x20c: {  	v11 =	vld [tilespmem:s8+$0x10200]  }
0x20d: {  	v12 =	vld [tilespmem:s8+$0x10210]  }
0x20e: {  	v10 =	vld [tilespmem:s8+$0x10220]  }
0x20f: {  	v9 =	vld [tilespmem:s8+$0x10230]  }
0x210: {  	v7 =	vld [tilespmem:s8+$0x10240]  }
0x211: {  	v11 =	vmax.f32 v11, v6;
	v6 =	vld [tilespmem:s8+$0x10250]  }
0x212: {  	s9 =	simm.s32 $0x200;
	[tilespmem:s8+$0x10200] =	vst v11;
	v11 =	vmax.f32 v12, v8;
	v8 =	vld [tilespmem:s8+$0x10260]  }
.LBB2_22:
0x213: {  	s10 =	sshra.s32 s9, $0x2;
	p0 =	sne.s32 s9, $0x1FE00;
	[tilespmem:s8+$0x10210] =	vst v11;
	v5 =	vmax.f32 v10, v5;
	v10 =	vld [tilespmem:s8+$0x10270]  }
0x214: {  	v11 =	vld [tilespmem:s10+$0x8200];
	[tilespmem:s8+$0x10220] =	vst v5;
	v4 =	vmax.f32 v9, v4  }
0x215: {  	v12 =	vld [tilespmem:s10+$0x8210];
	[tilespmem:s8+$0x10230] =	vst v4;
	v3 =	vmax.f32 v7, v3  }
0x216: {  	v5 =	vld [tilespmem:s10+$0x8220];
	[tilespmem:s8+$0x10240] =	vst v3;
	v2 =	vmax.f32 v6, v2  }
0x217: {  	v4 =	vld [tilespmem:s10+$0x8230];
	[tilespmem:s8+$0x10250] =	vst v2;
	v1 =	vmax.f32 v8, v1  }
0x218: {  	v3 =	vld [tilespmem:s10+$0x8240];
	[tilespmem:s8+$0x10260] =	vst v1;
	v0 =	vmax.f32 v10, v0  }
0x219: {  	v2 =	vld [tilespmem:s10+$0x8250];
	[tilespmem:s8+$0x10270] =	vst v0;
	s8 =	smov.u32 s10  }
0x21a: {  	v1 =	vld [tilespmem:s8+$0x8260]  }
0x21b: {  	v0 =	vld [tilespmem:s8+$0x8270]  }
0x21c: {  	v6 =	vld [tilespmem:s8+$0x10200]  }
0x21d: {  	v8 =	vld [tilespmem:s8+$0x10210]  }
.Ltmp10:
0x21e: {  	v10 =	vld [tilespmem:s8+$0x10220];
	(pc) =	sbr.rel @p0 .LBB2_22-.Ltmp10, $4  }
0x21f: {  	v9 =	vld [tilespmem:s8+$0x10230]  }
0x220: {  	v7 =	vld [tilespmem:s8+$0x10240]  }
0x221: {  	v11 =	vmax.f32 v6, v11;
	v6 =	vld [tilespmem:s8+$0x10250]  }
0x222: {  	s9 =	sadd.s32 $0x200, s9;
	[tilespmem:s8+$0x10200] =	vst v11;
	v11 =	vmax.f32 v8, v12;
	v8 =	vld [tilespmem:s8+$0x10260]  }
0x223: {  	[tilespmem:s8+$0x10210] =	vst v11;
	v5 =	vmax.f32 v10, v5;
	v10 =	vld [tilespmem:s8+$0x10270]  }
0x224: {  	[tilespmem:s8+$0x10220] =	vst v5;
	v4 =	vmax.f32 v9, v4  }
0x225: {  	[tilespmem:s8+$0x10230] =	vst v4;
	v3 =	vmax.f32 v7, v3  }
0x226: {  	[tilespmem:s8+$0x10240] =	vst v3;
	v2 =	vmax.f32 v6, v2  }
0x227: {  	[tilespmem:s8+$0x10250] =	vst v2;
	v1 =	vmax.f32 v8, v1  }
0x228: {  	[tilespmem:s8+$0x10260] =	vst v1;
	v0 =	vmax.f32 v10, v0  }
0x229: {  	[tilespmem:s8+$0x10270] =	vst v0  }
0x22a: {  	[tilespmem:s29], [sflag:$0x4] =	stream.strided.gather [hbm4b:s19+s25], $0x100, s26, s25, $0x38;
	[tilespmem:$0x18200] =	vst v63  }
0x22b: {  	_ =	swait.ge [sflag:s28], $0x100  }
0x22c: {  	[sflag:s28] =	ssyncset.done $0x0  }
0x22d: {  	[sflag:s28] =	ssyncadd.s32 $0xFFFFFF00  }
0x22e: {  	[tilespmem:s31], [sflag:$0x3] =	stream.indirect.gather [hbm4b:s1+s29], $0x80, s29, s29, $0xb8;
	[tilespmem:$0x18200] =	vst v63  }
0x22f: {  	_ =	swait.ge [sflag:s6], $0x8000  }
0x230: {  	[sflag:s6] =	ssyncset.done $0x0  }
0x231: {  	s8 =	simm.s32 $0x0;
	[sflag:s6] =	ssyncadd.s32 $0xFFFF8000  }
0x232: {  	v6 =	vld [tilespmem:s8+$0x200]  }
0x233: {  	v8 =	vld [tilespmem:s8+$0x210]  }
0x234: {  	v5 =	vld [tilespmem:s8+$0x220]  }
0x235: {  	v4 =	vld [tilespmem:s8+$0x230]  }
0x236: {  	v3 =	vld [tilespmem:s8+$0x240]  }
0x237: {  	v2 =	vld [tilespmem:s8+$0x250]  }
0x238: {  	v1 =	vld [tilespmem:s8+$0x260]  }
0x239: {  	v0 =	vld [tilespmem:s8+$0x270]  }
0x23a: {  	v11 =	vld [tilespmem:s8+$0x10200]  }
0x23b: {  	v12 =	vld [tilespmem:s8+$0x10210]  }
0x23c: {  	v10 =	vld [tilespmem:s8+$0x10220]  }
0x23d: {  	v9 =	vld [tilespmem:s8+$0x10230]  }
0x23e: {  	v7 =	vld [tilespmem:s8+$0x10240]  }
0x23f: {  	v11 =	vmax.f32 v11, v6;
	v6 =	vld [tilespmem:s8+$0x10250]  }
0x240: {  	s9 =	simm.s32 $0x200;
	[tilespmem:s8+$0x10200] =	vst v11;
	v11 =	vmax.f32 v12, v8;
	v8 =	vld [tilespmem:s8+$0x10260]  }
.LBB2_24:
0x241: {  	s10 =	sshra.s32 s9, $0x2;
	p0 =	sne.s32 s9, $0x1FE00;
	[tilespmem:s8+$0x10210] =	vst v11;
	v5 =	vmax.f32 v10, v5;
	v10 =	vld [tilespmem:s8+$0x10270]  }
0x242: {  	v11 =	vld [tilespmem:s10+$0x200];
	[tilespmem:s8+$0x10220] =	vst v5;
	v4 =	vmax.f32 v9, v4  }
0x243: {  	v12 =	vld [tilespmem:s10+$0x210];
	[tilespmem:s8+$0x10230] =	vst v4;
	v3 =	vmax.f32 v7, v3  }
0x244: {  	v5 =	vld [tilespmem:s10+$0x220];
	[tilespmem:s8+$0x10240] =	vst v3;
	v2 =	vmax.f32 v6, v2  }
0x245: {  	v4 =	vld [tilespmem:s10+$0x230];
	[tilespmem:s8+$0x10250] =	vst v2;
	v1 =	vmax.f32 v8, v1  }
0x246: {  	v3 =	vld [tilespmem:s10+$0x240];
	[tilespmem:s8+$0x10260] =	vst v1;
	v0 =	vmax.f32 v10, v0  }
0x247: {  	v2 =	vld [tilespmem:s10+$0x250];
	[tilespmem:s8+$0x10270] =	vst v0;
	s8 =	smov.u32 s10  }
0x248: {  	v1 =	vld [tilespmem:s8+$0x260]  }
0x249: {  	v0 =	vld [tilespmem:s8+$0x270]  }
0x24a: {  	v6 =	vld [tilespmem:s8+$0x10200]  }
0x24b: {  	v8 =	vld [tilespmem:s8+$0x10210]  }
.Ltmp11:
0x24c: {  	v10 =	vld [tilespmem:s8+$0x10220];
	(pc) =	sbr.rel @p0 .LBB2_24-.Ltmp11, $4  }
0x24d: {  	v9 =	vld [tilespmem:s8+$0x10230]  }
0x24e: {  	v7 =	vld [tilespmem:s8+$0x10240]  }
0x24f: {  	v11 =	vmax.f32 v6, v11;
	v6 =	vld [tilespmem:s8+$0x10250]  }
0x250: {  	s9 =	sadd.s32 $0x200, s9;
	[tilespmem:s8+$0x10200] =	vst v11;
	v11 =	vmax.f32 v8, v12;
	v8 =	vld [tilespmem:s8+$0x10260]  }
0x251: {  	[tilespmem:s8+$0x10210] =	vst v11;
	v5 =	vmax.f32 v10, v5;
	v10 =	vld [tilespmem:s8+$0x10270]  }
0x252: {  	[tilespmem:s8+$0x10220] =	vst v5;
	v4 =	vmax.f32 v9, v4  }
0x253: {  	[tilespmem:s8+$0x10230] =	vst v4;
	v3 =	vmax.f32 v7, v3  }
0x254: {  	[tilespmem:s8+$0x10240] =	vst v3;
	v2 =	vmax.f32 v6, v2  }
0x255: {  	[tilespmem:s8+$0x10250] =	vst v2;
	v1 =	vmax.f32 v8, v1  }
0x256: {  	[tilespmem:s8+$0x10260] =	vst v1;
	v0 =	vmax.f32 v10, v0  }
0x257: {  	s10 =	simm.s32 $0x0;
	[tilespmem:s8+$0x10270] =	vst v0  }
0x258: {  	[tilespmem:s10], [sflag:$0x4] =	stream.strided.gather [hbm4b:s20+s25], $0x100, s26, s25, $0x38;
	[tilespmem:$0x18200] =	vst v63  }
0x259: {  	_ =	swait.ge [sflag:s28], $0x100  }
0x25a: {  	[sflag:s28] =	ssyncset.done $0x0  }
0x25b: {  	[sflag:s28] =	ssyncadd.s32 $0xFFFFFF00  }
0x25c: {  	[tilespmem:s2], [sflag:$0x2] =	stream.indirect.gather [hbm4b:s1+s29], $0x80, s10, s29, $0xb8;
	[tilespmem:$0x18200] =	vst v63  }
0x25d: {  	_ =	swait.ge [sflag:s5], $0x8000  }
0x25e: {  	[sflag:s5] =	ssyncset.done $0x0  }
0x25f: {  	s8 =	simm.s32 $0x0;
	[sflag:s5] =	ssyncadd.s32 $0xFFFF8000  }
0x260: {  	v6 =	vld [tilespmem:s8+$0x8200]  }
0x261: {  	v8 =	vld [tilespmem:s8+$0x8210]  }
0x262: {  	v5 =	vld [tilespmem:s8+$0x8220]  }
0x263: {  	v4 =	vld [tilespmem:s8+$0x8230]  }
0x264: {  	v3 =	vld [tilespmem:s8+$0x8240]  }
0x265: {  	v2 =	vld [tilespmem:s8+$0x8250]  }
0x266: {  	v1 =	vld [tilespmem:s8+$0x8260]  }
0x267: {  	v0 =	vld [tilespmem:s8+$0x8270]  }
0x268: {  	v11 =	vld [tilespmem:s8+$0x10200]  }
0x269: {  	v12 =	vld [tilespmem:s8+$0x10210]  }
0x26a: {  	v10 =	vld [tilespmem:s8+$0x10220]  }
0x26b: {  	v9 =	vld [tilespmem:s8+$0x10230]  }
0x26c: {  	v7 =	vld [tilespmem:s8+$0x10240]  }
0x26d: {  	v11 =	vmax.f32 v11, v6;
	v6 =	vld [tilespmem:s8+$0x10250]  }
0x26e: {  	s9 =	simm.s32 $0x200;
	[tilespmem:s8+$0x10200] =	vst v11;
	v11 =	vmax.f32 v12, v8;
	v8 =	vld [tilespmem:s8+$0x10260]  }
.LBB2_26:
0x26f: {  	s10 =	sshra.s32 s9, $0x2;
	p0 =	sne.s32 s9, $0x1FE00;
	[tilespmem:s8+$0x10210] =	vst v11;
	v5 =	vmax.f32 v10, v5;
	v10 =	vld [tilespmem:s8+$0x10270]  }
0x270: {  	v11 =	vld [tilespmem:s10+$0x8200];
	[tilespmem:s8+$0x10220] =	vst v5;
	v4 =	vmax.f32 v9, v4  }
0x271: {  	v12 =	vld [tilespmem:s10+$0x8210];
	[tilespmem:s8+$0x10230] =	vst v4;
	v3 =	vmax.f32 v7, v3  }
0x272: {  	v5 =	vld [tilespmem:s10+$0x8220];
	[tilespmem:s8+$0x10240] =	vst v3;
	v2 =	vmax.f32 v6, v2  }
0x273: {  	v4 =	vld [tilespmem:s10+$0x8230];
	[tilespmem:s8+$0x10250] =	vst v2;
	v1 =	vmax.f32 v8, v1  }
0x274: {  	v3 =	vld [tilespmem:s10+$0x8240];
	[tilespmem:s8+$0x10260] =	vst v1;
	v0 =	vmax.f32 v10, v0  }
0x275: {  	v2 =	vld [tilespmem:s10+$0x8250];
	[tilespmem:s8+$0x10270] =	vst v0;
	s8 =	smov.u32 s10  }
0x276: {  	v1 =	vld [tilespmem:s8+$0x8260]  }
0x277: {  	v0 =	vld [tilespmem:s8+$0x8270]  }
0x278: {  	v6 =	vld [tilespmem:s8+$0x10200]  }
0x279: {  	v8 =	vld [tilespmem:s8+$0x10210]  }
.Ltmp12:
0x27a: {  	v10 =	vld [tilespmem:s8+$0x10220];
	(pc) =	sbr.rel @p0 .LBB2_26-.Ltmp12, $4  }
0x27b: {  	v9 =	vld [tilespmem:s8+$0x10230]  }
0x27c: {  	v7 =	vld [tilespmem:s8+$0x10240]  }
0x27d: {  	v11 =	vmax.f32 v6, v11;
	v6 =	vld [tilespmem:s8+$0x10250]  }
0x27e: {  	s9 =	sadd.s32 $0x200, s9;
	[tilespmem:s8+$0x10200] =	vst v11;
	v11 =	vmax.f32 v8, v12;
	v8 =	vld [tilespmem:s8+$0x10260]  }
0x27f: {  	[tilespmem:s8+$0x10210] =	vst v11;
	v5 =	vmax.f32 v10, v5;
	v10 =	vld [tilespmem:s8+$0x10270]  }
0x280: {  	[tilespmem:s8+$0x10220] =	vst v5;
	v4 =	vmax.f32 v9, v4  }
0x281: {  	[tilespmem:s8+$0x10230] =	vst v4;
	v3 =	vmax.f32 v7, v3  }
0x282: {  	[tilespmem:s8+$0x10240] =	vst v3;
	v2 =	vmax.f32 v6, v2  }
0x283: {  	[tilespmem:s8+$0x10250] =	vst v2;
	v1 =	vmax.f32 v8, v1  }
0x284: {  	[tilespmem:s8+$0x10260] =	vst v1;
	v0 =	vmax.f32 v10, v0  }
0x285: {  	[tilespmem:s8+$0x10270] =	vst v0  }
0x286: {  	[tilespmem:s29], [sflag:$0x4] =	stream.strided.gather [hbm4b:s21+s25], $0x100, s26, s25, $0x38;
	[tilespmem:$0x18200] =	vst v63  }
0x287: {  	_ =	swait.ge [sflag:s28], $0x100  }
0x288: {  	[sflag:s28] =	ssyncset.done $0x0  }
0x289: {  	[sflag:s28] =	ssyncadd.s32 $0xFFFFFF00  }
0x28a: {  	[tilespmem:s31], [sflag:$0x3] =	stream.indirect.gather [hbm4b:s1+s29], $0x80, s29, s29, $0xb8;
	[tilespmem:$0x18200] =	vst v63  }
0x28b: {  	_ =	swait.ge [sflag:s6], $0x8000  }
0x28c: {  	[sflag:s6] =	ssyncset.done $0x0  }
0x28d: {  	s8 =	simm.s32 $0x0;
	[sflag:s6] =	ssyncadd.s32 $0xFFFF8000  }
0x28e: {  	v6 =	vld [tilespmem:s8+$0x200]  }
0x28f: {  	v8 =	vld [tilespmem:s8+$0x210]  }
0x290: {  	v5 =	vld [tilespmem:s8+$0x220]  }
0x291: {  	v4 =	vld [tilespmem:s8+$0x230]  }
0x292: {  	v3 =	vld [tilespmem:s8+$0x240]  }
0x293: {  	v2 =	vld [tilespmem:s8+$0x250]  }
0x294: {  	v1 =	vld [tilespmem:s8+$0x260]  }
0x295: {  	v0 =	vld [tilespmem:s8+$0x270]  }
0x296: {  	v11 =	vld [tilespmem:s8+$0x10200]  }
0x297: {  	v12 =	vld [tilespmem:s8+$0x10210]  }
0x298: {  	v10 =	vld [tilespmem:s8+$0x10220]  }
0x299: {  	v9 =	vld [tilespmem:s8+$0x10230]  }
0x29a: {  	v7 =	vld [tilespmem:s8+$0x10240]  }
0x29b: {  	v11 =	vmax.f32 v11, v6;
	v6 =	vld [tilespmem:s8+$0x10250]  }
0x29c: {  	s9 =	simm.s32 $0x200;
	[tilespmem:s8+$0x10200] =	vst v11;
	v11 =	vmax.f32 v12, v8;
	v8 =	vld [tilespmem:s8+$0x10260]  }
.LBB2_28:
0x29d: {  	s10 =	sshra.s32 s9, $0x2;
	p0 =	sne.s32 s9, $0x1FE00;
	[tilespmem:s8+$0x10210] =	vst v11;
	v5 =	vmax.f32 v10, v5;
	v10 =	vld [tilespmem:s8+$0x10270]  }
0x29e: {  	v11 =	vld [tilespmem:s10+$0x200];
	[tilespmem:s8+$0x10220] =	vst v5;
	v4 =	vmax.f32 v9, v4  }
0x29f: {  	v12 =	vld [tilespmem:s10+$0x210];
	[tilespmem:s8+$0x10230] =	vst v4;
	v3 =	vmax.f32 v7, v3  }
0x2a0: {  	v5 =	vld [tilespmem:s10+$0x220];
	[tilespmem:s8+$0x10240] =	vst v3;
	v2 =	vmax.f32 v6, v2  }
0x2a1: {  	v4 =	vld [tilespmem:s10+$0x230];
	[tilespmem:s8+$0x10250] =	vst v2;
	v1 =	vmax.f32 v8, v1  }
0x2a2: {  	v3 =	vld [tilespmem:s10+$0x240];
	[tilespmem:s8+$0x10260] =	vst v1;
	v0 =	vmax.f32 v10, v0  }
0x2a3: {  	v2 =	vld [tilespmem:s10+$0x250];
	[tilespmem:s8+$0x10270] =	vst v0;
	s8 =	smov.u32 s10  }
0x2a4: {  	v1 =	vld [tilespmem:s8+$0x260]  }
0x2a5: {  	v0 =	vld [tilespmem:s8+$0x270]  }
0x2a6: {  	v6 =	vld [tilespmem:s8+$0x10200]  }
0x2a7: {  	v8 =	vld [tilespmem:s8+$0x10210]  }
.Ltmp13:
0x2a8: {  	v10 =	vld [tilespmem:s8+$0x10220];
	(pc) =	sbr.rel @p0 .LBB2_28-.Ltmp13, $4  }
0x2a9: {  	v9 =	vld [tilespmem:s8+$0x10230]  }
0x2aa: {  	v7 =	vld [tilespmem:s8+$0x10240]  }
0x2ab: {  	v11 =	vmax.f32 v6, v11;
	v6 =	vld [tilespmem:s8+$0x10250]  }
0x2ac: {  	s9 =	sadd.s32 $0x200, s9;
	[tilespmem:s8+$0x10200] =	vst v11;
	v11 =	vmax.f32 v8, v12;
	v8 =	vld [tilespmem:s8+$0x10260]  }
0x2ad: {  	[tilespmem:s8+$0x10210] =	vst v11;
	v5 =	vmax.f32 v10, v5;
	v10 =	vld [tilespmem:s8+$0x10270]  }
0x2ae: {  	[tilespmem:s8+$0x10220] =	vst v5;
	v4 =	vmax.f32 v9, v4  }
0x2af: {  	[tilespmem:s8+$0x10230] =	vst v4;
	v3 =	vmax.f32 v7, v3  }
0x2b0: {  	[tilespmem:s8+$0x10240] =	vst v3;
	v2 =	vmax.f32 v6, v2  }
0x2b1: {  	[tilespmem:s8+$0x10250] =	vst v2;
	v1 =	vmax.f32 v8, v1  }
0x2b2: {  	[tilespmem:s8+$0x10260] =	vst v1;
	v0 =	vmax.f32 v10, v0  }
0x2b3: {  	s10 =	simm.s32 $0x0;
	[tilespmem:s8+$0x10270] =	vst v0  }
0x2b4: {  	[tilespmem:s10], [sflag:$0x4] =	stream.strided.gather [hbm4b:s22+s25], $0x100, s26, s25, $0x38;
	[tilespmem:$0x18200] =	vst v63  }
0x2b5: {  	_ =	swait.ge [sflag:s28], $0x100  }
0x2b6: {  	[sflag:s28] =	ssyncset.done $0x0  }
0x2b7: {  	[sflag:s28] =	ssyncadd.s32 $0xFFFFFF00  }
0x2b8: {  	[tilespmem:s2], [sflag:$0x2] =	stream.indirect.gather [hbm4b:s1+s29], $0x80, s10, s29, $0xb8;
	[tilespmem:$0x18200] =	vst v63  }
0x2b9: {  	_ =	swait.ge [sflag:s5], $0x8000  }
0x2ba: {  	[sflag:s5] =	ssyncset.done $0x0  }
0x2bb: {  	s8 =	simm.s32 $0x0;
	[sflag:s5] =	ssyncadd.s32 $0xFFFF8000  }
0x2bc: {  	v6 =	vld [tilespmem:s8+$0x8200]  }
0x2bd: {  	v8 =	vld [tilespmem:s8+$0x8210]  }
0x2be: {  	v5 =	vld [tilespmem:s8+$0x8220]  }
0x2bf: {  	v4 =	vld [tilespmem:s8+$0x8230]  }
0x2c0: {  	v3 =	vld [tilespmem:s8+$0x8240]  }
0x2c1: {  	v2 =	vld [tilespmem:s8+$0x8250]  }
0x2c2: {  	v1 =	vld [tilespmem:s8+$0x8260]  }
0x2c3: {  	v0 =	vld [tilespmem:s8+$0x8270]  }
0x2c4: {  	v11 =	vld [tilespmem:s8+$0x10200]  }
0x2c5: {  	v12 =	vld [tilespmem:s8+$0x10210]  }
0x2c6: {  	v10 =	vld [tilespmem:s8+$0x10220]  }
0x2c7: {  	v9 =	vld [tilespmem:s8+$0x10230]  }
0x2c8: {  	v7 =	vld [tilespmem:s8+$0x10240]  }
0x2c9: {  	v11 =	vmax.f32 v11, v6;
	v6 =	vld [tilespmem:s8+$0x10250]  }
0x2ca: {  	s9 =	simm.s32 $0x200;
	[tilespmem:s8+$0x10200] =	vst v11;
	v11 =	vmax.f32 v12, v8;
	v8 =	vld [tilespmem:s8+$0x10260]  }
.LBB2_30:
0x2cb: {  	s10 =	sshra.s32 s9, $0x2;
	p0 =	sne.s32 s9, $0x1FE00;
	[tilespmem:s8+$0x10210] =	vst v11;
	v5 =	vmax.f32 v10, v5;
	v10 =	vld [tilespmem:s8+$0x10270]  }
0x2cc: {  	v11 =	vld [tilespmem:s10+$0x8200];
	[tilespmem:s8+$0x10220] =	vst v5;
	v4 =	vmax.f32 v9, v4  }
0x2cd: {  	v12 =	vld [tilespmem:s10+$0x8210];
	[tilespmem:s8+$0x10230] =	vst v4;
	v3 =	vmax.f32 v7, v3  }
0x2ce: {  	v5 =	vld [tilespmem:s10+$0x8220];
	[tilespmem:s8+$0x10240] =	vst v3;
	v2 =	vmax.f32 v6, v2  }
0x2cf: {  	v4 =	vld [tilespmem:s10+$0x8230];
	[tilespmem:s8+$0x10250] =	vst v2;
	v1 =	vmax.f32 v8, v1  }
0x2d0: {  	v3 =	vld [tilespmem:s10+$0x8240];
	[tilespmem:s8+$0x10260] =	vst v1;
	v0 =	vmax.f32 v10, v0  }
0x2d1: {  	v2 =	vld [tilespmem:s10+$0x8250];
	[tilespmem:s8+$0x10270] =	vst v0;
	s8 =	smov.u32 s10  }
0x2d2: {  	v1 =	vld [tilespmem:s8+$0x8260]  }
0x2d3: {  	v0 =	vld [tilespmem:s8+$0x8270]  }
0x2d4: {  	v6 =	vld [tilespmem:s8+$0x10200]  }
0x2d5: {  	v8 =	vld [tilespmem:s8+$0x10210]  }
.Ltmp14:
0x2d6: {  	v10 =	vld [tilespmem:s8+$0x10220];
	(pc) =	sbr.rel @p0 .LBB2_30-.Ltmp14, $4  }
0x2d7: {  	v9 =	vld [tilespmem:s8+$0x10230]  }
0x2d8: {  	v7 =	vld [tilespmem:s8+$0x10240]  }
0x2d9: {  	v11 =	vmax.f32 v6, v11;
	v6 =	vld [tilespmem:s8+$0x10250]  }
0x2da: {  	s9 =	sadd.s32 $0x200, s9;
	[tilespmem:s8+$0x10200] =	vst v11;
	v11 =	vmax.f32 v8, v12;
	v8 =	vld [tilespmem:s8+$0x10260]  }
0x2db: {  	[tilespmem:s8+$0x10210] =	vst v11;
	v5 =	vmax.f32 v10, v5;
	v10 =	vld [tilespmem:s8+$0x10270]  }
0x2dc: {  	[tilespmem:s8+$0x10220] =	vst v5;
	v4 =	vmax.f32 v9, v4  }
0x2dd: {  	[tilespmem:s8+$0x10230] =	vst v4;
	v3 =	vmax.f32 v7, v3  }
0x2de: {  	[tilespmem:s8+$0x10240] =	vst v3;
	v2 =	vmax.f32 v6, v2  }
0x2df: {  	[tilespmem:s8+$0x10250] =	vst v2;
	v1 =	vmax.f32 v8, v1  }
0x2e0: {  	[tilespmem:s8+$0x10260] =	vst v1;
	v0 =	vmax.f32 v10, v0  }
0x2e1: {  	[tilespmem:s8+$0x10270] =	vst v0  }
0x2e2: {  	_ =	swait.ge [sflag:s6], $0x8000  }
0x2e3: {  	[sflag:s6] =	ssyncset.done $0x0  }
0x2e4: {  	s8 =	simm.s32 $0x0;
	[sflag:s6] =	ssyncadd.s32 $0xFFFF8000  }
0x2e5: {  	v6 =	vld [tilespmem:s8+$0x200]  }
0x2e6: {  	v8 =	vld [tilespmem:s8+$0x210]  }
0x2e7: {  	v5 =	vld [tilespmem:s8+$0x220]  }
0x2e8: {  	v4 =	vld [tilespmem:s8+$0x230]  }
0x2e9: {  	v3 =	vld [tilespmem:s8+$0x240]  }
0x2ea: {  	v2 =	vld [tilespmem:s8+$0x250]  }
0x2eb: {  	v1 =	vld [tilespmem:s8+$0x260]  }
0x2ec: {  	v0 =	vld [tilespmem:s8+$0x270]  }
0x2ed: {  	v11 =	vld [tilespmem:s8+$0x10200]  }
0x2ee: {  	v12 =	vld [tilespmem:s8+$0x10210]  }
0x2ef: {  	v10 =	vld [tilespmem:s8+$0x10220]  }
0x2f0: {  	v9 =	vld [tilespmem:s8+$0x10230]  }
0x2f1: {  	v7 =	vld [tilespmem:s8+$0x10240]  }
0x2f2: {  	v11 =	vmax.f32 v11, v6;
	v6 =	vld [tilespmem:s8+$0x10250]  }
0x2f3: {  	s9 =	simm.s32 $0x200;
	[tilespmem:s8+$0x10200] =	vst v11;
	v11 =	vmax.f32 v12, v8;
	v8 =	vld [tilespmem:s8+$0x10260]  }
.LBB2_32:
0x2f4: {  	s10 =	sshra.s32 s9, $0x2;
	p0 =	sne.s32 s9, $0x1FE00;
	[tilespmem:s8+$0x10210] =	vst v11;
	v5 =	vmax.f32 v10, v5;
	v10 =	vld [tilespmem:s8+$0x10270]  }
0x2f5: {  	v11 =	vld [tilespmem:s10+$0x200];
	[tilespmem:s8+$0x10220] =	vst v5;
	v4 =	vmax.f32 v9, v4  }
0x2f6: {  	v12 =	vld [tilespmem:s10+$0x210];
	[tilespmem:s8+$0x10230] =	vst v4;
	v3 =	vmax.f32 v7, v3  }
0x2f7: {  	v5 =	vld [tilespmem:s10+$0x220];
	[tilespmem:s8+$0x10240] =	vst v3;
	v2 =	vmax.f32 v6, v2  }
0x2f8: {  	v4 =	vld [tilespmem:s10+$0x230];
	[tilespmem:s8+$0x10250] =	vst v2;
	v1 =	vmax.f32 v8, v1  }
0x2f9: {  	v3 =	vld [tilespmem:s10+$0x240];
	[tilespmem:s8+$0x10260] =	vst v1;
	v0 =	vmax.f32 v10, v0  }
0x2fa: {  	v2 =	vld [tilespmem:s10+$0x250];
	[tilespmem:s8+$0x10270] =	vst v0;
	s8 =	smov.u32 s10  }
0x2fb: {  	v1 =	vld [tilespmem:s8+$0x260]  }
0x2fc: {  	v0 =	vld [tilespmem:s8+$0x270]  }
0x2fd: {  	v6 =	vld [tilespmem:s8+$0x10200]  }
0x2fe: {  	v8 =	vld [tilespmem:s8+$0x10210]  }
.Ltmp15:
0x2ff: {  	v10 =	vld [tilespmem:s8+$0x10220];
	(pc) =	sbr.rel @p0 .LBB2_32-.Ltmp15, $4  }
0x300: {  	v9 =	vld [tilespmem:s8+$0x10230]  }
0x301: {  	v7 =	vld [tilespmem:s8+$0x10240]  }
0x302: {  	v11 =	vmax.f32 v6, v11;
	v6 =	vld [tilespmem:s8+$0x10250]  }
0x303: {  	s9 =	sadd.s32 $0x200, s9;
	[tilespmem:s8+$0x10200] =	vst v11;
	v11 =	vmax.f32 v8, v12;
	v8 =	vld [tilespmem:s8+$0x10260]  }
0x304: {  	[tilespmem:s8+$0x10210] =	vst v11;
	v5 =	vmax.f32 v10, v5;
	v63 =	vld [tilespmem:s8+$0x10270]  }
0x305: {  	[tilespmem:s8+$0x10220] =	vst v5;
	v4 =	vmax.f32 v9, v4  }
0x306: {  	[tilespmem:s8+$0x10230] =	vst v4;
	v3 =	vmax.f32 v7, v3  }
0x307: {  	[tilespmem:s8+$0x10240] =	vst v3;
	v2 =	vmax.f32 v6, v2  }
0x308: {  	s7 =	sadd.s32 $0x1, s7;
	[tilespmem:s8+$0x10250] =	vst v2;
	v1 =	vmax.f32 v8, v1  }
0x309: {  	p0 =	sne.s32 s7, s24;
	[tilespmem:s8+$0x10260] =	vst v1;
	v0 =	vmax.f32 v63, v0  }
.Ltmp16:
0x30a: {  	[tilespmem:s8+$0x10270] =	vst v0;
	(pc) =	sbr.rel @p0 .LBB2_1-.Ltmp16, $4  }
0x30b: {  	[hbm4b:s23+s3] =	stream.linear.scatter [tilespmem:s30], [sflag:$0x4], $0x8000, $0x38;
	[tilespmem:$0x18200] =	vst v63  }
0x30c: {  	_ =	swait.ge [sflag:s28], $0x8000  }
0x30d: {  	[sflag:s28] =	ssyncset.done $0x0  }
0x30e: {  	[sflag:s28] =	ssyncadd.s32 $0xFFFF8000  }
0x30f: {  	_ =	sfence.sel $0x180000  }
0x310: {  	[bflag:$0x0] =	sbarrier.arrive $0xFFFF  }
0x311: {  	_ =	strace $0x90000047  }
0x312: {  	s0 =	stileid.u32;
	[bflag:$0x2] =	sbarrier.arrive $0xFFFF  }
0x313: {  	p0 =	sne.s32 s0, $0x0;
	s0 =	rddreg [dreg:$0x2]  }
0x314: {  	s0 =	sadd.s32 @!p0 $0x100000, s0  }
0x315: {  	[sflag:s0] =	ssyncadd.tile.s32 @!p0 $0x1;
	_ =	shalt  }
.Lfunc_end2:
_tile_overlayer_lowered:
.L_overlay_start_2:
0x316: {  	(tag) =	ssettag $0x2  }
0x317: {  	s0 =	rddreg [dreg:$0x0];
	s2 =	stileid.u32  }
0x318: {  	s1 =	rddreg [dreg:$0x1];
	p0 =	sne.s32 s2, $0x0  }
0x319: {  	s3 =	rddreg [dreg:$0x2];
	[bflag:$0x3] =	sbarrier.arrive $0xFFFF;
	s2 =	simm.s32 @!p0 $0x1C04  }
0x31a: {  	[timem:s3], [sflag:s2] =	dma.local @!p0 [hbm:s0], s1  }
0x31b: {  	s0 =	simm.s32 @!p0 $0x4  }
0x31c: {  	_ =	swait.ge @!p0 [sflag:s0], s1  }
0x31d: {  	s1 =	ssub.s32 @!p0 $0x0, s1;
	[sflag:s0] =	ssyncset.done @!p0 $0x0  }
0x31e: {  	[sflag:s0] =	ssyncadd.s32 @!p0 s1  }
0x31f: {  	[bflag:$0x3] =	sbarrier.arrive $0xFFFF  }
0x320: {  	_ =	shalt  }

</sc_bundles>
